<compile_context>
chip_gen: v7x
topology: tpu7x:2x2x1
jax: 0.10.2.dev20260603
libtpu: 0.0.44.dev20260713+nightly
codegen_flags: <defaults>
</compile_context>

<pallas_src>
import functools

import jax
import jax.numpy as jnp
from jax import lax
from jax.experimental import pallas as pl
from jax.experimental.pallas import tpu as pltpu
from jax.experimental.pallas import tpu_sc as plsc

N = 100000
E = 1600000
F = 128
H = 32
G = 64
L = 4
C = 2
HH = H // 2
P = 8
N2 = 102400
NP = N2 // P
NPREAL = N // P
PADN = N2 - N

SROWS = N2 + 64
CH = 128
TILES = 16
NROW = 12544
EPAD = NROW * CH - E
RPT = NROW // TILES
IDXB = 28
NOB = RPT // IDXB
RB = 8
ZPT = SROWS // TILES
WPT = N2 // TILES


def _sc_agg_body(hc_hbm, src_hbm, dst_hbm, zeros_hbm, out_hbm,
                 srcb, dstd, rows, aggsh, gsem, ssem):
    c = lax.axis_index("c")
    s = lax.axis_index("s")

    z0 = s * ZPT
    pltpu.sync_copy(zeros_hbm.at[pl.ds(z0, ZPT)], aggsh.at[pl.ds(z0, ZPT)])
    plsc.subcore_barrier()

    table = hc_hbm.at[c]

    @pl.loop(0, NOB)
    def _ob(ob):
        r0 = s * RPT + ob * IDXB
        pltpu.sync_copy(src_hbm.at[pl.ds(r0, IDXB)], srcb)
        pltpu.sync_copy(dst_hbm.at[pl.ds(r0, IDXB)], dstd)

        for p in range(RB - 1):
            pltpu.async_copy(table.at[srcb.at[p]], rows.at[p], gsem.at[p])

        @pl.loop(0, IDXB)
        def _go(j):
            b = lax.rem(j, RB)
            pltpu.make_async_copy(table.at[srcb.at[j]], rows.at[b],
                                  gsem.at[b]).wait()
            pltpu.async_copy(rows.at[b], aggsh.at[dstd.at[j]],
                             ssem.at[b], add=True)

            @pl.when(j < IDXB - (RB - 1))
            def _():
                bn = lax.rem(j + RB - 1, RB)

                @pl.when(j >= 1)
                def _():
                    pltpu.make_async_copy(rows.at[bn],
                                          aggsh.at[dstd.at[j - 1]],
                                          ssem.at[bn]).wait()

                pltpu.async_copy(table.at[srcb.at[j + RB - 1]], rows.at[bn],
                                 gsem.at[bn])

        for q in range(RB):
            jq = IDXB - RB + q
            pltpu.make_async_copy(rows.at[jq % RB],
                                  aggsh.at[dstd.at[jq]],
                                  ssem.at[jq % RB]).wait()

    plsc.subcore_barrier()
    w0 = s * WPT
    pltpu.sync_copy(aggsh.at[pl.ds(w0, WPT)],
                    out_hbm.at[c].at[pl.ds(w0, WPT)])


_sc_agg_cached = None


def _sc_agg(hc, src2, dst2, zeros):
    global _sc_agg_cached
    if _sc_agg_cached is None:
        mesh = plsc.VectorSubcoreMesh(core_axis_name="c",
                                      subcore_axis_name="s",
                                      num_cores=2, num_subcores=TILES)
        _sc_agg_cached = functools.partial(
            pl.kernel,
            out_type=jax.ShapeDtypeStruct((2, N2, HH), jnp.float32),
            mesh=mesh,
            compiler_params=pltpu.CompilerParams(use_tc_tiling_on_sc=False),
            scratch_types=[
                pltpu.VMEM((IDXB, CH), jnp.int32),
                pltpu.VMEM((IDXB, CH), jnp.int32),
                pltpu.VMEM((RB, CH, HH), jnp.float32),
                pltpu.VMEM_SHARED((SROWS, HH), jnp.float32),
                pltpu.SemaphoreType.DMA((RB,)),
                pltpu.SemaphoreType.DMA((RB,)),
            ],
        )(_sc_agg_body)
    return _sc_agg_cached(hc, src2, dst2, zeros)


PG = 128
PCH = 128
PNR = N2 // PCH
PRT = PNR // TILES


def _sc_pool_body(hc_hbm, bidx_hbm, zerosp_hbm, out_hbm,
                  bidxb, rows, aggsh, gsem, ssem):
    c = lax.axis_index("c")
    s = lax.axis_index("s")

    z0 = s * (PG // TILES)
    pltpu.sync_copy(zerosp_hbm.at[pl.ds(z0, PG // TILES)],
                    aggsh.at[pl.ds(z0, PG // TILES)])
    r0 = s * PRT
    pltpu.sync_copy(bidx_hbm.at[pl.ds(r0, PRT)], bidxb)
    plsc.subcore_barrier()

    table = hc_hbm.at[c]

    for p in range(3):
        pltpu.async_copy(table.at[pl.ds((r0 + p) * PCH, PCH)], rows.at[p],
                         gsem.at[p])

    @pl.loop(0, PRT)
    def _go(j):
        b = j & 3
        pltpu.make_async_copy(table.at[pl.ds((r0 + j) * PCH, PCH)],
                              rows.at[b], gsem.at[b]).wait()
        pltpu.async_copy(rows.at[b], aggsh.at[bidxb.at[j]],
                         ssem.at[b], add=True)

        @pl.when(j < PRT - 3)
        def _():
            bn = (j + 3) & 3

            @pl.when(j >= 1)
            def _():
                pltpu.make_async_copy(rows.at[bn],
                                      aggsh.at[bidxb.at[j - 1]],
                                      ssem.at[bn]).wait()

            pltpu.async_copy(table.at[pl.ds((r0 + j + 3) * PCH, PCH)],
                             rows.at[bn], gsem.at[bn])

    for q in range(4):
        jq = PRT - 4 + q
        pltpu.make_async_copy(rows.at[jq & 3], aggsh.at[bidxb.at[jq]],
                              ssem.at[jq & 3]).wait()

    plsc.subcore_barrier()

    @pl.when(s == 0)
    def _():
        pltpu.sync_copy(aggsh.at[pl.ds(0, G)], out_hbm.at[c])


_sc_pool_cached = None


def _sc_pool(hc, bidx, zerosp):
    global _sc_pool_cached
    if _sc_pool_cached is None:
        mesh = plsc.VectorSubcoreMesh(core_axis_name="c",
                                      subcore_axis_name="s",
                                      num_cores=2, num_subcores=TILES)
        _sc_pool_cached = functools.partial(
            pl.kernel,
            out_type=jax.ShapeDtypeStruct((2, G, HH), jnp.float32),
            mesh=mesh,
            compiler_params=pltpu.CompilerParams(use_tc_tiling_on_sc=False),
            scratch_types=[
                pltpu.VMEM((PRT, PCH), jnp.int32),
                pltpu.VMEM((4, PCH, HH), jnp.float32),
                pltpu.VMEM_SHARED((PG, HH), jnp.float32),
                pltpu.SemaphoreType.DMA((4,)),
                pltpu.SemaphoreType.DMA((4,)),
            ],
        )(_sc_pool_body)
    return _sc_pool_cached(hc, bidx, zerosp)


BP = 512
NBLK = NP // BP


def _enc_body(xr, wr, br, or_):
    o0 = jnp.dot(xr[...], wr[0], preferred_element_type=jnp.float32) + br[0]
    o1 = jnp.dot(xr[...], wr[1], preferred_element_type=jnp.float32) + br[1]
    or_[...] = jnp.stack([o0, o1])


def _encode(x8, wenc, benc):
    return pl.pallas_call(
        _enc_body,
        grid=(NBLK,),
        in_specs=[pl.BlockSpec((BP, P * F), lambda i: (i, 0)),
                  pl.BlockSpec((2, P * F, P * HH), lambda i: (0, 0, 0)),
                  pl.BlockSpec((2, 1, P * HH), lambda i: (0, 0, 0))],
        out_specs=pl.BlockSpec((2, BP, P * HH), lambda i: (0, i, 0)),
        out_shape=jax.ShapeDtypeStruct((2, NP, P * HH), jnp.float32),
    )(x8, wenc, benc)


def _mlp_body(eps_ref, hr, ar, w1r, b1r, w2r, b2r, h2r, psr, pqr):
    i = pl.program_id(0)
    e = 1.0 + eps_ref[0]
    z0 = hr[0] * e + ar[0]
    z1 = hr[1] * e + ar[1]

    def mm(a0, a1, w, b, da):
        return (jnp.dot(a0, w[0, da], preferred_element_type=jnp.float32)
                + jnp.dot(a1, w[1, da], preferred_element_type=jnp.float32)
                + b[da])

    u0 = jnp.maximum(mm(z0, z1, w1r, b1r, 0), 0.0)
    u1 = jnp.maximum(mm(z0, z1, w1r, b1r, 1), 0.0)
    grow = i * BP + lax.broadcasted_iota(jnp.int32, (BP, P * HH), 0)
    mask = (grow < NPREAL).astype(jnp.float32)
    h20 = mm(u0, u1, w2r, b2r, 0) * mask
    h21 = mm(u0, u1, w2r, b2r, 1) * mask
    h2r[...] = jnp.stack([h20, h21])

    @pl.when(i == 0)
    def _():
        psr[...] = jnp.zeros_like(psr)
        pqr[...] = jnp.zeros_like(pqr)

    psr[...] += jnp.stack([jnp.sum(h20, axis=0, keepdims=True),
                           jnp.sum(h21, axis=0, keepdims=True)])
    pqr[...] += jnp.stack([jnp.sum(h20 * h20, axis=0, keepdims=True),
                           jnp.sum(h21 * h21, axis=0, keepdims=True)])


def _mlp(hcp, aggp, eps_l, w1d, b1t, w2d, b2t):
    lanes = P * HH
    return pl.pallas_call(
        _mlp_body,
        grid=(NBLK,),
        in_specs=[pl.BlockSpec(memory_space=pltpu.SMEM),
                  pl.BlockSpec((2, BP, lanes), lambda i: (0, i, 0)),
                  pl.BlockSpec((2, BP, lanes), lambda i: (0, i, 0)),
                  pl.BlockSpec((2, 2, lanes, lanes), lambda i: (0, 0, 0, 0)),
                  pl.BlockSpec((2, 1, lanes), lambda i: (0, 0, 0)),
                  pl.BlockSpec((2, 2, lanes, lanes), lambda i: (0, 0, 0, 0)),
                  pl.BlockSpec((2, 1, lanes), lambda i: (0, 0, 0))],
        out_specs=[pl.BlockSpec((2, BP, lanes), lambda i: (0, i, 0)),
                   pl.BlockSpec((2, 1, lanes), lambda i: (0, 0, 0)),
                   pl.BlockSpec((2, 1, lanes), lambda i: (0, 0, 0))],
        out_shape=[jax.ShapeDtypeStruct((2, NP, lanes), jnp.float32),
                   jax.ShapeDtypeStruct((2, 1, lanes), jnp.float32),
                   jax.ShapeDtypeStruct((2, 1, lanes), jnp.float32)],
    )(eps_l.reshape(1), hcp, aggp, w1d, b1t, w2d, b2t)


def _fold(v):
    for sh in (HH, 2 * HH, 4 * HH):
        v = v + jnp.concatenate([v[:, sh:], v[:, :sh]], axis=1)
    return v


def _norm_body(h2r, psr, pqr, gr, br, or_):
    outs = []
    for a in range(2):
        s = _fold(psr[a])
        q = _fold(pqr[a])
        mean = s * (1.0 / N)
        var = q * (1.0 / N) - mean * mean
        scale = gr[a] * lax.rsqrt(var + 1e-5)
        outs.append(jnp.maximum((h2r[a] - mean) * scale + br[a], 0.0))
    or_[...] = jnp.stack(outs)


def _norm(h2p, ps, pq, gt, bt):
    lanes = P * HH
    return pl.pallas_call(
        _norm_body,
        grid=(NBLK,),
        in_specs=[pl.BlockSpec((2, BP, lanes), lambda i: (0, i, 0)),
                  pl.BlockSpec((2, 1, lanes), lambda i: (0, 0, 0)),
                  pl.BlockSpec((2, 1, lanes), lambda i: (0, 0, 0)),
                  pl.BlockSpec((2, 1, lanes), lambda i: (0, 0, 0)),
                  pl.BlockSpec((2, 1, lanes), lambda i: (0, 0, 0))],
        out_specs=pl.BlockSpec((2, BP, lanes), lambda i: (0, i, 0)),
        out_shape=jax.ShapeDtypeStruct((2, NP, lanes), jnp.float32),
    )(h2p, ps, pq, gt, bt)


def _cls_body(pr, wr, br, or_):
    hcat = jnp.concatenate([pr[0], pr[1]], axis=1)
    or_[...] = jnp.dot(hcat, wr[...],
                       preferred_element_type=jnp.float32) + br[...]


def _cls(pooled, cls_W, cls_b):
    return pl.pallas_call(
        _cls_body,
        in_specs=[pl.BlockSpec((2, G, HH), lambda: (0, 0, 0)),
                  pl.BlockSpec((H, C), lambda: (0, 0)),
                  pl.BlockSpec((1, C), lambda: (0, 0))],
        out_specs=pl.BlockSpec((G, C), lambda: (0, 0)),
        out_shape=jax.ShapeDtypeStruct((G, C), jnp.float32),
    )(pooled, cls_W, cls_b.reshape(1, C))


def _kron8(m):
    return jnp.kron(jnp.eye(P, dtype=jnp.float32), m)


def kernel(x, edge_index, batch, enc_W, enc_b, eps, W1, b1, W2, b2,
           gamma, beta, cls_W, cls_b):
    src2 = jnp.concatenate(
        [edge_index[0], jnp.zeros((EPAD,), jnp.int32)]).reshape(NROW, CH)
    dst2 = jnp.concatenate(
        [edge_index[1], jnp.full((EPAD,), N2, jnp.int32)]).reshape(NROW, CH)
    zeros = jnp.zeros((SROWS, HH), jnp.float32)
    zerosp = jnp.zeros((PG, HH), jnp.float32)
    bidx = jnp.concatenate(
        [batch.astype(jnp.int32), jnp.full((PADN,), G, jnp.int32)]
    ).reshape(PNR, PCH)
    x8 = jnp.concatenate(
        [x, jnp.zeros((PADN, F), jnp.float32)]).reshape(NP, P * F)

    wenc = jnp.stack([_kron8(enc_W[:, :HH]), _kron8(enc_W[:, HH:])])
    benc = jnp.stack([jnp.tile(enc_b[:HH], P), jnp.tile(enc_b[HH:], P)])
    benc = benc.reshape(2, 1, P * HH)
    lanes = P * HH

    def packmat(W_l):
        return jnp.stack([
            jnp.stack([_kron8(W_l[:HH, :HH]), _kron8(W_l[:HH, HH:])]),
            jnp.stack([_kron8(W_l[HH:, :HH]), _kron8(W_l[HH:, HH:])]),
        ])

    def packvec(v_l):
        return jnp.stack([jnp.tile(v_l[:HH], P),
                          jnp.tile(v_l[HH:], P)]).reshape(2, 1, lanes)

    hcp = _encode(x8, wenc, benc)
    for l in range(L):
        agg2 = _sc_agg(hcp.reshape(2, N2, HH), src2, dst2, zeros)
        h2p, ps, pq = _mlp(hcp, agg2.reshape(2, NP, lanes), eps[l],
                           packmat(W1[l]), packvec(b1[l]),
                           packmat(W2[l]), packvec(b2[l]))
        hcp = _norm(h2p, ps, pq, packvec(gamma[l]), packvec(beta[l]))
    pooled = _sc_pool(hcp.reshape(2, N2, HH), bidx, zerosp)
    return _cls(pooled, cls_W, cls_b)

# --- scband reference (transcript-rebuilt; emitter-appended) ---
"""Pipeline reference for scband-tiny-gin-21251498181384 (READ-ONLY COPY).

The authoritative reference and input builder live on the scoring server;
editing this copy changes nothing except your own understanding.
"""

import jax, jax.numpy as jnp
import numpy as np

N = 100000
E = 1600000
F = 128
H = 32
C = 2
G = 64
L = 4

def setup_inputs(seed: int = 0) -> dict:
    key = jax.random.key(seed)
    ks = jax.random.split(key, 16)
    x = jax.random.normal(ks[0], (N, F), dtype=jnp.float32)
    edge_index = jax.random.randint(ks[1], (2, E), 0, N)
    batch = jnp.sort(jax.random.randint(ks[2], (N,), 0, G))
    s = 0.05
    enc_W = jax.random.normal(ks[3], (F, H), dtype=jnp.float32) * s
    enc_b = jnp.zeros((H,), dtype=jnp.float32)
    eps = jnp.zeros((L,), dtype=jnp.float32)
    W1 = jax.random.normal(ks[4], (L, H, H), dtype=jnp.float32) * s
    b1 = jnp.zeros((L, H), dtype=jnp.float32)
    W2 = jax.random.normal(ks[5], (L, H, H), dtype=jnp.float32) * s
    b2 = jnp.zeros((L, H), dtype=jnp.float32)
    gamma = jnp.ones((L, H), dtype=jnp.float32)
    beta = jnp.zeros((L, H), dtype=jnp.float32)
    cls_W = jax.random.normal(ks[6], (H, C), dtype=jnp.float32) * s
    cls_b = jnp.zeros((C,), dtype=jnp.float32)
    return {"x": x, "edge_index": edge_index, "batch": batch,
            "enc_W": enc_W, "enc_b": enc_b, "eps": eps,
            "W1": W1, "b1": b1, "W2": W2, "b2": b2,
            "gamma": gamma, "beta": beta, "cls_W": cls_W, "cls_b": cls_b}

def reference(x, edge_index, batch, enc_W, enc_b, eps, W1, b1, W2, b2, gamma, beta, cls_W, cls_b):
    src = edge_index[0]
    dst = edge_index[1]
    h = x @ enc_W + enc_b
    for l in range(L):
        msg = jnp.take(h, src, axis=0)
        agg = jax.ops.segment_sum(msg, dst, num_segments=N)
        h2 = (1.0 + eps[l]) * h + agg
        h2 = jax.nn.relu(h2 @ W1[l] + b1[l]) @ W2[l] + b2[l]
        mean = jnp.mean(h2, axis=0)
        var = jnp.var(h2, axis=0)
        h2 = (h2 - mean) / jnp.sqrt(var + 1e-5) * gamma[l] + beta[l]
        h = jax.nn.relu(h2)
    pooled = jax.ops.segment_sum(h, batch, num_segments=G)
    out = pooled @ cls_W + cls_b
    return out

if __name__ == "__main__":
    import jax
    _d = setup_inputs()
    print(jax.jit(kernel)(*tuple(_d.values())))

</pallas_src>

<mosaic_0001>
#map = affine_map<(d0, d1) -> (0, 0, 0)>
#map1 = affine_map<(d0, d1) -> (0, 0)>
module attributes {stable_mosaic.version = 14 : i64} {
  func.func @_sc_agg_body(%arg0: i32, %arg1: i32, %arg2: memref<2x102400x16xf32, #tpu.memory_space<hbm>>, %arg3: memref<12544x128xi32, #tpu.memory_space<hbm>>, %arg4: memref<12544x128xi32, #tpu.memory_space<hbm>>, %arg5: memref<102464x16xf32, #tpu.memory_space<hbm>>, %arg6: memref<2x102400x16xf32, #tpu.memory_space<hbm>>, %arg7: memref<28x128xi32, #tpu.memory_space<vmem>>, %arg8: memref<28x128xi32, #tpu.memory_space<vmem>>, %arg9: memref<8x128x16xf32, #tpu.memory_space<vmem>>, %arg10: memref<102464x16xf32, #tpu.memory_space<vmem_shared>>, %arg11: memref<8x!tpu.dma_semaphore, #tpu.memory_space<semaphore_mem>>, %arg12: memref<8x!tpu.dma_semaphore, #tpu.memory_space<semaphore_mem>>) attributes {dimension_semantics = [#tpu.dimension_semantics<core_parallel>, #tpu.dimension_semantics<subcore_parallel>], iteration_bounds = array<i64: 2, 16>, scalar_prefetch = 0 : i64, scratch_operands = 6 : i64, tpu.core_type = #tpu.core_type<sc_vector_subcore>, window_params = [{transform_indices = #map}, {transform_indices = #map1}, {transform_indices = #map1}, {transform_indices = #map1}, {transform_indices = #map}]} {
    %mul3A = arith.constant 6404 : i32
    %mul3A_0 = arith.muli %arg1, %mul3A : i32
    "tpu.region"() ({
      %run_scoped3A = tpu.sem_alloc : memref<!tpu.dma_semaphore, #tpu.memory_space<semaphore_mem>>
      %dma_start3A = arith.constant 0 : i32
      %dma_start3A_8 = tpu.memref_slice %arg10[%mul3A_0, %dma_start3A] : memref<102464x16xf32, #tpu.memory_space<vmem_shared>> -> memref<6404x16xf32, #tpu.memory_space<vmem_shared>>
      %dma_start3A_9 = arith.constant 0 : i32
      %dma_start3A_10 = tpu.memref_slice %arg5[%mul3A_0, %dma_start3A_9] : memref<102464x16xf32, #tpu.memory_space<hbm>> -> memref<6404x16xf32, #tpu.memory_space<hbm>>
      tpu.enqueue_dma source(%dma_start3A_10 : memref<6404x16xf32, #tpu.memory_space<hbm>>) target(%dma_start3A_8 : memref<6404x16xf32, #tpu.memory_space<vmem_shared>>) target_semaphore(%run_scoped3A : memref<!tpu.dma_semaphore, #tpu.memory_space<semaphore_mem>>)
      %dma_wait3A = arith.constant 0 : i32
      %dma_wait3A_11 = tpu.memref_slice %arg10[%mul3A_0, %dma_wait3A] : memref<102464x16xf32, #tpu.memory_space<vmem_shared>> -> memref<6404x16xf32, #tpu.memory_space<vmem_shared>>
      %dma_wait3A_12 = arith.constant 0 : i32
      %dma_wait3A_13 = tpu.memref_slice %arg5[%mul3A_0, %dma_wait3A_12] : memref<102464x16xf32, #tpu.memory_space<hbm>> -> memref<6404x16xf32, #tpu.memory_space<hbm>>
      tpu.wait_dma2 semaphore(%run_scoped3A : memref<!tpu.dma_semaphore, #tpu.memory_space<semaphore_mem>>) src(%dma_wait3A_13 : memref<6404x16xf32, #tpu.memory_space<hbm>>) dst(%dma_wait3A_11 : memref<6404x16xf32, #tpu.memory_space<vmem_shared>>)
      tpu.yield
    }) : () -> ()
    %barrier3A = arith.constant 0 : index
    tpu.barrier barrier_id(%barrier3A)
    %scan3A = arith.constant 0 : i32
    %scan3A_1 = arith.constant 28 : i32
    %scan3A_2 = arith.addi %scan3A, %scan3A_1 : i32
    %scan3A_3 = arith.constant 1 : i32
    scf.for %scan3A_8 = %scan3A to %scan3A_2 step %scan3A_3  : i32 {
      %mul3A_9 = arith.constant 1 : i32
      %mul3A_10 = arith.muli %scan3A_8, %mul3A_9 : i32
      %add3A = arith.constant 0 : i32
      %add3A_11 = arith.addi %add3A, %mul3A_10 : i32
      %mul3A_12 = arith.constant 784 : i32
      %mul3A_13 = arith.muli %arg1, %mul3A_12 : i32
      %mul3A_14 = arith.constant 28 : i32
      %mul3A_15 = arith.muli %add3A_11, %mul3A_14 : i32
      %add3A_16 = arith.addi %mul3A_13, %mul3A_15 : i32
      "tpu.region"() ({
        %run_scoped3A = tpu.sem_alloc : memref<!tpu.dma_semaphore, #tpu.memory_space<semaphore_mem>>
        %dma_start3A_273 = arith.constant 0 : i32
        %dma_start3A_274 = tpu.memref_slice %arg3[%add3A_16, %dma_start3A_273] : memref<12544x128xi32, #tpu.memory_space<hbm>> -> memref<28x128xi32, #tpu.memory_space<hbm>>
        %dma_start3A_275 = arith.constant 0 : i32
        %dma_start3A_276 = tpu.memref_slice %arg3[%add3A_16, %dma_start3A_275] : memref<12544x128xi32, #tpu.memory_space<hbm>> -> memref<28x128xi32, #tpu.memory_space<hbm>>
        tpu.enqueue_dma source(%dma_start3A_276 : memref<28x128xi32, #tpu.memory_space<hbm>>) target(%arg7 : memref<28x128xi32, #tpu.memory_space<vmem>>) target_semaphore(%run_scoped3A : memref<!tpu.dma_semaphore, #tpu.memory_space<semaphore_mem>>)
        %dma_wait3A_277 = arith.constant 0 : i32
        %dma_wait3A_278 = tpu.memref_slice %arg3[%add3A_16, %dma_wait3A_277] : memref<12544x128xi32, #tpu.memory_space<hbm>> -> memref<28x128xi32, #tpu.memory_space<hbm>>
        %dma_wait3A_279 = arith.constant 0 : i32
        %dma_wait3A_280 = tpu.memref_slice %arg3[%add3A_16, %dma_wait3A_279] : memref<12544x128xi32, #tpu.memory_space<hbm>> -> memref<28x128xi32, #tpu.memory_space<hbm>>
        tpu.wait_dma2 semaphore(%run_scoped3A : memref<!tpu.dma_semaphore, #tpu.memory_space<semaphore_mem>>) src(%dma_wait3A_280 : memref<28x128xi32, #tpu.memory_space<hbm>>) dst(%arg7 : memref<28x128xi32, #tpu.memory_space<vmem>>)
        tpu.yield
      }) : () -> ()
      "tpu.region"() ({
        %run_scoped3A = tpu.sem_alloc : memref<!tpu.dma_semaphore, #tpu.memory_space<semaphore_mem>>
        %dma_start3A_273 = arith.constant 0 : i32
        %dma_start3A_274 = tpu.memref_slice %arg4[%add3A_16, %dma_start3A_273] : memref<12544x128xi32, #tpu.memory_space<hbm>> -> memref<28x128xi32, #tpu.memory_space<hbm>>
        %dma_start3A_275 = arith.constant 0 : i32
        %dma_start3A_276 = tpu.memref_slice %arg4[%add3A_16, %dma_start3A_275] : memref<12544x128xi32, #tpu.memory_space<hbm>> -> memref<28x128xi32, #tpu.memory_space<hbm>>
        tpu.enqueue_dma source(%dma_start3A_276 : memref<28x128xi32, #tpu.memory_space<hbm>>) target(%arg8 : memref<28x128xi32, #tpu.memory_space<vmem>>) target_semaphore(%run_scoped3A : memref<!tpu.dma_semaphore, #tpu.memory_space<semaphore_mem>>)
        %dma_wait3A_277 = arith.constant 0 : i32
        %dma_wait3A_278 = tpu.memref_slice %arg4[%add3A_16, %dma_wait3A_277] : memref<12544x128xi32, #tpu.memory_space<hbm>> -> memref<28x128xi32, #tpu.memory_space<hbm>>
        %dma_wait3A_279 = arith.constant 0 : i32
        %dma_wait3A_280 = tpu.memref_slice %arg4[%add3A_16, %dma_wait3A_279] : memref<12544x128xi32, #tpu.memory_space<hbm>> -> memref<28x128xi32, #tpu.memory_space<hbm>>
        tpu.wait_dma2 semaphore(%run_scoped3A : memref<!tpu.dma_semaphore, #tpu.memory_space<semaphore_mem>>) src(%dma_wait3A_280 : memref<28x128xi32, #tpu.memory_space<hbm>>) dst(%arg8 : memref<28x128xi32, #tpu.memory_space<vmem>>)
        tpu.yield
      }) : () -> ()
      %dma_start3A = arith.constant 0 : i32
      %dma_start3A_17 = arith.constant 0 : i32
      %dma_start3A_18 = arith.constant 0 : i32
      %dma_start3A_19 = arith.constant 0 : i32
      %dma_start3A_20 = arith.constant 0 : i32
      %dma_start3A_21 = tpu.memref_slice %arg9[%dma_start3A_17, %dma_start3A_19, %dma_start3A_20] : memref<8x128x16xf32, #tpu.memory_space<vmem>> -> memref<1x128x16xf32, #tpu.memory_space<vmem>>
      %dma_start3A_22 = tpu.memref_squeeze %dma_start3A_21 : memref<1x128x16xf32, #tpu.memory_space<vmem>> -> memref<128x16xf32, #tpu.memory_space<vmem>>
      %dma_start3A_23 = arith.constant 0 : i32
      %dma_start3A_24 = tpu.memref_slice %arg7[%dma_start3A, %dma_start3A_23] : memref<28x128xi32, #tpu.memory_space<vmem>> -> memref<1x128xi32, #tpu.memory_space<vmem>>
      %dma_start3A_25 = tpu.memref_squeeze %dma_start3A_24 : memref<1x128xi32, #tpu.memory_space<vmem>> -> memref<128xi32, #tpu.memory_space<vmem>>
      %dma_start3A_26 = arith.constant 0 : i32
      %dma_start3A_27 = arith.constant 0 : i32
      %dma_start3A_28 = tpu.memref_slice %arg2[%arg0, %dma_start3A_26, %dma_start3A_27] : memref<2x102400x16xf32, #tpu.memory_space<hbm>> -> memref<1x102400x16xf32, #tpu.memory_space<hbm>>
      %dma_start3A_29 = tpu.memref_squeeze %dma_start3A_28 : memref<1x102400x16xf32, #tpu.memory_space<hbm>> -> memref<102400x16xf32, #tpu.memory_space<hbm>>
      %dma_start3A_30 = arith.constant 0 : i32
      %dma_start3A_31 = arith.constant 0 : i32
      %dma_start3A_32 = tpu.memref_slice %dma_start3A_29[%dma_start3A_30, %dma_start3A_31] : memref<102400x16xf32, #tpu.memory_space<hbm>> -> memref<102400x16xf32, #tpu.memory_space<hbm>>
      %dma_start3A_33 = tpu.memref_slice %arg11[%dma_start3A_18] : memref<8x!tpu.dma_semaphore, #tpu.memory_space<semaphore_mem>> -> memref<1x!tpu.dma_semaphore, #tpu.memory_space<semaphore_mem>>
      %dma_start3A_34 = tpu.memref_squeeze %dma_start3A_33 : memref<1x!tpu.dma_semaphore, #tpu.memory_space<semaphore_mem>> -> memref<!tpu.dma_semaphore, #tpu.memory_space<semaphore_mem>>
      tpu.enqueue_indirect_dma source(%dma_start3A_32 : memref<102400x16xf32, #tpu.memory_space<hbm>>) target(%dma_start3A_22 : memref<128x16xf32, #tpu.memory_space<vmem>>) offsets(%dma_start3A_25 : memref<128xi32, #tpu.memory_space<vmem>>) semaphore(%dma_start3A_34 : memref<!tpu.dma_semaphore, #tpu.memory_space<semaphore_mem>>)
      %dma_start3A_35 = arith.constant 1 : i32
      %dma_start3A_36 = arith.constant 1 : i32
      %dma_start3A_37 = arith.constant 1 : i32
      %dma_start3A_38 = arith.constant 0 : i32
      %dma_start3A_39 = arith.constant 0 : i32
      %dma_start3A_40 = tpu.memref_slice %arg9[%dma_start3A_36, %dma_start3A_38, %dma_start3A_39] : memref<8x128x16xf32, #tpu.memory_space<vmem>> -> memref<1x128x16xf32, #tpu.memory_space<vmem>>
      %dma_start3A_41 = tpu.memref_squeeze %dma_start3A_40 : memref<1x128x16xf32, #tpu.memory_space<vmem>> -> memref<128x16xf32, #tpu.memory_space<vmem>>
      %dma_start3A_42 = arith.constant 0 : i32
      %dma_start3A_43 = tpu.memref_slice %arg7[%dma_start3A_35, %dma_start3A_42] : memref<28x128xi32, #tpu.memory_space<vmem>> -> memref<1x128xi32, #tpu.memory_space<vmem>>
      %dma_start3A_44 = tpu.memref_squeeze %dma_start3A_43 : memref<1x128xi32, #tpu.memory_space<vmem>> -> memref<128xi32, #tpu.memory_space<vmem>>
      %dma_start3A_45 = arith.constant 0 : i32
      %dma_start3A_46 = arith.constant 0 : i32
      %dma_start3A_47 = tpu.memref_slice %arg2[%arg0, %dma_start3A_45, %dma_start3A_46] : memref<2x102400x16xf32, #tpu.memory_space<hbm>> -> memref<1x102400x16xf32, #tpu.memory_space<hbm>>
      %dma_start3A_48 = tpu.memref_squeeze %dma_start3A_47 : memref<1x102400x16xf32, #tpu.memory_space<hbm>> -> memref<102400x16xf32, #tpu.memory_space<hbm>>
      %dma_start3A_49 = arith.constant 0 : i32
      %dma_start3A_50 = arith.constant 0 : i32
      %dma_start3A_51 = tpu.memref_slice %dma_start3A_48[%dma_start3A_49, %dma_start3A_50] : memref<102400x16xf32, #tpu.memory_space<hbm>> -> memref<102400x16xf32, #tpu.memory_space<hbm>>
      %dma_start3A_52 = tpu.memref_slice %arg11[%dma_start3A_37] : memref<8x!tpu.dma_semaphore, #tpu.memory_space<semaphore_mem>> -> memref<1x!tpu.dma_semaphore, #tpu.memory_space<semaphore_mem>>
      %dma_start3A_53 = tpu.memref_squeeze %dma_start3A_52 : memref<1x!tpu.dma_semaphore, #tpu.memory_space<semaphore_mem>> -> memref<!tpu.dma_semaphore, #tpu.memory_space<semaphore_mem>>
      tpu.enqueue_indirect_dma source(%dma_start3A_51 : memref<102400x16xf32, #tpu.memory_space<hbm>>) target(%dma_start3A_41 : memref<128x16xf32, #tpu.memory_space<vmem>>) offsets(%dma_start3A_44 : memref<128xi32, #tpu.memory_space<vmem>>) semaphore(%dma_start3A_53 : memref<!tpu.dma_semaphore, #tpu.memory_space<semaphore_mem>>)
      %dma_start3A_54 = arith.constant 2 : i32
      %dma_start3A_55 = arith.constant 2 : i32
      %dma_start3A_56 = arith.constant 2 : i32
      %dma_start3A_57 = arith.constant 0 : i32
      %dma_start3A_58 = arith.constant 0 : i32
      %dma_start3A_59 = tpu.memref_slice %arg9[%dma_start3A_55, %dma_start3A_57, %dma_start3A_58] : memref<8x128x16xf32, #tpu.memory_space<vmem>> -> memref<1x128x16xf32, #tpu.memory_space<vmem>>
      %dma_start3A_60 = tpu.memref_squeeze %dma_start3A_59 : memref<1x128x16xf32, #tpu.memory_space<vmem>> -> memref<128x16xf32, #tpu.memory_space<vmem>>
      %dma_start3A_61 = arith.constant 0 : i32
      %dma_start3A_62 = tpu.memref_slice %arg7[%dma_start3A_54, %dma_start3A_61] : memref<28x128xi32, #tpu.memory_space<vmem>> -> memref<1x128xi32, #tpu.memory_space<vmem>>
      %dma_start3A_63 = tpu.memref_squeeze %dma_start3A_62 : memref<1x128xi32, #tpu.memory_space<vmem>> -> memref<128xi32, #tpu.memory_space<vmem>>
      %dma_start3A_64 = arith.constant 0 : i32
      %dma_start3A_65 = arith.constant 0 : i32
      %dma_start3A_66 = tpu.memref_slice %arg2[%arg0, %dma_start3A_64, %dma_start3A_65] : memref<2x102400x16xf32, #tpu.memory_space<hbm>> -> memref<1x102400x16xf32, #tpu.memory_space<hbm>>
      %dma_start3A_67 = tpu.memref_squeeze %dma_start3A_66 : memref<1x102400x16xf32, #tpu.memory_space<hbm>> -> memref<102400x16xf32, #tpu.memory_space<hbm>>
      %dma_start3A_68 = arith.constant 0 : i32
      %dma_start3A_69 = arith.constant 0 : i32
      %dma_start3A_70 = tpu.memref_slice %dma_start3A_67[%dma_start3A_68, %dma_start3A_69] : memref<102400x16xf32, #tpu.memory_space<hbm>> -> memref<102400x16xf32, #tpu.memory_space<hbm>>
      %dma_start3A_71 = tpu.memref_slice %arg11[%dma_start3A_56] : memref<8x!tpu.dma_semaphore, #tpu.memory_space<semaphore_mem>> -> memref<1x!tpu.dma_semaphore, #tpu.memory_space<semaphore_mem>>
      %dma_start3A_72 = tpu.memref_squeeze %dma_start3A_71 : memref<1x!tpu.dma_semaphore, #tpu.memory_space<semaphore_mem>> -> memref<!tpu.dma_semaphore, #tpu.memory_space<semaphore_mem>>
      tpu.enqueue_indirect_dma source(%dma_start3A_70 : memref<102400x16xf32, #tpu.memory_space<hbm>>) target(%dma_start3A_60 : memref<128x16xf32, #tpu.memory_space<vmem>>) offsets(%dma_start3A_63 : memref<128xi32, #tpu.memory_space<vmem>>) semaphore(%dma_start3A_72 : memref<!tpu.dma_semaphore, #tpu.memory_space<semaphore_mem>>)
      %dma_start3A_73 = arith.constant 3 : i32
      %dma_start3A_74 = arith.constant 3 : i32
      %dma_start3A_75 = arith.constant 3 : i32
      %dma_start3A_76 = arith.constant 0 : i32
      %dma_start3A_77 = arith.constant 0 : i32
      %dma_start3A_78 = tpu.memref_slice %arg9[%dma_start3A_74, %dma_start3A_76, %dma_start3A_77] : memref<8x128x16xf32, #tpu.memory_space<vmem>> -> memref<1x128x16xf32, #tpu.memory_space<vmem>>
      %dma_start3A_79 = tpu.memref_squeeze %dma_start3A_78 : memref<1x128x16xf32, #tpu.memory_space<vmem>> -> memref<128x16xf32, #tpu.memory_space<vmem>>
      %dma_start3A_80 = arith.constant 0 : i32
      %dma_start3A_81 = tpu.memref_slice %arg7[%dma_start3A_73, %dma_start3A_80] : memref<28x128xi32, #tpu.memory_space<vmem>> -> memref<1x128xi32, #tpu.memory_space<vmem>>
      %dma_start3A_82 = tpu.memref_squeeze %dma_start3A_81 : memref<1x128xi32, #tpu.memory_space<vmem>> -> memref<128xi32, #tpu.memory_space<vmem>>
      %dma_start3A_83 = arith.constant 0 : i32
      %dma_start3A_84 = arith.constant 0 : i32
      %dma_start3A_85 = tpu.memref_slice %arg2[%arg0, %dma_start3A_83, %dma_start3A_84] : memref<2x102400x16xf32, #tpu.memory_space<hbm>> -> memref<1x102400x16xf32, #tpu.memory_space<hbm>>
      %dma_start3A_86 = tpu.memref_squeeze %dma_start3A_85 : memref<1x102400x16xf32, #tpu.memory_space<hbm>> -> memref<102400x16xf32, #tpu.memory_space<hbm>>
      %dma_start3A_87 = arith.constant 0 : i32
      %dma_start3A_88 = arith.constant 0 : i32
      %dma_start3A_89 = tpu.memref_slice %dma_start3A_86[%dma_start3A_87, %dma_start3A_88] : memref<102400x16xf32, #tpu.memory_space<hbm>> -> memref<102400x16xf32, #tpu.memory_space<hbm>>
      %dma_start3A_90 = tpu.memref_slice %arg11[%dma_start3A_75] : memref<8x!tpu.dma_semaphore, #tpu.memory_space<semaphore_mem>> -> memref<1x!tpu.dma_semaphore, #tpu.memory_space<semaphore_mem>>
      %dma_start3A_91 = tpu.memref_squeeze %dma_start3A_90 : memref<1x!tpu.dma_semaphore, #tpu.memory_space<semaphore_mem>> -> memref<!tpu.dma_semaphore, #tpu.memory_space<semaphore_mem>>
      tpu.enqueue_indirect_dma source(%dma_start3A_89 : memref<102400x16xf32, #tpu.memory_space<hbm>>) target(%dma_start3A_79 : memref<128x16xf32, #tpu.memory_space<vmem>>) offsets(%dma_start3A_82 : memref<128xi32, #tpu.memory_space<vmem>>) semaphore(%dma_start3A_91 : memref<!tpu.dma_semaphore, #tpu.memory_space<semaphore_mem>>)
      %dma_start3A_92 = arith.constant 4 : i32
      %dma_start3A_93 = arith.constant 4 : i32
      %dma_start3A_94 = arith.constant 4 : i32
      %dma_start3A_95 = arith.constant 0 : i32
      %dma_start3A_96 = arith.constant 0 : i32
      %dma_start3A_97 = tpu.memref_slice %arg9[%dma_start3A_93, %dma_start3A_95, %dma_start3A_96] : memref<8x128x16xf32, #tpu.memory_space<vmem>> -> memref<1x128x16xf32, #tpu.memory_space<vmem>>
      %dma_start3A_98 = tpu.memref_squeeze %dma_start3A_97 : memref<1x128x16xf32, #tpu.memory_space<vmem>> -> memref<128x16xf32, #tpu.memory_space<vmem>>
      %dma_start3A_99 = arith.constant 0 : i32
      %dma_start3A_100 = tpu.memref_slice %arg7[%dma_start3A_92, %dma_start3A_99] : memref<28x128xi32, #tpu.memory_space<vmem>> -> memref<1x128xi32, #tpu.memory_space<vmem>>
      %dma_start3A_101 = tpu.memref_squeeze %dma_start3A_100 : memref<1x128xi32, #tpu.memory_space<vmem>> -> memref<128xi32, #tpu.memory_space<vmem>>
      %dma_start3A_102 = arith.constant 0 : i32
      %dma_start3A_103 = arith.constant 0 : i32
      %dma_start3A_104 = tpu.memref_slice %arg2[%arg0, %dma_start3A_102, %dma_start3A_103] : memref<2x102400x16xf32, #tpu.memory_space<hbm>> -> memref<1x102400x16xf32, #tpu.memory_space<hbm>>
      %dma_start3A_105 = tpu.memref_squeeze %dma_start3A_104 : memref<1x102400x16xf32, #tpu.memory_space<hbm>> -> memref<102400x16xf32, #tpu.memory_space<hbm>>
      %dma_start3A_106 = arith.constant 0 : i32
      %dma_start3A_107 = arith.constant 0 : i32
      %dma_start3A_108 = tpu.memref_slice %dma_start3A_105[%dma_start3A_106, %dma_start3A_107] : memref<102400x16xf32, #tpu.memory_space<hbm>> -> memref<102400x16xf32, #tpu.memory_space<hbm>>
      %dma_start3A_109 = tpu.memref_slice %arg11[%dma_start3A_94] : memref<8x!tpu.dma_semaphore, #tpu.memory_space<semaphore_mem>> -> memref<1x!tpu.dma_semaphore, #tpu.memory_space<semaphore_mem>>
      %dma_start3A_110 = tpu.memref_squeeze %dma_start3A_109 : memref<1x!tpu.dma_semaphore, #tpu.memory_space<semaphore_mem>> -> memref<!tpu.dma_semaphore, #tpu.memory_space<semaphore_mem>>
      tpu.enqueue_indirect_dma source(%dma_start3A_108 : memref<102400x16xf32, #tpu.memory_space<hbm>>) target(%dma_start3A_98 : memref<128x16xf32, #tpu.memory_space<vmem>>) offsets(%dma_start3A_101 : memref<128xi32, #tpu.memory_space<vmem>>) semaphore(%dma_start3A_110 : memref<!tpu.dma_semaphore, #tpu.memory_space<semaphore_mem>>)
      %dma_start3A_111 = arith.constant 5 : i32
      %dma_start3A_112 = arith.constant 5 : i32
      %dma_start3A_113 = arith.constant 5 : i32
      %dma_start3A_114 = arith.constant 0 : i32
      %dma_start3A_115 = arith.constant 0 : i32
      %dma_start3A_116 = tpu.memref_slice %arg9[%dma_start3A_112, %dma_start3A_114, %dma_start3A_115] : memref<8x128x16xf32, #tpu.memory_space<vmem>> -> memref<1x128x16xf32, #tpu.memory_space<vmem>>
      %dma_start3A_117 = tpu.memref_squeeze %dma_start3A_116 : memref<1x128x16xf32, #tpu.memory_space<vmem>> -> memref<128x16xf32, #tpu.memory_space<vmem>>
      %dma_start3A_118 = arith.constant 0 : i32
      %dma_start3A_119 = tpu.memref_slice %arg7[%dma_start3A_111, %dma_start3A_118] : memref<28x128xi32, #tpu.memory_space<vmem>> -> memref<1x128xi32, #tpu.memory_space<vmem>>
      %dma_start3A_120 = tpu.memref_squeeze %dma_start3A_119 : memref<1x128xi32, #tpu.memory_space<vmem>> -> memref<128xi32, #tpu.memory_space<vmem>>
      %dma_start3A_121 = arith.constant 0 : i32
      %dma_start3A_122 = arith.constant 0 : i32
      %dma_start3A_123 = tpu.memref_slice %arg2[%arg0, %dma_start3A_121, %dma_start3A_122] : memref<2x102400x16xf32, #tpu.memory_space<hbm>> -> memref<1x102400x16xf32, #tpu.memory_space<hbm>>
      %dma_start3A_124 = tpu.memref_squeeze %dma_start3A_123 : memref<1x102400x16xf32, #tpu.memory_space<hbm>> -> memref<102400x16xf32, #tpu.memory_space<hbm>>
      %dma_start3A_125 = arith.constant 0 : i32
      %dma_start3A_126 = arith.constant 0 : i32
      %dma_start3A_127 = tpu.memref_slice %dma_start3A_124[%dma_start3A_125, %dma_start3A_126] : memref<102400x16xf32, #tpu.memory_space<hbm>> -> memref<102400x16xf32, #tpu.memory_space<hbm>>
      %dma_start3A_128 = tpu.memref_slice %arg11[%dma_start3A_113] : memref<8x!tpu.dma_semaphore, #tpu.memory_space<semaphore_mem>> -> memref<1x!tpu.dma_semaphore, #tpu.memory_space<semaphore_mem>>
      %dma_start3A_129 = tpu.memref_squeeze %dma_start3A_128 : memref<1x!tpu.dma_semaphore, #tpu.memory_space<semaphore_mem>> -> memref<!tpu.dma_semaphore, #tpu.memory_space<semaphore_mem>>
      tpu.enqueue_indirect_dma source(%dma_start3A_127 : memref<102400x16xf32, #tpu.memory_space<hbm>>) target(%dma_start3A_117 : memref<128x16xf32, #tpu.memory_space<vmem>>) offsets(%dma_start3A_120 : memref<128xi32, #tpu.memory_space<vmem>>) semaphore(%dma_start3A_129 : memref<!tpu.dma_semaphore, #tpu.memory_space<semaphore_mem>>)
      %dma_start3A_130 = arith.constant 6 : i32
      %dma_start3A_131 = arith.constant 6 : i32
      %dma_start3A_132 = arith.constant 6 : i32
      %dma_start3A_133 = arith.constant 0 : i32
      %dma_start3A_134 = arith.constant 0 : i32
      %dma_start3A_135 = tpu.memref_slice %arg9[%dma_start3A_131, %dma_start3A_133, %dma_start3A_134] : memref<8x128x16xf32, #tpu.memory_space<vmem>> -> memref<1x128x16xf32, #tpu.memory_space<vmem>>
      %dma_start3A_136 = tpu.memref_squeeze %dma_start3A_135 : memref<1x128x16xf32, #tpu.memory_space<vmem>> -> memref<128x16xf32, #tpu.memory_space<vmem>>
      %dma_start3A_137 = arith.constant 0 : i32
      %dma_start3A_138 = tpu.memref_slice %arg7[%dma_start3A_130, %dma_start3A_137] : memref<28x128xi32, #tpu.memory_space<vmem>> -> memref<1x128xi32, #tpu.memory_space<vmem>>
      %dma_start3A_139 = tpu.memref_squeeze %dma_start3A_138 : memref<1x128xi32, #tpu.memory_space<vmem>> -> memref<128xi32, #tpu.memory_space<vmem>>
      %dma_start3A_140 = arith.constant 0 : i32
      %dma_start3A_141 = arith.constant 0 : i32
      %dma_start3A_142 = tpu.memref_slice %arg2[%arg0, %dma_start3A_140, %dma_start3A_141] : memref<2x102400x16xf32, #tpu.memory_space<hbm>> -> memref<1x102400x16xf32, #tpu.memory_space<hbm>>
      %dma_start3A_143 = tpu.memref_squeeze %dma_start3A_142 : memref<1x102400x16xf32, #tpu.memory_space<hbm>> -> memref<102400x16xf32, #tpu.memory_space<hbm>>
      %dma_start3A_144 = arith.constant 0 : i32
      %dma_start3A_145 = arith.constant 0 : i32
      %dma_start3A_146 = tpu.memref_slice %dma_start3A_143[%dma_start3A_144, %dma_start3A_145] : memref<102400x16xf32, #tpu.memory_space<hbm>> -> memref<102400x16xf32, #tpu.memory_space<hbm>>
      %dma_start3A_147 = tpu.memref_slice %arg11[%dma_start3A_132] : memref<8x!tpu.dma_semaphore, #tpu.memory_space<semaphore_mem>> -> memref<1x!tpu.dma_semaphore, #tpu.memory_space<semaphore_mem>>
      %dma_start3A_148 = tpu.memref_squeeze %dma_start3A_147 : memref<1x!tpu.dma_semaphore, #tpu.memory_space<semaphore_mem>> -> memref<!tpu.dma_semaphore, #tpu.memory_space<semaphore_mem>>
      tpu.enqueue_indirect_dma source(%dma_start3A_146 : memref<102400x16xf32, #tpu.memory_space<hbm>>) target(%dma_start3A_136 : memref<128x16xf32, #tpu.memory_space<vmem>>) offsets(%dma_start3A_139 : memref<128xi32, #tpu.memory_space<vmem>>) semaphore(%dma_start3A_148 : memref<!tpu.dma_semaphore, #tpu.memory_space<semaphore_mem>>)
      %scan3A_149 = arith.constant 0 : i32
      %scan3A_150 = arith.constant 28 : i32
      %scan3A_151 = arith.addi %scan3A_149, %scan3A_150 : i32
      %scan3A_152 = arith.constant 1 : i32
      scf.for %scan3A_273 = %scan3A_149 to %scan3A_151 step %scan3A_152  : i32 {
        %mul3A_274 = arith.constant 1 : i32
        %mul3A_275 = arith.muli %scan3A_273, %mul3A_274 : i32
        %add3A_276 = arith.constant 0 : i32
        %add3A_277 = arith.addi %add3A_276, %mul3A_275 : i32
        %rem3A = arith.constant 8 : i32
        %rem3A_278 = arith.remsi %add3A_277, %rem3A : i32
        %dma_wait3A_279 = arith.constant 0 : i32
        %dma_wait3A_280 = arith.constant 0 : i32
        %dma_wait3A_281 = tpu.memref_slice %arg9[%rem3A_278, %dma_wait3A_279, %dma_wait3A_280] : memref<8x128x16xf32, #tpu.memory_space<vmem>> -> memref<1x128x16xf32, #tpu.memory_space<vmem>>
        %dma_wait3A_282 = tpu.memref_squeeze %dma_wait3A_281 : memref<1x128x16xf32, #tpu.memory_space<vmem>> -> memref<128x16xf32, #tpu.memory_space<vmem>>
        %dma_wait3A_283 = arith.constant 0 : i32
        %dma_wait3A_284 = tpu.memref_slice %arg7[%add3A_277, %dma_wait3A_283] : memref<28x128xi32, #tpu.memory_space<vmem>> -> memref<1x128xi32, #tpu.memory_space<vmem>>
        %dma_wait3A_285 = tpu.memref_squeeze %dma_wait3A_284 : memref<1x128xi32, #tpu.memory_space<vmem>> -> memref<128xi32, #tpu.memory_space<vmem>>
        %dma_wait3A_286 = arith.constant 0 : i32
        %dma_wait3A_287 = arith.constant 0 : i32
        %dma_wait3A_288 = tpu.memref_slice %arg2[%arg0, %dma_wait3A_286, %dma_wait3A_287] : memref<2x102400x16xf32, #tpu.memory_space<hbm>> -> memref<1x102400x16xf32, #tpu.memory_space<hbm>>
        %dma_wait3A_289 = tpu.memref_squeeze %dma_wait3A_288 : memref<1x102400x16xf32, #tpu.memory_space<hbm>> -> memref<102400x16xf32, #tpu.memory_space<hbm>>
        %dma_wait3A_290 = arith.constant 0 : i32
        %dma_wait3A_291 = arith.constant 0 : i32
        %dma_wait3A_292 = tpu.memref_slice %dma_wait3A_289[%dma_wait3A_290, %dma_wait3A_291] : memref<102400x16xf32, #tpu.memory_space<hbm>> -> memref<102400x16xf32, #tpu.memory_space<hbm>>
        %dma_wait3A_293 = tpu.memref_slice %arg11[%rem3A_278] : memref<8x!tpu.dma_semaphore, #tpu.memory_space<semaphore_mem>> -> memref<1x!tpu.dma_semaphore, #tpu.memory_space<semaphore_mem>>
        %dma_wait3A_294 = tpu.memref_squeeze %dma_wait3A_293 : memref<1x!tpu.dma_semaphore, #tpu.memory_space<semaphore_mem>> -> memref<!tpu.dma_semaphore, #tpu.memory_space<semaphore_mem>>
        tpu.wait_indirect_dma semaphore(%dma_wait3A_294 : memref<!tpu.dma_semaphore, #tpu.memory_space<semaphore_mem>>) src(%dma_wait3A_292 : memref<102400x16xf32, #tpu.memory_space<hbm>>) dst(%dma_wait3A_282 : memref<128x16xf32, #tpu.memory_space<vmem>>)
        %dma_start3A_295 = arith.constant 0 : i32
        %dma_start3A_296 = arith.constant 0 : i32
        %dma_start3A_297 = tpu.memref_slice %arg9[%rem3A_278, %dma_start3A_295, %dma_start3A_296] : memref<8x128x16xf32, #tpu.memory_space<vmem>> -> memref<1x128x16xf32, #tpu.memory_space<vmem>>
        %dma_start3A_298 = tpu.memref_squeeze %dma_start3A_297 : memref<1x128x16xf32, #tpu.memory_space<vmem>> -> memref<128x16xf32, #tpu.memory_space<vmem>>
        %dma_start3A_299 = arith.constant 0 : i32
        %dma_start3A_300 = tpu.memref_slice %arg8[%add3A_277, %dma_start3A_299] : memref<28x128xi32, #tpu.memory_space<vmem>> -> memref<1x128xi32, #tpu.memory_space<vmem>>
        %dma_start3A_301 = tpu.memref_squeeze %dma_start3A_300 : memref<1x128xi32, #tpu.memory_space<vmem>> -> memref<128xi32, #tpu.memory_space<vmem>>
        %dma_start3A_302 = arith.constant 0 : i32
        %dma_start3A_303 = arith.constant 0 : i32
        %dma_start3A_304 = tpu.memref_slice %arg10[%dma_start3A_302, %dma_start3A_303] : memref<102464x16xf32, #tpu.memory_space<vmem_shared>> -> memref<102464x16xf32, #tpu.memory_space<vmem_shared>>
        %dma_start3A_305 = tpu.memref_slice %arg12[%rem3A_278] : memref<8x!tpu.dma_semaphore, #tpu.memory_space<semaphore_mem>> -> memref<1x!tpu.dma_semaphore, #tpu.memory_space<semaphore_mem>>
        %dma_start3A_306 = tpu.memref_squeeze %dma_start3A_305 : memref<1x!tpu.dma_semaphore, #tpu.memory_space<semaphore_mem>> -> memref<!tpu.dma_semaphore, #tpu.memory_space<semaphore_mem>>
        tpu.enqueue_indirect_dma source(%dma_start3A_298 : memref<128x16xf32, #tpu.memory_space<vmem>>) target(%dma_start3A_304 : memref<102464x16xf32, #tpu.memory_space<vmem_shared>>) offsets(%dma_start3A_301 : memref<128xi32, #tpu.memory_space<vmem>>) semaphore(%dma_start3A_306 : memref<!tpu.dma_semaphore, #tpu.memory_space<semaphore_mem>>) {add = true}
        %lt3A = arith.constant 21 : i32
        %lt3A_307 = arith.cmpi slt, %add3A_277, %lt3A : i32
        %convert_element_type3A = arith.extui %lt3A_307 : i1 to i32
        %cond3A = arith.constant 0 : i32
        %cond3A_308 = arith.cmpi ne, %convert_element_type3A, %cond3A : i32
        scf.if %cond3A_308 {
          %add3A_309 = arith.constant 8 : i32
          %add3A_310 = arith.addi %add3A_277, %add3A_309 : i32
          %sub3A = arith.constant 1 : i32
          %sub3A_311 = arith.subi %add3A_310, %sub3A : i32
          %rem3A_312 = arith.constant 8 : i32
          %rem3A_313 = arith.remsi %sub3A_311, %rem3A_312 : i32
          %ge3A = arith.constant 1 : i32
          %ge3A_314 = arith.cmpi sge, %add3A_277, %ge3A : i32
          %convert_element_type3A_315 = arith.extui %ge3A_314 : i1 to i32
          %cond3A_316 = arith.constant 0 : i32
          %cond3A_317 = arith.cmpi ne, %convert_element_type3A_315, %cond3A_316 : i32
          scf.if %cond3A_317 {
            %sub3A_338 = arith.constant 1 : i32
            %sub3A_339 = arith.subi %add3A_277, %sub3A_338 : i32
            %dma_wait3A_340 = arith.constant 0 : i32
            %dma_wait3A_341 = arith.constant 0 : i32
            %dma_wait3A_342 = tpu.memref_slice %arg9[%rem3A_313, %dma_wait3A_340, %dma_wait3A_341] : memref<8x128x16xf32, #tpu.memory_space<vmem>> -> memref<1x128x16xf32, #tpu.memory_space<vmem>>
            %dma_wait3A_343 = tpu.memref_squeeze %dma_wait3A_342 : memref<1x128x16xf32, #tpu.memory_space<vmem>> -> memref<128x16xf32, #tpu.memory_space<vmem>>
            %dma_wait3A_344 = arith.constant 0 : i32
            %dma_wait3A_345 = tpu.memref_slice %arg8[%sub3A_339, %dma_wait3A_344] : memref<28x128xi32, #tpu.memory_space<vmem>> -> memref<1x128xi32, #tpu.memory_space<vmem>>
            %dma_wait3A_346 = tpu.memref_squeeze %dma_wait3A_345 : memref<1x128xi32, #tpu.memory_space<vmem>> -> memref<128xi32, #tpu.memory_space<vmem>>
            %dma_wait3A_347 = arith.constant 0 : i32
            %dma_wait3A_348 = arith.constant 0 : i32
            %dma_wait3A_349 = tpu.memref_slice %arg10[%dma_wait3A_347, %dma_wait3A_348] : memref<102464x16xf32, #tpu.memory_space<vmem_shared>> -> memref<102464x16xf32, #tpu.memory_space<vmem_shared>>
            %dma_wait3A_350 = tpu.memref_slice %arg12[%rem3A_313] : memref<8x!tpu.dma_semaphore, #tpu.memory_space<semaphore_mem>> -> memref<1x!tpu.dma_semaphore, #tpu.memory_space<semaphore_mem>>
            %dma_wait3A_351 = tpu.memref_squeeze %dma_wait3A_350 : memref<1x!tpu.dma_semaphore, #tpu.memory_space<semaphore_mem>> -> memref<!tpu.dma_semaphore, #tpu.memory_space<semaphore_mem>>
            tpu.wait_indirect_dma semaphore(%dma_wait3A_351 : memref<!tpu.dma_semaphore, #tpu.memory_space<semaphore_mem>>) src(%dma_wait3A_343 : memref<128x16xf32, #tpu.memory_space<vmem>>) dst(%dma_wait3A_349 : memref<102464x16xf32, #tpu.memory_space<vmem_shared>>)
          } else {
          }
          %add3A_318 = arith.constant 8 : i32
          %add3A_319 = arith.addi %add3A_277, %add3A_318 : i32
          %sub3A_320 = arith.constant 1 : i32
          %sub3A_321 = arith.subi %add3A_319, %sub3A_320 : i32
          %dma_start3A_322 = arith.constant 0 : i32
          %dma_start3A_323 = arith.constant 0 : i32
          %dma_start3A_324 = tpu.memref_slice %arg9[%rem3A_313, %dma_start3A_322, %dma_start3A_323] : memref<8x128x16xf32, #tpu.memory_space<vmem>> -> memref<1x128x16xf32, #tpu.memory_space<vmem>>
          %dma_start3A_325 = tpu.memref_squeeze %dma_start3A_324 : memref<1x128x16xf32, #tpu.memory_space<vmem>> -> memref<128x16xf32, #tpu.memory_space<vmem>>
          %dma_start3A_326 = arith.constant 0 : i32
          %dma_start3A_327 = tpu.memref_slice %arg7[%sub3A_321, %dma_start3A_326] : memref<28x128xi32, #tpu.memory_space<vmem>> -> memref<1x128xi32, #tpu.memory_space<vmem>>
          %dma_start3A_328 = tpu.memref_squeeze %dma_start3A_327 : memref<1x128xi32, #tpu.memory_space<vmem>> -> memref<128xi32, #tpu.memory_space<vmem>>
          %dma_start3A_329 = arith.constant 0 : i32
          %dma_start3A_330 = arith.constant 0 : i32
          %dma_start3A_331 = tpu.memref_slice %arg2[%arg0, %dma_start3A_329, %dma_start3A_330] : memref<2x102400x16xf32, #tpu.memory_space<hbm>> -> memref<1x102400x16xf32, #tpu.memory_space<hbm>>
          %dma_start3A_332 = tpu.memref_squeeze %dma_start3A_331 : memref<1x102400x16xf32, #tpu.memory_space<hbm>> -> memref<102400x16xf32, #tpu.memory_space<hbm>>
          %dma_start3A_333 = arith.constant 0 : i32
          %dma_start3A_334 = arith.constant 0 : i32
          %dma_start3A_335 = tpu.memref_slice %dma_start3A_332[%dma_start3A_333, %dma_start3A_334] : memref<102400x16xf32, #tpu.memory_space<hbm>> -> memref<102400x16xf32, #tpu.memory_space<hbm>>
          %dma_start3A_336 = tpu.memref_slice %arg11[%rem3A_313] : memref<8x!tpu.dma_semaphore, #tpu.memory_space<semaphore_mem>> -> memref<1x!tpu.dma_semaphore, #tpu.memory_space<semaphore_mem>>
          %dma_start3A_337 = tpu.memref_squeeze %dma_start3A_336 : memref<1x!tpu.dma_semaphore, #tpu.memory_space<semaphore_mem>> -> memref<!tpu.dma_semaphore, #tpu.memory_space<semaphore_mem>>
          tpu.enqueue_indirect_dma source(%dma_start3A_335 : memref<102400x16xf32, #tpu.memory_space<hbm>>) target(%dma_start3A_325 : memref<128x16xf32, #tpu.memory_space<vmem>>) offsets(%dma_start3A_328 : memref<128xi32, #tpu.memory_space<vmem>>) semaphore(%dma_start3A_337 : memref<!tpu.dma_semaphore, #tpu.memory_space<semaphore_mem>>)
        } else {
        }
      }
      %scan3A_153 = arith.constant 28 : i32
      %dma_wait3A = arith.constant 4 : i32
      %dma_wait3A_154 = arith.constant 20 : i32
      %dma_wait3A_155 = arith.constant 4 : i32
      %dma_wait3A_156 = arith.constant 0 : i32
      %dma_wait3A_157 = arith.constant 0 : i32
      %dma_wait3A_158 = tpu.memref_slice %arg9[%dma_wait3A, %dma_wait3A_156, %dma_wait3A_157] : memref<8x128x16xf32, #tpu.memory_space<vmem>> -> memref<1x128x16xf32, #tpu.memory_space<vmem>>
      %dma_wait3A_159 = tpu.memref_squeeze %dma_wait3A_158 : memref<1x128x16xf32, #tpu.memory_space<vmem>> -> memref<128x16xf32, #tpu.memory_space<vmem>>
      %dma_wait3A_160 = arith.constant 0 : i32
      %dma_wait3A_161 = tpu.memref_slice %arg8[%dma_wait3A_154, %dma_wait3A_160] : memref<28x128xi32, #tpu.memory_space<vmem>> -> memref<1x128xi32, #tpu.memory_space<vmem>>
      %dma_wait3A_162 = tpu.memref_squeeze %dma_wait3A_161 : memref<1x128xi32, #tpu.memory_space<vmem>> -> memref<128xi32, #tpu.memory_space<vmem>>
      %dma_wait3A_163 = arith.constant 0 : i32
      %dma_wait3A_164 = arith.constant 0 : i32
      %dma_wait3A_165 = tpu.memref_slice %arg10[%dma_wait3A_163, %dma_wait3A_164] : memref<102464x16xf32, #tpu.memory_space<vmem_shared>> -> memref<102464x16xf32, #tpu.memory_space<vmem_shared>>
      %dma_wait3A_166 = tpu.memref_slice %arg12[%dma_wait3A_155] : memref<8x!tpu.dma_semaphore, #tpu.memory_space<semaphore_mem>> -> memref<1x!tpu.dma_semaphore, #tpu.memory_space<semaphore_mem>>
      %dma_wait3A_167 = tpu.memref_squeeze %dma_wait3A_166 : memref<1x!tpu.dma_semaphore, #tpu.memory_space<semaphore_mem>> -> memref<!tpu.dma_semaphore, #tpu.memory_space<semaphore_mem>>
      tpu.wait_indirect_dma semaphore(%dma_wait3A_167 : memref<!tpu.dma_semaphore, #tpu.memory_space<semaphore_mem>>) src(%dma_wait3A_159 : memref<128x16xf32, #tpu.memory_space<vmem>>) dst(%dma_wait3A_165 : memref<102464x16xf32, #tpu.memory_space<vmem_shared>>)
      %dma_wait3A_168 = arith.constant 5 : i32
      %dma_wait3A_169 = arith.constant 21 : i32
      %dma_wait3A_170 = arith.constant 5 : i32
      %dma_wait3A_171 = arith.constant 0 : i32
      %dma_wait3A_172 = arith.constant 0 : i32
      %dma_wait3A_173 = tpu.memref_slice %arg9[%dma_wait3A_168, %dma_wait3A_171, %dma_wait3A_172] : memref<8x128x16xf32, #tpu.memory_space<vmem>> -> memref<1x128x16xf32, #tpu.memory_space<vmem>>
      %dma_wait3A_174 = tpu.memref_squeeze %dma_wait3A_173 : memref<1x128x16xf32, #tpu.memory_space<vmem>> -> memref<128x16xf32, #tpu.memory_space<vmem>>
      %dma_wait3A_175 = arith.constant 0 : i32
      %dma_wait3A_176 = tpu.memref_slice %arg8[%dma_wait3A_169, %dma_wait3A_175] : memref<28x128xi32, #tpu.memory_space<vmem>> -> memref<1x128xi32, #tpu.memory_space<vmem>>
      %dma_wait3A_177 = tpu.memref_squeeze %dma_wait3A_176 : memref<1x128xi32, #tpu.memory_space<vmem>> -> memref<128xi32, #tpu.memory_space<vmem>>
      %dma_wait3A_178 = arith.constant 0 : i32
      %dma_wait3A_179 = arith.constant 0 : i32
      %dma_wait3A_180 = tpu.memref_slice %arg10[%dma_wait3A_178, %dma_wait3A_179] : memref<102464x16xf32, #tpu.memory_space<vmem_shared>> -> memref<102464x16xf32, #tpu.memory_space<vmem_shared>>
      %dma_wait3A_181 = tpu.memref_slice %arg12[%dma_wait3A_170] : memref<8x!tpu.dma_semaphore, #tpu.memory_space<semaphore_mem>> -> memref<1x!tpu.dma_semaphore, #tpu.memory_space<semaphore_mem>>
      %dma_wait3A_182 = tpu.memref_squeeze %dma_wait3A_181 : memref<1x!tpu.dma_semaphore, #tpu.memory_space<semaphore_mem>> -> memref<!tpu.dma_semaphore, #tpu.memory_space<semaphore_mem>>
      tpu.wait_indirect_dma semaphore(%dma_wait3A_182 : memref<!tpu.dma_semaphore, #tpu.memory_space<semaphore_mem>>) src(%dma_wait3A_174 : memref<128x16xf32, #tpu.memory_space<vmem>>) dst(%dma_wait3A_180 : memref<102464x16xf32, #tpu.memory_space<vmem_shared>>)
      %dma_wait3A_183 = arith.constant 6 : i32
      %dma_wait3A_184 = arith.constant 22 : i32
      %dma_wait3A_185 = arith.constant 6 : i32
      %dma_wait3A_186 = arith.constant 0 : i32
      %dma_wait3A_187 = arith.constant 0 : i32
      %dma_wait3A_188 = tpu.memref_slice %arg9[%dma_wait3A_183, %dma_wait3A_186, %dma_wait3A_187] : memref<8x128x16xf32, #tpu.memory_space<vmem>> -> memref<1x128x16xf32, #tpu.memory_space<vmem>>
      %dma_wait3A_189 = tpu.memref_squeeze %dma_wait3A_188 : memref<1x128x16xf32, #tpu.memory_space<vmem>> -> memref<128x16xf32, #tpu.memory_space<vmem>>
      %dma_wait3A_190 = arith.constant 0 : i32
      %dma_wait3A_191 = tpu.memref_slice %arg8[%dma_wait3A_184, %dma_wait3A_190] : memref<28x128xi32, #tpu.memory_space<vmem>> -> memref<1x128xi32, #tpu.memory_space<vmem>>
      %dma_wait3A_192 = tpu.memref_squeeze %dma_wait3A_191 : memref<1x128xi32, #tpu.memory_space<vmem>> -> memref<128xi32, #tpu.memory_space<vmem>>
      %dma_wait3A_193 = arith.constant 0 : i32
      %dma_wait3A_194 = arith.constant 0 : i32
      %dma_wait3A_195 = tpu.memref_slice %arg10[%dma_wait3A_193, %dma_wait3A_194] : memref<102464x16xf32, #tpu.memory_space<vmem_shared>> -> memref<102464x16xf32, #tpu.memory_space<vmem_shared>>
      %dma_wait3A_196 = tpu.memref_slice %arg12[%dma_wait3A_185] : memref<8x!tpu.dma_semaphore, #tpu.memory_space<semaphore_mem>> -> memref<1x!tpu.dma_semaphore, #tpu.memory_space<semaphore_mem>>
      %dma_wait3A_197 = tpu.memref_squeeze %dma_wait3A_196 : memref<1x!tpu.dma_semaphore, #tpu.memory_space<semaphore_mem>> -> memref<!tpu.dma_semaphore, #tpu.memory_space<semaphore_mem>>
      tpu.wait_indirect_dma semaphore(%dma_wait3A_197 : memref<!tpu.dma_semaphore, #tpu.memory_space<semaphore_mem>>) src(%dma_wait3A_189 : memref<128x16xf32, #tpu.memory_space<vmem>>) dst(%dma_wait3A_195 : memref<102464x16xf32, #tpu.memory_space<vmem_shared>>)
      %dma_wait3A_198 = arith.constant 7 : i32
      %dma_wait3A_199 = arith.constant 23 : i32
      %dma_wait3A_200 = arith.constant 7 : i32
      %dma_wait3A_201 = arith.constant 0 : i32
      %dma_wait3A_202 = arith.constant 0 : i32
      %dma_wait3A_203 = tpu.memref_slice %arg9[%dma_wait3A_198, %dma_wait3A_201, %dma_wait3A_202] : memref<8x128x16xf32, #tpu.memory_space<vmem>> -> memref<1x128x16xf32, #tpu.memory_space<vmem>>
      %dma_wait3A_204 = tpu.memref_squeeze %dma_wait3A_203 : memref<1x128x16xf32, #tpu.memory_space<vmem>> -> memref<128x16xf32, #tpu.memory_space<vmem>>
      %dma_wait3A_205 = arith.constant 0 : i32
      %dma_wait3A_206 = tpu.memref_slice %arg8[%dma_wait3A_199, %dma_wait3A_205] : memref<28x128xi32, #tpu.memory_space<vmem>> -> memref<1x128xi32, #tpu.memory_space<vmem>>
      %dma_wait3A_207 = tpu.memref_squeeze %dma_wait3A_206 : memref<1x128xi32, #tpu.memory_space<vmem>> -> memref<128xi32, #tpu.memory_space<vmem>>
      %dma_wait3A_208 = arith.constant 0 : i32
      %dma_wait3A_209 = arith.constant 0 : i32
      %dma_wait3A_210 = tpu.memref_slice %arg10[%dma_wait3A_208, %dma_wait3A_209] : memref<102464x16xf32, #tpu.memory_space<vmem_shared>> -> memref<102464x16xf32, #tpu.memory_space<vmem_shared>>
      %dma_wait3A_211 = tpu.memref_slice %arg12[%dma_wait3A_200] : memref<8x!tpu.dma_semaphore, #tpu.memory_space<semaphore_mem>> -> memref<1x!tpu.dma_semaphore, #tpu.memory_space<semaphore_mem>>
      %dma_wait3A_212 = tpu.memref_squeeze %dma_wait3A_211 : memref<1x!tpu.dma_semaphore, #tpu.memory_space<semaphore_mem>> -> memref<!tpu.dma_semaphore, #tpu.memory_space<semaphore_mem>>
      tpu.wait_indirect_dma semaphore(%dma_wait3A_212 : memref<!tpu.dma_semaphore, #tpu.memory_space<semaphore_mem>>) src(%dma_wait3A_204 : memref<128x16xf32, #tpu.memory_space<vmem>>) dst(%dma_wait3A_210 : memref<102464x16xf32, #tpu.memory_space<vmem_shared>>)
      %dma_wait3A_213 = arith.constant 0 : i32
      %dma_wait3A_214 = arith.constant 24 : i32
      %dma_wait3A_215 = arith.constant 0 : i32
      %dma_wait3A_216 = arith.constant 0 : i32
      %dma_wait3A_217 = arith.constant 0 : i32
      %dma_wait3A_218 = tpu.memref_slice %arg9[%dma_wait3A_213, %dma_wait3A_216, %dma_wait3A_217] : memref<8x128x16xf32, #tpu.memory_space<vmem>> -> memref<1x128x16xf32, #tpu.memory_space<vmem>>
      %dma_wait3A_219 = tpu.memref_squeeze %dma_wait3A_218 : memref<1x128x16xf32, #tpu.memory_space<vmem>> -> memref<128x16xf32, #tpu.memory_space<vmem>>
      %dma_wait3A_220 = arith.constant 0 : i32
      %dma_wait3A_221 = tpu.memref_slice %arg8[%dma_wait3A_214, %dma_wait3A_220] : memref<28x128xi32, #tpu.memory_space<vmem>> -> memref<1x128xi32, #tpu.memory_space<vmem>>
      %dma_wait3A_222 = tpu.memref_squeeze %dma_wait3A_221 : memref<1x128xi32, #tpu.memory_space<vmem>> -> memref<128xi32, #tpu.memory_space<vmem>>
      %dma_wait3A_223 = arith.constant 0 : i32
      %dma_wait3A_224 = arith.constant 0 : i32
      %dma_wait3A_225 = tpu.memref_slice %arg10[%dma_wait3A_223, %dma_wait3A_224] : memref<102464x16xf32, #tpu.memory_space<vmem_shared>> -> memref<102464x16xf32, #tpu.memory_space<vmem_shared>>
      %dma_wait3A_226 = tpu.memref_slice %arg12[%dma_wait3A_215] : memref<8x!tpu.dma_semaphore, #tpu.memory_space<semaphore_mem>> -> memref<1x!tpu.dma_semaphore, #tpu.memory_space<semaphore_mem>>
      %dma_wait3A_227 = tpu.memref_squeeze %dma_wait3A_226 : memref<1x!tpu.dma_semaphore, #tpu.memory_space<semaphore_mem>> -> memref<!tpu.dma_semaphore, #tpu.memory_space<semaphore_mem>>
      tpu.wait_indirect_dma semaphore(%dma_wait3A_227 : memref<!tpu.dma_semaphore, #tpu.memory_space<semaphore_mem>>) src(%dma_wait3A_219 : memref<128x16xf32, #tpu.memory_space<vmem>>) dst(%dma_wait3A_225 : memref<102464x16xf32, #tpu.memory_space<vmem_shared>>)
      %dma_wait3A_228 = arith.constant 1 : i32
      %dma_wait3A_229 = arith.constant 25 : i32
      %dma_wait3A_230 = arith.constant 1 : i32
      %dma_wait3A_231 = arith.constant 0 : i32
      %dma_wait3A_232 = arith.constant 0 : i32
      %dma_wait3A_233 = tpu.memref_slice %arg9[%dma_wait3A_228, %dma_wait3A_231, %dma_wait3A_232] : memref<8x128x16xf32, #tpu.memory_space<vmem>> -> memref<1x128x16xf32, #tpu.memory_space<vmem>>
      %dma_wait3A_234 = tpu.memref_squeeze %dma_wait3A_233 : memref<1x128x16xf32, #tpu.memory_space<vmem>> -> memref<128x16xf32, #tpu.memory_space<vmem>>
      %dma_wait3A_235 = arith.constant 0 : i32
      %dma_wait3A_236 = tpu.memref_slice %arg8[%dma_wait3A_229, %dma_wait3A_235] : memref<28x128xi32, #tpu.memory_space<vmem>> -> memref<1x128xi32, #tpu.memory_space<vmem>>
      %dma_wait3A_237 = tpu.memref_squeeze %dma_wait3A_236 : memref<1x128xi32, #tpu.memory_space<vmem>> -> memref<128xi32, #tpu.memory_space<vmem>>
      %dma_wait3A_238 = arith.constant 0 : i32
      %dma_wait3A_239 = arith.constant 0 : i32
      %dma_wait3A_240 = tpu.memref_slice %arg10[%dma_wait3A_238, %dma_wait3A_239] : memref<102464x16xf32, #tpu.memory_space<vmem_shared>> -> memref<102464x16xf32, #tpu.memory_space<vmem_shared>>
      %dma_wait3A_241 = tpu.memref_slice %arg12[%dma_wait3A_230] : memref<8x!tpu.dma_semaphore, #tpu.memory_space<semaphore_mem>> -> memref<1x!tpu.dma_semaphore, #tpu.memory_space<semaphore_mem>>
      %dma_wait3A_242 = tpu.memref_squeeze %dma_wait3A_241 : memref<1x!tpu.dma_semaphore, #tpu.memory_space<semaphore_mem>> -> memref<!tpu.dma_semaphore, #tpu.memory_space<semaphore_mem>>
      tpu.wait_indirect_dma semaphore(%dma_wait3A_242 : memref<!tpu.dma_semaphore, #tpu.memory_space<semaphore_mem>>) src(%dma_wait3A_234 : memref<128x16xf32, #tpu.memory_space<vmem>>) dst(%dma_wait3A_240 : memref<102464x16xf32, #tpu.memory_space<vmem_shared>>)
      %dma_wait3A_243 = arith.constant 2 : i32
      %dma_wait3A_244 = arith.constant 26 : i32
      %dma_wait3A_245 = arith.constant 2 : i32
      %dma_wait3A_246 = arith.constant 0 : i32
      %dma_wait3A_247 = arith.constant 0 : i32
      %dma_wait3A_248 = tpu.memref_slice %arg9[%dma_wait3A_243, %dma_wait3A_246, %dma_wait3A_247] : memref<8x128x16xf32, #tpu.memory_space<vmem>> -> memref<1x128x16xf32, #tpu.memory_space<vmem>>
      %dma_wait3A_249 = tpu.memref_squeeze %dma_wait3A_248 : memref<1x128x16xf32, #tpu.memory_space<vmem>> -> memref<128x16xf32, #tpu.memory_space<vmem>>
      %dma_wait3A_250 = arith.constant 0 : i32
      %dma_wait3A_251 = tpu.memref_slice %arg8[%dma_wait3A_244, %dma_wait3A_250] : memref<28x128xi32, #tpu.memory_space<vmem>> -> memref<1x128xi32, #tpu.memory_space<vmem>>
      %dma_wait3A_252 = tpu.memref_squeeze %dma_wait3A_251 : memref<1x128xi32, #tpu.memory_space<vmem>> -> memref<128xi32, #tpu.memory_space<vmem>>
      %dma_wait3A_253 = arith.constant 0 : i32
      %dma_wait3A_254 = arith.constant 0 : i32
      %dma_wait3A_255 = tpu.memref_slice %arg10[%dma_wait3A_253, %dma_wait3A_254] : memref<102464x16xf32, #tpu.memory_space<vmem_shared>> -> memref<102464x16xf32, #tpu.memory_space<vmem_shared>>
      %dma_wait3A_256 = tpu.memref_slice %arg12[%dma_wait3A_245] : memref<8x!tpu.dma_semaphore, #tpu.memory_space<semaphore_mem>> -> memref<1x!tpu.dma_semaphore, #tpu.memory_space<semaphore_mem>>
      %dma_wait3A_257 = tpu.memref_squeeze %dma_wait3A_256 : memref<1x!tpu.dma_semaphore, #tpu.memory_space<semaphore_mem>> -> memref<!tpu.dma_semaphore, #tpu.memory_space<semaphore_mem>>
      tpu.wait_indirect_dma semaphore(%dma_wait3A_257 : memref<!tpu.dma_semaphore, #tpu.memory_space<semaphore_mem>>) src(%dma_wait3A_249 : memref<128x16xf32, #tpu.memory_space<vmem>>) dst(%dma_wait3A_255 : memref<102464x16xf32, #tpu.memory_space<vmem_shared>>)
      %dma_wait3A_258 = arith.constant 3 : i32
      %dma_wait3A_259 = arith.constant 27 : i32
      %dma_wait3A_260 = arith.constant 3 : i32
      %dma_wait3A_261 = arith.constant 0 : i32
      %dma_wait3A_262 = arith.constant 0 : i32
      %dma_wait3A_263 = tpu.memref_slice %arg9[%dma_wait3A_258, %dma_wait3A_261, %dma_wait3A_262] : memref<8x128x16xf32, #tpu.memory_space<vmem>> -> memref<1x128x16xf32, #tpu.memory_space<vmem>>
      %dma_wait3A_264 = tpu.memref_squeeze %dma_wait3A_263 : memref<1x128x16xf32, #tpu.memory_space<vmem>> -> memref<128x16xf32, #tpu.memory_space<vmem>>
      %dma_wait3A_265 = arith.constant 0 : i32
      %dma_wait3A_266 = tpu.memref_slice %arg8[%dma_wait3A_259, %dma_wait3A_265] : memref<28x128xi32, #tpu.memory_space<vmem>> -> memref<1x128xi32, #tpu.memory_space<vmem>>
      %dma_wait3A_267 = tpu.memref_squeeze %dma_wait3A_266 : memref<1x128xi32, #tpu.memory_space<vmem>> -> memref<128xi32, #tpu.memory_space<vmem>>
      %dma_wait3A_268 = arith.constant 0 : i32
      %dma_wait3A_269 = arith.constant 0 : i32
      %dma_wait3A_270 = tpu.memref_slice %arg10[%dma_wait3A_268, %dma_wait3A_269] : memref<102464x16xf32, #tpu.memory_space<vmem_shared>> -> memref<102464x16xf32, #tpu.memory_space<vmem_shared>>
      %dma_wait3A_271 = tpu.memref_slice %arg12[%dma_wait3A_260] : memref<8x!tpu.dma_semaphore, #tpu.memory_space<semaphore_mem>> -> memref<1x!tpu.dma_semaphore, #tpu.memory_space<semaphore_mem>>
      %dma_wait3A_272 = tpu.memref_squeeze %dma_wait3A_271 : memref<1x!tpu.dma_semaphore, #tpu.memory_space<semaphore_mem>> -> memref<!tpu.dma_semaphore, #tpu.memory_space<semaphore_mem>>
      tpu.wait_indirect_dma semaphore(%dma_wait3A_272 : memref<!tpu.dma_semaphore, #tpu.memory_space<semaphore_mem>>) src(%dma_wait3A_264 : memref<128x16xf32, #tpu.memory_space<vmem>>) dst(%dma_wait3A_270 : memref<102464x16xf32, #tpu.memory_space<vmem_shared>>)
    }
    %scan3A_4 = arith.constant 28 : i32
    %barrier3A_5 = arith.constant 0 : index
    tpu.barrier barrier_id(%barrier3A_5)
    %mul3A_6 = arith.constant 6400 : i32
    %mul3A_7 = arith.muli %arg1, %mul3A_6 : i32
    "tpu.region"() ({
      %run_scoped3A = tpu.sem_alloc : memref<!tpu.dma_semaphore, #tpu.memory_space<semaphore_mem>>
      %dma_start3A = arith.constant 0 : i32
      %dma_start3A_8 = arith.constant 0 : i32
      %dma_start3A_9 = tpu.memref_slice %arg6[%arg0, %dma_start3A, %dma_start3A_8] : memref<2x102400x16xf32, #tpu.memory_space<hbm>> -> memref<1x102400x16xf32, #tpu.memory_space<hbm>>
      %dma_start3A_10 = tpu.memref_squeeze %dma_start3A_9 : memref<1x102400x16xf32, #tpu.memory_space<hbm>> -> memref<102400x16xf32, #tpu.memory_space<hbm>>
      %dma_start3A_11 = arith.constant 0 : i32
      %dma_start3A_12 = tpu.memref_slice %dma_start3A_10[%mul3A_7, %dma_start3A_11] : memref<102400x16xf32, #tpu.memory_space<hbm>> -> memref<6400x16xf32, #tpu.memory_space<hbm>>
      %dma_start3A_13 = arith.constant 0 : i32
      %dma_start3A_14 = tpu.memref_slice %arg10[%mul3A_7, %dma_start3A_13] : memref<102464x16xf32, #tpu.memory_space<vmem_shared>> -> memref<6400x16xf32, #tpu.memory_space<vmem_shared>>
      tpu.enqueue_dma source(%dma_start3A_14 : memref<6400x16xf32, #tpu.memory_space<vmem_shared>>) target(%dma_start3A_12 : memref<6400x16xf32, #tpu.memory_space<hbm>>) target_semaphore(%run_scoped3A : memref<!tpu.dma_semaphore, #tpu.memory_space<semaphore_mem>>)
      %dma_wait3A = arith.constant 0 : i32
      %dma_wait3A_15 = arith.constant 0 : i32
      %dma_wait3A_16 = tpu.memref_slice %arg6[%arg0, %dma_wait3A, %dma_wait3A_15] : memref<2x102400x16xf32, #tpu.memory_space<hbm>> -> memref<1x102400x16xf32, #tpu.memory_space<hbm>>
      %dma_wait3A_17 = tpu.memref_squeeze %dma_wait3A_16 : memref<1x102400x16xf32, #tpu.memory_space<hbm>> -> memref<102400x16xf32, #tpu.memory_space<hbm>>
      %dma_wait3A_18 = arith.constant 0 : i32
      %dma_wait3A_19 = tpu.memref_slice %dma_wait3A_17[%mul3A_7, %dma_wait3A_18] : memref<102400x16xf32, #tpu.memory_space<hbm>> -> memref<6400x16xf32, #tpu.memory_space<hbm>>
      %dma_wait3A_20 = arith.constant 0 : i32
      %dma_wait3A_21 = tpu.memref_slice %arg10[%mul3A_7, %dma_wait3A_20] : memref<102464x16xf32, #tpu.memory_space<vmem_shared>> -> memref<6400x16xf32, #tpu.memory_space<vmem_shared>>
      tpu.wait_dma2 semaphore(%run_scoped3A : memref<!tpu.dma_semaphore, #tpu.memory_space<semaphore_mem>>) src(%dma_wait3A_21 : memref<6400x16xf32, #tpu.memory_space<vmem_shared>>) dst(%dma_wait3A_19 : memref<6400x16xf32, #tpu.memory_space<hbm>>)
      tpu.yield
    }) : () -> ()
    return
  }
}

#map = affine_map<(d0, d1) -> (0, 0, 0)>
#map1 = affine_map<(d0, d1) -> (0, 0)>
module attributes {stable_mosaic.version = 14 : i64} {
  func.func @_sc_agg_body(%arg0: i32, %arg1: i32, %arg2: memref<2x102400x16xf32, #tpu.memory_space<hbm>>, %arg3: memref<12544x128xi32, #tpu.memory_space<hbm>>, %arg4: memref<12544x128xi32, #tpu.memory_space<hbm>>, %arg5: memref<102464x16xf32, #tpu.memory_space<hbm>>, %arg6: memref<2x102400x16xf32, #tpu.memory_space<hbm>>, %arg7: memref<28x128xi32, #tpu.memory_space<vmem>>, %arg8: memref<28x128xi32, #tpu.memory_space<vmem>>, %arg9: memref<8x128x16xf32, #tpu.memory_space<vmem>>, %arg10: memref<102464x16xf32, #tpu.memory_space<vmem_shared>>, %arg11: memref<8x!tpu.dma_semaphore, #tpu.memory_space<semaphore_mem>>, %arg12: memref<8x!tpu.dma_semaphore, #tpu.memory_space<semaphore_mem>>) attributes {dimension_semantics = [#tpu.dimension_semantics<core_parallel>, #tpu.dimension_semantics<subcore_parallel>], iteration_bounds = array<i64: 2, 16>, scalar_prefetch = 0 : i64, scratch_operands = 6 : i64, tpu.core_type = #tpu.core_type<sc_vector_subcore>, window_params = [{transform_indices = #map}, {transform_indices = #map1}, {transform_indices = #map1}, {transform_indices = #map1}, {transform_indices = #map}]} {
    %mul3A = arith.constant 6404 : i32
    %mul3A_0 = arith.muli %arg1, %mul3A : i32
    "tpu.region"() ({
      %run_scoped3A = tpu.sem_alloc : memref<!tpu.dma_semaphore, #tpu.memory_space<semaphore_mem>>
      %dma_start3A = arith.constant 0 : i32
      %dma_start3A_8 = tpu.memref_slice %arg10[%mul3A_0, %dma_start3A] : memref<102464x16xf32, #tpu.memory_space<vmem_shared>> -> memref<6404x16xf32, #tpu.memory_space<vmem_shared>>
      %dma_start3A_9 = arith.constant 0 : i32
      %dma_start3A_10 = tpu.memref_slice %arg5[%mul3A_0, %dma_start3A_9] : memref<102464x16xf32, #tpu.memory_space<hbm>> -> memref<6404x16xf32, #tpu.memory_space<hbm>>
      tpu.enqueue_dma source(%dma_start3A_10 : memref<6404x16xf32, #tpu.memory_space<hbm>>) target(%dma_start3A_8 : memref<6404x16xf32, #tpu.memory_space<vmem_shared>>) target_semaphore(%run_scoped3A : memref<!tpu.dma_semaphore, #tpu.memory_space<semaphore_mem>>)
      %dma_wait3A = arith.constant 0 : i32
      %dma_wait3A_11 = tpu.memref_slice %arg10[%mul3A_0, %dma_wait3A] : memref<102464x16xf32, #tpu.memory_space<vmem_shared>> -> memref<6404x16xf32, #tpu.memory_space<vmem_shared>>
      %dma_wait3A_12 = arith.constant 0 : i32
      %dma_wait3A_13 = tpu.memref_slice %arg5[%mul3A_0, %dma_wait3A_12] : memref<102464x16xf32, #tpu.memory_space<hbm>> -> memref<6404x16xf32, #tpu.memory_space<hbm>>
      tpu.wait_dma2 semaphore(%run_scoped3A : memref<!tpu.dma_semaphore, #tpu.memory_space<semaphore_mem>>) src(%dma_wait3A_13 : memref<6404x16xf32, #tpu.memory_space<hbm>>) dst(%dma_wait3A_11 : memref<6404x16xf32, #tpu.memory_space<vmem_shared>>)
      tpu.yield
    }) : () -> ()
    %barrier3A = arith.constant 0 : index
    tpu.barrier barrier_id(%barrier3A)
    %scan3A = arith.constant 0 : i32
    %scan3A_1 = arith.constant 28 : i32
    %scan3A_2 = arith.addi %scan3A, %scan3A_1 : i32
    %scan3A_3 = arith.constant 1 : i32
    scf.for %scan3A_8 = %scan3A to %scan3A_2 step %scan3A_3  : i32 {
      %mul3A_9 = arith.constant 1 : i32
      %mul3A_10 = arith.muli %scan3A_8, %mul3A_9 : i32
      %add3A = arith.constant 0 : i32
      %add3A_11 = arith.addi %add3A, %mul3A_10 : i32
      %mul3A_12 = arith.constant 784 : i32
      %mul3A_13 = arith.muli %arg1, %mul3A_12 : i32
      %mul3A_14 = arith.constant 28 : i32
      %mul3A_15 = arith.muli %add3A_11, %mul3A_14 : i32
      %add3A_16 = arith.addi %mul3A_13, %mul3A_15 : i32
      "tpu.region"() ({
        %run_scoped3A = tpu.sem_alloc : memref<!tpu.dma_semaphore, #tpu.memory_space<semaphore_mem>>
        %dma_start3A_273 = arith.constant 0 : i32
        %dma_start3A_274 = tpu.memref_slice %arg3[%add3A_16, %dma_start3A_273] : memref<12544x128xi32, #tpu.memory_space<hbm>> -> memref<28x128xi32, #tpu.memory_space<hbm>>
        %dma_start3A_275 = arith.constant 0 : i32
        %dma_start3A_276 = tpu.memref_slice %arg3[%add3A_16, %dma_start3A_275] : memref<12544x128xi32, #tpu.memory_space<hbm>> -> memref<28x128xi32, #tpu.memory_space<hbm>>
        tpu.enqueue_dma source(%dma_start3A_276 : memref<28x128xi32, #tpu.memory_space<hbm>>) target(%arg7 : memref<28x128xi32, #tpu.memory_space<vmem>>) target_semaphore(%run_scoped3A : memref<!tpu.dma_semaphore, #tpu.memory_space<semaphore_mem>>)
        %dma_wait3A_277 = arith.constant 0 : i32
        %dma_wait3A_278 = tpu.memref_slice %arg3[%add3A_16, %dma_wait3A_277] : memref<12544x128xi32, #tpu.memory_space<hbm>> -> memref<28x128xi32, #tpu.memory_space<hbm>>
        %dma_wait3A_279 = arith.constant 0 : i32
        %dma_wait3A_280 = tpu.memref_slice %arg3[%add3A_16, %dma_wait3A_279] : memref<12544x128xi32, #tpu.memory_space<hbm>> -> memref<28x128xi32, #tpu.memory_space<hbm>>
        tpu.wait_dma2 semaphore(%run_scoped3A : memref<!tpu.dma_semaphore, #tpu.memory_space<semaphore_mem>>) src(%dma_wait3A_280 : memref<28x128xi32, #tpu.memory_space<hbm>>) dst(%arg7 : memref<28x128xi32, #tpu.memory_space<vmem>>)
        tpu.yield
      }) : () -> ()
      "tpu.region"() ({
        %run_scoped3A = tpu.sem_alloc : memref<!tpu.dma_semaphore, #tpu.memory_space<semaphore_mem>>
        %dma_start3A_273 = arith.constant 0 : i32
        %dma_start3A_274 = tpu.memref_slice %arg4[%add3A_16, %dma_start3A_273] : memref<12544x128xi32, #tpu.memory_space<hbm>> -> memref<28x128xi32, #tpu.memory_space<hbm>>
        %dma_start3A_275 = arith.constant 0 : i32
        %dma_start3A_276 = tpu.memref_slice %arg4[%add3A_16, %dma_start3A_275] : memref<12544x128xi32, #tpu.memory_space<hbm>> -> memref<28x128xi32, #tpu.memory_space<hbm>>
        tpu.enqueue_dma source(%dma_start3A_276 : memref<28x128xi32, #tpu.memory_space<hbm>>) target(%arg8 : memref<28x128xi32, #tpu.memory_space<vmem>>) target_semaphore(%run_scoped3A : memref<!tpu.dma_semaphore, #tpu.memory_space<semaphore_mem>>)
        %dma_wait3A_277 = arith.constant 0 : i32
        %dma_wait3A_278 = tpu.memref_slice %arg4[%add3A_16, %dma_wait3A_277] : memref<12544x128xi32, #tpu.memory_space<hbm>> -> memref<28x128xi32, #tpu.memory_space<hbm>>
        %dma_wait3A_279 = arith.constant 0 : i32
        %dma_wait3A_280 = tpu.memref_slice %arg4[%add3A_16, %dma_wait3A_279] : memref<12544x128xi32, #tpu.memory_space<hbm>> -> memref<28x128xi32, #tpu.memory_space<hbm>>
        tpu.wait_dma2 semaphore(%run_scoped3A : memref<!tpu.dma_semaphore, #tpu.memory_space<semaphore_mem>>) src(%dma_wait3A_280 : memref<28x128xi32, #tpu.memory_space<hbm>>) dst(%arg8 : memref<28x128xi32, #tpu.memory_space<vmem>>)
        tpu.yield
      }) : () -> ()
      %dma_start3A = arith.constant 0 : i32
      %dma_start3A_17 = arith.constant 0 : i32
      %dma_start3A_18 = arith.constant 0 : i32
      %dma_start3A_19 = arith.constant 0 : i32
      %dma_start3A_20 = arith.constant 0 : i32
      %dma_start3A_21 = tpu.memref_slice %arg9[%dma_start3A_17, %dma_start3A_19, %dma_start3A_20] : memref<8x128x16xf32, #tpu.memory_space<vmem>> -> memref<1x128x16xf32, #tpu.memory_space<vmem>>
      %dma_start3A_22 = tpu.memref_squeeze %dma_start3A_21 : memref<1x128x16xf32, #tpu.memory_space<vmem>> -> memref<128x16xf32, #tpu.memory_space<vmem>>
      %dma_start3A_23 = arith.constant 0 : i32
      %dma_start3A_24 = tpu.memref_slice %arg7[%dma_start3A, %dma_start3A_23] : memref<28x128xi32, #tpu.memory_space<vmem>> -> memref<1x128xi32, #tpu.memory_space<vmem>>
      %dma_start3A_25 = tpu.memref_squeeze %dma_start3A_24 : memref<1x128xi32, #tpu.memory_space<vmem>> -> memref<128xi32, #tpu.memory_space<vmem>>
      %dma_start3A_26 = arith.constant 0 : i32
      %dma_start3A_27 = arith.constant 0 : i32
      %dma_start3A_28 = tpu.memref_slice %arg2[%arg0, %dma_start3A_26, %dma_start3A_27] : memref<2x102400x16xf32, #tpu.memory_space<hbm>> -> memref<1x102400x16xf32, #tpu.memory_space<hbm>>
      %dma_start3A_29 = tpu.memref_squeeze %dma_start3A_28 : memref<1x102400x16xf32, #tpu.memory_space<hbm>> -> memref<102400x16xf32, #tpu.memory_space<hbm>>
      %dma_start3A_30 = arith.constant 0 : i32
      %dma_start3A_31 = arith.constant 0 : i32
      %dma_start3A_32 = tpu.memref_slice %dma_start3A_29[%dma_start3A_30, %dma_start3A_31] : memref<102400x16xf32, #tpu.memory_space<hbm>> -> memref<102400x16xf32, #tpu.memory_space<hbm>>
      %dma_start3A_33 = tpu.memref_slice %arg11[%dma_start3A_18] : memref<8x!tpu.dma_semaphore, #tpu.memory_space<semaphore_mem>> -> memref<1x!tpu.dma_semaphore, #tpu.memory_space<semaphore_mem>>
      %dma_start3A_34 = tpu.memref_squeeze %dma_start3A_33 : memref<1x!tpu.dma_semaphore, #tpu.memory_space<semaphore_mem>> -> memref<!tpu.dma_semaphore, #tpu.memory_space<semaphore_mem>>
      tpu.enqueue_indirect_dma source(%dma_start3A_32 : memref<102400x16xf32, #tpu.memory_space<hbm>>) target(%dma_start3A_22 : memref<128x16xf32, #tpu.memory_space<vmem>>) offsets(%dma_start3A_25 : memref<128xi32, #tpu.memory_space<vmem>>) semaphore(%dma_start3A_34 : memref<!tpu.dma_semaphore, #tpu.memory_space<semaphore_mem>>)
      %dma_start3A_35 = arith.constant 1 : i32
      %dma_start3A_36 = arith.constant 1 : i32
      %dma_start3A_37 = arith.constant 1 : i32
      %dma_start3A_38 = arith.constant 0 : i32
      %dma_start3A_39 = arith.constant 0 : i32
      %dma_start3A_40 = tpu.memref_slice %arg9[%dma_start3A_36, %dma_start3A_38, %dma_start3A_39] : memref<8x128x16xf32, #tpu.memory_space<vmem>> -> memref<1x128x16xf32, #tpu.memory_space<vmem>>
      %dma_start3A_41 = tpu.memref_squeeze %dma_start3A_40 : memref<1x128x16xf32, #tpu.memory_space<vmem>> -> memref<128x16xf32, #tpu.memory_space<vmem>>
      %dma_start3A_42 = arith.constant 0 : i32
      %dma_start3A_43 = tpu.memref_slice %arg7[%dma_start3A_35, %dma_start3A_42] : memref<28x128xi32, #tpu.memory_space<vmem>> -> memref<1x128xi32, #tpu.memory_space<vmem>>
      %dma_start3A_44 = tpu.memref_squeeze %dma_start3A_43 : memref<1x128xi32, #tpu.memory_space<vmem>> -> memref<128xi32, #tpu.memory_space<vmem>>
      %dma_start3A_45 = arith.constant 0 : i32
      %dma_start3A_46 = arith.constant 0 : i32
      %dma_start3A_47 = tpu.memref_slice %arg2[%arg0, %dma_start3A_45, %dma_start3A_46] : memref<2x102400x16xf32, #tpu.memory_space<hbm>> -> memref<1x102400x16xf32, #tpu.memory_space<hbm>>
      %dma_start3A_48 = tpu.memref_squeeze %dma_start3A_47 : memref<1x102400x16xf32, #tpu.memory_space<hbm>> -> memref<102400x16xf32, #tpu.memory_space<hbm>>
      %dma_start3A_49 = arith.constant 0 : i32
      %dma_start3A_50 = arith.constant 0 : i32
      %dma_start3A_51 = tpu.memref_slice %dma_start3A_48[%dma_start3A_49, %dma_start3A_50] : memref<102400x16xf32, #tpu.memory_space<hbm>> -> memref<102400x16xf32, #tpu.memory_space<hbm>>
      %dma_start3A_52 = tpu.memref_slice %arg11[%dma_start3A_37] : memref<8x!tpu.dma_semaphore, #tpu.memory_space<semaphore_mem>> -> memref<1x!tpu.dma_semaphore, #tpu.memory_space<semaphore_mem>>
      %dma_start3A_53 = tpu.memref_squeeze %dma_start3A_52 : memref<1x!tpu.dma_semaphore, #tpu.memory_space<semaphore_mem>> -> memref<!tpu.dma_semaphore, #tpu.memory_space<semaphore_mem>>
      tpu.enqueue_indirect_dma source(%dma_start3A_51 : memref<102400x16xf32, #tpu.memory_space<hbm>>) target(%dma_start3A_41 : memref<128x16xf32, #tpu.memory_space<vmem>>) offsets(%dma_start3A_44 : memref<128xi32, #tpu.memory_space<vmem>>) semaphore(%dma_start3A_53 : memref<!tpu.dma_semaphore, #tpu.memory_space<semaphore_mem>>)
      %dma_start3A_54 = arith.constant 2 : i32
      %dma_start3A_55 = arith.constant 2 : i32
      %dma_start3A_56 = arith.constant 2 : i32
      %dma_start3A_57 = arith.constant 0 : i32
      %dma_start3A_58 = arith.constant 0 : i32
      %dma_start3A_59 = tpu.memref_slice %arg9[%dma_start3A_55, %dma_start3A_57, %dma_start3A_58] : memref<8x128x16xf32, #tpu.memory_space<vmem>> -> memref<1x128x16xf32, #tpu.memory_space<vmem>>
      %dma_start3A_60 = tpu.memref_squeeze %dma_start3A_59 : memref<1x128x16xf32, #tpu.memory_space<vmem>> -> memref<128x16xf32, #tpu.memory_space<vmem>>
      %dma_start3A_61 = arith.constant 0 : i32
      %dma_start3A_62 = tpu.memref_slice %arg7[%dma_start3A_54, %dma_start3A_61] : memref<28x128xi32, #tpu.memory_space<vmem>> -> memref<1x128xi32, #tpu.memory_space<vmem>>
      %dma_start3A_63 = tpu.memref_squeeze %dma_start3A_62 : memref<1x128xi32, #tpu.memory_space<vmem>> -> memref<128xi32, #tpu.memory_space<vmem>>
      %dma_start3A_64 = arith.constant 0 : i32
      %dma_start3A_65 = arith.constant 0 : i32
      %dma_start3A_66 = tpu.memref_slice %arg2[%arg0, %dma_start3A_64, %dma_start3A_65] : memref<2x102400x16xf32, #tpu.memory_space<hbm>> -> memref<1x102400x16xf32, #tpu.memory_space<hbm>>
      %dma_start3A_67 = tpu.memref_squeeze %dma_start3A_66 : memref<1x102400x16xf32, #tpu.memory_space<hbm>> -> memref<102400x16xf32, #tpu.memory_space<hbm>>
      %dma_start3A_68 = arith.constant 0 : i32
      %dma_start3A_69 = arith.constant 0 : i32
      %dma_start3A_70 = tpu.memref_slice %dma_start3A_67[%dma_start3A_68, %dma_start3A_69] : memref<102400x16xf32, #tpu.memory_space<hbm>> -> memref<102400x16xf32, #tpu.memory_space<hbm>>
      %dma_start3A_71 = tpu.memref_slice %arg11[%dma_start3A_56] : memref<8x!tpu.dma_semaphore, #tpu.memory_space<semaphore_mem>> -> memref<1x!tpu.dma_semaphore, #tpu.memory_space<semaphore_mem>>
      %dma_start3A_72 = tpu.memref_squeeze %dma_start3A_71 : memref<1x!tpu.dma_semaphore, #tpu.memory_space<semaphore_mem>> -> memref<!tpu.dma_semaphore, #tpu.memory_space<semaphore_mem>>
      tpu.enqueue_indirect_dma source(%dma_start3A_70 : memref<102400x16xf32, #tpu.memory_space<hbm>>) target(%dma_start3A_60 : memref<128x16xf32, #tpu.memory_space<vmem>>) offsets(%dma_start3A_63 : memref<128xi32, #tpu.memory_space<vmem>>) semaphore(%dma_start3A_72 : memref<!tpu.dma_semaphore, #tpu.memory_space<semaphore_mem>>)
      %dma_start3A_73 = arith.constant 3 : i32
      %dma_start3A_74 = arith.constant 3 : i32
      %dma_start3A_75 = arith.constant 3 : i32
      %dma_start3A_76 = arith.constant 0 : i32
      %dma_start3A_77 = arith.constant 0 : i32
      %dma_start3A_78 = tpu.memref_slice %arg9[%dma_start3A_74, %dma_start3A_76, %dma_start3A_77] : memref<8x128x16xf32, #tpu.memory_space<vmem>> -> memref<1x128x16xf32, #tpu.memory_space<vmem>>
      %dma_start3A_79 = tpu.memref_squeeze %dma_start3A_78 : memref<1x128x16xf32, #tpu.memory_space<vmem>> -> memref<128x16xf32, #tpu.memory_space<vmem>>
      %dma_start3A_80 = arith.constant 0 : i32
      %dma_start3A_81 = tpu.memref_slice %arg7[%dma_start3A_73, %dma_start3A_80] : memref<28x128xi32, #tpu.memory_space<vmem>> -> memref<1x128xi32, #tpu.memory_space<vmem>>
      %dma_start3A_82 = tpu.memref_squeeze %dma_start3A_81 : memref<1x128xi32, #tpu.memory_space<vmem>> -> memref<128xi32, #tpu.memory_space<vmem>>
      %dma_start3A_83 = arith.constant 0 : i32
      %dma_start3A_84 = arith.constant 0 : i32
      %dma_start3A_85 = tpu.memref_slice %arg2[%arg0, %dma_start3A_83, %dma_start3A_84] : memref<2x102400x16xf32, #tpu.memory_space<hbm>> -> memref<1x102400x16xf32, #tpu.memory_space<hbm>>
      %dma_start3A_86 = tpu.memref_squeeze %dma_start3A_85 : memref<1x102400x16xf32, #tpu.memory_space<hbm>> -> memref<102400x16xf32, #tpu.memory_space<hbm>>
      %dma_start3A_87 = arith.constant 0 : i32
      %dma_start3A_88 = arith.constant 0 : i32
      %dma_start3A_89 = tpu.memref_slice %dma_start3A_86[%dma_start3A_87, %dma_start3A_88] : memref<102400x16xf32, #tpu.memory_space<hbm>> -> memref<102400x16xf32, #tpu.memory_space<hbm>>
      %dma_start3A_90 = tpu.memref_slice %arg11[%dma_start3A_75] : memref<8x!tpu.dma_semaphore, #tpu.memory_space<semaphore_mem>> -> memref<1x!tpu.dma_semaphore, #tpu.memory_space<semaphore_mem>>
      %dma_start3A_91 = tpu.memref_squeeze %dma_start3A_90 : memref<1x!tpu.dma_semaphore, #tpu.memory_space<semaphore_mem>> -> memref<!tpu.dma_semaphore, #tpu.memory_space<semaphore_mem>>
      tpu.enqueue_indirect_dma source(%dma_start3A_89 : memref<102400x16xf32, #tpu.memory_space<hbm>>) target(%dma_start3A_79 : memref<128x16xf32, #tpu.memory_space<vmem>>) offsets(%dma_start3A_82 : memref<128xi32, #tpu.memory_space<vmem>>) semaphore(%dma_start3A_91 : memref<!tpu.dma_semaphore, #tpu.memory_space<semaphore_mem>>)
      %dma_start3A_92 = arith.constant 4 : i32
      %dma_start3A_93 = arith.constant 4 : i32
      %dma_start3A_94 = arith.constant 4 : i32
      %dma_start3A_95 = arith.constant 0 : i32
      %dma_start3A_96 = arith.constant 0 : i32
      %dma_start3A_97 = tpu.memref_slice %arg9[%dma_start3A_93, %dma_start3A_95, %dma_start3A_96] : memref<8x128x16xf32, #tpu.memory_space<vmem>> -> memref<1x128x16xf32, #tpu.memory_space<vmem>>
      %dma_start3A_98 = tpu.memref_squeeze %dma_start3A_97 : memref<1x128x16xf32, #tpu.memory_space<vmem>> -> memref<128x16xf32, #tpu.memory_space<vmem>>
      %dma_start3A_99 = arith.constant 0 : i32
      %dma_start3A_100 = tpu.memref_slice %arg7[%dma_start3A_92, %dma_start3A_99] : memref<28x128xi32, #tpu.memory_space<vmem>> -> memref<1x128xi32, #tpu.memory_space<vmem>>
      %dma_start3A_101 = tpu.memref_squeeze %dma_start3A_100 : memref<1x128xi32, #tpu.memory_space<vmem>> -> memref<128xi32, #tpu.memory_space<vmem>>
      %dma_start3A_102 = arith.constant 0 : i32
      %dma_start3A_103 = arith.constant 0 : i32
      %dma_start3A_104 = tpu.memref_slice %arg2[%arg0, %dma_start3A_102, %dma_start3A_103] : memref<2x102400x16xf32, #tpu.memory_space<hbm>> -> memref<1x102400x16xf32, #tpu.memory_space<hbm>>
      %dma_start3A_105 = tpu.memref_squeeze %dma_start3A_104 : memref<1x102400x16xf32, #tpu.memory_space<hbm>> -> memref<102400x16xf32, #tpu.memory_space<hbm>>
      %dma_start3A_106 = arith.constant 0 : i32
      %dma_start3A_107 = arith.constant 0 : i32
      %dma_start3A_108 = tpu.memref_slice %dma_start3A_105[%dma_start3A_106, %dma_start3A_107] : memref<102400x16xf32, #tpu.memory_space<hbm>> -> memref<102400x16xf32, #tpu.memory_space<hbm>>
      %dma_start3A_109 = tpu.memref_slice %arg11[%dma_start3A_94] : memref<8x!tpu.dma_semaphore, #tpu.memory_space<semaphore_mem>> -> memref<1x!tpu.dma_semaphore, #tpu.memory_space<semaphore_mem>>
      %dma_start3A_110 = tpu.memref_squeeze %dma_start3A_109 : memref<1x!tpu.dma_semaphore, #tpu.memory_space<semaphore_mem>> -> memref<!tpu.dma_semaphore, #tpu.memory_space<semaphore_mem>>
      tpu.enqueue_indirect_dma source(%dma_start3A_108 : memref<102400x16xf32, #tpu.memory_space<hbm>>) target(%dma_start3A_98 : memref<128x16xf32, #tpu.memory_space<vmem>>) offsets(%dma_start3A_101 : memref<128xi32, #tpu.memory_space<vmem>>) semaphore(%dma_start3A_110 : memref<!tpu.dma_semaphore, #tpu.memory_space<semaphore_mem>>)
      %dma_start3A_111 = arith.constant 5 : i32
      %dma_start3A_112 = arith.constant 5 : i32
      %dma_start3A_113 = arith.constant 5 : i32
      %dma_start3A_114 = arith.constant 0 : i32
      %dma_start3A_115 = arith.constant 0 : i32
      %dma_start3A_116 = tpu.memref_slice %arg9[%dma_start3A_112, %dma_start3A_114, %dma_start3A_115] : memref<8x128x16xf32, #tpu.memory_space<vmem>> -> memref<1x128x16xf32, #tpu.memory_space<vmem>>
      %dma_start3A_117 = tpu.memref_squeeze %dma_start3A_116 : memref<1x128x16xf32, #tpu.memory_space<vmem>> -> memref<128x16xf32, #tpu.memory_space<vmem>>
      %dma_start3A_118 = arith.constant 0 : i32
      %dma_start3A_119 = tpu.memref_slice %arg7[%dma_start3A_111, %dma_start3A_118] : memref<28x128xi32, #tpu.memory_space<vmem>> -> memref<1x128xi32, #tpu.memory_space<vmem>>
      %dma_start3A_120 = tpu.memref_squeeze %dma_start3A_119 : memref<1x128xi32, #tpu.memory_space<vmem>> -> memref<128xi32, #tpu.memory_space<vmem>>
      %dma_start3A_121 = arith.constant 0 : i32
      %dma_start3A_122 = arith.constant 0 : i32
      %dma_start3A_123 = tpu.memref_slice %arg2[%arg0, %dma_start3A_121, %dma_start3A_122] : memref<2x102400x16xf32, #tpu.memory_space<hbm>> -> memref<1x102400x16xf32, #tpu.memory_space<hbm>>
      %dma_start3A_124 = tpu.memref_squeeze %dma_start3A_123 : memref<1x102400x16xf32, #tpu.memory_space<hbm>> -> memref<102400x16xf32, #tpu.memory_space<hbm>>
      %dma_start3A_125 = arith.constant 0 : i32
      %dma_start3A_126 = arith.constant 0 : i32
      %dma_start3A_127 = tpu.memref_slice %dma_start3A_124[%dma_start3A_125, %dma_start3A_126] : memref<102400x16xf32, #tpu.memory_space<hbm>> -> memref<102400x16xf32, #tpu.memory_space<hbm>>
      %dma_start3A_128 = tpu.memref_slice %arg11[%dma_start3A_113] : memref<8x!tpu.dma_semaphore, #tpu.memory_space<semaphore_mem>> -> memref<1x!tpu.dma_semaphore, #tpu.memory_space<semaphore_mem>>
      %dma_start3A_129 = tpu.memref_squeeze %dma_start3A_128 : memref<1x!tpu.dma_semaphore, #tpu.memory_space<semaphore_mem>> -> memref<!tpu.dma_semaphore, #tpu.memory_space<semaphore_mem>>
      tpu.enqueue_indirect_dma source(%dma_start3A_127 : memref<102400x16xf32, #tpu.memory_space<hbm>>) target(%dma_start3A_117 : memref<128x16xf32, #tpu.memory_space<vmem>>) offsets(%dma_start3A_120 : memref<128xi32, #tpu.memory_space<vmem>>) semaphore(%dma_start3A_129 : memref<!tpu.dma_semaphore, #tpu.memory_space<semaphore_mem>>)
      %dma_start3A_130 = arith.constant 6 : i32
      %dma_start3A_131 = arith.constant 6 : i32
      %dma_start3A_132 = arith.constant 6 : i32
      %dma_start3A_133 = arith.constant 0 : i32
      %dma_start3A_134 = arith.constant 0 : i32
      %dma_start3A_135 = tpu.memref_slice %arg9[%dma_start3A_131, %dma_start3A_133, %dma_start3A_134] : memref<8x128x16xf32, #tpu.memory_space<vmem>> -> memref<1x128x16xf32, #tpu.memory_space<vmem>>
      %dma_start3A_136 = tpu.memref_squeeze %dma_start3A_135 : memref<1x128x16xf32, #tpu.memory_space<vmem>> -> memref<128x16xf32, #tpu.memory_space<vmem>>
      %dma_start3A_137 = arith.constant 0 : i32
      %dma_start3A_138 = tpu.memref_slice %arg7[%dma_start3A_130, %dma_start3A_137] : memref<28x128xi32, #tpu.memory_space<vmem>> -> memref<1x128xi32, #tpu.memory_space<vmem>>
      %dma_start3A_139 = tpu.memref_squeeze %dma_start3A_138 : memref<1x128xi32, #tpu.memory_space<vmem>> -> memref<128xi32, #tpu.memory_space<vmem>>
      %dma_start3A_140 = arith.constant 0 : i32
      %dma_start3A_141 = arith.constant 0 : i32
      %dma_start3A_142 = tpu.memref_slice %arg2[%arg0, %dma_start3A_140, %dma_start3A_141] : memref<2x102400x16xf32, #tpu.memory_space<hbm>> -> memref<1x102400x16xf32, #tpu.memory_space<hbm>>
      %dma_start3A_143 = tpu.memref_squeeze %dma_start3A_142 : memref<1x102400x16xf32, #tpu.memory_space<hbm>> -> memref<102400x16xf32, #tpu.memory_space<hbm>>
      %dma_start3A_144 = arith.constant 0 : i32
      %dma_start3A_145 = arith.constant 0 : i32
      %dma_start3A_146 = tpu.memref_slice %dma_start3A_143[%dma_start3A_144, %dma_start3A_145] : memref<102400x16xf32, #tpu.memory_space<hbm>> -> memref<102400x16xf32, #tpu.memory_space<hbm>>
      %dma_start3A_147 = tpu.memref_slice %arg11[%dma_start3A_132] : memref<8x!tpu.dma_semaphore, #tpu.memory_space<semaphore_mem>> -> memref<1x!tpu.dma_semaphore, #tpu.memory_space<semaphore_mem>>
      %dma_start3A_148 = tpu.memref_squeeze %dma_start3A_147 : memref<1x!tpu.dma_semaphore, #tpu.memory_space<semaphore_mem>> -> memref<!tpu.dma_semaphore, #tpu.memory_space<semaphore_mem>>
      tpu.enqueue_indirect_dma source(%dma_start3A_146 : memref<102400x16xf32, #tpu.memory_space<hbm>>) target(%dma_start3A_136 : memref<128x16xf32, #tpu.memory_space<vmem>>) offsets(%dma_start3A_139 : memref<128xi32, #tpu.memory_space<vmem>>) semaphore(%dma_start3A_148 : memref<!tpu.dma_semaphore, #tpu.memory_space<semaphore_mem>>)
      %scan3A_149 = arith.constant 0 : i32
      %scan3A_150 = arith.constant 28 : i32
      %scan3A_151 = arith.addi %scan3A_149, %scan3A_150 : i32
      %scan3A_152 = arith.constant 1 : i32
      scf.for %scan3A_273 = %scan3A_149 to %scan3A_151 step %scan3A_152  : i32 {
        %mul3A_274 = arith.constant 1 : i32
        %mul3A_275 = arith.muli %scan3A_273, %mul3A_274 : i32
        %add3A_276 = arith.constant 0 : i32
        %add3A_277 = arith.addi %add3A_276, %mul3A_275 : i32
        %rem3A = arith.constant 8 : i32
        %rem3A_278 = arith.remsi %add3A_277, %rem3A : i32
        %dma_wait3A_279 = arith.constant 0 : i32
        %dma_wait3A_280 = arith.constant 0 : i32
        %dma_wait3A_281 = tpu.memref_slice %arg9[%rem3A_278, %dma_wait3A_279, %dma_wait3A_280] : memref<8x128x16xf32, #tpu.memory_space<vmem>> -> memref<1x128x16xf32, #tpu.memory_space<vmem>>
        %dma_wait3A_282 = tpu.memref_squeeze %dma_wait3A_281 : memref<1x128x16xf32, #tpu.memory_space<vmem>> -> memref<128x16xf32, #tpu.memory_space<vmem>>
        %dma_wait3A_283 = arith.constant 0 : i32
        %dma_wait3A_284 = tpu.memref_slice %arg7[%add3A_277, %dma_wait3A_283] : memref<28x128xi32, #tpu.memory_space<vmem>> -> memref<1x128xi32, #tpu.memory_space<vmem>>
        %dma_wait3A_285 = tpu.memref_squeeze %dma_wait3A_284 : memref<1x128xi32, #tpu.memory_space<vmem>> -> memref<128xi32, #tpu.memory_space<vmem>>
        %dma_wait3A_286 = arith.constant 0 : i32
        %dma_wait3A_287 = arith.constant 0 : i32
        %dma_wait3A_288 = tpu.memref_slice %arg2[%arg0, %dma_wait3A_286, %dma_wait3A_287] : memref<2x102400x16xf32, #tpu.memory_space<hbm>> -> memref<1x102400x16xf32, #tpu.memory_space<hbm>>
        %dma_wait3A_289 = tpu.memref_squeeze %dma_wait3A_288 : memref<1x102400x16xf32, #tpu.memory_space<hbm>> -> memref<102400x16xf32, #tpu.memory_space<hbm>>
        %dma_wait3A_290 = arith.constant 0 : i32
        %dma_wait3A_291 = arith.constant 0 : i32
        %dma_wait3A_292 = tpu.memref_slice %dma_wait3A_289[%dma_wait3A_290, %dma_wait3A_291] : memref<102400x16xf32, #tpu.memory_space<hbm>> -> memref<102400x16xf32, #tpu.memory_space<hbm>>
        %dma_wait3A_293 = tpu.memref_slice %arg11[%rem3A_278] : memref<8x!tpu.dma_semaphore, #tpu.memory_space<semaphore_mem>> -> memref<1x!tpu.dma_semaphore, #tpu.memory_space<semaphore_mem>>
        %dma_wait3A_294 = tpu.memref_squeeze %dma_wait3A_293 : memref<1x!tpu.dma_semaphore, #tpu.memory_space<semaphore_mem>> -> memref<!tpu.dma_semaphore, #tpu.memory_space<semaphore_mem>>
        tpu.wait_indirect_dma semaphore(%dma_wait3A_294 : memref<!tpu.dma_semaphore, #tpu.memory_space<semaphore_mem>>) src(%dma_wait3A_292 : memref<102400x16xf32, #tpu.memory_space<hbm>>) dst(%dma_wait3A_282 : memref<128x16xf32, #tpu.memory_space<vmem>>)
        %dma_start3A_295 = arith.constant 0 : i32
        %dma_start3A_296 = arith.constant 0 : i32
        %dma_start3A_297 = tpu.memref_slice %arg9[%rem3A_278, %dma_start3A_295, %dma_start3A_296] : memref<8x128x16xf32, #tpu.memory_space<vmem>> -> memref<1x128x16xf32, #tpu.memory_space<vmem>>
        %dma_start3A_298 = tpu.memref_squeeze %dma_start3A_297 : memref<1x128x16xf32, #tpu.memory_space<vmem>> -> memref<128x16xf32, #tpu.memory_space<vmem>>
        %dma_start3A_299 = arith.constant 0 : i32
        %dma_start3A_300 = tpu.memref_slice %arg8[%add3A_277, %dma_start3A_299] : memref<28x128xi32, #tpu.memory_space<vmem>> -> memref<1x128xi32, #tpu.memory_space<vmem>>
        %dma_start3A_301 = tpu.memref_squeeze %dma_start3A_300 : memref<1x128xi32, #tpu.memory_space<vmem>> -> memref<128xi32, #tpu.memory_space<vmem>>
        %dma_start3A_302 = arith.constant 0 : i32
        %dma_start3A_303 = arith.constant 0 : i32
        %dma_start3A_304 = tpu.memref_slice %arg10[%dma_start3A_302, %dma_start3A_303] : memref<102464x16xf32, #tpu.memory_space<vmem_shared>> -> memref<102464x16xf32, #tpu.memory_space<vmem_shared>>
        %dma_start3A_305 = tpu.memref_slice %arg12[%rem3A_278] : memref<8x!tpu.dma_semaphore, #tpu.memory_space<semaphore_mem>> -> memref<1x!tpu.dma_semaphore, #tpu.memory_space<semaphore_mem>>
        %dma_start3A_306 = tpu.memref_squeeze %dma_start3A_305 : memref<1x!tpu.dma_semaphore, #tpu.memory_space<semaphore_mem>> -> memref<!tpu.dma_semaphore, #tpu.memory_space<semaphore_mem>>
        tpu.enqueue_indirect_dma source(%dma_start3A_298 : memref<128x16xf32, #tpu.memory_space<vmem>>) target(%dma_start3A_304 : memref<102464x16xf32, #tpu.memory_space<vmem_shared>>) offsets(%dma_start3A_301 : memref<128xi32, #tpu.memory_space<vmem>>) semaphore(%dma_start3A_306 : memref<!tpu.dma_semaphore, #tpu.memory_space<semaphore_mem>>) {add = true}
        %lt3A = arith.constant 21 : i32
        %lt3A_307 = arith.cmpi slt, %add3A_277, %lt3A : i32
        %convert_element_type3A = arith.extui %lt3A_307 : i1 to i32
        %cond3A = arith.constant 0 : i32
        %cond3A_308 = arith.cmpi ne, %convert_element_type3A, %cond3A : i32
        scf.if %cond3A_308 {
          %add3A_309 = arith.constant 8 : i32
          %add3A_310 = arith.addi %add3A_277, %add3A_309 : i32
          %sub3A = arith.constant 1 : i32
          %sub3A_311 = arith.subi %add3A_310, %sub3A : i32
          %rem3A_312 = arith.constant 8 : i32
          %rem3A_313 = arith.remsi %sub3A_311, %rem3A_312 : i32
          %ge3A = arith.constant 1 : i32
          %ge3A_314 = arith.cmpi sge, %add3A_277, %ge3A : i32
          %convert_element_type3A_315 = arith.extui %ge3A_314 : i1 to i32
          %cond3A_316 = arith.constant 0 : i32
          %cond3A_317 = arith.cmpi ne, %convert_element_type3A_315, %cond3A_316 : i32
          scf.if %cond3A_317 {
            %sub3A_338 = arith.constant 1 : i32
            %sub3A_339 = arith.subi %add3A_277, %sub3A_338 : i32
            %dma_wait3A_340 = arith.constant 0 : i32
            %dma_wait3A_341 = arith.constant 0 : i32
            %dma_wait3A_342 = tpu.memref_slice %arg9[%rem3A_313, %dma_wait3A_340, %dma_wait3A_341] : memref<8x128x16xf32, #tpu.memory_space<vmem>> -> memref<1x128x16xf32, #tpu.memory_space<vmem>>
            %dma_wait3A_343 = tpu.memref_squeeze %dma_wait3A_342 : memref<1x128x16xf32, #tpu.memory_space<vmem>> -> memref<128x16xf32, #tpu.memory_space<vmem>>
            %dma_wait3A_344 = arith.constant 0 : i32
            %dma_wait3A_345 = tpu.memref_slice %arg8[%sub3A_339, %dma_wait3A_344] : memref<28x128xi32, #tpu.memory_space<vmem>> -> memref<1x128xi32, #tpu.memory_space<vmem>>
            %dma_wait3A_346 = tpu.memref_squeeze %dma_wait3A_345 : memref<1x128xi32, #tpu.memory_space<vmem>> -> memref<128xi32, #tpu.memory_space<vmem>>
            %dma_wait3A_347 = arith.constant 0 : i32
            %dma_wait3A_348 = arith.constant 0 : i32
            %dma_wait3A_349 = tpu.memref_slice %arg10[%dma_wait3A_347, %dma_wait3A_348] : memref<102464x16xf32, #tpu.memory_space<vmem_shared>> -> memref<102464x16xf32, #tpu.memory_space<vmem_shared>>
            %dma_wait3A_350 = tpu.memref_slice %arg12[%rem3A_313] : memref<8x!tpu.dma_semaphore, #tpu.memory_space<semaphore_mem>> -> memref<1x!tpu.dma_semaphore, #tpu.memory_space<semaphore_mem>>
            %dma_wait3A_351 = tpu.memref_squeeze %dma_wait3A_350 : memref<1x!tpu.dma_semaphore, #tpu.memory_space<semaphore_mem>> -> memref<!tpu.dma_semaphore, #tpu.memory_space<semaphore_mem>>
            tpu.wait_indirect_dma semaphore(%dma_wait3A_351 : memref<!tpu.dma_semaphore, #tpu.memory_space<semaphore_mem>>) src(%dma_wait3A_343 : memref<128x16xf32, #tpu.memory_space<vmem>>) dst(%dma_wait3A_349 : memref<102464x16xf32, #tpu.memory_space<vmem_shared>>)
          } else {
          }
          %add3A_318 = arith.constant 8 : i32
          %add3A_319 = arith.addi %add3A_277, %add3A_318 : i32
          %sub3A_320 = arith.constant 1 : i32
          %sub3A_321 = arith.subi %add3A_319, %sub3A_320 : i32
          %dma_start3A_322 = arith.constant 0 : i32
          %dma_start3A_323 = arith.constant 0 : i32
          %dma_start3A_324 = tpu.memref_slice %arg9[%rem3A_313, %dma_start3A_322, %dma_start3A_323] : memref<8x128x16xf32, #tpu.memory_space<vmem>> -> memref<1x128x16xf32, #tpu.memory_space<vmem>>
          %dma_start3A_325 = tpu.memref_squeeze %dma_start3A_324 : memref<1x128x16xf32, #tpu.memory_space<vmem>> -> memref<128x16xf32, #tpu.memory_space<vmem>>
          %dma_start3A_326 = arith.constant 0 : i32
          %dma_start3A_327 = tpu.memref_slice %arg7[%sub3A_321, %dma_start3A_326] : memref<28x128xi32, #tpu.memory_space<vmem>> -> memref<1x128xi32, #tpu.memory_space<vmem>>
          %dma_start3A_328 = tpu.memref_squeeze %dma_start3A_327 : memref<1x128xi32, #tpu.memory_space<vmem>> -> memref<128xi32, #tpu.memory_space<vmem>>
          %dma_start3A_329 = arith.constant 0 : i32
          %dma_start3A_330 = arith.constant 0 : i32
          %dma_start3A_331 = tpu.memref_slice %arg2[%arg0, %dma_start3A_329, %dma_start3A_330] : memref<2x102400x16xf32, #tpu.memory_space<hbm>> -> memref<1x102400x16xf32, #tpu.memory_space<hbm>>
          %dma_start3A_332 = tpu.memref_squeeze %dma_start3A_331 : memref<1x102400x16xf32, #tpu.memory_space<hbm>> -> memref<102400x16xf32, #tpu.memory_space<hbm>>
          %dma_start3A_333 = arith.constant 0 : i32
          %dma_start3A_334 = arith.constant 0 : i32
          %dma_start3A_335 = tpu.memref_slice %dma_start3A_332[%dma_start3A_333, %dma_start3A_334] : memref<102400x16xf32, #tpu.memory_space<hbm>> -> memref<102400x16xf32, #tpu.memory_space<hbm>>
          %dma_start3A_336 = tpu.memref_slice %arg11[%rem3A_313] : memref<8x!tpu.dma_semaphore, #tpu.memory_space<semaphore_mem>> -> memref<1x!tpu.dma_semaphore, #tpu.memory_space<semaphore_mem>>
          %dma_start3A_337 = tpu.memref_squeeze %dma_start3A_336 : memref<1x!tpu.dma_semaphore, #tpu.memory_space<semaphore_mem>> -> memref<!tpu.dma_semaphore, #tpu.memory_space<semaphore_mem>>
          tpu.enqueue_indirect_dma source(%dma_start3A_335 : memref<102400x16xf32, #tpu.memory_space<hbm>>) target(%dma_start3A_325 : memref<128x16xf32, #tpu.memory_space<vmem>>) offsets(%dma_start3A_328 : memref<128xi32, #tpu.memory_space<vmem>>) semaphore(%dma_start3A_337 : memref<!tpu.dma_semaphore, #tpu.memory_space<semaphore_mem>>)
        } else {
        }
      }
      %scan3A_153 = arith.constant 28 : i32
      %dma_wait3A = arith.constant 4 : i32
      %dma_wait3A_154 = arith.constant 20 : i32
      %dma_wait3A_155 = arith.constant 4 : i32
      %dma_wait3A_156 = arith.constant 0 : i32
      %dma_wait3A_157 = arith.constant 0 : i32
      %dma_wait3A_158 = tpu.memref_slice %arg9[%dma_wait3A, %dma_wait3A_156, %dma_wait3A_157] : memref<8x128x16xf32, #tpu.memory_space<vmem>> -> memref<1x128x16xf32, #tpu.memory_space<vmem>>
      %dma_wait3A_159 = tpu.memref_squeeze %dma_wait3A_158 : memref<1x128x16xf32, #tpu.memory_space<vmem>> -> memref<128x16xf32, #tpu.memory_space<vmem>>
      %dma_wait3A_160 = arith.constant 0 : i32
      %dma_wait3A_161 = tpu.memref_slice %arg8[%dma_wait3A_154, %dma_wait3A_160] : memref<28x128xi32, #tpu.memory_space<vmem>> -> memref<1x128xi32, #tpu.memory_space<vmem>>
      %dma_wait3A_162 = tpu.memref_squeeze %dma_wait3A_161 : memref<1x128xi32, #tpu.memory_space<vmem>> -> memref<128xi32, #tpu.memory_space<vmem>>
      %dma_wait3A_163 = arith.constant 0 : i32
      %dma_wait3A_164 = arith.constant 0 : i32
      %dma_wait3A_165 = tpu.memref_slice %arg10[%dma_wait3A_163, %dma_wait3A_164] : memref<102464x16xf32, #tpu.memory_space<vmem_shared>> -> memref<102464x16xf32, #tpu.memory_space<vmem_shared>>
      %dma_wait3A_166 = tpu.memref_slice %arg12[%dma_wait3A_155] : memref<8x!tpu.dma_semaphore, #tpu.memory_space<semaphore_mem>> -> memref<1x!tpu.dma_semaphore, #tpu.memory_space<semaphore_mem>>
      %dma_wait3A_167 = tpu.memref_squeeze %dma_wait3A_166 : memref<1x!tpu.dma_semaphore, #tpu.memory_space<semaphore_mem>> -> memref<!tpu.dma_semaphore, #tpu.memory_space<semaphore_mem>>
      tpu.wait_indirect_dma semaphore(%dma_wait3A_167 : memref<!tpu.dma_semaphore, #tpu.memory_space<semaphore_mem>>) src(%dma_wait3A_159 : memref<128x16xf32, #tpu.memory_space<vmem>>) dst(%dma_wait3A_165 : memref<102464x16xf32, #tpu.memory_space<vmem_shared>>)
      %dma_wait3A_168 = arith.constant 5 : i32
      %dma_wait3A_169 = arith.constant 21 : i32
      %dma_wait3A_170 = arith.constant 5 : i32
      %dma_wait3A_171 = arith.constant 0 : i32
      %dma_wait3A_172 = arith.constant 0 : i32
      %dma_wait3A_173 = tpu.memref_slice %arg9[%dma_wait3A_168, %dma_wait3A_171, %dma_wait3A_172] : memref<8x128x16xf32, #tpu.memory_space<vmem>> -> memref<1x128x16xf32, #tpu.memory_space<vmem>>
      %dma_wait3A_174 = tpu.memref_squeeze %dma_wait3A_173 : memref<1x128x16xf32, #tpu.memory_space<vmem>> -> memref<128x16xf32, #tpu.memory_space<vmem>>
      %dma_wait3A_175 = arith.constant 0 : i32
      %dma_wait3A_176 = tpu.memref_slice %arg8[%dma_wait3A_169, %dma_wait3A_175] : memref<28x128xi32, #tpu.memory_space<vmem>> -> memref<1x128xi32, #tpu.memory_space<vmem>>
      %dma_wait3A_177 = tpu.memref_squeeze %dma_wait3A_176 : memref<1x128xi32, #tpu.memory_space<vmem>> -> memref<128xi32, #tpu.memory_space<vmem>>
      %dma_wait3A_178 = arith.constant 0 : i32
      %dma_wait3A_179 = arith.constant 0 : i32
      %dma_wait3A_180 = tpu.memref_slice %arg10[%dma_wait3A_178, %dma_wait3A_179] : memref<102464x16xf32, #tpu.memory_space<vmem_shared>> -> memref<102464x16xf32, #tpu.memory_space<vmem_shared>>
      %dma_wait3A_181 = tpu.memref_slice %arg12[%dma_wait3A_170] : memref<8x!tpu.dma_semaphore, #tpu.memory_space<semaphore_mem>> -> memref<1x!tpu.dma_semaphore, #tpu.memory_space<semaphore_mem>>
      %dma_wait3A_182 = tpu.memref_squeeze %dma_wait3A_181 : memref<1x!tpu.dma_semaphore, #tpu.memory_space<semaphore_mem>> -> memref<!tpu.dma_semaphore, #tpu.memory_space<semaphore_mem>>
      tpu.wait_indirect_dma semaphore(%dma_wait3A_182 : memref<!tpu.dma_semaphore, #tpu.memory_space<semaphore_mem>>) src(%dma_wait3A_174 : memref<128x16xf32, #tpu.memory_space<vmem>>) dst(%dma_wait3A_180 : memref<102464x16xf32, #tpu.memory_space<vmem_shared>>)
      %dma_wait3A_183 = arith.constant 6 : i32
      %dma_wait3A_184 = arith.constant 22 : i32
      %dma_wait3A_185 = arith.constant 6 : i32
      %dma_wait3A_186 = arith.constant 0 : i32
      %dma_wait3A_187 = arith.constant 0 : i32
      %dma_wait3A_188 = tpu.memref_slice %arg9[%dma_wait3A_183, %dma_wait3A_186, %dma_wait3A_187] : memref<8x128x16xf32, #tpu.memory_space<vmem>> -> memref<1x128x16xf32, #tpu.memory_space<vmem>>
      %dma_wait3A_189 = tpu.memref_squeeze %dma_wait3A_188 : memref<1x128x16xf32, #tpu.memory_space<vmem>> -> memref<128x16xf32, #tpu.memory_space<vmem>>
      %dma_wait3A_190 = arith.constant 0 : i32
      %dma_wait3A_191 = tpu.memref_slice %arg8[%dma_wait3A_184, %dma_wait3A_190] : memref<28x128xi32, #tpu.memory_space<vmem>> -> memref<1x128xi32, #tpu.memory_space<vmem>>
      %dma_wait3A_192 = tpu.memref_squeeze %dma_wait3A_191 : memref<1x128xi32, #tpu.memory_space<vmem>> -> memref<128xi32, #tpu.memory_space<vmem>>
      %dma_wait3A_193 = arith.constant 0 : i32
      %dma_wait3A_194 = arith.constant 0 : i32
      %dma_wait3A_195 = tpu.memref_slice %arg10[%dma_wait3A_193, %dma_wait3A_194] : memref<102464x16xf32, #tpu.memory_space<vmem_shared>> -> memref<102464x16xf32, #tpu.memory_space<vmem_shared>>
      %dma_wait3A_196 = tpu.memref_slice %arg12[%dma_wait3A_185] : memref<8x!tpu.dma_semaphore, #tpu.memory_space<semaphore_mem>> -> memref<1x!tpu.dma_semaphore, #tpu.memory_space<semaphore_mem>>
      %dma_wait3A_197 = tpu.memref_squeeze %dma_wait3A_196 : memref<1x!tpu.dma_semaphore, #tpu.memory_space<semaphore_mem>> -> memref<!tpu.dma_semaphore, #tpu.memory_space<semaphore_mem>>
      tpu.wait_indirect_dma semaphore(%dma_wait3A_197 : memref<!tpu.dma_semaphore, #tpu.memory_space<semaphore_mem>>) src(%dma_wait3A_189 : memref<128x16xf32, #tpu.memory_space<vmem>>) dst(%dma_wait3A_195 : memref<102464x16xf32, #tpu.memory_space<vmem_shared>>)
      %dma_wait3A_198 = arith.constant 7 : i32
      %dma_wait3A_199 = arith.constant 23 : i32
      %dma_wait3A_200 = arith.constant 7 : i32
      %dma_wait3A_201 = arith.constant 0 : i32
      %dma_wait3A_202 = arith.constant 0 : i32
      %dma_wait3A_203 = tpu.memref_slice %arg9[%dma_wait3A_198, %dma_wait3A_201, %dma_wait3A_202] : memref<8x128x16xf32, #tpu.memory_space<vmem>> -> memref<1x128x16xf32, #tpu.memory_space<vmem>>
      %dma_wait3A_204 = tpu.memref_squeeze %dma_wait3A_203 : memref<1x128x16xf32, #tpu.memory_space<vmem>> -> memref<128x16xf32, #tpu.memory_space<vmem>>
      %dma_wait3A_205 = arith.constant 0 : i32
      %dma_wait3A_206 = tpu.memref_slice %arg8[%dma_wait3A_199, %dma_wait3A_205] : memref<28x128xi32, #tpu.memory_space<vmem>> -> memref<1x128xi32, #tpu.memory_space<vmem>>
      %dma_wait3A_207 = tpu.memref_squeeze %dma_wait3A_206 : memref<1x128xi32, #tpu.memory_space<vmem>> -> memref<128xi32, #tpu.memory_space<vmem>>
      %dma_wait3A_208 = arith.constant 0 : i32
      %dma_wait3A_209 = arith.constant 0 : i32
      %dma_wait3A_210 = tpu.memref_slice %arg10[%dma_wait3A_208, %dma_wait3A_209] : memref<102464x16xf32, #tpu.memory_space<vmem_shared>> -> memref<102464x16xf32, #tpu.memory_space<vmem_shared>>
      %dma_wait3A_211 = tpu.memref_slice %arg12[%dma_wait3A_200] : memref<8x!tpu.dma_semaphore, #tpu.memory_space<semaphore_mem>> -> memref<1x!tpu.dma_semaphore, #tpu.memory_space<semaphore_mem>>
      %dma_wait3A_212 = tpu.memref_squeeze %dma_wait3A_211 : memref<1x!tpu.dma_semaphore, #tpu.memory_space<semaphore_mem>> -> memref<!tpu.dma_semaphore, #tpu.memory_space<semaphore_mem>>
      tpu.wait_indirect_dma semaphore(%dma_wait3A_212 : memref<!tpu.dma_semaphore, #tpu.memory_space<semaphore_mem>>) src(%dma_wait3A_204 : memref<128x16xf32, #tpu.memory_space<vmem>>) dst(%dma_wait3A_210 : memref<102464x16xf32, #tpu.memory_space<vmem_shared>>)
      %dma_wait3A_213 = arith.constant 0 : i32
      %dma_wait3A_214 = arith.constant 24 : i32
      %dma_wait3A_215 = arith.constant 0 : i32
      %dma_wait3A_216 = arith.constant 0 : i32
      %dma_wait3A_217 = arith.constant 0 : i32
      %dma_wait3A_218 = tpu.memref_slice %arg9[%dma_wait3A_213, %dma_wait3A_216, %dma_wait3A_217] : memref<8x128x16xf32, #tpu.memory_space<vmem>> -> memref<1x128x16xf32, #tpu.memory_space<vmem>>
      %dma_wait3A_219 = tpu.memref_squeeze %dma_wait3A_218 : memref<1x128x16xf32, #tpu.memory_space<vmem>> -> memref<128x16xf32, #tpu.memory_space<vmem>>
      %dma_wait3A_220 = arith.constant 0 : i32
      %dma_wait3A_221 = tpu.memref_slice %arg8[%dma_wait3A_214, %dma_wait3A_220] : memref<28x128xi32, #tpu.memory_space<vmem>> -> memref<1x128xi32, #tpu.memory_space<vmem>>
      %dma_wait3A_222 = tpu.memref_squeeze %dma_wait3A_221 : memref<1x128xi32, #tpu.memory_space<vmem>> -> memref<128xi32, #tpu.memory_space<vmem>>
      %dma_wait3A_223 = arith.constant 0 : i32
      %dma_wait3A_224 = arith.constant 0 : i32
      %dma_wait3A_225 = tpu.memref_slice %arg10[%dma_wait3A_223, %dma_wait3A_224] : memref<102464x16xf32, #tpu.memory_space<vmem_shared>> -> memref<102464x16xf32, #tpu.memory_space<vmem_shared>>
      %dma_wait3A_226 = tpu.memref_slice %arg12[%dma_wait3A_215] : memref<8x!tpu.dma_semaphore, #tpu.memory_space<semaphore_mem>> -> memref<1x!tpu.dma_semaphore, #tpu.memory_space<semaphore_mem>>
      %dma_wait3A_227 = tpu.memref_squeeze %dma_wait3A_226 : memref<1x!tpu.dma_semaphore, #tpu.memory_space<semaphore_mem>> -> memref<!tpu.dma_semaphore, #tpu.memory_space<semaphore_mem>>
      tpu.wait_indirect_dma semaphore(%dma_wait3A_227 : memref<!tpu.dma_semaphore, #tpu.memory_space<semaphore_mem>>) src(%dma_wait3A_219 : memref<128x16xf32, #tpu.memory_space<vmem>>) dst(%dma_wait3A_225 : memref<102464x16xf32, #tpu.memory_space<vmem_shared>>)
      %dma_wait3A_228 = arith.constant 1 : i32
      %dma_wait3A_229 = arith.constant 25 : i32
      %dma_wait3A_230 = arith.constant 1 : i32
      %dma_wait3A_231 = arith.constant 0 : i32
      %dma_wait3A_232 = arith.constant 0 : i32
      %dma_wait3A_233 = tpu.memref_slice %arg9[%dma_wait3A_228, %dma_wait3A_231, %dma_wait3A_232] : memref<8x128x16xf32, #tpu.memory_space<vmem>> -> memref<1x128x16xf32, #tpu.memory_space<vmem>>
      %dma_wait3A_234 = tpu.memref_squeeze %dma_wait3A_233 : memref<1x128x16xf32, #tpu.memory_space<vmem>> -> memref<128x16xf32, #tpu.memory_space<vmem>>
      %dma_wait3A_235 = arith.constant 0 : i32
      %dma_wait3A_236 = tpu.memref_slice %arg8[%dma_wait3A_229, %dma_wait3A_235] : memref<28x128xi32, #tpu.memory_space<vmem>> -> memref<1x128xi32, #tpu.memory_space<vmem>>
      %dma_wait3A_237 = tpu.memref_squeeze %dma_wait3A_236 : memref<1x128xi32, #tpu.memory_space<vmem>> -> memref<128xi32, #tpu.memory_space<vmem>>
      %dma_wait3A_238 = arith.constant 0 : i32
      %dma_wait3A_239 = arith.constant 0 : i32
      %dma_wait3A_240 = tpu.memref_slice %arg10[%dma_wait3A_238, %dma_wait3A_239] : memref<102464x16xf32, #tpu.memory_space<vmem_shared>> -> memref<102464x16xf32, #tpu.memory_space<vmem_shared>>
      %dma_wait3A_241 = tpu.memref_slice %arg12[%dma_wait3A_230] : memref<8x!tpu.dma_semaphore, #tpu.memory_space<semaphore_mem>> -> memref<1x!tpu.dma_semaphore, #tpu.memory_space<semaphore_mem>>
      %dma_wait3A_242 = tpu.memref_squeeze %dma_wait3A_241 : memref<1x!tpu.dma_semaphore, #tpu.memory_space<semaphore_mem>> -> memref<!tpu.dma_semaphore, #tpu.memory_space<semaphore_mem>>
      tpu.wait_indirect_dma semaphore(%dma_wait3A_242 : memref<!tpu.dma_semaphore, #tpu.memory_space<semaphore_mem>>) src(%dma_wait3A_234 : memref<128x16xf32, #tpu.memory_space<vmem>>) dst(%dma_wait3A_240 : memref<102464x16xf32, #tpu.memory_space<vmem_shared>>)
      %dma_wait3A_243 = arith.constant 2 : i32
      %dma_wait3A_244 = arith.constant 26 : i32
      %dma_wait3A_245 = arith.constant 2 : i32
      %dma_wait3A_246 = arith.constant 0 : i32
      %dma_wait3A_247 = arith.constant 0 : i32
      %dma_wait3A_248 = tpu.memref_slice %arg9[%dma_wait3A_243, %dma_wait3A_246, %dma_wait3A_247] : memref<8x128x16xf32, #tpu.memory_space<vmem>> -> memref<1x128x16xf32, #tpu.memory_space<vmem>>
      %dma_wait3A_249 = tpu.memref_squeeze %dma_wait3A_248 : memref<1x128x16xf32, #tpu.memory_space<vmem>> -> memref<128x16xf32, #tpu.memory_space<vmem>>
      %dma_wait3A_250 = arith.constant 0 : i32
      %dma_wait3A_251 = tpu.memref_slice %arg8[%dma_wait3A_244, %dma_wait3A_250] : memref<28x128xi32, #tpu.memory_space<vmem>> -> memref<1x128xi32, #tpu.memory_space<vmem>>
      %dma_wait3A_252 = tpu.memref_squeeze %dma_wait3A_251 : memref<1x128xi32, #tpu.memory_space<vmem>> -> memref<128xi32, #tpu.memory_space<vmem>>
      %dma_wait3A_253 = arith.constant 0 : i32
      %dma_wait3A_254 = arith.constant 0 : i32
      %dma_wait3A_255 = tpu.memref_slice %arg10[%dma_wait3A_253, %dma_wait3A_254] : memref<102464x16xf32, #tpu.memory_space<vmem_shared>> -> memref<102464x16xf32, #tpu.memory_space<vmem_shared>>
      %dma_wait3A_256 = tpu.memref_slice %arg12[%dma_wait3A_245] : memref<8x!tpu.dma_semaphore, #tpu.memory_space<semaphore_mem>> -> memref<1x!tpu.dma_semaphore, #tpu.memory_space<semaphore_mem>>
      %dma_wait3A_257 = tpu.memref_squeeze %dma_wait3A_256 : memref<1x!tpu.dma_semaphore, #tpu.memory_space<semaphore_mem>> -> memref<!tpu.dma_semaphore, #tpu.memory_space<semaphore_mem>>
      tpu.wait_indirect_dma semaphore(%dma_wait3A_257 : memref<!tpu.dma_semaphore, #tpu.memory_space<semaphore_mem>>) src(%dma_wait3A_249 : memref<128x16xf32, #tpu.memory_space<vmem>>) dst(%dma_wait3A_255 : memref<102464x16xf32, #tpu.memory_space<vmem_shared>>)
      %dma_wait3A_258 = arith.constant 3 : i32
      %dma_wait3A_259 = arith.constant 27 : i32
      %dma_wait3A_260 = arith.constant 3 : i32
      %dma_wait3A_261 = arith.constant 0 : i32
      %dma_wait3A_262 = arith.constant 0 : i32
      %dma_wait3A_263 = tpu.memref_slice %arg9[%dma_wait3A_258, %dma_wait3A_261, %dma_wait3A_262] : memref<8x128x16xf32, #tpu.memory_space<vmem>> -> memref<1x128x16xf32, #tpu.memory_space<vmem>>
      %dma_wait3A_264 = tpu.memref_squeeze %dma_wait3A_263 : memref<1x128x16xf32, #tpu.memory_space<vmem>> -> memref<128x16xf32, #tpu.memory_space<vmem>>
      %dma_wait3A_265 = arith.constant 0 : i32
      %dma_wait3A_266 = tpu.memref_slice %arg8[%dma_wait3A_259, %dma_wait3A_265] : memref<28x128xi32, #tpu.memory_space<vmem>> -> memref<1x128xi32, #tpu.memory_space<vmem>>
      %dma_wait3A_267 = tpu.memref_squeeze %dma_wait3A_266 : memref<1x128xi32, #tpu.memory_space<vmem>> -> memref<128xi32, #tpu.memory_space<vmem>>
      %dma_wait3A_268 = arith.constant 0 : i32
      %dma_wait3A_269 = arith.constant 0 : i32
      %dma_wait3A_270 = tpu.memref_slice %arg10[%dma_wait3A_268, %dma_wait3A_269] : memref<102464x16xf32, #tpu.memory_space<vmem_shared>> -> memref<102464x16xf32, #tpu.memory_space<vmem_shared>>
      %dma_wait3A_271 = tpu.memref_slice %arg12[%dma_wait3A_260] : memref<8x!tpu.dma_semaphore, #tpu.memory_space<semaphore_mem>> -> memref<1x!tpu.dma_semaphore, #tpu.memory_space<semaphore_mem>>
      %dma_wait3A_272 = tpu.memref_squeeze %dma_wait3A_271 : memref<1x!tpu.dma_semaphore, #tpu.memory_space<semaphore_mem>> -> memref<!tpu.dma_semaphore, #tpu.memory_space<semaphore_mem>>
      tpu.wait_indirect_dma semaphore(%dma_wait3A_272 : memref<!tpu.dma_semaphore, #tpu.memory_space<semaphore_mem>>) src(%dma_wait3A_264 : memref<128x16xf32, #tpu.memory_space<vmem>>) dst(%dma_wait3A_270 : memref<102464x16xf32, #tpu.memory_space<vmem_shared>>)
    }
    %scan3A_4 = arith.constant 28 : i32
    %barrier3A_5 = arith.constant 0 : index
    tpu.barrier barrier_id(%barrier3A_5)
    %mul3A_6 = arith.constant 6400 : i32
    %mul3A_7 = arith.muli %arg1, %mul3A_6 : i32
    "tpu.region"() ({
      %run_scoped3A = tpu.sem_alloc : memref<!tpu.dma_semaphore, #tpu.memory_space<semaphore_mem>>
      %dma_start3A = arith.constant 0 : i32
      %dma_start3A_8 = arith.constant 0 : i32
      %dma_start3A_9 = tpu.memref_slice %arg6[%arg0, %dma_start3A, %dma_start3A_8] : memref<2x102400x16xf32, #tpu.memory_space<hbm>> -> memref<1x102400x16xf32, #tpu.memory_space<hbm>>
      %dma_start3A_10 = tpu.memref_squeeze %dma_start3A_9 : memref<1x102400x16xf32, #tpu.memory_space<hbm>> -> memref<102400x16xf32, #tpu.memory_space<hbm>>
      %dma_start3A_11 = arith.constant 0 : i32
      %dma_start3A_12 = tpu.memref_slice %dma_start3A_10[%mul3A_7, %dma_start3A_11] : memref<102400x16xf32, #tpu.memory_space<hbm>> -> memref<6400x16xf32, #tpu.memory_space<hbm>>
      %dma_start3A_13 = arith.constant 0 : i32
      %dma_start3A_14 = tpu.memref_slice %arg10[%mul3A_7, %dma_start3A_13] : memref<102464x16xf32, #tpu.memory_space<vmem_shared>> -> memref<6400x16xf32, #tpu.memory_space<vmem_shared>>
      tpu.enqueue_dma source(%dma_start3A_14 : memref<6400x16xf32, #tpu.memory_space<vmem_shared>>) target(%dma_start3A_12 : memref<6400x16xf32, #tpu.memory_space<hbm>>) target_semaphore(%run_scoped3A : memref<!tpu.dma_semaphore, #tpu.memory_space<semaphore_mem>>)
      %dma_wait3A = arith.constant 0 : i32
      %dma_wait3A_15 = arith.constant 0 : i32
      %dma_wait3A_16 = tpu.memref_slice %arg6[%arg0, %dma_wait3A, %dma_wait3A_15] : memref<2x102400x16xf32, #tpu.memory_space<hbm>> -> memref<1x102400x16xf32, #tpu.memory_space<hbm>>
      %dma_wait3A_17 = tpu.memref_squeeze %dma_wait3A_16 : memref<1x102400x16xf32, #tpu.memory_space<hbm>> -> memref<102400x16xf32, #tpu.memory_space<hbm>>
      %dma_wait3A_18 = arith.constant 0 : i32
      %dma_wait3A_19 = tpu.memref_slice %dma_wait3A_17[%mul3A_7, %dma_wait3A_18] : memref<102400x16xf32, #tpu.memory_space<hbm>> -> memref<6400x16xf32, #tpu.memory_space<hbm>>
      %dma_wait3A_20 = arith.constant 0 : i32
      %dma_wait3A_21 = tpu.memref_slice %arg10[%mul3A_7, %dma_wait3A_20] : memref<102464x16xf32, #tpu.memory_space<vmem_shared>> -> memref<6400x16xf32, #tpu.memory_space<vmem_shared>>
      tpu.wait_dma2 semaphore(%run_scoped3A : memref<!tpu.dma_semaphore, #tpu.memory_space<semaphore_mem>>) src(%dma_wait3A_21 : memref<6400x16xf32, #tpu.memory_space<vmem_shared>>) dst(%dma_wait3A_19 : memref<6400x16xf32, #tpu.memory_space<hbm>>)
      tpu.yield
    }) : () -> ()
    return
  }
}

#map = affine_map<(d0, d1) -> (0, 0, 0)>
#map1 = affine_map<(d0, d1) -> (0, 0)>
module attributes {stable_mosaic.version = 14 : i64} {
  func.func @_sc_agg_body(%arg0: i32, %arg1: i32, %arg2: memref<2x102400x16xf32, #tpu.memory_space<hbm>>, %arg3: memref<12544x128xi32, #tpu.memory_space<hbm>>, %arg4: memref<12544x128xi32, #tpu.memory_space<hbm>>, %arg5: memref<102464x16xf32, #tpu.memory_space<hbm>>, %arg6: memref<2x102400x16xf32, #tpu.memory_space<hbm>>, %arg7: memref<28x128xi32, #tpu.memory_space<vmem>>, %arg8: memref<28x128xi32, #tpu.memory_space<vmem>>, %arg9: memref<8x128x16xf32, #tpu.memory_space<vmem>>, %arg10: memref<102464x16xf32, #tpu.memory_space<vmem_shared>>, %arg11: memref<8x!tpu.dma_semaphore, #tpu.memory_space<semaphore_mem>>, %arg12: memref<8x!tpu.dma_semaphore, #tpu.memory_space<semaphore_mem>>) attributes {dimension_semantics = [#tpu.dimension_semantics<core_parallel>, #tpu.dimension_semantics<subcore_parallel>], iteration_bounds = array<i64: 2, 16>, scalar_prefetch = 0 : i64, scratch_operands = 6 : i64, tpu.core_type = #tpu.core_type<sc_vector_subcore>, window_params = [{transform_indices = #map}, {transform_indices = #map1}, {transform_indices = #map1}, {transform_indices = #map1}, {transform_indices = #map}]} {
    %mul3A = arith.constant 6404 : i32
    %mul3A_0 = arith.muli %arg1, %mul3A : i32
    "tpu.region"() ({
      %run_scoped3A = tpu.sem_alloc : memref<!tpu.dma_semaphore, #tpu.memory_space<semaphore_mem>>
      %dma_start3A = arith.constant 0 : i32
      %dma_start3A_8 = tpu.memref_slice %arg10[%mul3A_0, %dma_start3A] : memref<102464x16xf32, #tpu.memory_space<vmem_shared>> -> memref<6404x16xf32, #tpu.memory_space<vmem_shared>>
      %dma_start3A_9 = arith.constant 0 : i32
      %dma_start3A_10 = tpu.memref_slice %arg5[%mul3A_0, %dma_start3A_9] : memref<102464x16xf32, #tpu.memory_space<hbm>> -> memref<6404x16xf32, #tpu.memory_space<hbm>>
      tpu.enqueue_dma source(%dma_start3A_10 : memref<6404x16xf32, #tpu.memory_space<hbm>>) target(%dma_start3A_8 : memref<6404x16xf32, #tpu.memory_space<vmem_shared>>) target_semaphore(%run_scoped3A : memref<!tpu.dma_semaphore, #tpu.memory_space<semaphore_mem>>)
      %dma_wait3A = arith.constant 0 : i32
      %dma_wait3A_11 = tpu.memref_slice %arg10[%mul3A_0, %dma_wait3A] : memref<102464x16xf32, #tpu.memory_space<vmem_shared>> -> memref<6404x16xf32, #tpu.memory_space<vmem_shared>>
      %dma_wait3A_12 = arith.constant 0 : i32
      %dma_wait3A_13 = tpu.memref_slice %arg5[%mul3A_0, %dma_wait3A_12] : memref<102464x16xf32, #tpu.memory_space<hbm>> -> memref<6404x16xf32, #tpu.memory_space<hbm>>
      tpu.wait_dma2 semaphore(%run_scoped3A : memref<!tpu.dma_semaphore, #tpu.memory_space<semaphore_mem>>) src(%dma_wait3A_13 : memref<6404x16xf32, #tpu.memory_space<hbm>>) dst(%dma_wait3A_11 : memref<6404x16xf32, #tpu.memory_space<vmem_shared>>)
      tpu.yield
    }) : () -> ()
    %barrier3A = arith.constant 0 : index
    tpu.barrier barrier_id(%barrier3A)
    %scan3A = arith.constant 0 : i32
    %scan3A_1 = arith.constant 28 : i32
    %scan3A_2 = arith.addi %scan3A, %scan3A_1 : i32
    %scan3A_3 = arith.constant 1 : i32
    scf.for %scan3A_8 = %scan3A to %scan3A_2 step %scan3A_3  : i32 {
      %mul3A_9 = arith.constant 1 : i32
      %mul3A_10 = arith.muli %scan3A_8, %mul3A_9 : i32
      %add3A = arith.constant 0 : i32
      %add3A_11 = arith.addi %add3A, %mul3A_10 : i32
      %mul3A_12 = arith.constant 784 : i32
      %mul3A_13 = arith.muli %arg1, %mul3A_12 : i32
      %mul3A_14 = arith.constant 28 : i32
      %mul3A_15 = arith.muli %add3A_11, %mul3A_14 : i32
      %add3A_16 = arith.addi %mul3A_13, %mul3A_15 : i32
      "tpu.region"() ({
        %run_scoped3A = tpu.sem_alloc : memref<!tpu.dma_semaphore, #tpu.memory_space<semaphore_mem>>
        %dma_start3A_273 = arith.constant 0 : i32
        %dma_start3A_274 = tpu.memref_slice %arg3[%add3A_16, %dma_start3A_273] : memref<12544x128xi32, #tpu.memory_space<hbm>> -> memref<28x128xi32, #tpu.memory_space<hbm>>
        %dma_start3A_275 = arith.constant 0 : i32
        %dma_start3A_276 = tpu.memref_slice %arg3[%add3A_16, %dma_start3A_275] : memref<12544x128xi32, #tpu.memory_space<hbm>> -> memref<28x128xi32, #tpu.memory_space<hbm>>
        tpu.enqueue_dma source(%dma_start3A_276 : memref<28x128xi32, #tpu.memory_space<hbm>>) target(%arg7 : memref<28x128xi32, #tpu.memory_space<vmem>>) target_semaphore(%run_scoped3A : memref<!tpu.dma_semaphore, #tpu.memory_space<semaphore_mem>>)
        %dma_wait3A_277 = arith.constant 0 : i32
        %dma_wait3A_278 = tpu.memref_slice %arg3[%add3A_16, %dma_wait3A_277] : memref<12544x128xi32, #tpu.memory_space<hbm>> -> memref<28x128xi32, #tpu.memory_space<hbm>>
        %dma_wait3A_279 = arith.constant 0 : i32
        %dma_wait3A_280 = tpu.memref_slice %arg3[%add3A_16, %dma_wait3A_279] : memref<12544x128xi32, #tpu.memory_space<hbm>> -> memref<28x128xi32, #tpu.memory_space<hbm>>
        tpu.wait_dma2 semaphore(%run_scoped3A : memref<!tpu.dma_semaphore, #tpu.memory_space<semaphore_mem>>) src(%dma_wait3A_280 : memref<28x128xi32, #tpu.memory_space<hbm>>) dst(%arg7 : memref<28x128xi32, #tpu.memory_space<vmem>>)
        tpu.yield
      }) : () -> ()
      "tpu.region"() ({
        %run_scoped3A = tpu.sem_alloc : memref<!tpu.dma_semaphore, #tpu.memory_space<semaphore_mem>>
        %dma_start3A_273 = arith.constant 0 : i32
        %dma_start3A_274 = tpu.memref_slice %arg4[%add3A_16, %dma_start3A_273] : memref<12544x128xi32, #tpu.memory_space<hbm>> -> memref<28x128xi32, #tpu.memory_space<hbm>>
        %dma_start3A_275 = arith.constant 0 : i32
        %dma_start3A_276 = tpu.memref_slice %arg4[%add3A_16, %dma_start3A_275] : memref<12544x128xi32, #tpu.memory_space<hbm>> -> memref<28x128xi32, #tpu.memory_space<hbm>>
        tpu.enqueue_dma source(%dma_start3A_276 : memref<28x128xi32, #tpu.memory_space<hbm>>) target(%arg8 : memref<28x128xi32, #tpu.memory_space<vmem>>) target_semaphore(%run_scoped3A : memref<!tpu.dma_semaphore, #tpu.memory_space<semaphore_mem>>)
        %dma_wait3A_277 = arith.constant 0 : i32
        %dma_wait3A_278 = tpu.memref_slice %arg4[%add3A_16, %dma_wait3A_277] : memref<12544x128xi32, #tpu.memory_space<hbm>> -> memref<28x128xi32, #tpu.memory_space<hbm>>
        %dma_wait3A_279 = arith.constant 0 : i32
        %dma_wait3A_280 = tpu.memref_slice %arg4[%add3A_16, %dma_wait3A_279] : memref<12544x128xi32, #tpu.memory_space<hbm>> -> memref<28x128xi32, #tpu.memory_space<hbm>>
        tpu.wait_dma2 semaphore(%run_scoped3A : memref<!tpu.dma_semaphore, #tpu.memory_space<semaphore_mem>>) src(%dma_wait3A_280 : memref<28x128xi32, #tpu.memory_space<hbm>>) dst(%arg8 : memref<28x128xi32, #tpu.memory_space<vmem>>)
        tpu.yield
      }) : () -> ()
      %dma_start3A = arith.constant 0 : i32
      %dma_start3A_17 = arith.constant 0 : i32
      %dma_start3A_18 = arith.constant 0 : i32
      %dma_start3A_19 = arith.constant 0 : i32
      %dma_start3A_20 = arith.constant 0 : i32
      %dma_start3A_21 = tpu.memref_slice %arg9[%dma_start3A_17, %dma_start3A_19, %dma_start3A_20] : memref<8x128x16xf32, #tpu.memory_space<vmem>> -> memref<1x128x16xf32, #tpu.memory_space<vmem>>
      %dma_start3A_22 = tpu.memref_squeeze %dma_start3A_21 : memref<1x128x16xf32, #tpu.memory_space<vmem>> -> memref<128x16xf32, #tpu.memory_space<vmem>>
      %dma_start3A_23 = arith.constant 0 : i32
      %dma_start3A_24 = tpu.memref_slice %arg7[%dma_start3A, %dma_start3A_23] : memref<28x128xi32, #tpu.memory_space<vmem>> -> memref<1x128xi32, #tpu.memory_space<vmem>>
      %dma_start3A_25 = tpu.memref_squeeze %dma_start3A_24 : memref<1x128xi32, #tpu.memory_space<vmem>> -> memref<128xi32, #tpu.memory_space<vmem>>
      %dma_start3A_26 = arith.constant 0 : i32
      %dma_start3A_27 = arith.constant 0 : i32
      %dma_start3A_28 = tpu.memref_slice %arg2[%arg0, %dma_start3A_26, %dma_start3A_27] : memref<2x102400x16xf32, #tpu.memory_space<hbm>> -> memref<1x102400x16xf32, #tpu.memory_space<hbm>>
      %dma_start3A_29 = tpu.memref_squeeze %dma_start3A_28 : memref<1x102400x16xf32, #tpu.memory_space<hbm>> -> memref<102400x16xf32, #tpu.memory_space<hbm>>
      %dma_start3A_30 = arith.constant 0 : i32
      %dma_start3A_31 = arith.constant 0 : i32
      %dma_start3A_32 = tpu.memref_slice %dma_start3A_29[%dma_start3A_30, %dma_start3A_31] : memref<102400x16xf32, #tpu.memory_space<hbm>> -> memref<102400x16xf32, #tpu.memory_space<hbm>>
      %dma_start3A_33 = tpu.memref_slice %arg11[%dma_start3A_18] : memref<8x!tpu.dma_semaphore, #tpu.memory_space<semaphore_mem>> -> memref<1x!tpu.dma_semaphore, #tpu.memory_space<semaphore_mem>>
      %dma_start3A_34 = tpu.memref_squeeze %dma_start3A_33 : memref<1x!tpu.dma_semaphore, #tpu.memory_space<semaphore_mem>> -> memref<!tpu.dma_semaphore, #tpu.memory_space<semaphore_mem>>
      tpu.enqueue_indirect_dma source(%dma_start3A_32 : memref<102400x16xf32, #tpu.memory_space<hbm>>) target(%dma_start3A_22 : memref<128x16xf32, #tpu.memory_space<vmem>>) offsets(%dma_start3A_25 : memref<128xi32, #tpu.memory_space<vmem>>) semaphore(%dma_start3A_34 : memref<!tpu.dma_semaphore, #tpu.memory_space<semaphore_mem>>)
      %dma_start3A_35 = arith.constant 1 : i32
      %dma_start3A_36 = arith.constant 1 : i32
      %dma_start3A_37 = arith.constant 1 : i32
      %dma_start3A_38 = arith.constant 0 : i32
      %dma_start3A_39 = arith.constant 0 : i32
      %dma_start3A_40 = tpu.memref_slice %arg9[%dma_start3A_36, %dma_start3A_38, %dma_start3A_39] : memref<8x128x16xf32, #tpu.memory_space<vmem>> -> memref<1x128x16xf32, #tpu.memory_space<vmem>>
      %dma_start3A_41 = tpu.memref_squeeze %dma_start3A_40 : memref<1x128x16xf32, #tpu.memory_space<vmem>> -> memref<128x16xf32, #tpu.memory_space<vmem>>
      %dma_start3A_42 = arith.constant 0 : i32
      %dma_start3A_43 = tpu.memref_slice %arg7[%dma_start3A_35, %dma_start3A_42] : memref<28x128xi32, #tpu.memory_space<vmem>> -> memref<1x128xi32, #tpu.memory_space<vmem>>
      %dma_start3A_44 = tpu.memref_squeeze %dma_start3A_43 : memref<1x128xi32, #tpu.memory_space<vmem>> -> memref<128xi32, #tpu.memory_space<vmem>>
      %dma_start3A_45 = arith.constant 0 : i32
      %dma_start3A_46 = arith.constant 0 : i32
      %dma_start3A_47 = tpu.memref_slice %arg2[%arg0, %dma_start3A_45, %dma_start3A_46] : memref<2x102400x16xf32, #tpu.memory_space<hbm>> -> memref<1x102400x16xf32, #tpu.memory_space<hbm>>
      %dma_start3A_48 = tpu.memref_squeeze %dma_start3A_47 : memref<1x102400x16xf32, #tpu.memory_space<hbm>> -> memref<102400x16xf32, #tpu.memory_space<hbm>>
      %dma_start3A_49 = arith.constant 0 : i32
      %dma_start3A_50 = arith.constant 0 : i32
      %dma_start3A_51 = tpu.memref_slice %dma_start3A_48[%dma_start3A_49, %dma_start3A_50] : memref<102400x16xf32, #tpu.memory_space<hbm>> -> memref<102400x16xf32, #tpu.memory_space<hbm>>
      %dma_start3A_52 = tpu.memref_slice %arg11[%dma_start3A_37] : memref<8x!tpu.dma_semaphore, #tpu.memory_space<semaphore_mem>> -> memref<1x!tpu.dma_semaphore, #tpu.memory_space<semaphore_mem>>
      %dma_start3A_53 = tpu.memref_squeeze %dma_start3A_52 : memref<1x!tpu.dma_semaphore, #tpu.memory_space<semaphore_mem>> -> memref<!tpu.dma_semaphore, #tpu.memory_space<semaphore_mem>>
      tpu.enqueue_indirect_dma source(%dma_start3A_51 : memref<102400x16xf32, #tpu.memory_space<hbm>>) target(%dma_start3A_41 : memref<128x16xf32, #tpu.memory_space<vmem>>) offsets(%dma_start3A_44 : memref<128xi32, #tpu.memory_space<vmem>>) semaphore(%dma_start3A_53 : memref<!tpu.dma_semaphore, #tpu.memory_space<semaphore_mem>>)
      %dma_start3A_54 = arith.constant 2 : i32
      %dma_start3A_55 = arith.constant 2 : i32
      %dma_start3A_56 = arith.constant 2 : i32
      %dma_start3A_57 = arith.constant 0 : i32
      %dma_start3A_58 = arith.constant 0 : i32
      %dma_start3A_59 = tpu.memref_slice %arg9[%dma_start3A_55, %dma_start3A_57, %dma_start3A_58] : memref<8x128x16xf32, #tpu.memory_space<vmem>> -> memref<1x128x16xf32, #tpu.memory_space<vmem>>
      %dma_start3A_60 = tpu.memref_squeeze %dma_start3A_59 : memref<1x128x16xf32, #tpu.memory_space<vmem>> -> memref<128x16xf32, #tpu.memory_space<vmem>>
      %dma_start3A_61 = arith.constant 0 : i32
      %dma_start3A_62 = tpu.memref_slice %arg7[%dma_start3A_54, %dma_start3A_61] : memref<28x128xi32, #tpu.memory_space<vmem>> -> memref<1x128xi32, #tpu.memory_space<vmem>>
      %dma_start3A_63 = tpu.memref_squeeze %dma_start3A_62 : memref<1x128xi32, #tpu.memory_space<vmem>> -> memref<128xi32, #tpu.memory_space<vmem>>
      %dma_start3A_64 = arith.constant 0 : i32
      %dma_start3A_65 = arith.constant 0 : i32
      %dma_start3A_66 = tpu.memref_slice %arg2[%arg0, %dma_start3A_64, %dma_start3A_65] : memref<2x102400x16xf32, #tpu.memory_space<hbm>> -> memref<1x102400x16xf32, #tpu.memory_space<hbm>>
      %dma_start3A_67 = tpu.memref_squeeze %dma_start3A_66 : memref<1x102400x16xf32, #tpu.memory_space<hbm>> -> memref<102400x16xf32, #tpu.memory_space<hbm>>
      %dma_start3A_68 = arith.constant 0 : i32
      %dma_start3A_69 = arith.constant 0 : i32
      %dma_start3A_70 = tpu.memref_slice %dma_start3A_67[%dma_start3A_68, %dma_start3A_69] : memref<102400x16xf32, #tpu.memory_space<hbm>> -> memref<102400x16xf32, #tpu.memory_space<hbm>>
      %dma_start3A_71 = tpu.memref_slice %arg11[%dma_start3A_56] : memref<8x!tpu.dma_semaphore, #tpu.memory_space<semaphore_mem>> -> memref<1x!tpu.dma_semaphore, #tpu.memory_space<semaphore_mem>>
      %dma_start3A_72 = tpu.memref_squeeze %dma_start3A_71 : memref<1x!tpu.dma_semaphore, #tpu.memory_space<semaphore_mem>> -> memref<!tpu.dma_semaphore, #tpu.memory_space<semaphore_mem>>
      tpu.enqueue_indirect_dma source(%dma_start3A_70 : memref<102400x16xf32, #tpu.memory_space<hbm>>) target(%dma_start3A_60 : memref<128x16xf32, #tpu.memory_space<vmem>>) offsets(%dma_start3A_63 : memref<128xi32, #tpu.memory_space<vmem>>) semaphore(%dma_start3A_72 : memref<!tpu.dma_semaphore, #tpu.memory_space<semaphore_mem>>)
      %dma_start3A_73 = arith.constant 3 : i32
      %dma_start3A_74 = arith.constant 3 : i32
      %dma_start3A_75 = arith.constant 3 : i32
      %dma_start3A_76 = arith.constant 0 : i32
      %dma_start3A_77 = arith.constant 0 : i32
      %dma_start3A_78 = tpu.memref_slice %arg9[%dma_start3A_74, %dma_start3A_76, %dma_start3A_77] : memref<8x128x16xf32, #tpu.memory_space<vmem>> -> memref<1x128x16xf32, #tpu.memory_space<vmem>>
      %dma_start3A_79 = tpu.memref_squeeze %dma_start3A_78 : memref<1x128x16xf32, #tpu.memory_space<vmem>> -> memref<128x16xf32, #tpu.memory_space<vmem>>
      %dma_start3A_80 = arith.constant 0 : i32
      %dma_start3A_81 = tpu.memref_slice %arg7[%dma_start3A_73, %dma_start3A_80] : memref<28x128xi32, #tpu.memory_space<vmem>> -> memref<1x128xi32, #tpu.memory_space<vmem>>
      %dma_start3A_82 = tpu.memref_squeeze %dma_start3A_81 : memref<1x128xi32, #tpu.memory_space<vmem>> -> memref<128xi32, #tpu.memory_space<vmem>>
      %dma_start3A_83 = arith.constant 0 : i32
      %dma_start3A_84 = arith.constant 0 : i32
      %dma_start3A_85 = tpu.memref_slice %arg2[%arg0, %dma_start3A_83, %dma_start3A_84] : memref<2x102400x16xf32, #tpu.memory_space<hbm>> -> memref<1x102400x16xf32, #tpu.memory_space<hbm>>
      %dma_start3A_86 = tpu.memref_squeeze %dma_start3A_85 : memref<1x102400x16xf32, #tpu.memory_space<hbm>> -> memref<102400x16xf32, #tpu.memory_space<hbm>>
      %dma_start3A_87 = arith.constant 0 : i32
      %dma_start3A_88 = arith.constant 0 : i32
      %dma_start3A_89 = tpu.memref_slice %dma_start3A_86[%dma_start3A_87, %dma_start3A_88] : memref<102400x16xf32, #tpu.memory_space<hbm>> -> memref<102400x16xf32, #tpu.memory_space<hbm>>
      %dma_start3A_90 = tpu.memref_slice %arg11[%dma_start3A_75] : memref<8x!tpu.dma_semaphore, #tpu.memory_space<semaphore_mem>> -> memref<1x!tpu.dma_semaphore, #tpu.memory_space<semaphore_mem>>
      %dma_start3A_91 = tpu.memref_squeeze %dma_start3A_90 : memref<1x!tpu.dma_semaphore, #tpu.memory_space<semaphore_mem>> -> memref<!tpu.dma_semaphore, #tpu.memory_space<semaphore_mem>>
      tpu.enqueue_indirect_dma source(%dma_start3A_89 : memref<102400x16xf32, #tpu.memory_space<hbm>>) target(%dma_start3A_79 : memref<128x16xf32, #tpu.memory_space<vmem>>) offsets(%dma_start3A_82 : memref<128xi32, #tpu.memory_space<vmem>>) semaphore(%dma_start3A_91 : memref<!tpu.dma_semaphore, #tpu.memory_space<semaphore_mem>>)
      %dma_start3A_92 = arith.constant 4 : i32
      %dma_start3A_93 = arith.constant 4 : i32
      %dma_start3A_94 = arith.constant 4 : i32
      %dma_start3A_95 = arith.constant 0 : i32
      %dma_start3A_96 = arith.constant 0 : i32
      %dma_start3A_97 = tpu.memref_slice %arg9[%dma_start3A_93, %dma_start3A_95, %dma_start3A_96] : memref<8x128x16xf32, #tpu.memory_space<vmem>> -> memref<1x128x16xf32, #tpu.memory_space<vmem>>
      %dma_start3A_98 = tpu.memref_squeeze %dma_start3A_97 : memref<1x128x16xf32, #tpu.memory_space<vmem>> -> memref<128x16xf32, #tpu.memory_space<vmem>>
      %dma_start3A_99 = arith.constant 0 : i32
      %dma_start3A_100 = tpu.memref_slice %arg7[%dma_start3A_92, %dma_start3A_99] : memref<28x128xi32, #tpu.memory_space<vmem>> -> memref<1x128xi32, #tpu.memory_space<vmem>>
      %dma_start3A_101 = tpu.memref_squeeze %dma_start3A_100 : memref<1x128xi32, #tpu.memory_space<vmem>> -> memref<128xi32, #tpu.memory_space<vmem>>
      %dma_start3A_102 = arith.constant 0 : i32
      %dma_start3A_103 = arith.constant 0 : i32
      %dma_start3A_104 = tpu.memref_slice %arg2[%arg0, %dma_start3A_102, %dma_start3A_103] : memref<2x102400x16xf32, #tpu.memory_space<hbm>> -> memref<1x102400x16xf32, #tpu.memory_space<hbm>>
      %dma_start3A_105 = tpu.memref_squeeze %dma_start3A_104 : memref<1x102400x16xf32, #tpu.memory_space<hbm>> -> memref<102400x16xf32, #tpu.memory_space<hbm>>
      %dma_start3A_106 = arith.constant 0 : i32
      %dma_start3A_107 = arith.constant 0 : i32
      %dma_start3A_108 = tpu.memref_slice %dma_start3A_105[%dma_start3A_106, %dma_start3A_107] : memref<102400x16xf32, #tpu.memory_space<hbm>> -> memref<102400x16xf32, #tpu.memory_space<hbm>>
      %dma_start3A_109 = tpu.memref_slice %arg11[%dma_start3A_94] : memref<8x!tpu.dma_semaphore, #tpu.memory_space<semaphore_mem>> -> memref<1x!tpu.dma_semaphore, #tpu.memory_space<semaphore_mem>>
      %dma_start3A_110 = tpu.memref_squeeze %dma_start3A_109 : memref<1x!tpu.dma_semaphore, #tpu.memory_space<semaphore_mem>> -> memref<!tpu.dma_semaphore, #tpu.memory_space<semaphore_mem>>
      tpu.enqueue_indirect_dma source(%dma_start3A_108 : memref<102400x16xf32, #tpu.memory_space<hbm>>) target(%dma_start3A_98 : memref<128x16xf32, #tpu.memory_space<vmem>>) offsets(%dma_start3A_101 : memref<128xi32, #tpu.memory_space<vmem>>) semaphore(%dma_start3A_110 : memref<!tpu.dma_semaphore, #tpu.memory_space<semaphore_mem>>)
      %dma_start3A_111 = arith.constant 5 : i32
      %dma_start3A_112 = arith.constant 5 : i32
      %dma_start3A_113 = arith.constant 5 : i32
      %dma_start3A_114 = arith.constant 0 : i32
      %dma_start3A_115 = arith.constant 0 : i32
      %dma_start3A_116 = tpu.memref_slice %arg9[%dma_start3A_112, %dma_start3A_114, %dma_start3A_115] : memref<8x128x16xf32, #tpu.memory_space<vmem>> -> memref<1x128x16xf32, #tpu.memory_space<vmem>>
      %dma_start3A_117 = tpu.memref_squeeze %dma_start3A_116 : memref<1x128x16xf32, #tpu.memory_space<vmem>> -> memref<128x16xf32, #tpu.memory_space<vmem>>
      %dma_start3A_118 = arith.constant 0 : i32
      %dma_start3A_119 = tpu.memref_slice %arg7[%dma_start3A_111, %dma_start3A_118] : memref<28x128xi32, #tpu.memory_space<vmem>> -> memref<1x128xi32, #tpu.memory_space<vmem>>
      %dma_start3A_120 = tpu.memref_squeeze %dma_start3A_119 : memref<1x128xi32, #tpu.memory_space<vmem>> -> memref<128xi32, #tpu.memory_space<vmem>>
      %dma_start3A_121 = arith.constant 0 : i32
      %dma_start3A_122 = arith.constant 0 : i32
      %dma_start3A_123 = tpu.memref_slice %arg2[%arg0, %dma_start3A_121, %dma_start3A_122] : memref<2x102400x16xf32, #tpu.memory_space<hbm>> -> memref<1x102400x16xf32, #tpu.memory_space<hbm>>
      %dma_start3A_124 = tpu.memref_squeeze %dma_start3A_123 : memref<1x102400x16xf32, #tpu.memory_space<hbm>> -> memref<102400x16xf32, #tpu.memory_space<hbm>>
      %dma_start3A_125 = arith.constant 0 : i32
      %dma_start3A_126 = arith.constant 0 : i32
      %dma_start3A_127 = tpu.memref_slice %dma_start3A_124[%dma_start3A_125, %dma_start3A_126] : memref<102400x16xf32, #tpu.memory_space<hbm>> -> memref<102400x16xf32, #tpu.memory_space<hbm>>
      %dma_start3A_128 = tpu.memref_slice %arg11[%dma_start3A_113] : memref<8x!tpu.dma_semaphore, #tpu.memory_space<semaphore_mem>> -> memref<1x!tpu.dma_semaphore, #tpu.memory_space<semaphore_mem>>
      %dma_start3A_129 = tpu.memref_squeeze %dma_start3A_128 : memref<1x!tpu.dma_semaphore, #tpu.memory_space<semaphore_mem>> -> memref<!tpu.dma_semaphore, #tpu.memory_space<semaphore_mem>>
      tpu.enqueue_indirect_dma source(%dma_start3A_127 : memref<102400x16xf32, #tpu.memory_space<hbm>>) target(%dma_start3A_117 : memref<128x16xf32, #tpu.memory_space<vmem>>) offsets(%dma_start3A_120 : memref<128xi32, #tpu.memory_space<vmem>>) semaphore(%dma_start3A_129 : memref<!tpu.dma_semaphore, #tpu.memory_space<semaphore_mem>>)
      %dma_start3A_130 = arith.constant 6 : i32
      %dma_start3A_131 = arith.constant 6 : i32
      %dma_start3A_132 = arith.constant 6 : i32
      %dma_start3A_133 = arith.constant 0 : i32
      %dma_start3A_134 = arith.constant 0 : i32
      %dma_start3A_135 = tpu.memref_slice %arg9[%dma_start3A_131, %dma_start3A_133, %dma_start3A_134] : memref<8x128x16xf32, #tpu.memory_space<vmem>> -> memref<1x128x16xf32, #tpu.memory_space<vmem>>
      %dma_start3A_136 = tpu.memref_squeeze %dma_start3A_135 : memref<1x128x16xf32, #tpu.memory_space<vmem>> -> memref<128x16xf32, #tpu.memory_space<vmem>>
      %dma_start3A_137 = arith.constant 0 : i32
      %dma_start3A_138 = tpu.memref_slice %arg7[%dma_start3A_130, %dma_start3A_137] : memref<28x128xi32, #tpu.memory_space<vmem>> -> memref<1x128xi32, #tpu.memory_space<vmem>>
      %dma_start3A_139 = tpu.memref_squeeze %dma_start3A_138 : memref<1x128xi32, #tpu.memory_space<vmem>> -> memref<128xi32, #tpu.memory_space<vmem>>
      %dma_start3A_140 = arith.constant 0 : i32
      %dma_start3A_141 = arith.constant 0 : i32
      %dma_start3A_142 = tpu.memref_slice %arg2[%arg0, %dma_start3A_140, %dma_start3A_141] : memref<2x102400x16xf32, #tpu.memory_space<hbm>> -> memref<1x102400x16xf32, #tpu.memory_space<hbm>>
      %dma_start3A_143 = tpu.memref_squeeze %dma_start3A_142 : memref<1x102400x16xf32, #tpu.memory_space<hbm>> -> memref<102400x16xf32, #tpu.memory_space<hbm>>
      %dma_start3A_144 = arith.constant 0 : i32
      %dma_start3A_145 = arith.constant 0 : i32
      %dma_start3A_146 = tpu.memref_slice %dma_start3A_143[%dma_start3A_144, %dma_start3A_145] : memref<102400x16xf32, #tpu.memory_space<hbm>> -> memref<102400x16xf32, #tpu.memory_space<hbm>>
      %dma_start3A_147 = tpu.memref_slice %arg11[%dma_start3A_132] : memref<8x!tpu.dma_semaphore, #tpu.memory_space<semaphore_mem>> -> memref<1x!tpu.dma_semaphore, #tpu.memory_space<semaphore_mem>>
      %dma_start3A_148 = tpu.memref_squeeze %dma_start3A_147 : memref<1x!tpu.dma_semaphore, #tpu.memory_space<semaphore_mem>> -> memref<!tpu.dma_semaphore, #tpu.memory_space<semaphore_mem>>
      tpu.enqueue_indirect_dma source(%dma_start3A_146 : memref<102400x16xf32, #tpu.memory_space<hbm>>) target(%dma_start3A_136 : memref<128x16xf32, #tpu.memory_space<vmem>>) offsets(%dma_start3A_139 : memref<128xi32, #tpu.memory_space<vmem>>) semaphore(%dma_start3A_148 : memref<!tpu.dma_semaphore, #tpu.memory_space<semaphore_mem>>)
      %scan3A_149 = arith.constant 0 : i32
      %scan3A_150 = arith.constant 28 : i32
      %scan3A_151 = arith.addi %scan3A_149, %scan3A_150 : i32
      %scan3A_152 = arith.constant 1 : i32
      scf.for %scan3A_273 = %scan3A_149 to %scan3A_151 step %scan3A_152  : i32 {
        %mul3A_274 = arith.constant 1 : i32
        %mul3A_275 = arith.muli %scan3A_273, %mul3A_274 : i32
        %add3A_276 = arith.constant 0 : i32
        %add3A_277 = arith.addi %add3A_276, %mul3A_275 : i32
        %rem3A = arith.constant 8 : i32
        %rem3A_278 = arith.remsi %add3A_277, %rem3A : i32
        %dma_wait3A_279 = arith.constant 0 : i32
        %dma_wait3A_280 = arith.constant 0 : i32
        %dma_wait3A_281 = tpu.memref_slice %arg9[%rem3A_278, %dma_wait3A_279, %dma_wait3A_280] : memref<8x128x16xf32, #tpu.memory_space<vmem>> -> memref<1x128x16xf32, #tpu.memory_space<vmem>>
        %dma_wait3A_282 = tpu.memref_squeeze %dma_wait3A_281 : memref<1x128x16xf32, #tpu.memory_space<vmem>> -> memref<128x16xf32, #tpu.memory_space<vmem>>
        %dma_wait3A_283 = arith.constant 0 : i32
        %dma_wait3A_284 = tpu.memref_slice %arg7[%add3A_277, %dma_wait3A_283] : memref<28x128xi32, #tpu.memory_space<vmem>> -> memref<1x128xi32, #tpu.memory_space<vmem>>
        %dma_wait3A_285 = tpu.memref_squeeze %dma_wait3A_284 : memref<1x128xi32, #tpu.memory_space<vmem>> -> memref<128xi32, #tpu.memory_space<vmem>>
        %dma_wait3A_286 = arith.constant 0 : i32
        %dma_wait3A_287 = arith.constant 0 : i32
        %dma_wait3A_288 = tpu.memref_slice %arg2[%arg0, %dma_wait3A_286, %dma_wait3A_287] : memref<2x102400x16xf32, #tpu.memory_space<hbm>> -> memref<1x102400x16xf32, #tpu.memory_space<hbm>>
        %dma_wait3A_289 = tpu.memref_squeeze %dma_wait3A_288 : memref<1x102400x16xf32, #tpu.memory_space<hbm>> -> memref<102400x16xf32, #tpu.memory_space<hbm>>
        %dma_wait3A_290 = arith.constant 0 : i32
        %dma_wait3A_291 = arith.constant 0 : i32
        %dma_wait3A_292 = tpu.memref_slice %dma_wait3A_289[%dma_wait3A_290, %dma_wait3A_291] : memref<102400x16xf32, #tpu.memory_space<hbm>> -> memref<102400x16xf32, #tpu.memory_space<hbm>>
        %dma_wait3A_293 = tpu.memref_slice %arg11[%rem3A_278] : memref<8x!tpu.dma_semaphore, #tpu.memory_space<semaphore_mem>> -> memref<1x!tpu.dma_semaphore, #tpu.memory_space<semaphore_mem>>
        %dma_wait3A_294 = tpu.memref_squeeze %dma_wait3A_293 : memref<1x!tpu.dma_semaphore, #tpu.memory_space<semaphore_mem>> -> memref<!tpu.dma_semaphore, #tpu.memory_space<semaphore_mem>>
        tpu.wait_indirect_dma semaphore(%dma_wait3A_294 : memref<!tpu.dma_semaphore, #tpu.memory_space<semaphore_mem>>) src(%dma_wait3A_292 : memref<102400x16xf32, #tpu.memory_space<hbm>>) dst(%dma_wait3A_282 : memref<128x16xf32, #tpu.memory_space<vmem>>)
        %dma_start3A_295 = arith.constant 0 : i32
        %dma_start3A_296 = arith.constant 0 : i32
        %dma_start3A_297 = tpu.memref_slice %arg9[%rem3A_278, %dma_start3A_295, %dma_start3A_296] : memref<8x128x16xf32, #tpu.memory_space<vmem>> -> memref<1x128x16xf32, #tpu.memory_space<vmem>>
        %dma_start3A_298 = tpu.memref_squeeze %dma_start3A_297 : memref<1x128x16xf32, #tpu.memory_space<vmem>> -> memref<128x16xf32, #tpu.memory_space<vmem>>
        %dma_start3A_299 = arith.constant 0 : i32
        %dma_start3A_300 = tpu.memref_slice %arg8[%add3A_277, %dma_start3A_299] : memref<28x128xi32, #tpu.memory_space<vmem>> -> memref<1x128xi32, #tpu.memory_space<vmem>>
        %dma_start3A_301 = tpu.memref_squeeze %dma_start3A_300 : memref<1x128xi32, #tpu.memory_space<vmem>> -> memref<128xi32, #tpu.memory_space<vmem>>
        %dma_start3A_302 = arith.constant 0 : i32
        %dma_start3A_303 = arith.constant 0 : i32
        %dma_start3A_304 = tpu.memref_slice %arg10[%dma_start3A_302, %dma_start3A_303] : memref<102464x16xf32, #tpu.memory_space<vmem_shared>> -> memref<102464x16xf32, #tpu.memory_space<vmem_shared>>
        %dma_start3A_305 = tpu.memref_slice %arg12[%rem3A_278] : memref<8x!tpu.dma_semaphore, #tpu.memory_space<semaphore_mem>> -> memref<1x!tpu.dma_semaphore, #tpu.memory_space<semaphore_mem>>
        %dma_start3A_306 = tpu.memref_squeeze %dma_start3A_305 : memref<1x!tpu.dma_semaphore, #tpu.memory_space<semaphore_mem>> -> memref<!tpu.dma_semaphore, #tpu.memory_space<semaphore_mem>>
        tpu.enqueue_indirect_dma source(%dma_start3A_298 : memref<128x16xf32, #tpu.memory_space<vmem>>) target(%dma_start3A_304 : memref<102464x16xf32, #tpu.memory_space<vmem_shared>>) offsets(%dma_start3A_301 : memref<128xi32, #tpu.memory_space<vmem>>) semaphore(%dma_start3A_306 : memref<!tpu.dma_semaphore, #tpu.memory_space<semaphore_mem>>) {add = true}
        %lt3A = arith.constant 21 : i32
        %lt3A_307 = arith.cmpi slt, %add3A_277, %lt3A : i32
        %convert_element_type3A = arith.extui %lt3A_307 : i1 to i32
        %cond3A = arith.constant 0 : i32
        %cond3A_308 = arith.cmpi ne, %convert_element_type3A, %cond3A : i32
        scf.if %cond3A_308 {
          %add3A_309 = arith.constant 8 : i32
          %add3A_310 = arith.addi %add3A_277, %add3A_309 : i32
          %sub3A = arith.constant 1 : i32
          %sub3A_311 = arith.subi %add3A_310, %sub3A : i32
          %rem3A_312 = arith.constant 8 : i32
          %rem3A_313 = arith.remsi %sub3A_311, %rem3A_312 : i32
          %ge3A = arith.constant 1 : i32
          %ge3A_314 = arith.cmpi sge, %add3A_277, %ge3A : i32
          %convert_element_type3A_315 = arith.extui %ge3A_314 : i1 to i32
          %cond3A_316 = arith.constant 0 : i32
          %cond3A_317 = arith.cmpi ne, %convert_element_type3A_315, %cond3A_316 : i32
          scf.if %cond3A_317 {
            %sub3A_338 = arith.constant 1 : i32
            %sub3A_339 = arith.subi %add3A_277, %sub3A_338 : i32
            %dma_wait3A_340 = arith.constant 0 : i32
            %dma_wait3A_341 = arith.constant 0 : i32
            %dma_wait3A_342 = tpu.memref_slice %arg9[%rem3A_313, %dma_wait3A_340, %dma_wait3A_341] : memref<8x128x16xf32, #tpu.memory_space<vmem>> -> memref<1x128x16xf32, #tpu.memory_space<vmem>>
            %dma_wait3A_343 = tpu.memref_squeeze %dma_wait3A_342 : memref<1x128x16xf32, #tpu.memory_space<vmem>> -> memref<128x16xf32, #tpu.memory_space<vmem>>
            %dma_wait3A_344 = arith.constant 0 : i32
            %dma_wait3A_345 = tpu.memref_slice %arg8[%sub3A_339, %dma_wait3A_344] : memref<28x128xi32, #tpu.memory_space<vmem>> -> memref<1x128xi32, #tpu.memory_space<vmem>>
            %dma_wait3A_346 = tpu.memref_squeeze %dma_wait3A_345 : memref<1x128xi32, #tpu.memory_space<vmem>> -> memref<128xi32, #tpu.memory_space<vmem>>
            %dma_wait3A_347 = arith.constant 0 : i32
            %dma_wait3A_348 = arith.constant 0 : i32
            %dma_wait3A_349 = tpu.memref_slice %arg10[%dma_wait3A_347, %dma_wait3A_348] : memref<102464x16xf32, #tpu.memory_space<vmem_shared>> -> memref<102464x16xf32, #tpu.memory_space<vmem_shared>>
            %dma_wait3A_350 = tpu.memref_slice %arg12[%rem3A_313] : memref<8x!tpu.dma_semaphore, #tpu.memory_space<semaphore_mem>> -> memref<1x!tpu.dma_semaphore, #tpu.memory_space<semaphore_mem>>
            %dma_wait3A_351 = tpu.memref_squeeze %dma_wait3A_350 : memref<1x!tpu.dma_semaphore, #tpu.memory_space<semaphore_mem>> -> memref<!tpu.dma_semaphore, #tpu.memory_space<semaphore_mem>>
            tpu.wait_indirect_dma semaphore(%dma_wait3A_351 : memref<!tpu.dma_semaphore, #tpu.memory_space<semaphore_mem>>) src(%dma_wait3A_343 : memref<128x16xf32, #tpu.memory_space<vmem>>) dst(%dma_wait3A_349 : memref<102464x16xf32, #tpu.memory_space<vmem_shared>>)
          } else {
          }
          %add3A_318 = arith.constant 8 : i32
          %add3A_319 = arith.addi %add3A_277, %add3A_318 : i32
          %sub3A_320 = arith.constant 1 : i32
          %sub3A_321 = arith.subi %add3A_319, %sub3A_320 : i32
          %dma_start3A_322 = arith.constant 0 : i32
          %dma_start3A_323 = arith.constant 0 : i32
          %dma_start3A_324 = tpu.memref_slice %arg9[%rem3A_313, %dma_start3A_322, %dma_start3A_323] : memref<8x128x16xf32, #tpu.memory_space<vmem>> -> memref<1x128x16xf32, #tpu.memory_space<vmem>>
          %dma_start3A_325 = tpu.memref_squeeze %dma_start3A_324 : memref<1x128x16xf32, #tpu.memory_space<vmem>> -> memref<128x16xf32, #tpu.memory_space<vmem>>
          %dma_start3A_326 = arith.constant 0 : i32
          %dma_start3A_327 = tpu.memref_slice %arg7[%sub3A_321, %dma_start3A_326] : memref<28x128xi32, #tpu.memory_space<vmem>> -> memref<1x128xi32, #tpu.memory_space<vmem>>
          %dma_start3A_328 = tpu.memref_squeeze %dma_start3A_327 : memref<1x128xi32, #tpu.memory_space<vmem>> -> memref<128xi32, #tpu.memory_space<vmem>>
          %dma_start3A_329 = arith.constant 0 : i32
          %dma_start3A_330 = arith.constant 0 : i32
          %dma_start3A_331 = tpu.memref_slice %arg2[%arg0, %dma_start3A_329, %dma_start3A_330] : memref<2x102400x16xf32, #tpu.memory_space<hbm>> -> memref<1x102400x16xf32, #tpu.memory_space<hbm>>
          %dma_start3A_332 = tpu.memref_squeeze %dma_start3A_331 : memref<1x102400x16xf32, #tpu.memory_space<hbm>> -> memref<102400x16xf32, #tpu.memory_space<hbm>>
          %dma_start3A_333 = arith.constant 0 : i32
          %dma_start3A_334 = arith.constant 0 : i32
          %dma_start3A_335 = tpu.memref_slice %dma_start3A_332[%dma_start3A_333, %dma_start3A_334] : memref<102400x16xf32, #tpu.memory_space<hbm>> -> memref<102400x16xf32, #tpu.memory_space<hbm>>
          %dma_start3A_336 = tpu.memref_slice %arg11[%rem3A_313] : memref<8x!tpu.dma_semaphore, #tpu.memory_space<semaphore_mem>> -> memref<1x!tpu.dma_semaphore, #tpu.memory_space<semaphore_mem>>
          %dma_start3A_337 = tpu.memref_squeeze %dma_start3A_336 : memref<1x!tpu.dma_semaphore, #tpu.memory_space<semaphore_mem>> -> memref<!tpu.dma_semaphore, #tpu.memory_space<semaphore_mem>>
          tpu.enqueue_indirect_dma source(%dma_start3A_335 : memref<102400x16xf32, #tpu.memory_space<hbm>>) target(%dma_start3A_325 : memref<128x16xf32, #tpu.memory_space<vmem>>) offsets(%dma_start3A_328 : memref<128xi32, #tpu.memory_space<vmem>>) semaphore(%dma_start3A_337 : memref<!tpu.dma_semaphore, #tpu.memory_space<semaphore_mem>>)
        } else {
        }
      }
      %scan3A_153 = arith.constant 28 : i32
      %dma_wait3A = arith.constant 4 : i32
      %dma_wait3A_154 = arith.constant 20 : i32
      %dma_wait3A_155 = arith.constant 4 : i32
      %dma_wait3A_156 = arith.constant 0 : i32
      %dma_wait3A_157 = arith.constant 0 : i32
      %dma_wait3A_158 = tpu.memref_slice %arg9[%dma_wait3A, %dma_wait3A_156, %dma_wait3A_157] : memref<8x128x16xf32, #tpu.memory_space<vmem>> -> memref<1x128x16xf32, #tpu.memory_space<vmem>>
      %dma_wait3A_159 = tpu.memref_squeeze %dma_wait3A_158 : memref<1x128x16xf32, #tpu.memory_space<vmem>> -> memref<128x16xf32, #tpu.memory_space<vmem>>
      %dma_wait3A_160 = arith.constant 0 : i32
      %dma_wait3A_161 = tpu.memref_slice %arg8[%dma_wait3A_154, %dma_wait3A_160] : memref<28x128xi32, #tpu.memory_space<vmem>> -> memref<1x128xi32, #tpu.memory_space<vmem>>
      %dma_wait3A_162 = tpu.memref_squeeze %dma_wait3A_161 : memref<1x128xi32, #tpu.memory_space<vmem>> -> memref<128xi32, #tpu.memory_space<vmem>>
      %dma_wait3A_163 = arith.constant 0 : i32
      %dma_wait3A_164 = arith.constant 0 : i32
      %dma_wait3A_165 = tpu.memref_slice %arg10[%dma_wait3A_163, %dma_wait3A_164] : memref<102464x16xf32, #tpu.memory_space<vmem_shared>> -> memref<102464x16xf32, #tpu.memory_space<vmem_shared>>
      %dma_wait3A_166 = tpu.memref_slice %arg12[%dma_wait3A_155] : memref<8x!tpu.dma_semaphore, #tpu.memory_space<semaphore_mem>> -> memref<1x!tpu.dma_semaphore, #tpu.memory_space<semaphore_mem>>
      %dma_wait3A_167 = tpu.memref_squeeze %dma_wait3A_166 : memref<1x!tpu.dma_semaphore, #tpu.memory_space<semaphore_mem>> -> memref<!tpu.dma_semaphore, #tpu.memory_space<semaphore_mem>>
      tpu.wait_indirect_dma semaphore(%dma_wait3A_167 : memref<!tpu.dma_semaphore, #tpu.memory_space<semaphore_mem>>) src(%dma_wait3A_159 : memref<128x16xf32, #tpu.memory_space<vmem>>) dst(%dma_wait3A_165 : memref<102464x16xf32, #tpu.memory_space<vmem_shared>>)
      %dma_wait3A_168 = arith.constant 5 : i32
      %dma_wait3A_169 = arith.constant 21 : i32
      %dma_wait3A_170 = arith.constant 5 : i32
      %dma_wait3A_171 = arith.constant 0 : i32
      %dma_wait3A_172 = arith.constant 0 : i32
      %dma_wait3A_173 = tpu.memref_slice %arg9[%dma_wait3A_168, %dma_wait3A_171, %dma_wait3A_172] : memref<8x128x16xf32, #tpu.memory_space<vmem>> -> memref<1x128x16xf32, #tpu.memory_space<vmem>>
      %dma_wait3A_174 = tpu.memref_squeeze %dma_wait3A_173 : memref<1x128x16xf32, #tpu.memory_space<vmem>> -> memref<128x16xf32, #tpu.memory_space<vmem>>
      %dma_wait3A_175 = arith.constant 0 : i32
      %dma_wait3A_176 = tpu.memref_slice %arg8[%dma_wait3A_169, %dma_wait3A_175] : memref<28x128xi32, #tpu.memory_space<vmem>> -> memref<1x128xi32, #tpu.memory_space<vmem>>
      %dma_wait3A_177 = tpu.memref_squeeze %dma_wait3A_176 : memref<1x128xi32, #tpu.memory_space<vmem>> -> memref<128xi32, #tpu.memory_space<vmem>>
      %dma_wait3A_178 = arith.constant 0 : i32
      %dma_wait3A_179 = arith.constant 0 : i32
      %dma_wait3A_180 = tpu.memref_slice %arg10[%dma_wait3A_178, %dma_wait3A_179] : memref<102464x16xf32, #tpu.memory_space<vmem_shared>> -> memref<102464x16xf32, #tpu.memory_space<vmem_shared>>
      %dma_wait3A_181 = tpu.memref_slice %arg12[%dma_wait3A_170] : memref<8x!tpu.dma_semaphore, #tpu.memory_space<semaphore_mem>> -> memref<1x!tpu.dma_semaphore, #tpu.memory_space<semaphore_mem>>
      %dma_wait3A_182 = tpu.memref_squeeze %dma_wait3A_181 : memref<1x!tpu.dma_semaphore, #tpu.memory_space<semaphore_mem>> -> memref<!tpu.dma_semaphore, #tpu.memory_space<semaphore_mem>>
      tpu.wait_indirect_dma semaphore(%dma_wait3A_182 : memref<!tpu.dma_semaphore, #tpu.memory_space<semaphore_mem>>) src(%dma_wait3A_174 : memref<128x16xf32, #tpu.memory_space<vmem>>) dst(%dma_wait3A_180 : memref<102464x16xf32, #tpu.memory_space<vmem_shared>>)
      %dma_wait3A_183 = arith.constant 6 : i32
      %dma_wait3A_184 = arith.constant 22 : i32
      %dma_wait3A_185 = arith.constant 6 : i32
      %dma_wait3A_186 = arith.constant 0 : i32
      %dma_wait3A_187 = arith.constant 0 : i32
      %dma_wait3A_188 = tpu.memref_slice %arg9[%dma_wait3A_183, %dma_wait3A_186, %dma_wait3A_187] : memref<8x128x16xf32, #tpu.memory_space<vmem>> -> memref<1x128x16xf32, #tpu.memory_space<vmem>>
      %dma_wait3A_189 = tpu.memref_squeeze %dma_wait3A_188 : memref<1x128x16xf32, #tpu.memory_space<vmem>> -> memref<128x16xf32, #tpu.memory_space<vmem>>
      %dma_wait3A_190 = arith.constant 0 : i32
      %dma_wait3A_191 = tpu.memref_slice %arg8[%dma_wait3A_184, %dma_wait3A_190] : memref<28x128xi32, #tpu.memory_space<vmem>> -> memref<1x128xi32, #tpu.memory_space<vmem>>
      %dma_wait3A_192 = tpu.memref_squeeze %dma_wait3A_191 : memref<1x128xi32, #tpu.memory_space<vmem>> -> memref<128xi32, #tpu.memory_space<vmem>>
      %dma_wait3A_193 = arith.constant 0 : i32
      %dma_wait3A_194 = arith.constant 0 : i32
      %dma_wait3A_195 = tpu.memref_slice %arg10[%dma_wait3A_193, %dma_wait3A_194] : memref<102464x16xf32, #tpu.memory_space<vmem_shared>> -> memref<102464x16xf32, #tpu.memory_space<vmem_shared>>
      %dma_wait3A_196 = tpu.memref_slice %arg12[%dma_wait3A_185] : memref<8x!tpu.dma_semaphore, #tpu.memory_space<semaphore_mem>> -> memref<1x!tpu.dma_semaphore, #tpu.memory_space<semaphore_mem>>
      %dma_wait3A_197 = tpu.memref_squeeze %dma_wait3A_196 : memref<1x!tpu.dma_semaphore, #tpu.memory_space<semaphore_mem>> -> memref<!tpu.dma_semaphore, #tpu.memory_space<semaphore_mem>>
      tpu.wait_indirect_dma semaphore(%dma_wait3A_197 : memref<!tpu.dma_semaphore, #tpu.memory_space<semaphore_mem>>) src(%dma_wait3A_189 : memref<128x16xf32, #tpu.memory_space<vmem>>) dst(%dma_wait3A_195 : memref<102464x16xf32, #tpu.memory_space<vmem_shared>>)
      %dma_wait3A_198 = arith.constant 7 : i32
      %dma_wait3A_199 = arith.constant 23 : i32
      %dma_wait3A_200 = arith.constant 7 : i32
      %dma_wait3A_201 = arith.constant 0 : i32
      %dma_wait3A_202 = arith.constant 0 : i32
      %dma_wait3A_203 = tpu.memref_slice %arg9[%dma_wait3A_198, %dma_wait3A_201, %dma_wait3A_202] : memref<8x128x16xf32, #tpu.memory_space<vmem>> -> memref<1x128x16xf32, #tpu.memory_space<vmem>>
      %dma_wait3A_204 = tpu.memref_squeeze %dma_wait3A_203 : memref<1x128x16xf32, #tpu.memory_space<vmem>> -> memref<128x16xf32, #tpu.memory_space<vmem>>
      %dma_wait3A_205 = arith.constant 0 : i32
      %dma_wait3A_206 = tpu.memref_slice %arg8[%dma_wait3A_199, %dma_wait3A_205] : memref<28x128xi32, #tpu.memory_space<vmem>> -> memref<1x128xi32, #tpu.memory_space<vmem>>
      %dma_wait3A_207 = tpu.memref_squeeze %dma_wait3A_206 : memref<1x128xi32, #tpu.memory_space<vmem>> -> memref<128xi32, #tpu.memory_space<vmem>>
      %dma_wait3A_208 = arith.constant 0 : i32
      %dma_wait3A_209 = arith.constant 0 : i32
      %dma_wait3A_210 = tpu.memref_slice %arg10[%dma_wait3A_208, %dma_wait3A_209] : memref<102464x16xf32, #tpu.memory_space<vmem_shared>> -> memref<102464x16xf32, #tpu.memory_space<vmem_shared>>
      %dma_wait3A_211 = tpu.memref_slice %arg12[%dma_wait3A_200] : memref<8x!tpu.dma_semaphore, #tpu.memory_space<semaphore_mem>> -> memref<1x!tpu.dma_semaphore, #tpu.memory_space<semaphore_mem>>
      %dma_wait3A_212 = tpu.memref_squeeze %dma_wait3A_211 : memref<1x!tpu.dma_semaphore, #tpu.memory_space<semaphore_mem>> -> memref<!tpu.dma_semaphore, #tpu.memory_space<semaphore_mem>>
      tpu.wait_indirect_dma semaphore(%dma_wait3A_212 : memref<!tpu.dma_semaphore, #tpu.memory_space<semaphore_mem>>) src(%dma_wait3A_204 : memref<128x16xf32, #tpu.memory_space<vmem>>) dst(%dma_wait3A_210 : memref<102464x16xf32, #tpu.memory_space<vmem_shared>>)
      %dma_wait3A_213 = arith.constant 0 : i32
      %dma_wait3A_214 = arith.constant 24 : i32
      %dma_wait3A_215 = arith.constant 0 : i32
      %dma_wait3A_216 = arith.constant 0 : i32
      %dma_wait3A_217 = arith.constant 0 : i32
      %dma_wait3A_218 = tpu.memref_slice %arg9[%dma_wait3A_213, %dma_wait3A_216, %dma_wait3A_217] : memref<8x128x16xf32, #tpu.memory_space<vmem>> -> memref<1x128x16xf32, #tpu.memory_space<vmem>>
      %dma_wait3A_219 = tpu.memref_squeeze %dma_wait3A_218 : memref<1x128x16xf32, #tpu.memory_space<vmem>> -> memref<128x16xf32, #tpu.memory_space<vmem>>
      %dma_wait3A_220 = arith.constant 0 : i32
      %dma_wait3A_221 = tpu.memref_slice %arg8[%dma_wait3A_214, %dma_wait3A_220] : memref<28x128xi32, #tpu.memory_space<vmem>> -> memref<1x128xi32, #tpu.memory_space<vmem>>
      %dma_wait3A_222 = tpu.memref_squeeze %dma_wait3A_221 : memref<1x128xi32, #tpu.memory_space<vmem>> -> memref<128xi32, #tpu.memory_space<vmem>>
      %dma_wait3A_223 = arith.constant 0 : i32
      %dma_wait3A_224 = arith.constant 0 : i32
      %dma_wait3A_225 = tpu.memref_slice %arg10[%dma_wait3A_223, %dma_wait3A_224] : memref<102464x16xf32, #tpu.memory_space<vmem_shared>> -> memref<102464x16xf32, #tpu.memory_space<vmem_shared>>
      %dma_wait3A_226 = tpu.memref_slice %arg12[%dma_wait3A_215] : memref<8x!tpu.dma_semaphore, #tpu.memory_space<semaphore_mem>> -> memref<1x!tpu.dma_semaphore, #tpu.memory_space<semaphore_mem>>
      %dma_wait3A_227 = tpu.memref_squeeze %dma_wait3A_226 : memref<1x!tpu.dma_semaphore, #tpu.memory_space<semaphore_mem>> -> memref<!tpu.dma_semaphore, #tpu.memory_space<semaphore_mem>>
      tpu.wait_indirect_dma semaphore(%dma_wait3A_227 : memref<!tpu.dma_semaphore, #tpu.memory_space<semaphore_mem>>) src(%dma_wait3A_219 : memref<128x16xf32, #tpu.memory_space<vmem>>) dst(%dma_wait3A_225 : memref<102464x16xf32, #tpu.memory_space<vmem_shared>>)
      %dma_wait3A_228 = arith.constant 1 : i32
      %dma_wait3A_229 = arith.constant 25 : i32
      %dma_wait3A_230 = arith.constant 1 : i32
      %dma_wait3A_231 = arith.constant 0 : i32
      %dma_wait3A_232 = arith.constant 0 : i32
      %dma_wait3A_233 = tpu.memref_slice %arg9[%dma_wait3A_228, %dma_wait3A_231, %dma_wait3A_232] : memref<8x128x16xf32, #tpu.memory_space<vmem>> -> memref<1x128x16xf32, #tpu.memory_space<vmem>>
      %dma_wait3A_234 = tpu.memref_squeeze %dma_wait3A_233 : memref<1x128x16xf32, #tpu.memory_space<vmem>> -> memref<128x16xf32, #tpu.memory_space<vmem>>
      %dma_wait3A_235 = arith.constant 0 : i32
      %dma_wait3A_236 = tpu.memref_slice %arg8[%dma_wait3A_229, %dma_wait3A_235] : memref<28x128xi32, #tpu.memory_space<vmem>> -> memref<1x128xi32, #tpu.memory_space<vmem>>
      %dma_wait3A_237 = tpu.memref_squeeze %dma_wait3A_236 : memref<1x128xi32, #tpu.memory_space<vmem>> -> memref<128xi32, #tpu.memory_space<vmem>>
      %dma_wait3A_238 = arith.constant 0 : i32
      %dma_wait3A_239 = arith.constant 0 : i32
      %dma_wait3A_240 = tpu.memref_slice %arg10[%dma_wait3A_238, %dma_wait3A_239] : memref<102464x16xf32, #tpu.memory_space<vmem_shared>> -> memref<102464x16xf32, #tpu.memory_space<vmem_shared>>
      %dma_wait3A_241 = tpu.memref_slice %arg12[%dma_wait3A_230] : memref<8x!tpu.dma_semaphore, #tpu.memory_space<semaphore_mem>> -> memref<1x!tpu.dma_semaphore, #tpu.memory_space<semaphore_mem>>
      %dma_wait3A_242 = tpu.memref_squeeze %dma_wait3A_241 : memref<1x!tpu.dma_semaphore, #tpu.memory_space<semaphore_mem>> -> memref<!tpu.dma_semaphore, #tpu.memory_space<semaphore_mem>>
      tpu.wait_indirect_dma semaphore(%dma_wait3A_242 : memref<!tpu.dma_semaphore, #tpu.memory_space<semaphore_mem>>) src(%dma_wait3A_234 : memref<128x16xf32, #tpu.memory_space<vmem>>) dst(%dma_wait3A_240 : memref<102464x16xf32, #tpu.memory_space<vmem_shared>>)
      %dma_wait3A_243 = arith.constant 2 : i32
      %dma_wait3A_244 = arith.constant 26 : i32
      %dma_wait3A_245 = arith.constant 2 : i32
      %dma_wait3A_246 = arith.constant 0 : i32
      %dma_wait3A_247 = arith.constant 0 : i32
      %dma_wait3A_248 = tpu.memref_slice %arg9[%dma_wait3A_243, %dma_wait3A_246, %dma_wait3A_247] : memref<8x128x16xf32, #tpu.memory_space<vmem>> -> memref<1x128x16xf32, #tpu.memory_space<vmem>>
      %dma_wait3A_249 = tpu.memref_squeeze %dma_wait3A_248 : memref<1x128x16xf32, #tpu.memory_space<vmem>> -> memref<128x16xf32, #tpu.memory_space<vmem>>
      %dma_wait3A_250 = arith.constant 0 : i32
      %dma_wait3A_251 = tpu.memref_slice %arg8[%dma_wait3A_244, %dma_wait3A_250] : memref<28x128xi32, #tpu.memory_space<vmem>> -> memref<1x128xi32, #tpu.memory_space<vmem>>
      %dma_wait3A_252 = tpu.memref_squeeze %dma_wait3A_251 : memref<1x128xi32, #tpu.memory_space<vmem>> -> memref<128xi32, #tpu.memory_space<vmem>>
      %dma_wait3A_253 = arith.constant 0 : i32
      %dma_wait3A_254 = arith.constant 0 : i32
      %dma_wait3A_255 = tpu.memref_slice %arg10[%dma_wait3A_253, %dma_wait3A_254] : memref<102464x16xf32, #tpu.memory_space<vmem_shared>> -> memref<102464x16xf32, #tpu.memory_space<vmem_shared>>
      %dma_wait3A_256 = tpu.memref_slice %arg12[%dma_wait3A_245] : memref<8x!tpu.dma_semaphore, #tpu.memory_space<semaphore_mem>> -> memref<1x!tpu.dma_semaphore, #tpu.memory_space<semaphore_mem>>
      %dma_wait3A_257 = tpu.memref_squeeze %dma_wait3A_256 : memref<1x!tpu.dma_semaphore, #tpu.memory_space<semaphore_mem>> -> memref<!tpu.dma_semaphore, #tpu.memory_space<semaphore_mem>>
      tpu.wait_indirect_dma semaphore(%dma_wait3A_257 : memref<!tpu.dma_semaphore, #tpu.memory_space<semaphore_mem>>) src(%dma_wait3A_249 : memref<128x16xf32, #tpu.memory_space<vmem>>) dst(%dma_wait3A_255 : memref<102464x16xf32, #tpu.memory_space<vmem_shared>>)
      %dma_wait3A_258 = arith.constant 3 : i32
      %dma_wait3A_259 = arith.constant 27 : i32
      %dma_wait3A_260 = arith.constant 3 : i32
      %dma_wait3A_261 = arith.constant 0 : i32
      %dma_wait3A_262 = arith.constant 0 : i32
      %dma_wait3A_263 = tpu.memref_slice %arg9[%dma_wait3A_258, %dma_wait3A_261, %dma_wait3A_262] : memref<8x128x16xf32, #tpu.memory_space<vmem>> -> memref<1x128x16xf32, #tpu.memory_space<vmem>>
      %dma_wait3A_264 = tpu.memref_squeeze %dma_wait3A_263 : memref<1x128x16xf32, #tpu.memory_space<vmem>> -> memref<128x16xf32, #tpu.memory_space<vmem>>
      %dma_wait3A_265 = arith.constant 0 : i32
      %dma_wait3A_266 = tpu.memref_slice %arg8[%dma_wait3A_259, %dma_wait3A_265] : memref<28x128xi32, #tpu.memory_space<vmem>> -> memref<1x128xi32, #tpu.memory_space<vmem>>
      %dma_wait3A_267 = tpu.memref_squeeze %dma_wait3A_266 : memref<1x128xi32, #tpu.memory_space<vmem>> -> memref<128xi32, #tpu.memory_space<vmem>>
      %dma_wait3A_268 = arith.constant 0 : i32
      %dma_wait3A_269 = arith.constant 0 : i32
      %dma_wait3A_270 = tpu.memref_slice %arg10[%dma_wait3A_268, %dma_wait3A_269] : memref<102464x16xf32, #tpu.memory_space<vmem_shared>> -> memref<102464x16xf32, #tpu.memory_space<vmem_shared>>
      %dma_wait3A_271 = tpu.memref_slice %arg12[%dma_wait3A_260] : memref<8x!tpu.dma_semaphore, #tpu.memory_space<semaphore_mem>> -> memref<1x!tpu.dma_semaphore, #tpu.memory_space<semaphore_mem>>
      %dma_wait3A_272 = tpu.memref_squeeze %dma_wait3A_271 : memref<1x!tpu.dma_semaphore, #tpu.memory_space<semaphore_mem>> -> memref<!tpu.dma_semaphore, #tpu.memory_space<semaphore_mem>>
      tpu.wait_indirect_dma semaphore(%dma_wait3A_272 : memref<!tpu.dma_semaphore, #tpu.memory_space<semaphore_mem>>) src(%dma_wait3A_264 : memref<128x16xf32, #tpu.memory_space<vmem>>) dst(%dma_wait3A_270 : memref<102464x16xf32, #tpu.memory_space<vmem_shared>>)
    }
    %scan3A_4 = arith.constant 28 : i32
    %barrier3A_5 = arith.constant 0 : index
    tpu.barrier barrier_id(%barrier3A_5)
    %mul3A_6 = arith.constant 6400 : i32
    %mul3A_7 = arith.muli %arg1, %mul3A_6 : i32
    "tpu.region"() ({
      %run_scoped3A = tpu.sem_alloc : memref<!tpu.dma_semaphore, #tpu.memory_space<semaphore_mem>>
      %dma_start3A = arith.constant 0 : i32
      %dma_start3A_8 = arith.constant 0 : i32
      %dma_start3A_9 = tpu.memref_slice %arg6[%arg0, %dma_start3A, %dma_start3A_8] : memref<2x102400x16xf32, #tpu.memory_space<hbm>> -> memref<1x102400x16xf32, #tpu.memory_space<hbm>>
      %dma_start3A_10 = tpu.memref_squeeze %dma_start3A_9 : memref<1x102400x16xf32, #tpu.memory_space<hbm>> -> memref<102400x16xf32, #tpu.memory_space<hbm>>
      %dma_start3A_11 = arith.constant 0 : i32
      %dma_start3A_12 = tpu.memref_slice %dma_start3A_10[%mul3A_7, %dma_start3A_11] : memref<102400x16xf32, #tpu.memory_space<hbm>> -> memref<6400x16xf32, #tpu.memory_space<hbm>>
      %dma_start3A_13 = arith.constant 0 : i32
      %dma_start3A_14 = tpu.memref_slice %arg10[%mul3A_7, %dma_start3A_13] : memref<102464x16xf32, #tpu.memory_space<vmem_shared>> -> memref<6400x16xf32, #tpu.memory_space<vmem_shared>>
      tpu.enqueue_dma source(%dma_start3A_14 : memref<6400x16xf32, #tpu.memory_space<vmem_shared>>) target(%dma_start3A_12 : memref<6400x16xf32, #tpu.memory_space<hbm>>) target_semaphore(%run_scoped3A : memref<!tpu.dma_semaphore, #tpu.memory_space<semaphore_mem>>)
      %dma_wait3A = arith.constant 0 : i32
      %dma_wait3A_15 = arith.constant 0 : i32
      %dma_wait3A_16 = tpu.memref_slice %arg6[%arg0, %dma_wait3A, %dma_wait3A_15] : memref<2x102400x16xf32, #tpu.memory_space<hbm>> -> memref<1x102400x16xf32, #tpu.memory_space<hbm>>
      %dma_wait3A_17 = tpu.memref_squeeze %dma_wait3A_16 : memref<1x102400x16xf32, #tpu.memory_space<hbm>> -> memref<102400x16xf32, #tpu.memory_space<hbm>>
      %dma_wait3A_18 = arith.constant 0 : i32
      %dma_wait3A_19 = tpu.memref_slice %dma_wait3A_17[%mul3A_7, %dma_wait3A_18] : memref<102400x16xf32, #tpu.memory_space<hbm>> -> memref<6400x16xf32, #tpu.memory_space<hbm>>
      %dma_wait3A_20 = arith.constant 0 : i32
      %dma_wait3A_21 = tpu.memref_slice %arg10[%mul3A_7, %dma_wait3A_20] : memref<102464x16xf32, #tpu.memory_space<vmem_shared>> -> memref<6400x16xf32, #tpu.memory_space<vmem_shared>>
      tpu.wait_dma2 semaphore(%run_scoped3A : memref<!tpu.dma_semaphore, #tpu.memory_space<semaphore_mem>>) src(%dma_wait3A_21 : memref<6400x16xf32, #tpu.memory_space<vmem_shared>>) dst(%dma_wait3A_19 : memref<6400x16xf32, #tpu.memory_space<hbm>>)
      tpu.yield
    }) : () -> ()
    return
  }
}

#map = affine_map<(d0, d1) -> (0, 0, 0)>
#map1 = affine_map<(d0, d1) -> (0, 0)>
module attributes {stable_mosaic.version = 14 : i64} {
  func.func @_sc_agg_body(%arg0: i32, %arg1: i32, %arg2: memref<2x102400x16xf32, #tpu.memory_space<hbm>>, %arg3: memref<12544x128xi32, #tpu.memory_space<hbm>>, %arg4: memref<12544x128xi32, #tpu.memory_space<hbm>>, %arg5: memref<102464x16xf32, #tpu.memory_space<hbm>>, %arg6: memref<2x102400x16xf32, #tpu.memory_space<hbm>>, %arg7: memref<28x128xi32, #tpu.memory_space<vmem>>, %arg8: memref<28x128xi32, #tpu.memory_space<vmem>>, %arg9: memref<8x128x16xf32, #tpu.memory_space<vmem>>, %arg10: memref<102464x16xf32, #tpu.memory_space<vmem_shared>>, %arg11: memref<8x!tpu.dma_semaphore, #tpu.memory_space<semaphore_mem>>, %arg12: memref<8x!tpu.dma_semaphore, #tpu.memory_space<semaphore_mem>>) attributes {dimension_semantics = [#tpu.dimension_semantics<core_parallel>, #tpu.dimension_semantics<subcore_parallel>], iteration_bounds = array<i64: 2, 16>, scalar_prefetch = 0 : i64, scratch_operands = 6 : i64, tpu.core_type = #tpu.core_type<sc_vector_subcore>, window_params = [{transform_indices = #map}, {transform_indices = #map1}, {transform_indices = #map1}, {transform_indices = #map1}, {transform_indices = #map}]} {
    %mul3A = arith.constant 6404 : i32
    %mul3A_0 = arith.muli %arg1, %mul3A : i32
    "tpu.region"() ({
      %run_scoped3A = tpu.sem_alloc : memref<!tpu.dma_semaphore, #tpu.memory_space<semaphore_mem>>
      %dma_start3A = arith.constant 0 : i32
      %dma_start3A_8 = tpu.memref_slice %arg10[%mul3A_0, %dma_start3A] : memref<102464x16xf32, #tpu.memory_space<vmem_shared>> -> memref<6404x16xf32, #tpu.memory_space<vmem_shared>>
      %dma_start3A_9 = arith.constant 0 : i32
      %dma_start3A_10 = tpu.memref_slice %arg5[%mul3A_0, %dma_start3A_9] : memref<102464x16xf32, #tpu.memory_space<hbm>> -> memref<6404x16xf32, #tpu.memory_space<hbm>>
      tpu.enqueue_dma source(%dma_start3A_10 : memref<6404x16xf32, #tpu.memory_space<hbm>>) target(%dma_start3A_8 : memref<6404x16xf32, #tpu.memory_space<vmem_shared>>) target_semaphore(%run_scoped3A : memref<!tpu.dma_semaphore, #tpu.memory_space<semaphore_mem>>)
      %dma_wait3A = arith.constant 0 : i32
      %dma_wait3A_11 = tpu.memref_slice %arg10[%mul3A_0, %dma_wait3A] : memref<102464x16xf32, #tpu.memory_space<vmem_shared>> -> memref<6404x16xf32, #tpu.memory_space<vmem_shared>>
      %dma_wait3A_12 = arith.constant 0 : i32
      %dma_wait3A_13 = tpu.memref_slice %arg5[%mul3A_0, %dma_wait3A_12] : memref<102464x16xf32, #tpu.memory_space<hbm>> -> memref<6404x16xf32, #tpu.memory_space<hbm>>
      tpu.wait_dma2 semaphore(%run_scoped3A : memref<!tpu.dma_semaphore, #tpu.memory_space<semaphore_mem>>) src(%dma_wait3A_13 : memref<6404x16xf32, #tpu.memory_space<hbm>>) dst(%dma_wait3A_11 : memref<6404x16xf32, #tpu.memory_space<vmem_shared>>)
      tpu.yield
    }) : () -> ()
    %barrier3A = arith.constant 0 : index
    tpu.barrier barrier_id(%barrier3A)
    %scan3A = arith.constant 0 : i32
    %scan3A_1 = arith.constant 28 : i32
    %scan3A_2 = arith.addi %scan3A, %scan3A_1 : i32
    %scan3A_3 = arith.constant 1 : i32
    scf.for %scan3A_8 = %scan3A to %scan3A_2 step %scan3A_3  : i32 {
      %mul3A_9 = arith.constant 1 : i32
      %mul3A_10 = arith.muli %scan3A_8, %mul3A_9 : i32
      %add3A = arith.constant 0 : i32
      %add3A_11 = arith.addi %add3A, %mul3A_10 : i32
      %mul3A_12 = arith.constant 784 : i32
      %mul3A_13 = arith.muli %arg1, %mul3A_12 : i32
      %mul3A_14 = arith.constant 28 : i32
      %mul3A_15 = arith.muli %add3A_11, %mul3A_14 : i32
      %add3A_16 = arith.addi %mul3A_13, %mul3A_15 : i32
      "tpu.region"() ({
        %run_scoped3A = tpu.sem_alloc : memref<!tpu.dma_semaphore, #tpu.memory_space<semaphore_mem>>
        %dma_start3A_273 = arith.constant 0 : i32
        %dma_start3A_274 = tpu.memref_slice %arg3[%add3A_16, %dma_start3A_273] : memref<12544x128xi32, #tpu.memory_space<hbm>> -> memref<28x128xi32, #tpu.memory_space<hbm>>
        %dma_start3A_275 = arith.constant 0 : i32
        %dma_start3A_276 = tpu.memref_slice %arg3[%add3A_16, %dma_start3A_275] : memref<12544x128xi32, #tpu.memory_space<hbm>> -> memref<28x128xi32, #tpu.memory_space<hbm>>
        tpu.enqueue_dma source(%dma_start3A_276 : memref<28x128xi32, #tpu.memory_space<hbm>>) target(%arg7 : memref<28x128xi32, #tpu.memory_space<vmem>>) target_semaphore(%run_scoped3A : memref<!tpu.dma_semaphore, #tpu.memory_space<semaphore_mem>>)
        %dma_wait3A_277 = arith.constant 0 : i32
        %dma_wait3A_278 = tpu.memref_slice %arg3[%add3A_16, %dma_wait3A_277] : memref<12544x128xi32, #tpu.memory_space<hbm>> -> memref<28x128xi32, #tpu.memory_space<hbm>>
        %dma_wait3A_279 = arith.constant 0 : i32
        %dma_wait3A_280 = tpu.memref_slice %arg3[%add3A_16, %dma_wait3A_279] : memref<12544x128xi32, #tpu.memory_space<hbm>> -> memref<28x128xi32, #tpu.memory_space<hbm>>
        tpu.wait_dma2 semaphore(%run_scoped3A : memref<!tpu.dma_semaphore, #tpu.memory_space<semaphore_mem>>) src(%dma_wait3A_280 : memref<28x128xi32, #tpu.memory_space<hbm>>) dst(%arg7 : memref<28x128xi32, #tpu.memory_space<vmem>>)
        tpu.yield
      }) : () -> ()
      "tpu.region"() ({
        %run_scoped3A = tpu.sem_alloc : memref<!tpu.dma_semaphore, #tpu.memory_space<semaphore_mem>>
        %dma_start3A_273 = arith.constant 0 : i32
        %dma_start3A_274 = tpu.memref_slice %arg4[%add3A_16, %dma_start3A_273] : memref<12544x128xi32, #tpu.memory_space<hbm>> -> memref<28x128xi32, #tpu.memory_space<hbm>>
        %dma_start3A_275 = arith.constant 0 : i32
        %dma_start3A_276 = tpu.memref_slice %arg4[%add3A_16, %dma_start3A_275] : memref<12544x128xi32, #tpu.memory_space<hbm>> -> memref<28x128xi32, #tpu.memory_space<hbm>>
        tpu.enqueue_dma source(%dma_start3A_276 : memref<28x128xi32, #tpu.memory_space<hbm>>) target(%arg8 : memref<28x128xi32, #tpu.memory_space<vmem>>) target_semaphore(%run_scoped3A : memref<!tpu.dma_semaphore, #tpu.memory_space<semaphore_mem>>)
        %dma_wait3A_277 = arith.constant 0 : i32
        %dma_wait3A_278 = tpu.memref_slice %arg4[%add3A_16, %dma_wait3A_277] : memref<12544x128xi32, #tpu.memory_space<hbm>> -> memref<28x128xi32, #tpu.memory_space<hbm>>
        %dma_wait3A_279 = arith.constant 0 : i32
        %dma_wait3A_280 = tpu.memref_slice %arg4[%add3A_16, %dma_wait3A_279] : memref<12544x128xi32, #tpu.memory_space<hbm>> -> memref<28x128xi32, #tpu.memory_space<hbm>>
        tpu.wait_dma2 semaphore(%run_scoped3A : memref<!tpu.dma_semaphore, #tpu.memory_space<semaphore_mem>>) src(%dma_wait3A_280 : memref<28x128xi32, #tpu.memory_space<hbm>>) dst(%arg8 : memref<28x128xi32, #tpu.memory_space<vmem>>)
        tpu.yield
      }) : () -> ()
      %dma_start3A = arith.constant 0 : i32
      %dma_start3A_17 = arith.constant 0 : i32
      %dma_start3A_18 = arith.constant 0 : i32
      %dma_start3A_19 = arith.constant 0 : i32
      %dma_start3A_20 = arith.constant 0 : i32
      %dma_start3A_21 = tpu.memref_slice %arg9[%dma_start3A_17, %dma_start3A_19, %dma_start3A_20] : memref<8x128x16xf32, #tpu.memory_space<vmem>> -> memref<1x128x16xf32, #tpu.memory_space<vmem>>
      %dma_start3A_22 = tpu.memref_squeeze %dma_start3A_21 : memref<1x128x16xf32, #tpu.memory_space<vmem>> -> memref<128x16xf32, #tpu.memory_space<vmem>>
      %dma_start3A_23 = arith.constant 0 : i32
      %dma_start3A_24 = tpu.memref_slice %arg7[%dma_start3A, %dma_start3A_23] : memref<28x128xi32, #tpu.memory_space<vmem>> -> memref<1x128xi32, #tpu.memory_space<vmem>>
      %dma_start3A_25 = tpu.memref_squeeze %dma_start3A_24 : memref<1x128xi32, #tpu.memory_space<vmem>> -> memref<128xi32, #tpu.memory_space<vmem>>
      %dma_start3A_26 = arith.constant 0 : i32
      %dma_start3A_27 = arith.constant 0 : i32
      %dma_start3A_28 = tpu.memref_slice %arg2[%arg0, %dma_start3A_26, %dma_start3A_27] : memref<2x102400x16xf32, #tpu.memory_space<hbm>> -> memref<1x102400x16xf32, #tpu.memory_space<hbm>>
      %dma_start3A_29 = tpu.memref_squeeze %dma_start3A_28 : memref<1x102400x16xf32, #tpu.memory_space<hbm>> -> memref<102400x16xf32, #tpu.memory_space<hbm>>
      %dma_start3A_30 = arith.constant 0 : i32
      %dma_start3A_31 = arith.constant 0 : i32
      %dma_start3A_32 = tpu.memref_slice %dma_start3A_29[%dma_start3A_30, %dma_start3A_31] : memref<102400x16xf32, #tpu.memory_space<hbm>> -> memref<102400x16xf32, #tpu.memory_space<hbm>>
      %dma_start3A_33 = tpu.memref_slice %arg11[%dma_start3A_18] : memref<8x!tpu.dma_semaphore, #tpu.memory_space<semaphore_mem>> -> memref<1x!tpu.dma_semaphore, #tpu.memory_space<semaphore_mem>>
      %dma_start3A_34 = tpu.memref_squeeze %dma_start3A_33 : memref<1x!tpu.dma_semaphore, #tpu.memory_space<semaphore_mem>> -> memref<!tpu.dma_semaphore, #tpu.memory_space<semaphore_mem>>
      tpu.enqueue_indirect_dma source(%dma_start3A_32 : memref<102400x16xf32, #tpu.memory_space<hbm>>) target(%dma_start3A_22 : memref<128x16xf32, #tpu.memory_space<vmem>>) offsets(%dma_start3A_25 : memref<128xi32, #tpu.memory_space<vmem>>) semaphore(%dma_start3A_34 : memref<!tpu.dma_semaphore, #tpu.memory_space<semaphore_mem>>)
      %dma_start3A_35 = arith.constant 1 : i32
      %dma_start3A_36 = arith.constant 1 : i32
      %dma_start3A_37 = arith.constant 1 : i32
      %dma_start3A_38 = arith.constant 0 : i32
      %dma_start3A_39 = arith.constant 0 : i32
      %dma_start3A_40 = tpu.memref_slice %arg9[%dma_start3A_36, %dma_start3A_38, %dma_start3A_39] : memref<8x128x16xf32, #tpu.memory_space<vmem>> -> memref<1x128x16xf32, #tpu.memory_space<vmem>>
      %dma_start3A_41 = tpu.memref_squeeze %dma_start3A_40 : memref<1x128x16xf32, #tpu.memory_space<vmem>> -> memref<128x16xf32, #tpu.memory_space<vmem>>
      %dma_start3A_42 = arith.constant 0 : i32
      %dma_start3A_43 = tpu.memref_slice %arg7[%dma_start3A_35, %dma_start3A_42] : memref<28x128xi32, #tpu.memory_space<vmem>> -> memref<1x128xi32, #tpu.memory_space<vmem>>
      %dma_start3A_44 = tpu.memref_squeeze %dma_start3A_43 : memref<1x128xi32, #tpu.memory_space<vmem>> -> memref<128xi32, #tpu.memory_space<vmem>>
      %dma_start3A_45 = arith.constant 0 : i32
      %dma_start3A_46 = arith.constant 0 : i32
      %dma_start3A_47 = tpu.memref_slice %arg2[%arg0, %dma_start3A_45, %dma_start3A_46] : memref<2x102400x16xf32, #tpu.memory_space<hbm>> -> memref<1x102400x16xf32, #tpu.memory_space<hbm>>
      %dma_start3A_48 = tpu.memref_squeeze %dma_start3A_47 : memref<1x102400x16xf32, #tpu.memory_space<hbm>> -> memref<102400x16xf32, #tpu.memory_space<hbm>>
      %dma_start3A_49 = arith.constant 0 : i32
      %dma_start3A_50 = arith.constant 0 : i32
      %dma_start3A_51 = tpu.memref_slice %dma_start3A_48[%dma_start3A_49, %dma_start3A_50] : memref<102400x16xf32, #tpu.memory_space<hbm>> -> memref<102400x16xf32, #tpu.memory_space<hbm>>
      %dma_start3A_52 = tpu.memref_slice %arg11[%dma_start3A_37] : memref<8x!tpu.dma_semaphore, #tpu.memory_space<semaphore_mem>> -> memref<1x!tpu.dma_semaphore, #tpu.memory_space<semaphore_mem>>
      %dma_start3A_53 = tpu.memref_squeeze %dma_start3A_52 : memref<1x!tpu.dma_semaphore, #tpu.memory_space<semaphore_mem>> -> memref<!tpu.dma_semaphore, #tpu.memory_space<semaphore_mem>>
      tpu.enqueue_indirect_dma source(%dma_start3A_51 : memref<102400x16xf32, #tpu.memory_space<hbm>>) target(%dma_start3A_41 : memref<128x16xf32, #tpu.memory_space<vmem>>) offsets(%dma_start3A_44 : memref<128xi32, #tpu.memory_space<vmem>>) semaphore(%dma_start3A_53 : memref<!tpu.dma_semaphore, #tpu.memory_space<semaphore_mem>>)
      %dma_start3A_54 = arith.constant 2 : i32
      %dma_start3A_55 = arith.constant 2 : i32
      %dma_start3A_56 = arith.constant 2 : i32
      %dma_start3A_57 = arith.constant 0 : i32
      %dma_start3A_58 = arith.constant 0 : i32
      %dma_start3A_59 = tpu.memref_slice %arg9[%dma_start3A_55, %dma_start3A_57, %dma_start3A_58] : memref<8x128x16xf32, #tpu.memory_space<vmem>> -> memref<1x128x16xf32, #tpu.memory_space<vmem>>
      %dma_start3A_60 = tpu.memref_squeeze %dma_start3A_59 : memref<1x128x16xf32, #tpu.memory_space<vmem>> -> memref<128x16xf32, #tpu.memory_space<vmem>>
      %dma_start3A_61 = arith.constant 0 : i32
      %dma_start3A_62 = tpu.memref_slice %arg7[%dma_start3A_54, %dma_start3A_61] : memref<28x128xi32, #tpu.memory_space<vmem>> -> memref<1x128xi32, #tpu.memory_space<vmem>>
      %dma_start3A_63 = tpu.memref_squeeze %dma_start3A_62 : memref<1x128xi32, #tpu.memory_space<vmem>> -> memref<128xi32, #tpu.memory_space<vmem>>
      %dma_start3A_64 = arith.constant 0 : i32
      %dma_start3A_65 = arith.constant 0 : i32
      %dma_start3A_66 = tpu.memref_slice %arg2[%arg0, %dma_start3A_64, %dma_start3A_65] : memref<2x102400x16xf32, #tpu.memory_space<hbm>> -> memref<1x102400x16xf32, #tpu.memory_space<hbm>>
      %dma_start3A_67 = tpu.memref_squeeze %dma_start3A_66 : memref<1x102400x16xf32, #tpu.memory_space<hbm>> -> memref<102400x16xf32, #tpu.memory_space<hbm>>
      %dma_start3A_68 = arith.constant 0 : i32
      %dma_start3A_69 = arith.constant 0 : i32
      %dma_start3A_70 = tpu.memref_slice %dma_start3A_67[%dma_start3A_68, %dma_start3A_69] : memref<102400x16xf32, #tpu.memory_space<hbm>> -> memref<102400x16xf32, #tpu.memory_space<hbm>>
      %dma_start3A_71 = tpu.memref_slice %arg11[%dma_start3A_56] : memref<8x!tpu.dma_semaphore, #tpu.memory_space<semaphore_mem>> -> memref<1x!tpu.dma_semaphore, #tpu.memory_space<semaphore_mem>>
      %dma_start3A_72 = tpu.memref_squeeze %dma_start3A_71 : memref<1x!tpu.dma_semaphore, #tpu.memory_space<semaphore_mem>> -> memref<!tpu.dma_semaphore, #tpu.memory_space<semaphore_mem>>
      tpu.enqueue_indirect_dma source(%dma_start3A_70 : memref<102400x16xf32, #tpu.memory_space<hbm>>) target(%dma_start3A_60 : memref<128x16xf32, #tpu.memory_space<vmem>>) offsets(%dma_start3A_63 : memref<128xi32, #tpu.memory_space<vmem>>) semaphore(%dma_start3A_72 : memref<!tpu.dma_semaphore, #tpu.memory_space<semaphore_mem>>)
      %dma_start3A_73 = arith.constant 3 : i32
      %dma_start3A_74 = arith.constant 3 : i32
      %dma_start3A_75 = arith.constant 3 : i32
      %dma_start3A_76 = arith.constant 0 : i32
      %dma_start3A_77 = arith.constant 0 : i32
      %dma_start3A_78 = tpu.memref_slice %arg9[%dma_start3A_74, %dma_start3A_76, %dma_start3A_77] : memref<8x128x16xf32, #tpu.memory_space<vmem>> -> memref<1x128x16xf32, #tpu.memory_space<vmem>>
      %dma_start3A_79 = tpu.memref_squeeze %dma_start3A_78 : memref<1x128x16xf32, #tpu.memory_space<vmem>> -> memref<128x16xf32, #tpu.memory_space<vmem>>
      %dma_start3A_80 = arith.constant 0 : i32
      %dma_start3A_81 = tpu.memref_slice %arg7[%dma_start3A_73, %dma_start3A_80] : memref<28x128xi32, #tpu.memory_space<vmem>> -> memref<1x128xi32, #tpu.memory_space<vmem>>
      %dma_start3A_82 = tpu.memref_squeeze %dma_start3A_81 : memref<1x128xi32, #tpu.memory_space<vmem>> -> memref<128xi32, #tpu.memory_space<vmem>>
      %dma_start3A_83 = arith.constant 0 : i32
      %dma_start3A_84 = arith.constant 0 : i32
      %dma_start3A_85 = tpu.memref_slice %arg2[%arg0, %dma_start3A_83, %dma_start3A_84] : memref<2x102400x16xf32, #tpu.memory_space<hbm>> -> memref<1x102400x16xf32, #tpu.memory_space<hbm>>
      %dma_start3A_86 = tpu.memref_squeeze %dma_start3A_85 : memref<1x102400x16xf32, #tpu.memory_space<hbm>> -> memref<102400x16xf32, #tpu.memory_space<hbm>>
      %dma_start3A_87 = arith.constant 0 : i32
      %dma_start3A_88 = arith.constant 0 : i32
      %dma_start3A_89 = tpu.memref_slice %dma_start3A_86[%dma_start3A_87, %dma_start3A_88] : memref<102400x16xf32, #tpu.memory_space<hbm>> -> memref<102400x16xf32, #tpu.memory_space<hbm>>
      %dma_start3A_90 = tpu.memref_slice %arg11[%dma_start3A_75] : memref<8x!tpu.dma_semaphore, #tpu.memory_space<semaphore_mem>> -> memref<1x!tpu.dma_semaphore, #tpu.memory_space<semaphore_mem>>
      %dma_start3A_91 = tpu.memref_squeeze %dma_start3A_90 : memref<1x!tpu.dma_semaphore, #tpu.memory_space<semaphore_mem>> -> memref<!tpu.dma_semaphore, #tpu.memory_space<semaphore_mem>>
      tpu.enqueue_indirect_dma source(%dma_start3A_89 : memref<102400x16xf32, #tpu.memory_space<hbm>>) target(%dma_start3A_79 : memref<128x16xf32, #tpu.memory_space<vmem>>) offsets(%dma_start3A_82 : memref<128xi32, #tpu.memory_space<vmem>>) semaphore(%dma_start3A_91 : memref<!tpu.dma_semaphore, #tpu.memory_space<semaphore_mem>>)
      %dma_start3A_92 = arith.constant 4 : i32
      %dma_start3A_93 = arith.constant 4 : i32
      %dma_start3A_94 = arith.constant 4 : i32
      %dma_start3A_95 = arith.constant 0 : i32
      %dma_start3A_96 = arith.constant 0 : i32
      %dma_start3A_97 = tpu.memref_slice %arg9[%dma_start3A_93, %dma_start3A_95, %dma_start3A_96] : memref<8x128x16xf32, #tpu.memory_space<vmem>> -> memref<1x128x16xf32, #tpu.memory_space<vmem>>
      %dma_start3A_98 = tpu.memref_squeeze %dma_start3A_97 : memref<1x128x16xf32, #tpu.memory_space<vmem>> -> memref<128x16xf32, #tpu.memory_space<vmem>>
      %dma_start3A_99 = arith.constant 0 : i32
      %dma_start3A_100 = tpu.memref_slice %arg7[%dma_start3A_92, %dma_start3A_99] : memref<28x128xi32, #tpu.memory_space<vmem>> -> memref<1x128xi32, #tpu.memory_space<vmem>>
      %dma_start3A_101 = tpu.memref_squeeze %dma_start3A_100 : memref<1x128xi32, #tpu.memory_space<vmem>> -> memref<128xi32, #tpu.memory_space<vmem>>
      %dma_start3A_102 = arith.constant 0 : i32
      %dma_start3A_103 = arith.constant 0 : i32
      %dma_start3A_104 = tpu.memref_slice %arg2[%arg0, %dma_start3A_102, %dma_start3A_103] : memref<2x102400x16xf32, #tpu.memory_space<hbm>> -> memref<1x102400x16xf32, #tpu.memory_space<hbm>>
      %dma_start3A_105 = tpu.memref_squeeze %dma_start3A_104 : memref<1x102400x16xf32, #tpu.memory_space<hbm>> -> memref<102400x16xf32, #tpu.memory_space<hbm>>
      %dma_start3A_106 = arith.constant 0 : i32
      %dma_start3A_107 = arith.constant 0 : i32
      %dma_start3A_108 = tpu.memref_slice %dma_start3A_105[%dma_start3A_106, %dma_start3A_107] : memref<102400x16xf32, #tpu.memory_space<hbm>> -> memref<102400x16xf32, #tpu.memory_space<hbm>>
      %dma_start3A_109 = tpu.memref_slice %arg11[%dma_start3A_94] : memref<8x!tpu.dma_semaphore, #tpu.memory_space<semaphore_mem>> -> memref<1x!tpu.dma_semaphore, #tpu.memory_space<semaphore_mem>>
      %dma_start3A_110 = tpu.memref_squeeze %dma_start3A_109 : memref<1x!tpu.dma_semaphore, #tpu.memory_space<semaphore_mem>> -> memref<!tpu.dma_semaphore, #tpu.memory_space<semaphore_mem>>
      tpu.enqueue_indirect_dma source(%dma_start3A_108 : memref<102400x16xf32, #tpu.memory_space<hbm>>) target(%dma_start3A_98 : memref<128x16xf32, #tpu.memory_space<vmem>>) offsets(%dma_start3A_101 : memref<128xi32, #tpu.memory_space<vmem>>) semaphore(%dma_start3A_110 : memref<!tpu.dma_semaphore, #tpu.memory_space<semaphore_mem>>)
      %dma_start3A_111 = arith.constant 5 : i32
      %dma_start3A_112 = arith.constant 5 : i32
      %dma_start3A_113 = arith.constant 5 : i32
      %dma_start3A_114 = arith.constant 0 : i32
      %dma_start3A_115 = arith.constant 0 : i32
      %dma_start3A_116 = tpu.memref_slice %arg9[%dma_start3A_112, %dma_start3A_114, %dma_start3A_115] : memref<8x128x16xf32, #tpu.memory_space<vmem>> -> memref<1x128x16xf32, #tpu.memory_space<vmem>>
      %dma_start3A_117 = tpu.memref_squeeze %dma_start3A_116 : memref<1x128x16xf32, #tpu.memory_space<vmem>> -> memref<128x16xf32, #tpu.memory_space<vmem>>
      %dma_start3A_118 = arith.constant 0 : i32
      %dma_start3A_119 = tpu.memref_slice %arg7[%dma_start3A_111, %dma_start3A_118] : memref<28x128xi32, #tpu.memory_space<vmem>> -> memref<1x128xi32, #tpu.memory_space<vmem>>
      %dma_start3A_120 = tpu.memref_squeeze %dma_start3A_119 : memref<1x128xi32, #tpu.memory_space<vmem>> -> memref<128xi32, #tpu.memory_space<vmem>>
      %dma_start3A_121 = arith.constant 0 : i32
      %dma_start3A_122 = arith.constant 0 : i32
      %dma_start3A_123 = tpu.memref_slice %arg2[%arg0, %dma_start3A_121, %dma_start3A_122] : memref<2x102400x16xf32, #tpu.memory_space<hbm>> -> memref<1x102400x16xf32, #tpu.memory_space<hbm>>
      %dma_start3A_124 = tpu.memref_squeeze %dma_start3A_123 : memref<1x102400x16xf32, #tpu.memory_space<hbm>> -> memref<102400x16xf32, #tpu.memory_space<hbm>>
      %dma_start3A_125 = arith.constant 0 : i32
      %dma_start3A_126 = arith.constant 0 : i32
      %dma_start3A_127 = tpu.memref_slice %dma_start3A_124[%dma_start3A_125, %dma_start3A_126] : memref<102400x16xf32, #tpu.memory_space<hbm>> -> memref<102400x16xf32, #tpu.memory_space<hbm>>
      %dma_start3A_128 = tpu.memref_slice %arg11[%dma_start3A_113] : memref<8x!tpu.dma_semaphore, #tpu.memory_space<semaphore_mem>> -> memref<1x!tpu.dma_semaphore, #tpu.memory_space<semaphore_mem>>
      %dma_start3A_129 = tpu.memref_squeeze %dma_start3A_128 : memref<1x!tpu.dma_semaphore, #tpu.memory_space<semaphore_mem>> -> memref<!tpu.dma_semaphore, #tpu.memory_space<semaphore_mem>>
      tpu.enqueue_indirect_dma source(%dma_start3A_127 : memref<102400x16xf32, #tpu.memory_space<hbm>>) target(%dma_start3A_117 : memref<128x16xf32, #tpu.memory_space<vmem>>) offsets(%dma_start3A_120 : memref<128xi32, #tpu.memory_space<vmem>>) semaphore(%dma_start3A_129 : memref<!tpu.dma_semaphore, #tpu.memory_space<semaphore_mem>>)
      %dma_start3A_130 = arith.constant 6 : i32
      %dma_start3A_131 = arith.constant 6 : i32
      %dma_start3A_132 = arith.constant 6 : i32
      %dma_start3A_133 = arith.constant 0 : i32
      %dma_start3A_134 = arith.constant 0 : i32
      %dma_start3A_135 = tpu.memref_slice %arg9[%dma_start3A_131, %dma_start3A_133, %dma_start3A_134] : memref<8x128x16xf32, #tpu.memory_space<vmem>> -> memref<1x128x16xf32, #tpu.memory_space<vmem>>
      %dma_start3A_136 = tpu.memref_squeeze %dma_start3A_135 : memref<1x128x16xf32, #tpu.memory_space<vmem>> -> memref<128x16xf32, #tpu.memory_space<vmem>>
      %dma_start3A_137 = arith.constant 0 : i32
      %dma_start3A_138 = tpu.memref_slice %arg7[%dma_start3A_130, %dma_start3A_137] : memref<28x128xi32, #tpu.memory_space<vmem>> -> memref<1x128xi32, #tpu.memory_space<vmem>>
      %dma_start3A_139 = tpu.memref_squeeze %dma_start3A_138 : memref<1x128xi32, #tpu.memory_space<vmem>> -> memref<128xi32, #tpu.memory_space<vmem>>
      %dma_start3A_140 = arith.constant 0 : i32
      %dma_start3A_141 = arith.constant 0 : i32
      %dma_start3A_142 = tpu.memref_slice %arg2[%arg0, %dma_start3A_140, %dma_start3A_141] : memref<2x102400x16xf32, #tpu.memory_space<hbm>> -> memref<1x102400x16xf32, #tpu.memory_space<hbm>>
      %dma_start3A_143 = tpu.memref_squeeze %dma_start3A_142 : memref<1x102400x16xf32, #tpu.memory_space<hbm>> -> memref<102400x16xf32, #tpu.memory_space<hbm>>
      %dma_start3A_144 = arith.constant 0 : i32
      %dma_start3A_145 = arith.constant 0 : i32
      %dma_start3A_146 = tpu.memref_slice %dma_start3A_143[%dma_start3A_144, %dma_start3A_145] : memref<102400x16xf32, #tpu.memory_space<hbm>> -> memref<102400x16xf32, #tpu.memory_space<hbm>>
      %dma_start3A_147 = tpu.memref_slice %arg11[%dma_start3A_132] : memref<8x!tpu.dma_semaphore, #tpu.memory_space<semaphore_mem>> -> memref<1x!tpu.dma_semaphore, #tpu.memory_space<semaphore_mem>>
      %dma_start3A_148 = tpu.memref_squeeze %dma_start3A_147 : memref<1x!tpu.dma_semaphore, #tpu.memory_space<semaphore_mem>> -> memref<!tpu.dma_semaphore, #tpu.memory_space<semaphore_mem>>
      tpu.enqueue_indirect_dma source(%dma_start3A_146 : memref<102400x16xf32, #tpu.memory_space<hbm>>) target(%dma_start3A_136 : memref<128x16xf32, #tpu.memory_space<vmem>>) offsets(%dma_start3A_139 : memref<128xi32, #tpu.memory_space<vmem>>) semaphore(%dma_start3A_148 : memref<!tpu.dma_semaphore, #tpu.memory_space<semaphore_mem>>)
      %scan3A_149 = arith.constant 0 : i32
      %scan3A_150 = arith.constant 28 : i32
      %scan3A_151 = arith.addi %scan3A_149, %scan3A_150 : i32
      %scan3A_152 = arith.constant 1 : i32
      scf.for %scan3A_273 = %scan3A_149 to %scan3A_151 step %scan3A_152  : i32 {
        %mul3A_274 = arith.constant 1 : i32
        %mul3A_275 = arith.muli %scan3A_273, %mul3A_274 : i32
        %add3A_276 = arith.constant 0 : i32
        %add3A_277 = arith.addi %add3A_276, %mul3A_275 : i32
        %rem3A = arith.constant 8 : i32
        %rem3A_278 = arith.remsi %add3A_277, %rem3A : i32
        %dma_wait3A_279 = arith.constant 0 : i32
        %dma_wait3A_280 = arith.constant 0 : i32
        %dma_wait3A_281 = tpu.memref_slice %arg9[%rem3A_278, %dma_wait3A_279, %dma_wait3A_280] : memref<8x128x16xf32, #tpu.memory_space<vmem>> -> memref<1x128x16xf32, #tpu.memory_space<vmem>>
        %dma_wait3A_282 = tpu.memref_squeeze %dma_wait3A_281 : memref<1x128x16xf32, #tpu.memory_space<vmem>> -> memref<128x16xf32, #tpu.memory_space<vmem>>
        %dma_wait3A_283 = arith.constant 0 : i32
        %dma_wait3A_284 = tpu.memref_slice %arg7[%add3A_277, %dma_wait3A_283] : memref<28x128xi32, #tpu.memory_space<vmem>> -> memref<1x128xi32, #tpu.memory_space<vmem>>
        %dma_wait3A_285 = tpu.memref_squeeze %dma_wait3A_284 : memref<1x128xi32, #tpu.memory_space<vmem>> -> memref<128xi32, #tpu.memory_space<vmem>>
        %dma_wait3A_286 = arith.constant 0 : i32
        %dma_wait3A_287 = arith.constant 0 : i32
        %dma_wait3A_288 = tpu.memref_slice %arg2[%arg0, %dma_wait3A_286, %dma_wait3A_287] : memref<2x102400x16xf32, #tpu.memory_space<hbm>> -> memref<1x102400x16xf32, #tpu.memory_space<hbm>>
        %dma_wait3A_289 = tpu.memref_squeeze %dma_wait3A_288 : memref<1x102400x16xf32, #tpu.memory_space<hbm>> -> memref<102400x16xf32, #tpu.memory_space<hbm>>
        %dma_wait3A_290 = arith.constant 0 : i32
        %dma_wait3A_291 = arith.constant 0 : i32
        %dma_wait3A_292 = tpu.memref_slice %dma_wait3A_289[%dma_wait3A_290, %dma_wait3A_291] : memref<102400x16xf32, #tpu.memory_space<hbm>> -> memref<102400x16xf32, #tpu.memory_space<hbm>>
        %dma_wait3A_293 = tpu.memref_slice %arg11[%rem3A_278] : memref<8x!tpu.dma_semaphore, #tpu.memory_space<semaphore_mem>> -> memref<1x!tpu.dma_semaphore, #tpu.memory_space<semaphore_mem>>
        %dma_wait3A_294 = tpu.memref_squeeze %dma_wait3A_293 : memref<1x!tpu.dma_semaphore, #tpu.memory_space<semaphore_mem>> -> memref<!tpu.dma_semaphore, #tpu.memory_space<semaphore_mem>>
        tpu.wait_indirect_dma semaphore(%dma_wait3A_294 : memref<!tpu.dma_semaphore, #tpu.memory_space<semaphore_mem>>) src(%dma_wait3A_292 : memref<102400x16xf32, #tpu.memory_space<hbm>>) dst(%dma_wait3A_282 : memref<128x16xf32, #tpu.memory_space<vmem>>)
        %dma_start3A_295 = arith.constant 0 : i32
        %dma_start3A_296 = arith.constant 0 : i32
        %dma_start3A_297 = tpu.memref_slice %arg9[%rem3A_278, %dma_start3A_295, %dma_start3A_296] : memref<8x128x16xf32, #tpu.memory_space<vmem>> -> memref<1x128x16xf32, #tpu.memory_space<vmem>>
        %dma_start3A_298 = tpu.memref_squeeze %dma_start3A_297 : memref<1x128x16xf32, #tpu.memory_space<vmem>> -> memref<128x16xf32, #tpu.memory_space<vmem>>
        %dma_start3A_299 = arith.constant 0 : i32
        %dma_start3A_300 = tpu.memref_slice %arg8[%add3A_277, %dma_start3A_299] : memref<28x128xi32, #tpu.memory_space<vmem>> -> memref<1x128xi32, #tpu.memory_space<vmem>>
        %dma_start3A_301 = tpu.memref_squeeze %dma_start3A_300 : memref<1x128xi32, #tpu.memory_space<vmem>> -> memref<128xi32, #tpu.memory_space<vmem>>
        %dma_start3A_302 = arith.constant 0 : i32
        %dma_start3A_303 = arith.constant 0 : i32
        %dma_start3A_304 = tpu.memref_slice %arg10[%dma_start3A_302, %dma_start3A_303] : memref<102464x16xf32, #tpu.memory_space<vmem_shared>> -> memref<102464x16xf32, #tpu.memory_space<vmem_shared>>
        %dma_start3A_305 = tpu.memref_slice %arg12[%rem3A_278] : memref<8x!tpu.dma_semaphore, #tpu.memory_space<semaphore_mem>> -> memref<1x!tpu.dma_semaphore, #tpu.memory_space<semaphore_mem>>
        %dma_start3A_306 = tpu.memref_squeeze %dma_start3A_305 : memref<1x!tpu.dma_semaphore, #tpu.memory_space<semaphore_mem>> -> memref<!tpu.dma_semaphore, #tpu.memory_space<semaphore_mem>>
        tpu.enqueue_indirect_dma source(%dma_start3A_298 : memref<128x16xf32, #tpu.memory_space<vmem>>) target(%dma_start3A_304 : memref<102464x16xf32, #tpu.memory_space<vmem_shared>>) offsets(%dma_start3A_301 : memref<128xi32, #tpu.memory_space<vmem>>) semaphore(%dma_start3A_306 : memref<!tpu.dma_semaphore, #tpu.memory_space<semaphore_mem>>) {add = true}
        %lt3A = arith.constant 21 : i32
        %lt3A_307 = arith.cmpi slt, %add3A_277, %lt3A : i32
        %convert_element_type3A = arith.extui %lt3A_307 : i1 to i32
        %cond3A = arith.constant 0 : i32
        %cond3A_308 = arith.cmpi ne, %convert_element_type3A, %cond3A : i32
        scf.if %cond3A_308 {
          %add3A_309 = arith.constant 8 : i32
          %add3A_310 = arith.addi %add3A_277, %add3A_309 : i32
          %sub3A = arith.constant 1 : i32
          %sub3A_311 = arith.subi %add3A_310, %sub3A : i32
          %rem3A_312 = arith.constant 8 : i32
          %rem3A_313 = arith.remsi %sub3A_311, %rem3A_312 : i32
          %ge3A = arith.constant 1 : i32
          %ge3A_314 = arith.cmpi sge, %add3A_277, %ge3A : i32
          %convert_element_type3A_315 = arith.extui %ge3A_314 : i1 to i32
          %cond3A_316 = arith.constant 0 : i32
          %cond3A_317 = arith.cmpi ne, %convert_element_type3A_315, %cond3A_316 : i32
          scf.if %cond3A_317 {
            %sub3A_338 = arith.constant 1 : i32
            %sub3A_339 = arith.subi %add3A_277, %sub3A_338 : i32
            %dma_wait3A_340 = arith.constant 0 : i32
            %dma_wait3A_341 = arith.constant 0 : i32
            %dma_wait3A_342 = tpu.memref_slice %arg9[%rem3A_313, %dma_wait3A_340, %dma_wait3A_341] : memref<8x128x16xf32, #tpu.memory_space<vmem>> -> memref<1x128x16xf32, #tpu.memory_space<vmem>>
            %dma_wait3A_343 = tpu.memref_squeeze %dma_wait3A_342 : memref<1x128x16xf32, #tpu.memory_space<vmem>> -> memref<128x16xf32, #tpu.memory_space<vmem>>
            %dma_wait3A_344 = arith.constant 0 : i32
            %dma_wait3A_345 = tpu.memref_slice %arg8[%sub3A_339, %dma_wait3A_344] : memref<28x128xi32, #tpu.memory_space<vmem>> -> memref<1x128xi32, #tpu.memory_space<vmem>>
            %dma_wait3A_346 = tpu.memref_squeeze %dma_wait3A_345 : memref<1x128xi32, #tpu.memory_space<vmem>> -> memref<128xi32, #tpu.memory_space<vmem>>
            %dma_wait3A_347 = arith.constant 0 : i32
            %dma_wait3A_348 = arith.constant 0 : i32
            %dma_wait3A_349 = tpu.memref_slice %arg10[%dma_wait3A_347, %dma_wait3A_348] : memref<102464x16xf32, #tpu.memory_space<vmem_shared>> -> memref<102464x16xf32, #tpu.memory_space<vmem_shared>>
            %dma_wait3A_350 = tpu.memref_slice %arg12[%rem3A_313] : memref<8x!tpu.dma_semaphore, #tpu.memory_space<semaphore_mem>> -> memref<1x!tpu.dma_semaphore, #tpu.memory_space<semaphore_mem>>
            %dma_wait3A_351 = tpu.memref_squeeze %dma_wait3A_350 : memref<1x!tpu.dma_semaphore, #tpu.memory_space<semaphore_mem>> -> memref<!tpu.dma_semaphore, #tpu.memory_space<semaphore_mem>>
            tpu.wait_indirect_dma semaphore(%dma_wait3A_351 : memref<!tpu.dma_semaphore, #tpu.memory_space<semaphore_mem>>) src(%dma_wait3A_343 : memref<128x16xf32, #tpu.memory_space<vmem>>) dst(%dma_wait3A_349 : memref<102464x16xf32, #tpu.memory_space<vmem_shared>>)
          } else {
          }
          %add3A_318 = arith.constant 8 : i32
          %add3A_319 = arith.addi %add3A_277, %add3A_318 : i32
          %sub3A_320 = arith.constant 1 : i32
          %sub3A_321 = arith.subi %add3A_319, %sub3A_320 : i32
          %dma_start3A_322 = arith.constant 0 : i32
          %dma_start3A_323 = arith.constant 0 : i32
          %dma_start3A_324 = tpu.memref_slice %arg9[%rem3A_313, %dma_start3A_322, %dma_start3A_323] : memref<8x128x16xf32, #tpu.memory_space<vmem>> -> memref<1x128x16xf32, #tpu.memory_space<vmem>>
          %dma_start3A_325 = tpu.memref_squeeze %dma_start3A_324 : memref<1x128x16xf32, #tpu.memory_space<vmem>> -> memref<128x16xf32, #tpu.memory_space<vmem>>
          %dma_start3A_326 = arith.constant 0 : i32
          %dma_start3A_327 = tpu.memref_slice %arg7[%sub3A_321, %dma_start3A_326] : memref<28x128xi32, #tpu.memory_space<vmem>> -> memref<1x128xi32, #tpu.memory_space<vmem>>
          %dma_start3A_328 = tpu.memref_squeeze %dma_start3A_327 : memref<1x128xi32, #tpu.memory_space<vmem>> -> memref<128xi32, #tpu.memory_space<vmem>>
          %dma_start3A_329 = arith.constant 0 : i32
          %dma_start3A_330 = arith.constant 0 : i32
          %dma_start3A_331 = tpu.memref_slice %arg2[%arg0, %dma_start3A_329, %dma_start3A_330] : memref<2x102400x16xf32, #tpu.memory_space<hbm>> -> memref<1x102400x16xf32, #tpu.memory_space<hbm>>
          %dma_start3A_332 = tpu.memref_squeeze %dma_start3A_331 : memref<1x102400x16xf32, #tpu.memory_space<hbm>> -> memref<102400x16xf32, #tpu.memory_space<hbm>>
          %dma_start3A_333 = arith.constant 0 : i32
          %dma_start3A_334 = arith.constant 0 : i32
          %dma_start3A_335 = tpu.memref_slice %dma_start3A_332[%dma_start3A_333, %dma_start3A_334] : memref<102400x16xf32, #tpu.memory_space<hbm>> -> memref<102400x16xf32, #tpu.memory_space<hbm>>
          %dma_start3A_336 = tpu.memref_slice %arg11[%rem3A_313] : memref<8x!tpu.dma_semaphore, #tpu.memory_space<semaphore_mem>> -> memref<1x!tpu.dma_semaphore, #tpu.memory_space<semaphore_mem>>
          %dma_start3A_337 = tpu.memref_squeeze %dma_start3A_336 : memref<1x!tpu.dma_semaphore, #tpu.memory_space<semaphore_mem>> -> memref<!tpu.dma_semaphore, #tpu.memory_space<semaphore_mem>>
          tpu.enqueue_indirect_dma source(%dma_start3A_335 : memref<102400x16xf32, #tpu.memory_space<hbm>>) target(%dma_start3A_325 : memref<128x16xf32, #tpu.memory_space<vmem>>) offsets(%dma_start3A_328 : memref<128xi32, #tpu.memory_space<vmem>>) semaphore(%dma_start3A_337 : memref<!tpu.dma_semaphore, #tpu.memory_space<semaphore_mem>>)
        } else {
        }
      }
      %scan3A_153 = arith.constant 28 : i32
      %dma_wait3A = arith.constant 4 : i32
      %dma_wait3A_154 = arith.constant 20 : i32
      %dma_wait3A_155 = arith.constant 4 : i32
      %dma_wait3A_156 = arith.constant 0 : i32
      %dma_wait3A_157 = arith.constant 0 : i32
      %dma_wait3A_158 = tpu.memref_slice %arg9[%dma_wait3A, %dma_wait3A_156, %dma_wait3A_157] : memref<8x128x16xf32, #tpu.memory_space<vmem>> -> memref<1x128x16xf32, #tpu.memory_space<vmem>>
      %dma_wait3A_159 = tpu.memref_squeeze %dma_wait3A_158 : memref<1x128x16xf32, #tpu.memory_space<vmem>> -> memref<128x16xf32, #tpu.memory_space<vmem>>
      %dma_wait3A_160 = arith.constant 0 : i32
      %dma_wait3A_161 = tpu.memref_slice %arg8[%dma_wait3A_154, %dma_wait3A_160] : memref<28x128xi32, #tpu.memory_space<vmem>> -> memref<1x128xi32, #tpu.memory_space<vmem>>
      %dma_wait3A_162 = tpu.memref_squeeze %dma_wait3A_161 : memref<1x128xi32, #tpu.memory_space<vmem>> -> memref<128xi32, #tpu.memory_space<vmem>>
      %dma_wait3A_163 = arith.constant 0 : i32
      %dma_wait3A_164 = arith.constant 0 : i32
      %dma_wait3A_165 = tpu.memref_slice %arg10[%dma_wait3A_163, %dma_wait3A_164] : memref<102464x16xf32, #tpu.memory_space<vmem_shared>> -> memref<102464x16xf32, #tpu.memory_space<vmem_shared>>
      %dma_wait3A_166 = tpu.memref_slice %arg12[%dma_wait3A_155] : memref<8x!tpu.dma_semaphore, #tpu.memory_space<semaphore_mem>> -> memref<1x!tpu.dma_semaphore, #tpu.memory_space<semaphore_mem>>
      %dma_wait3A_167 = tpu.memref_squeeze %dma_wait3A_166 : memref<1x!tpu.dma_semaphore, #tpu.memory_space<semaphore_mem>> -> memref<!tpu.dma_semaphore, #tpu.memory_space<semaphore_mem>>
      tpu.wait_indirect_dma semaphore(%dma_wait3A_167 : memref<!tpu.dma_semaphore, #tpu.memory_space<semaphore_mem>>) src(%dma_wait3A_159 : memref<128x16xf32, #tpu.memory_space<vmem>>) dst(%dma_wait3A_165 : memref<102464x16xf32, #tpu.memory_space<vmem_shared>>)
      %dma_wait3A_168 = arith.constant 5 : i32
      %dma_wait3A_169 = arith.constant 21 : i32
      %dma_wait3A_170 = arith.constant 5 : i32
      %dma_wait3A_171 = arith.constant 0 : i32
      %dma_wait3A_172 = arith.constant 0 : i32
      %dma_wait3A_173 = tpu.memref_slice %arg9[%dma_wait3A_168, %dma_wait3A_171, %dma_wait3A_172] : memref<8x128x16xf32, #tpu.memory_space<vmem>> -> memref<1x128x16xf32, #tpu.memory_space<vmem>>
      %dma_wait3A_174 = tpu.memref_squeeze %dma_wait3A_173 : memref<1x128x16xf32, #tpu.memory_space<vmem>> -> memref<128x16xf32, #tpu.memory_space<vmem>>
      %dma_wait3A_175 = arith.constant 0 : i32
      %dma_wait3A_176 = tpu.memref_slice %arg8[%dma_wait3A_169, %dma_wait3A_175] : memref<28x128xi32, #tpu.memory_space<vmem>> -> memref<1x128xi32, #tpu.memory_space<vmem>>
      %dma_wait3A_177 = tpu.memref_squeeze %dma_wait3A_176 : memref<1x128xi32, #tpu.memory_space<vmem>> -> memref<128xi32, #tpu.memory_space<vmem>>
      %dma_wait3A_178 = arith.constant 0 : i32
      %dma_wait3A_179 = arith.constant 0 : i32
      %dma_wait3A_180 = tpu.memref_slice %arg10[%dma_wait3A_178, %dma_wait3A_179] : memref<102464x16xf32, #tpu.memory_space<vmem_shared>> -> memref<102464x16xf32, #tpu.memory_space<vmem_shared>>
      %dma_wait3A_181 = tpu.memref_slice %arg12[%dma_wait3A_170] : memref<8x!tpu.dma_semaphore, #tpu.memory_space<semaphore_mem>> -> memref<1x!tpu.dma_semaphore, #tpu.memory_space<semaphore_mem>>
      %dma_wait3A_182 = tpu.memref_squeeze %dma_wait3A_181 : memref<1x!tpu.dma_semaphore, #tpu.memory_space<semaphore_mem>> -> memref<!tpu.dma_semaphore, #tpu.memory_space<semaphore_mem>>
      tpu.wait_indirect_dma semaphore(%dma_wait3A_182 : memref<!tpu.dma_semaphore, #tpu.memory_space<semaphore_mem>>) src(%dma_wait3A_174 : memref<128x16xf32, #tpu.memory_space<vmem>>) dst(%dma_wait3A_180 : memref<102464x16xf32, #tpu.memory_space<vmem_shared>>)
      %dma_wait3A_183 = arith.constant 6 : i32
      %dma_wait3A_184 = arith.constant 22 : i32
      %dma_wait3A_185 = arith.constant 6 : i32
      %dma_wait3A_186 = arith.constant 0 : i32
      %dma_wait3A_187 = arith.constant 0 : i32
      %dma_wait3A_188 = tpu.memref_slice %arg9[%dma_wait3A_183, %dma_wait3A_186, %dma_wait3A_187] : memref<8x128x16xf32, #tpu.memory_space<vmem>> -> memref<1x128x16xf32, #tpu.memory_space<vmem>>
      %dma_wait3A_189 = tpu.memref_squeeze %dma_wait3A_188 : memref<1x128x16xf32, #tpu.memory_space<vmem>> -> memref<128x16xf32, #tpu.memory_space<vmem>>
      %dma_wait3A_190 = arith.constant 0 : i32
      %dma_wait3A_191 = tpu.memref_slice %arg8[%dma_wait3A_184, %dma_wait3A_190] : memref<28x128xi32, #tpu.memory_space<vmem>> -> memref<1x128xi32, #tpu.memory_space<vmem>>
      %dma_wait3A_192 = tpu.memref_squeeze %dma_wait3A_191 : memref<1x128xi32, #tpu.memory_space<vmem>> -> memref<128xi32, #tpu.memory_space<vmem>>
      %dma_wait3A_193 = arith.constant 0 : i32
      %dma_wait3A_194 = arith.constant 0 : i32
      %dma_wait3A_195 = tpu.memref_slice %arg10[%dma_wait3A_193, %dma_wait3A_194] : memref<102464x16xf32, #tpu.memory_space<vmem_shared>> -> memref<102464x16xf32, #tpu.memory_space<vmem_shared>>
      %dma_wait3A_196 = tpu.memref_slice %arg12[%dma_wait3A_185] : memref<8x!tpu.dma_semaphore, #tpu.memory_space<semaphore_mem>> -> memref<1x!tpu.dma_semaphore, #tpu.memory_space<semaphore_mem>>
      %dma_wait3A_197 = tpu.memref_squeeze %dma_wait3A_196 : memref<1x!tpu.dma_semaphore, #tpu.memory_space<semaphore_mem>> -> memref<!tpu.dma_semaphore, #tpu.memory_space<semaphore_mem>>
      tpu.wait_indirect_dma semaphore(%dma_wait3A_197 : memref<!tpu.dma_semaphore, #tpu.memory_space<semaphore_mem>>) src(%dma_wait3A_189 : memref<128x16xf32, #tpu.memory_space<vmem>>) dst(%dma_wait3A_195 : memref<102464x16xf32, #tpu.memory_space<vmem_shared>>)
      %dma_wait3A_198 = arith.constant 7 : i32
      %dma_wait3A_199 = arith.constant 23 : i32
      %dma_wait3A_200 = arith.constant 7 : i32
      %dma_wait3A_201 = arith.constant 0 : i32
      %dma_wait3A_202 = arith.constant 0 : i32
      %dma_wait3A_203 = tpu.memref_slice %arg9[%dma_wait3A_198, %dma_wait3A_201, %dma_wait3A_202] : memref<8x128x16xf32, #tpu.memory_space<vmem>> -> memref<1x128x16xf32, #tpu.memory_space<vmem>>
      %dma_wait3A_204 = tpu.memref_squeeze %dma_wait3A_203 : memref<1x128x16xf32, #tpu.memory_space<vmem>> -> memref<128x16xf32, #tpu.memory_space<vmem>>
      %dma_wait3A_205 = arith.constant 0 : i32
      %dma_wait3A_206 = tpu.memref_slice %arg8[%dma_wait3A_199, %dma_wait3A_205] : memref<28x128xi32, #tpu.memory_space<vmem>> -> memref<1x128xi32, #tpu.memory_space<vmem>>
      %dma_wait3A_207 = tpu.memref_squeeze %dma_wait3A_206 : memref<1x128xi32, #tpu.memory_space<vmem>> -> memref<128xi32, #tpu.memory_space<vmem>>
      %dma_wait3A_208 = arith.constant 0 : i32
      %dma_wait3A_209 = arith.constant 0 : i32
      %dma_wait3A_210 = tpu.memref_slice %arg10[%dma_wait3A_208, %dma_wait3A_209] : memref<102464x16xf32, #tpu.memory_space<vmem_shared>> -> memref<102464x16xf32, #tpu.memory_space<vmem_shared>>
      %dma_wait3A_211 = tpu.memref_slice %arg12[%dma_wait3A_200] : memref<8x!tpu.dma_semaphore, #tpu.memory_space<semaphore_mem>> -> memref<1x!tpu.dma_semaphore, #tpu.memory_space<semaphore_mem>>
      %dma_wait3A_212 = tpu.memref_squeeze %dma_wait3A_211 : memref<1x!tpu.dma_semaphore, #tpu.memory_space<semaphore_mem>> -> memref<!tpu.dma_semaphore, #tpu.memory_space<semaphore_mem>>
      tpu.wait_indirect_dma semaphore(%dma_wait3A_212 : memref<!tpu.dma_semaphore, #tpu.memory_space<semaphore_mem>>) src(%dma_wait3A_204 : memref<128x16xf32, #tpu.memory_space<vmem>>) dst(%dma_wait3A_210 : memref<102464x16xf32, #tpu.memory_space<vmem_shared>>)
      %dma_wait3A_213 = arith.constant 0 : i32
      %dma_wait3A_214 = arith.constant 24 : i32
      %dma_wait3A_215 = arith.constant 0 : i32
      %dma_wait3A_216 = arith.constant 0 : i32
      %dma_wait3A_217 = arith.constant 0 : i32
      %dma_wait3A_218 = tpu.memref_slice %arg9[%dma_wait3A_213, %dma_wait3A_216, %dma_wait3A_217] : memref<8x128x16xf32, #tpu.memory_space<vmem>> -> memref<1x128x16xf32, #tpu.memory_space<vmem>>
      %dma_wait3A_219 = tpu.memref_squeeze %dma_wait3A_218 : memref<1x128x16xf32, #tpu.memory_space<vmem>> -> memref<128x16xf32, #tpu.memory_space<vmem>>
      %dma_wait3A_220 = arith.constant 0 : i32
      %dma_wait3A_221 = tpu.memref_slice %arg8[%dma_wait3A_214, %dma_wait3A_220] : memref<28x128xi32, #tpu.memory_space<vmem>> -> memref<1x128xi32, #tpu.memory_space<vmem>>
      %dma_wait3A_222 = tpu.memref_squeeze %dma_wait3A_221 : memref<1x128xi32, #tpu.memory_space<vmem>> -> memref<128xi32, #tpu.memory_space<vmem>>
      %dma_wait3A_223 = arith.constant 0 : i32
      %dma_wait3A_224 = arith.constant 0 : i32
      %dma_wait3A_225 = tpu.memref_slice %arg10[%dma_wait3A_223, %dma_wait3A_224] : memref<102464x16xf32, #tpu.memory_space<vmem_shared>> -> memref<102464x16xf32, #tpu.memory_space<vmem_shared>>
      %dma_wait3A_226 = tpu.memref_slice %arg12[%dma_wait3A_215] : memref<8x!tpu.dma_semaphore, #tpu.memory_space<semaphore_mem>> -> memref<1x!tpu.dma_semaphore, #tpu.memory_space<semaphore_mem>>
      %dma_wait3A_227 = tpu.memref_squeeze %dma_wait3A_226 : memref<1x!tpu.dma_semaphore, #tpu.memory_space<semaphore_mem>> -> memref<!tpu.dma_semaphore, #tpu.memory_space<semaphore_mem>>
      tpu.wait_indirect_dma semaphore(%dma_wait3A_227 : memref<!tpu.dma_semaphore, #tpu.memory_space<semaphore_mem>>) src(%dma_wait3A_219 : memref<128x16xf32, #tpu.memory_space<vmem>>) dst(%dma_wait3A_225 : memref<102464x16xf32, #tpu.memory_space<vmem_shared>>)
      %dma_wait3A_228 = arith.constant 1 : i32
      %dma_wait3A_229 = arith.constant 25 : i32
      %dma_wait3A_230 = arith.constant 1 : i32
      %dma_wait3A_231 = arith.constant 0 : i32
      %dma_wait3A_232 = arith.constant 0 : i32
      %dma_wait3A_233 = tpu.memref_slice %arg9[%dma_wait3A_228, %dma_wait3A_231, %dma_wait3A_232] : memref<8x128x16xf32, #tpu.memory_space<vmem>> -> memref<1x128x16xf32, #tpu.memory_space<vmem>>
      %dma_wait3A_234 = tpu.memref_squeeze %dma_wait3A_233 : memref<1x128x16xf32, #tpu.memory_space<vmem>> -> memref<128x16xf32, #tpu.memory_space<vmem>>
      %dma_wait3A_235 = arith.constant 0 : i32
      %dma_wait3A_236 = tpu.memref_slice %arg8[%dma_wait3A_229, %dma_wait3A_235] : memref<28x128xi32, #tpu.memory_space<vmem>> -> memref<1x128xi32, #tpu.memory_space<vmem>>
      %dma_wait3A_237 = tpu.memref_squeeze %dma_wait3A_236 : memref<1x128xi32, #tpu.memory_space<vmem>> -> memref<128xi32, #tpu.memory_space<vmem>>
      %dma_wait3A_238 = arith.constant 0 : i32
      %dma_wait3A_239 = arith.constant 0 : i32
      %dma_wait3A_240 = tpu.memref_slice %arg10[%dma_wait3A_238, %dma_wait3A_239] : memref<102464x16xf32, #tpu.memory_space<vmem_shared>> -> memref<102464x16xf32, #tpu.memory_space<vmem_shared>>
      %dma_wait3A_241 = tpu.memref_slice %arg12[%dma_wait3A_230] : memref<8x!tpu.dma_semaphore, #tpu.memory_space<semaphore_mem>> -> memref<1x!tpu.dma_semaphore, #tpu.memory_space<semaphore_mem>>
      %dma_wait3A_242 = tpu.memref_squeeze %dma_wait3A_241 : memref<1x!tpu.dma_semaphore, #tpu.memory_space<semaphore_mem>> -> memref<!tpu.dma_semaphore, #tpu.memory_space<semaphore_mem>>
      tpu.wait_indirect_dma semaphore(%dma_wait3A_242 : memref<!tpu.dma_semaphore, #tpu.memory_space<semaphore_mem>>) src(%dma_wait3A_234 : memref<128x16xf32, #tpu.memory_space<vmem>>) dst(%dma_wait3A_240 : memref<102464x16xf32, #tpu.memory_space<vmem_shared>>)
      %dma_wait3A_243 = arith.constant 2 : i32
      %dma_wait3A_244 = arith.constant 26 : i32
      %dma_wait3A_245 = arith.constant 2 : i32
      %dma_wait3A_246 = arith.constant 0 : i32
      %dma_wait3A_247 = arith.constant 0 : i32
      %dma_wait3A_248 = tpu.memref_slice %arg9[%dma_wait3A_243, %dma_wait3A_246, %dma_wait3A_247] : memref<8x128x16xf32, #tpu.memory_space<vmem>> -> memref<1x128x16xf32, #tpu.memory_space<vmem>>
      %dma_wait3A_249 = tpu.memref_squeeze %dma_wait3A_248 : memref<1x128x16xf32, #tpu.memory_space<vmem>> -> memref<128x16xf32, #tpu.memory_space<vmem>>
      %dma_wait3A_250 = arith.constant 0 : i32
      %dma_wait3A_251 = tpu.memref_slice %arg8[%dma_wait3A_244, %dma_wait3A_250] : memref<28x128xi32, #tpu.memory_space<vmem>> -> memref<1x128xi32, #tpu.memory_space<vmem>>
      %dma_wait3A_252 = tpu.memref_squeeze %dma_wait3A_251 : memref<1x128xi32, #tpu.memory_space<vmem>> -> memref<128xi32, #tpu.memory_space<vmem>>
      %dma_wait3A_253 = arith.constant 0 : i32
      %dma_wait3A_254 = arith.constant 0 : i32
      %dma_wait3A_255 = tpu.memref_slice %arg10[%dma_wait3A_253, %dma_wait3A_254] : memref<102464x16xf32, #tpu.memory_space<vmem_shared>> -> memref<102464x16xf32, #tpu.memory_space<vmem_shared>>
      %dma_wait3A_256 = tpu.memref_slice %arg12[%dma_wait3A_245] : memref<8x!tpu.dma_semaphore, #tpu.memory_space<semaphore_mem>> -> memref<1x!tpu.dma_semaphore, #tpu.memory_space<semaphore_mem>>
      %dma_wait3A_257 = tpu.memref_squeeze %dma_wait3A_256 : memref<1x!tpu.dma_semaphore, #tpu.memory_space<semaphore_mem>> -> memref<!tpu.dma_semaphore, #tpu.memory_space<semaphore_mem>>
      tpu.wait_indirect_dma semaphore(%dma_wait3A_257 : memref<!tpu.dma_semaphore, #tpu.memory_space<semaphore_mem>>) src(%dma_wait3A_249 : memref<128x16xf32, #tpu.memory_space<vmem>>) dst(%dma_wait3A_255 : memref<102464x16xf32, #tpu.memory_space<vmem_shared>>)
      %dma_wait3A_258 = arith.constant 3 : i32
      %dma_wait3A_259 = arith.constant 27 : i32
      %dma_wait3A_260 = arith.constant 3 : i32
      %dma_wait3A_261 = arith.constant 0 : i32
      %dma_wait3A_262 = arith.constant 0 : i32
      %dma_wait3A_263 = tpu.memref_slice %arg9[%dma_wait3A_258, %dma_wait3A_261, %dma_wait3A_262] : memref<8x128x16xf32, #tpu.memory_space<vmem>> -> memref<1x128x16xf32, #tpu.memory_space<vmem>>
      %dma_wait3A_264 = tpu.memref_squeeze %dma_wait3A_263 : memref<1x128x16xf32, #tpu.memory_space<vmem>> -> memref<128x16xf32, #tpu.memory_space<vmem>>
      %dma_wait3A_265 = arith.constant 0 : i32
      %dma_wait3A_266 = tpu.memref_slice %arg8[%dma_wait3A_259, %dma_wait3A_265] : memref<28x128xi32, #tpu.memory_space<vmem>> -> memref<1x128xi32, #tpu.memory_space<vmem>>
      %dma_wait3A_267 = tpu.memref_squeeze %dma_wait3A_266 : memref<1x128xi32, #tpu.memory_space<vmem>> -> memref<128xi32, #tpu.memory_space<vmem>>
      %dma_wait3A_268 = arith.constant 0 : i32
      %dma_wait3A_269 = arith.constant 0 : i32
      %dma_wait3A_270 = tpu.memref_slice %arg10[%dma_wait3A_268, %dma_wait3A_269] : memref<102464x16xf32, #tpu.memory_space<vmem_shared>> -> memref<102464x16xf32, #tpu.memory_space<vmem_shared>>
      %dma_wait3A_271 = tpu.memref_slice %arg12[%dma_wait3A_260] : memref<8x!tpu.dma_semaphore, #tpu.memory_space<semaphore_mem>> -> memref<1x!tpu.dma_semaphore, #tpu.memory_space<semaphore_mem>>
      %dma_wait3A_272 = tpu.memref_squeeze %dma_wait3A_271 : memref<1x!tpu.dma_semaphore, #tpu.memory_space<semaphore_mem>> -> memref<!tpu.dma_semaphore, #tpu.memory_space<semaphore_mem>>
      tpu.wait_indirect_dma semaphore(%dma_wait3A_272 : memref<!tpu.dma_semaphore, #tpu.memory_space<semaphore_mem>>) src(%dma_wait3A_264 : memref<128x16xf32, #tpu.memory_space<vmem>>) dst(%dma_wait3A_270 : memref<102464x16xf32, #tpu.memory_space<vmem_shared>>)
    }
    %scan3A_4 = arith.constant 28 : i32
    %barrier3A_5 = arith.constant 0 : index
    tpu.barrier barrier_id(%barrier3A_5)
    %mul3A_6 = arith.constant 6400 : i32
    %mul3A_7 = arith.muli %arg1, %mul3A_6 : i32
    "tpu.region"() ({
      %run_scoped3A = tpu.sem_alloc : memref<!tpu.dma_semaphore, #tpu.memory_space<semaphore_mem>>
      %dma_start3A = arith.constant 0 : i32
      %dma_start3A_8 = arith.constant 0 : i32
      %dma_start3A_9 = tpu.memref_slice %arg6[%arg0, %dma_start3A, %dma_start3A_8] : memref<2x102400x16xf32, #tpu.memory_space<hbm>> -> memref<1x102400x16xf32, #tpu.memory_space<hbm>>
      %dma_start3A_10 = tpu.memref_squeeze %dma_start3A_9 : memref<1x102400x16xf32, #tpu.memory_space<hbm>> -> memref<102400x16xf32, #tpu.memory_space<hbm>>
      %dma_start3A_11 = arith.constant 0 : i32
      %dma_start3A_12 = tpu.memref_slice %dma_start3A_10[%mul3A_7, %dma_start3A_11] : memref<102400x16xf32, #tpu.memory_space<hbm>> -> memref<6400x16xf32, #tpu.memory_space<hbm>>
      %dma_start3A_13 = arith.constant 0 : i32
      %dma_start3A_14 = tpu.memref_slice %arg10[%mul3A_7, %dma_start3A_13] : memref<102464x16xf32, #tpu.memory_space<vmem_shared>> -> memref<6400x16xf32, #tpu.memory_space<vmem_shared>>
      tpu.enqueue_dma source(%dma_start3A_14 : memref<6400x16xf32, #tpu.memory_space<vmem_shared>>) target(%dma_start3A_12 : memref<6400x16xf32, #tpu.memory_space<hbm>>) target_semaphore(%run_scoped3A : memref<!tpu.dma_semaphore, #tpu.memory_space<semaphore_mem>>)
      %dma_wait3A = arith.constant 0 : i32
      %dma_wait3A_15 = arith.constant 0 : i32
      %dma_wait3A_16 = tpu.memref_slice %arg6[%arg0, %dma_wait3A, %dma_wait3A_15] : memref<2x102400x16xf32, #tpu.memory_space<hbm>> -> memref<1x102400x16xf32, #tpu.memory_space<hbm>>
      %dma_wait3A_17 = tpu.memref_squeeze %dma_wait3A_16 : memref<1x102400x16xf32, #tpu.memory_space<hbm>> -> memref<102400x16xf32, #tpu.memory_space<hbm>>
      %dma_wait3A_18 = arith.constant 0 : i32
      %dma_wait3A_19 = tpu.memref_slice %dma_wait3A_17[%mul3A_7, %dma_wait3A_18] : memref<102400x16xf32, #tpu.memory_space<hbm>> -> memref<6400x16xf32, #tpu.memory_space<hbm>>
      %dma_wait3A_20 = arith.constant 0 : i32
      %dma_wait3A_21 = tpu.memref_slice %arg10[%mul3A_7, %dma_wait3A_20] : memref<102464x16xf32, #tpu.memory_space<vmem_shared>> -> memref<6400x16xf32, #tpu.memory_space<vmem_shared>>
      tpu.wait_dma2 semaphore(%run_scoped3A : memref<!tpu.dma_semaphore, #tpu.memory_space<semaphore_mem>>) src(%dma_wait3A_21 : memref<6400x16xf32, #tpu.memory_space<vmem_shared>>) dst(%dma_wait3A_19 : memref<6400x16xf32, #tpu.memory_space<hbm>>)
      tpu.yield
    }) : () -> ()
    return
  }
}

#map = affine_map<(d0, d1) -> (0, 0, 0)>
#map1 = affine_map<(d0, d1) -> (0, 0)>
module attributes {stable_mosaic.version = 14 : i64} {
  func.func @_sc_pool_body(%arg0: i32, %arg1: i32, %arg2: memref<2x102400x16xf32, #tpu.memory_space<hbm>>, %arg3: memref<800x128xi32, #tpu.memory_space<hbm>>, %arg4: memref<128x16xf32, #tpu.memory_space<hbm>>, %arg5: memref<2x64x16xf32, #tpu.memory_space<hbm>>, %arg6: memref<50x128xi32, #tpu.memory_space<vmem>>, %arg7: memref<4x128x16xf32, #tpu.memory_space<vmem>>, %arg8: memref<128x16xf32, #tpu.memory_space<vmem_shared>>, %arg9: memref<4x!tpu.dma_semaphore, #tpu.memory_space<semaphore_mem>>, %arg10: memref<4x!tpu.dma_semaphore, #tpu.memory_space<semaphore_mem>>) attributes {dimension_semantics = [#tpu.dimension_semantics<core_parallel>, #tpu.dimension_semantics<subcore_parallel>], iteration_bounds = array<i64: 2, 16>, scalar_prefetch = 0 : i64, scratch_operands = 5 : i64, tpu.core_type = #tpu.core_type<sc_vector_subcore>, window_params = [{transform_indices = #map}, {transform_indices = #map1}, {transform_indices = #map1}, {transform_indices = #map}]} {
    %mul3A = arith.constant 8 : i32
    %mul3A_0 = arith.muli %arg1, %mul3A : i32
    "tpu.region"() ({
      %run_scoped3A = tpu.sem_alloc : memref<!tpu.dma_semaphore, #tpu.memory_space<semaphore_mem>>
      %dma_start3A_151 = arith.constant 0 : i32
      %dma_start3A_152 = tpu.memref_slice %arg8[%mul3A_0, %dma_start3A_151] : memref<128x16xf32, #tpu.memory_space<vmem_shared>> -> memref<8x16xf32, #tpu.memory_space<vmem_shared>>
      %dma_start3A_153 = arith.constant 0 : i32
      %dma_start3A_154 = tpu.memref_slice %arg4[%mul3A_0, %dma_start3A_153] : memref<128x16xf32, #tpu.memory_space<hbm>> -> memref<8x16xf32, #tpu.memory_space<hbm>>
      tpu.enqueue_dma source(%dma_start3A_154 : memref<8x16xf32, #tpu.memory_space<hbm>>) target(%dma_start3A_152 : memref<8x16xf32, #tpu.memory_space<vmem_shared>>) target_semaphore(%run_scoped3A : memref<!tpu.dma_semaphore, #tpu.memory_space<semaphore_mem>>)
      %dma_wait3A_155 = arith.constant 0 : i32
      %dma_wait3A_156 = tpu.memref_slice %arg8[%mul3A_0, %dma_wait3A_155] : memref<128x16xf32, #tpu.memory_space<vmem_shared>> -> memref<8x16xf32, #tpu.memory_space<vmem_shared>>
      %dma_wait3A_157 = arith.constant 0 : i32
      %dma_wait3A_158 = tpu.memref_slice %arg4[%mul3A_0, %dma_wait3A_157] : memref<128x16xf32, #tpu.memory_space<hbm>> -> memref<8x16xf32, #tpu.memory_space<hbm>>
      tpu.wait_dma2 semaphore(%run_scoped3A : memref<!tpu.dma_semaphore, #tpu.memory_space<semaphore_mem>>) src(%dma_wait3A_158 : memref<8x16xf32, #tpu.memory_space<hbm>>) dst(%dma_wait3A_156 : memref<8x16xf32, #tpu.memory_space<vmem_shared>>)
      tpu.yield
    }) : () -> ()
    %mul3A_1 = arith.constant 50 : i32
    %mul3A_2 = arith.muli %arg1, %mul3A_1 : i32
    "tpu.region"() ({
      %run_scoped3A = tpu.sem_alloc : memref<!tpu.dma_semaphore, #tpu.memory_space<semaphore_mem>>
      %dma_start3A_151 = arith.constant 0 : i32
      %dma_start3A_152 = tpu.memref_slice %arg3[%mul3A_2, %dma_start3A_151] : memref<800x128xi32, #tpu.memory_space<hbm>> -> memref<50x128xi32, #tpu.memory_space<hbm>>
      %dma_start3A_153 = arith.constant 0 : i32
      %dma_start3A_154 = tpu.memref_slice %arg3[%mul3A_2, %dma_start3A_153] : memref<800x128xi32, #tpu.memory_space<hbm>> -> memref<50x128xi32, #tpu.memory_space<hbm>>
      tpu.enqueue_dma source(%dma_start3A_154 : memref<50x128xi32, #tpu.memory_space<hbm>>) target(%arg6 : memref<50x128xi32, #tpu.memory_space<vmem>>) target_semaphore(%run_scoped3A : memref<!tpu.dma_semaphore, #tpu.memory_space<semaphore_mem>>)
      %dma_wait3A_155 = arith.constant 0 : i32
      %dma_wait3A_156 = tpu.memref_slice %arg3[%mul3A_2, %dma_wait3A_155] : memref<800x128xi32, #tpu.memory_space<hbm>> -> memref<50x128xi32, #tpu.memory_space<hbm>>
      %dma_wait3A_157 = arith.constant 0 : i32
      %dma_wait3A_158 = tpu.memref_slice %arg3[%mul3A_2, %dma_wait3A_157] : memref<800x128xi32, #tpu.memory_space<hbm>> -> memref<50x128xi32, #tpu.memory_space<hbm>>
      tpu.wait_dma2 semaphore(%run_scoped3A : memref<!tpu.dma_semaphore, #tpu.memory_space<semaphore_mem>>) src(%dma_wait3A_158 : memref<50x128xi32, #tpu.memory_space<hbm>>) dst(%arg6 : memref<50x128xi32, #tpu.memory_space<vmem>>)
      tpu.yield
    }) : () -> ()
    %barrier3A = arith.constant 0 : index
    tpu.barrier barrier_id(%barrier3A)
    %add3A = arith.constant 0 : i32
    %add3A_3 = arith.addi %mul3A_2, %add3A : i32
    %mul3A_4 = arith.constant 128 : i32
    %mul3A_5 = arith.muli %add3A_3, %mul3A_4 : i32
    %dma_start3A = arith.constant 0 : i32
    %dma_start3A_6 = arith.constant 0 : i32
    %dma_start3A_7 = arith.constant 0 : i32
    %dma_start3A_8 = arith.constant 0 : i32
    %dma_start3A_9 = tpu.memref_slice %arg7[%dma_start3A, %dma_start3A_7, %dma_start3A_8] : memref<4x128x16xf32, #tpu.memory_space<vmem>> -> memref<1x128x16xf32, #tpu.memory_space<vmem>>
    %dma_start3A_10 = tpu.memref_squeeze %dma_start3A_9 : memref<1x128x16xf32, #tpu.memory_space<vmem>> -> memref<128x16xf32, #tpu.memory_space<vmem>>
    %dma_start3A_11 = arith.constant 0 : i32
    %dma_start3A_12 = arith.constant 0 : i32
    %dma_start3A_13 = tpu.memref_slice %arg2[%arg0, %dma_start3A_11, %dma_start3A_12] : memref<2x102400x16xf32, #tpu.memory_space<hbm>> -> memref<1x102400x16xf32, #tpu.memory_space<hbm>>
    %dma_start3A_14 = tpu.memref_squeeze %dma_start3A_13 : memref<1x102400x16xf32, #tpu.memory_space<hbm>> -> memref<102400x16xf32, #tpu.memory_space<hbm>>
    %dma_start3A_15 = arith.constant 0 : i32
    %dma_start3A_16 = tpu.memref_slice %dma_start3A_14[%mul3A_5, %dma_start3A_15] : memref<102400x16xf32, #tpu.memory_space<hbm>> -> memref<128x16xf32, #tpu.memory_space<hbm>>
    %dma_start3A_17 = tpu.memref_slice %arg9[%dma_start3A_6] : memref<4x!tpu.dma_semaphore, #tpu.memory_space<semaphore_mem>> -> memref<1x!tpu.dma_semaphore, #tpu.memory_space<semaphore_mem>>
    %dma_start3A_18 = tpu.memref_squeeze %dma_start3A_17 : memref<1x!tpu.dma_semaphore, #tpu.memory_space<semaphore_mem>> -> memref<!tpu.dma_semaphore, #tpu.memory_space<semaphore_mem>>
    %dma_start3A_19 = arith.constant 0 : i32
    %dma_start3A_20 = arith.constant 0 : i32
    %dma_start3A_21 = tpu.memref_slice %arg7[%dma_start3A, %dma_start3A_19, %dma_start3A_20] : memref<4x128x16xf32, #tpu.memory_space<vmem>> -> memref<1x128x16xf32, #tpu.memory_space<vmem>>
    %dma_start3A_22 = tpu.memref_squeeze %dma_start3A_21 : memref<1x128x16xf32, #tpu.memory_space<vmem>> -> memref<128x16xf32, #tpu.memory_space<vmem>>
    %dma_start3A_23 = arith.constant 0 : i32
    %dma_start3A_24 = arith.constant 0 : i32
    %dma_start3A_25 = tpu.memref_slice %arg2[%arg0, %dma_start3A_23, %dma_start3A_24] : memref<2x102400x16xf32, #tpu.memory_space<hbm>> -> memref<1x102400x16xf32, #tpu.memory_space<hbm>>
    %dma_start3A_26 = tpu.memref_squeeze %dma_start3A_25 : memref<1x102400x16xf32, #tpu.memory_space<hbm>> -> memref<102400x16xf32, #tpu.memory_space<hbm>>
    %dma_start3A_27 = arith.constant 0 : i32
    %dma_start3A_28 = tpu.memref_slice %dma_start3A_26[%mul3A_5, %dma_start3A_27] : memref<102400x16xf32, #tpu.memory_space<hbm>> -> memref<128x16xf32, #tpu.memory_space<hbm>>
    tpu.enqueue_dma source(%dma_start3A_28 : memref<128x16xf32, #tpu.memory_space<hbm>>) target(%dma_start3A_22 : memref<128x16xf32, #tpu.memory_space<vmem>>) target_semaphore(%dma_start3A_18 : memref<!tpu.dma_semaphore, #tpu.memory_space<semaphore_mem>>)
    %add3A_29 = arith.constant 1 : i32
    %add3A_30 = arith.addi %mul3A_2, %add3A_29 : i32
    %mul3A_31 = arith.constant 128 : i32
    %mul3A_32 = arith.muli %add3A_30, %mul3A_31 : i32
    %dma_start3A_33 = arith.constant 1 : i32
    %dma_start3A_34 = arith.constant 1 : i32
    %dma_start3A_35 = arith.constant 0 : i32
    %dma_start3A_36 = arith.constant 0 : i32
    %dma_start3A_37 = tpu.memref_slice %arg7[%dma_start3A_33, %dma_start3A_35, %dma_start3A_36] : memref<4x128x16xf32, #tpu.memory_space<vmem>> -> memref<1x128x16xf32, #tpu.memory_space<vmem>>
    %dma_start3A_38 = tpu.memref_squeeze %dma_start3A_37 : memref<1x128x16xf32, #tpu.memory_space<vmem>> -> memref<128x16xf32, #tpu.memory_space<vmem>>
    %dma_start3A_39 = arith.constant 0 : i32
    %dma_start3A_40 = arith.constant 0 : i32
    %dma_start3A_41 = tpu.memref_slice %arg2[%arg0, %dma_start3A_39, %dma_start3A_40] : memref<2x102400x16xf32, #tpu.memory_space<hbm>> -> memref<1x102400x16xf32, #tpu.memory_space<hbm>>
    %dma_start3A_42 = tpu.memref_squeeze %dma_start3A_41 : memref<1x102400x16xf32, #tpu.memory_space<hbm>> -> memref<102400x16xf32, #tpu.memory_space<hbm>>
    %dma_start3A_43 = arith.constant 0 : i32
    %dma_start3A_44 = tpu.memref_slice %dma_start3A_42[%mul3A_32, %dma_start3A_43] : memref<102400x16xf32, #tpu.memory_space<hbm>> -> memref<128x16xf32, #tpu.memory_space<hbm>>
    %dma_start3A_45 = tpu.memref_slice %arg9[%dma_start3A_34] : memref<4x!tpu.dma_semaphore, #tpu.memory_space<semaphore_mem>> -> memref<1x!tpu.dma_semaphore, #tpu.memory_space<semaphore_mem>>
    %dma_start3A_46 = tpu.memref_squeeze %dma_start3A_45 : memref<1x!tpu.dma_semaphore, #tpu.memory_space<semaphore_mem>> -> memref<!tpu.dma_semaphore, #tpu.memory_space<semaphore_mem>>
    %dma_start3A_47 = arith.constant 0 : i32
    %dma_start3A_48 = arith.constant 0 : i32
    %dma_start3A_49 = tpu.memref_slice %arg7[%dma_start3A_33, %dma_start3A_47, %dma_start3A_48] : memref<4x128x16xf32, #tpu.memory_space<vmem>> -> memref<1x128x16xf32, #tpu.memory_space<vmem>>
    %dma_start3A_50 = tpu.memref_squeeze %dma_start3A_49 : memref<1x128x16xf32, #tpu.memory_space<vmem>> -> memref<128x16xf32, #tpu.memory_space<vmem>>
    %dma_start3A_51 = arith.constant 0 : i32
    %dma_start3A_52 = arith.constant 0 : i32
    %dma_start3A_53 = tpu.memref_slice %arg2[%arg0, %dma_start3A_51, %dma_start3A_52] : memref<2x102400x16xf32, #tpu.memory_space<hbm>> -> memref<1x102400x16xf32, #tpu.memory_space<hbm>>
    %dma_start3A_54 = tpu.memref_squeeze %dma_start3A_53 : memref<1x102400x16xf32, #tpu.memory_space<hbm>> -> memref<102400x16xf32, #tpu.memory_space<hbm>>
    %dma_start3A_55 = arith.constant 0 : i32
    %dma_start3A_56 = tpu.memref_slice %dma_start3A_54[%mul3A_32, %dma_start3A_55] : memref<102400x16xf32, #tpu.memory_space<hbm>> -> memref<128x16xf32, #tpu.memory_space<hbm>>
    tpu.enqueue_dma source(%dma_start3A_56 : memref<128x16xf32, #tpu.memory_space<hbm>>) target(%dma_start3A_50 : memref<128x16xf32, #tpu.memory_space<vmem>>) target_semaphore(%dma_start3A_46 : memref<!tpu.dma_semaphore, #tpu.memory_space<semaphore_mem>>)
    %add3A_57 = arith.constant 2 : i32
    %add3A_58 = arith.addi %mul3A_2, %add3A_57 : i32
    %mul3A_59 = arith.constant 128 : i32
    %mul3A_60 = arith.muli %add3A_58, %mul3A_59 : i32
    %dma_start3A_61 = arith.constant 2 : i32
    %dma_start3A_62 = arith.constant 2 : i32
    %dma_start3A_63 = arith.constant 0 : i32
    %dma_start3A_64 = arith.constant 0 : i32
    %dma_start3A_65 = tpu.memref_slice %arg7[%dma_start3A_61, %dma_start3A_63, %dma_start3A_64] : memref<4x128x16xf32, #tpu.memory_space<vmem>> -> memref<1x128x16xf32, #tpu.memory_space<vmem>>
    %dma_start3A_66 = tpu.memref_squeeze %dma_start3A_65 : memref<1x128x16xf32, #tpu.memory_space<vmem>> -> memref<128x16xf32, #tpu.memory_space<vmem>>
    %dma_start3A_67 = arith.constant 0 : i32
    %dma_start3A_68 = arith.constant 0 : i32
    %dma_start3A_69 = tpu.memref_slice %arg2[%arg0, %dma_start3A_67, %dma_start3A_68] : memref<2x102400x16xf32, #tpu.memory_space<hbm>> -> memref<1x102400x16xf32, #tpu.memory_space<hbm>>
    %dma_start3A_70 = tpu.memref_squeeze %dma_start3A_69 : memref<1x102400x16xf32, #tpu.memory_space<hbm>> -> memref<102400x16xf32, #tpu.memory_space<hbm>>
    %dma_start3A_71 = arith.constant 0 : i32
    %dma_start3A_72 = tpu.memref_slice %dma_start3A_70[%mul3A_60, %dma_start3A_71] : memref<102400x16xf32, #tpu.memory_space<hbm>> -> memref<128x16xf32, #tpu.memory_space<hbm>>
    %dma_start3A_73 = tpu.memref_slice %arg9[%dma_start3A_62] : memref<4x!tpu.dma_semaphore, #tpu.memory_space<semaphore_mem>> -> memref<1x!tpu.dma_semaphore, #tpu.memory_space<semaphore_mem>>
    %dma_start3A_74 = tpu.memref_squeeze %dma_start3A_73 : memref<1x!tpu.dma_semaphore, #tpu.memory_space<semaphore_mem>> -> memref<!tpu.dma_semaphore, #tpu.memory_space<semaphore_mem>>
    %dma_start3A_75 = arith.constant 0 : i32
    %dma_start3A_76 = arith.constant 0 : i32
    %dma_start3A_77 = tpu.memref_slice %arg7[%dma_start3A_61, %dma_start3A_75, %dma_start3A_76] : memref<4x128x16xf32, #tpu.memory_space<vmem>> -> memref<1x128x16xf32, #tpu.memory_space<vmem>>
    %dma_start3A_78 = tpu.memref_squeeze %dma_start3A_77 : memref<1x128x16xf32, #tpu.memory_space<vmem>> -> memref<128x16xf32, #tpu.memory_space<vmem>>
    %dma_start3A_79 = arith.constant 0 : i32
    %dma_start3A_80 = arith.constant 0 : i32
    %dma_start3A_81 = tpu.memref_slice %arg2[%arg0, %dma_start3A_79, %dma_start3A_80] : memref<2x102400x16xf32, #tpu.memory_space<hbm>> -> memref<1x102400x16xf32, #tpu.memory_space<hbm>>
    %dma_start3A_82 = tpu.memref_squeeze %dma_start3A_81 : memref<1x102400x16xf32, #tpu.memory_space<hbm>> -> memref<102400x16xf32, #tpu.memory_space<hbm>>
    %dma_start3A_83 = arith.constant 0 : i32
    %dma_start3A_84 = tpu.memref_slice %dma_start3A_82[%mul3A_60, %dma_start3A_83] : memref<102400x16xf32, #tpu.memory_space<hbm>> -> memref<128x16xf32, #tpu.memory_space<hbm>>
    tpu.enqueue_dma source(%dma_start3A_84 : memref<128x16xf32, #tpu.memory_space<hbm>>) target(%dma_start3A_78 : memref<128x16xf32, #tpu.memory_space<vmem>>) target_semaphore(%dma_start3A_74 : memref<!tpu.dma_semaphore, #tpu.memory_space<semaphore_mem>>)
    %scan3A = arith.constant 0 : i32
    %scan3A_85 = arith.constant 50 : i32
    %scan3A_86 = arith.addi %scan3A, %scan3A_85 : i32
    %scan3A_87 = arith.constant 1 : i32
    scf.for %scan3A_151 = %scan3A to %scan3A_86 step %scan3A_87  : i32 {
      %mul3A_152 = arith.constant 1 : i32
      %mul3A_153 = arith.muli %scan3A_151, %mul3A_152 : i32
      %add3A_154 = arith.constant 0 : i32
      %add3A_155 = arith.addi %add3A_154, %mul3A_153 : i32
      %and3A = arith.constant 3 : i32
      %and3A_156 = arith.andi %add3A_155, %and3A : i32
      %add3A_157 = arith.addi %mul3A_2, %add3A_155 : i32
      %mul3A_158 = arith.constant 128 : i32
      %mul3A_159 = arith.muli %add3A_157, %mul3A_158 : i32
      %dma_wait3A_160 = arith.constant 0 : i32
      %dma_wait3A_161 = arith.constant 0 : i32
      %dma_wait3A_162 = tpu.memref_slice %arg7[%and3A_156, %dma_wait3A_160, %dma_wait3A_161] : memref<4x128x16xf32, #tpu.memory_space<vmem>> -> memref<1x128x16xf32, #tpu.memory_space<vmem>>
      %dma_wait3A_163 = tpu.memref_squeeze %dma_wait3A_162 : memref<1x128x16xf32, #tpu.memory_space<vmem>> -> memref<128x16xf32, #tpu.memory_space<vmem>>
      %dma_wait3A_164 = arith.constant 0 : i32
      %dma_wait3A_165 = arith.constant 0 : i32
      %dma_wait3A_166 = tpu.memref_slice %arg2[%arg0, %dma_wait3A_164, %dma_wait3A_165] : memref<2x102400x16xf32, #tpu.memory_space<hbm>> -> memref<1x102400x16xf32, #tpu.memory_space<hbm>>
      %dma_wait3A_167 = tpu.memref_squeeze %dma_wait3A_166 : memref<1x102400x16xf32, #tpu.memory_space<hbm>> -> memref<102400x16xf32, #tpu.memory_space<hbm>>
      %dma_wait3A_168 = arith.constant 0 : i32
      %dma_wait3A_169 = tpu.memref_slice %dma_wait3A_167[%mul3A_159, %dma_wait3A_168] : memref<102400x16xf32, #tpu.memory_space<hbm>> -> memref<128x16xf32, #tpu.memory_space<hbm>>
      %dma_wait3A_170 = tpu.memref_slice %arg9[%and3A_156] : memref<4x!tpu.dma_semaphore, #tpu.memory_space<semaphore_mem>> -> memref<1x!tpu.dma_semaphore, #tpu.memory_space<semaphore_mem>>
      %dma_wait3A_171 = tpu.memref_squeeze %dma_wait3A_170 : memref<1x!tpu.dma_semaphore, #tpu.memory_space<semaphore_mem>> -> memref<!tpu.dma_semaphore, #tpu.memory_space<semaphore_mem>>
      %dma_wait3A_172 = arith.constant 0 : i32
      %dma_wait3A_173 = arith.constant 0 : i32
      %dma_wait3A_174 = tpu.memref_slice %arg7[%and3A_156, %dma_wait3A_172, %dma_wait3A_173] : memref<4x128x16xf32, #tpu.memory_space<vmem>> -> memref<1x128x16xf32, #tpu.memory_space<vmem>>
      %dma_wait3A_175 = tpu.memref_squeeze %dma_wait3A_174 : memref<1x128x16xf32, #tpu.memory_space<vmem>> -> memref<128x16xf32, #tpu.memory_space<vmem>>
      %dma_wait3A_176 = arith.constant 0 : i32
      %dma_wait3A_177 = arith.constant 0 : i32
      %dma_wait3A_178 = tpu.memref_slice %arg2[%arg0, %dma_wait3A_176, %dma_wait3A_177] : memref<2x102400x16xf32, #tpu.memory_space<hbm>> -> memref<1x102400x16xf32, #tpu.memory_space<hbm>>
      %dma_wait3A_179 = tpu.memref_squeeze %dma_wait3A_178 : memref<1x102400x16xf32, #tpu.memory_space<hbm>> -> memref<102400x16xf32, #tpu.memory_space<hbm>>
      %dma_wait3A_180 = arith.constant 0 : i32
      %dma_wait3A_181 = tpu.memref_slice %dma_wait3A_179[%mul3A_159, %dma_wait3A_180] : memref<102400x16xf32, #tpu.memory_space<hbm>> -> memref<128x16xf32, #tpu.memory_space<hbm>>
      tpu.wait_dma2 semaphore(%dma_wait3A_171 : memref<!tpu.dma_semaphore, #tpu.memory_space<semaphore_mem>>) src(%dma_wait3A_181 : memref<128x16xf32, #tpu.memory_space<hbm>>) dst(%dma_wait3A_175 : memref<128x16xf32, #tpu.memory_space<vmem>>)
      %dma_start3A_182 = arith.constant 0 : i32
      %dma_start3A_183 = arith.constant 0 : i32
      %dma_start3A_184 = tpu.memref_slice %arg7[%and3A_156, %dma_start3A_182, %dma_start3A_183] : memref<4x128x16xf32, #tpu.memory_space<vmem>> -> memref<1x128x16xf32, #tpu.memory_space<vmem>>
      %dma_start3A_185 = tpu.memref_squeeze %dma_start3A_184 : memref<1x128x16xf32, #tpu.memory_space<vmem>> -> memref<128x16xf32, #tpu.memory_space<vmem>>
      %dma_start3A_186 = arith.constant 0 : i32
      %dma_start3A_187 = tpu.memref_slice %arg6[%add3A_155, %dma_start3A_186] : memref<50x128xi32, #tpu.memory_space<vmem>> -> memref<1x128xi32, #tpu.memory_space<vmem>>
      %dma_start3A_188 = tpu.memref_squeeze %dma_start3A_187 : memref<1x128xi32, #tpu.memory_space<vmem>> -> memref<128xi32, #tpu.memory_space<vmem>>
      %dma_start3A_189 = arith.constant 0 : i32
      %dma_start3A_190 = arith.constant 0 : i32
      %dma_start3A_191 = tpu.memref_slice %arg8[%dma_start3A_189, %dma_start3A_190] : memref<128x16xf32, #tpu.memory_space<vmem_shared>> -> memref<128x16xf32, #tpu.memory_space<vmem_shared>>
      %dma_start3A_192 = tpu.memref_slice %arg10[%and3A_156] : memref<4x!tpu.dma_semaphore, #tpu.memory_space<semaphore_mem>> -> memref<1x!tpu.dma_semaphore, #tpu.memory_space<semaphore_mem>>
      %dma_start3A_193 = tpu.memref_squeeze %dma_start3A_192 : memref<1x!tpu.dma_semaphore, #tpu.memory_space<semaphore_mem>> -> memref<!tpu.dma_semaphore, #tpu.memory_space<semaphore_mem>>
      tpu.enqueue_indirect_dma source(%dma_start3A_185 : memref<128x16xf32, #tpu.memory_space<vmem>>) target(%dma_start3A_191 : memref<128x16xf32, #tpu.memory_space<vmem_shared>>) offsets(%dma_start3A_188 : memref<128xi32, #tpu.memory_space<vmem>>) semaphore(%dma_start3A_193 : memref<!tpu.dma_semaphore, #tpu.memory_space<semaphore_mem>>) {add = true}
      %lt3A = arith.constant 47 : i32
      %lt3A_194 = arith.cmpi slt, %add3A_155, %lt3A : i32
      %convert_element_type3A_195 = arith.extui %lt3A_194 : i1 to i32
      %cond3A_196 = arith.constant 0 : i32
      %cond3A_197 = arith.cmpi ne, %convert_element_type3A_195, %cond3A_196 : i32
      scf.if %cond3A_197 {
        %add3A_198 = arith.constant 3 : i32
        %add3A_199 = arith.addi %add3A_155, %add3A_198 : i32
        %and3A_200 = arith.constant 3 : i32
        %and3A_201 = arith.andi %add3A_199, %and3A_200 : i32
        %ge3A = arith.constant 1 : i32
        %ge3A_202 = arith.cmpi sge, %add3A_155, %ge3A : i32
        %convert_element_type3A_203 = arith.extui %ge3A_202 : i1 to i32
        %cond3A_204 = arith.constant 0 : i32
        %cond3A_205 = arith.cmpi ne, %convert_element_type3A_203, %cond3A_204 : i32
        scf.if %cond3A_205 {
          %sub3A = arith.constant 1 : i32
          %sub3A_233 = arith.subi %add3A_155, %sub3A : i32
          %dma_wait3A_234 = arith.constant 0 : i32
          %dma_wait3A_235 = arith.constant 0 : i32
          %dma_wait3A_236 = tpu.memref_slice %arg7[%and3A_201, %dma_wait3A_234, %dma_wait3A_235] : memref<4x128x16xf32, #tpu.memory_space<vmem>> -> memref<1x128x16xf32, #tpu.memory_space<vmem>>
          %dma_wait3A_237 = tpu.memref_squeeze %dma_wait3A_236 : memref<1x128x16xf32, #tpu.memory_space<vmem>> -> memref<128x16xf32, #tpu.memory_space<vmem>>
          %dma_wait3A_238 = arith.constant 0 : i32
          %dma_wait3A_239 = tpu.memref_slice %arg6[%sub3A_233, %dma_wait3A_238] : memref<50x128xi32, #tpu.memory_space<vmem>> -> memref<1x128xi32, #tpu.memory_space<vmem>>
          %dma_wait3A_240 = tpu.memref_squeeze %dma_wait3A_239 : memref<1x128xi32, #tpu.memory_space<vmem>> -> memref<128xi32, #tpu.memory_space<vmem>>
          %dma_wait3A_241 = arith.constant 0 : i32
          %dma_wait3A_242 = arith.constant 0 : i32
          %dma_wait3A_243 = tpu.memref_slice %arg8[%dma_wait3A_241, %dma_wait3A_242] : memref<128x16xf32, #tpu.memory_space<vmem_shared>> -> memref<128x16xf32, #tpu.memory_space<vmem_shared>>
          %dma_wait3A_244 = tpu.memref_slice %arg10[%and3A_201] : memref<4x!tpu.dma_semaphore, #tpu.memory_space<semaphore_mem>> -> memref<1x!tpu.dma_semaphore, #tpu.memory_space<semaphore_mem>>
          %dma_wait3A_245 = tpu.memref_squeeze %dma_wait3A_244 : memref<1x!tpu.dma_semaphore, #tpu.memory_space<semaphore_mem>> -> memref<!tpu.dma_semaphore, #tpu.memory_space<semaphore_mem>>
          tpu.wait_indirect_dma semaphore(%dma_wait3A_245 : memref<!tpu.dma_semaphore, #tpu.memory_space<semaphore_mem>>) src(%dma_wait3A_237 : memref<128x16xf32, #tpu.memory_space<vmem>>) dst(%dma_wait3A_243 : memref<128x16xf32, #tpu.memory_space<vmem_shared>>)
        } else {
        }
        %add3A_206 = arith.addi %mul3A_2, %add3A_155 : i32
        %add3A_207 = arith.constant 3 : i32
        %add3A_208 = arith.addi %add3A_206, %add3A_207 : i32
        %mul3A_209 = arith.constant 128 : i32
        %mul3A_210 = arith.muli %add3A_208, %mul3A_209 : i32
        %dma_start3A_211 = arith.constant 0 : i32
        %dma_start3A_212 = arith.constant 0 : i32
        %dma_start3A_213 = tpu.memref_slice %arg7[%and3A_201, %dma_start3A_211, %dma_start3A_212] : memref<4x128x16xf32, #tpu.memory_space<vmem>> -> memref<1x128x16xf32, #tpu.memory_space<vmem>>
        %dma_start3A_214 = tpu.memref_squeeze %dma_start3A_213 : memref<1x128x16xf32, #tpu.memory_space<vmem>> -> memref<128x16xf32, #tpu.memory_space<vmem>>
        %dma_start3A_215 = arith.constant 0 : i32
        %dma_start3A_216 = arith.constant 0 : i32
        %dma_start3A_217 = tpu.memref_slice %arg2[%arg0, %dma_start3A_215, %dma_start3A_216] : memref<2x102400x16xf32, #tpu.memory_space<hbm>> -> memref<1x102400x16xf32, #tpu.memory_space<hbm>>
        %dma_start3A_218 = tpu.memref_squeeze %dma_start3A_217 : memref<1x102400x16xf32, #tpu.memory_space<hbm>> -> memref<102400x16xf32, #tpu.memory_space<hbm>>
        %dma_start3A_219 = arith.constant 0 : i32
        %dma_start3A_220 = tpu.memref_slice %dma_start3A_218[%mul3A_210, %dma_start3A_219] : memref<102400x16xf32, #tpu.memory_space<hbm>> -> memref<128x16xf32, #tpu.memory_space<hbm>>
        %dma_start3A_221 = tpu.memref_slice %arg9[%and3A_201] : memref<4x!tpu.dma_semaphore, #tpu.memory_space<semaphore_mem>> -> memref<1x!tpu.dma_semaphore, #tpu.memory_space<semaphore_mem>>
        %dma_start3A_222 = tpu.memref_squeeze %dma_start3A_221 : memref<1x!tpu.dma_semaphore, #tpu.memory_space<semaphore_mem>> -> memref<!tpu.dma_semaphore, #tpu.memory_space<semaphore_mem>>
        %dma_start3A_223 = arith.constant 0 : i32
        %dma_start3A_224 = arith.constant 0 : i32
        %dma_start3A_225 = tpu.memref_slice %arg7[%and3A_201, %dma_start3A_223, %dma_start3A_224] : memref<4x128x16xf32, #tpu.memory_space<vmem>> -> memref<1x128x16xf32, #tpu.memory_space<vmem>>
        %dma_start3A_226 = tpu.memref_squeeze %dma_start3A_225 : memref<1x128x16xf32, #tpu.memory_space<vmem>> -> memref<128x16xf32, #tpu.memory_space<vmem>>
        %dma_start3A_227 = arith.constant 0 : i32
        %dma_start3A_228 = arith.constant 0 : i32
        %dma_start3A_229 = tpu.memref_slice %arg2[%arg0, %dma_start3A_227, %dma_start3A_228] : memref<2x102400x16xf32, #tpu.memory_space<hbm>> -> memref<1x102400x16xf32, #tpu.memory_space<hbm>>
        %dma_start3A_230 = tpu.memref_squeeze %dma_start3A_229 : memref<1x102400x16xf32, #tpu.memory_space<hbm>> -> memref<102400x16xf32, #tpu.memory_space<hbm>>
        %dma_start3A_231 = arith.constant 0 : i32
        %dma_start3A_232 = tpu.memref_slice %dma_start3A_230[%mul3A_210, %dma_start3A_231] : memref<102400x16xf32, #tpu.memory_space<hbm>> -> memref<128x16xf32, #tpu.memory_space<hbm>>
        tpu.enqueue_dma source(%dma_start3A_232 : memref<128x16xf32, #tpu.memory_space<hbm>>) target(%dma_start3A_226 : memref<128x16xf32, #tpu.memory_space<vmem>>) target_semaphore(%dma_start3A_222 : memref<!tpu.dma_semaphore, #tpu.memory_space<semaphore_mem>>)
      } else {
      }
    }
    %scan3A_88 = arith.constant 50 : i32
    %dma_wait3A = arith.constant 2 : i32
    %dma_wait3A_89 = arith.constant 46 : i32
    %dma_wait3A_90 = arith.constant 2 : i32
    %dma_wait3A_91 = arith.constant 0 : i32
    %dma_wait3A_92 = arith.constant 0 : i32
    %dma_wait3A_93 = tpu.memref_slice %arg7[%dma_wait3A, %dma_wait3A_91, %dma_wait3A_92] : memref<4x128x16xf32, #tpu.memory_space<vmem>> -> memref<1x128x16xf32, #tpu.memory_space<vmem>>
    %dma_wait3A_94 = tpu.memref_squeeze %dma_wait3A_93 : memref<1x128x16xf32, #tpu.memory_space<vmem>> -> memref<128x16xf32, #tpu.memory_space<vmem>>
    %dma_wait3A_95 = arith.constant 0 : i32
    %dma_wait3A_96 = tpu.memref_slice %arg6[%dma_wait3A_89, %dma_wait3A_95] : memref<50x128xi32, #tpu.memory_space<vmem>> -> memref<1x128xi32, #tpu.memory_space<vmem>>
    %dma_wait3A_97 = tpu.memref_squeeze %dma_wait3A_96 : memref<1x128xi32, #tpu.memory_space<vmem>> -> memref<128xi32, #tpu.memory_space<vmem>>
    %dma_wait3A_98 = arith.constant 0 : i32
    %dma_wait3A_99 = arith.constant 0 : i32
    %dma_wait3A_100 = tpu.memref_slice %arg8[%dma_wait3A_98, %dma_wait3A_99] : memref<128x16xf32, #tpu.memory_space<vmem_shared>> -> memref<128x16xf32, #tpu.memory_space<vmem_shared>>
    %dma_wait3A_101 = tpu.memref_slice %arg10[%dma_wait3A_90] : memref<4x!tpu.dma_semaphore, #tpu.memory_space<semaphore_mem>> -> memref<1x!tpu.dma_semaphore, #tpu.memory_space<semaphore_mem>>
    %dma_wait3A_102 = tpu.memref_squeeze %dma_wait3A_101 : memref<1x!tpu.dma_semaphore, #tpu.memory_space<semaphore_mem>> -> memref<!tpu.dma_semaphore, #tpu.memory_space<semaphore_mem>>
    tpu.wait_indirect_dma semaphore(%dma_wait3A_102 : memref<!tpu.dma_semaphore, #tpu.memory_space<semaphore_mem>>) src(%dma_wait3A_94 : memref<128x16xf32, #tpu.memory_space<vmem>>) dst(%dma_wait3A_100 : memref<128x16xf32, #tpu.memory_space<vmem_shared>>)
    %dma_wait3A_103 = arith.constant 3 : i32
    %dma_wait3A_104 = arith.constant 47 : i32
    %dma_wait3A_105 = arith.constant 3 : i32
    %dma_wait3A_106 = arith.constant 0 : i32
    %dma_wait3A_107 = arith.constant 0 : i32
    %dma_wait3A_108 = tpu.memref_slice %arg7[%dma_wait3A_103, %dma_wait3A_106, %dma_wait3A_107] : memref<4x128x16xf32, #tpu.memory_space<vmem>> -> memref<1x128x16xf32, #tpu.memory_space<vmem>>
    %dma_wait3A_109 = tpu.memref_squeeze %dma_wait3A_108 : memref<1x128x16xf32, #tpu.memory_space<vmem>> -> memref<128x16xf32, #tpu.memory_space<vmem>>
    %dma_wait3A_110 = arith.constant 0 : i32
    %dma_wait3A_111 = tpu.memref_slice %arg6[%dma_wait3A_104, %dma_wait3A_110] : memref<50x128xi32, #tpu.memory_space<vmem>> -> memref<1x128xi32, #tpu.memory_space<vmem>>
    %dma_wait3A_112 = tpu.memref_squeeze %dma_wait3A_111 : memref<1x128xi32, #tpu.memory_space<vmem>> -> memref<128xi32, #tpu.memory_space<vmem>>
    %dma_wait3A_113 = arith.constant 0 : i32
    %dma_wait3A_114 = arith.constant 0 : i32
    %dma_wait3A_115 = tpu.memref_slice %arg8[%dma_wait3A_113, %dma_wait3A_114] : memref<128x16xf32, #tpu.memory_space<vmem_shared>> -> memref<128x16xf32, #tpu.memory_space<vmem_shared>>
    %dma_wait3A_116 = tpu.memref_slice %arg10[%dma_wait3A_105] : memref<4x!tpu.dma_semaphore, #tpu.memory_space<semaphore_mem>> -> memref<1x!tpu.dma_semaphore, #tpu.memory_space<semaphore_mem>>
    %dma_wait3A_117 = tpu.memref_squeeze %dma_wait3A_116 : memref<1x!tpu.dma_semaphore, #tpu.memory_space<semaphore_mem>> -> memref<!tpu.dma_semaphore, #tpu.memory_space<semaphore_mem>>
    tpu.wait_indirect_dma semaphore(%dma_wait3A_117 : memref<!tpu.dma_semaphore, #tpu.memory_space<semaphore_mem>>) src(%dma_wait3A_109 : memref<128x16xf32, #tpu.memory_space<vmem>>) dst(%dma_wait3A_115 : memref<128x16xf32, #tpu.memory_space<vmem_shared>>)
    %dma_wait3A_118 = arith.constant 0 : i32
    %dma_wait3A_119 = arith.constant 48 : i32
    %dma_wait3A_120 = arith.constant 0 : i32
    %dma_wait3A_121 = arith.constant 0 : i32
    %dma_wait3A_122 = arith.constant 0 : i32
    %dma_wait3A_123 = tpu.memref_slice %arg7[%dma_wait3A_118, %dma_wait3A_121, %dma_wait3A_122] : memref<4x128x16xf32, #tpu.memory_space<vmem>> -> memref<1x128x16xf32, #tpu.memory_space<vmem>>
    %dma_wait3A_124 = tpu.memref_squeeze %dma_wait3A_123 : memref<1x128x16xf32, #tpu.memory_space<vmem>> -> memref<128x16xf32, #tpu.memory_space<vmem>>
    %dma_wait3A_125 = arith.constant 0 : i32
    %dma_wait3A_126 = tpu.memref_slice %arg6[%dma_wait3A_119, %dma_wait3A_125] : memref<50x128xi32, #tpu.memory_space<vmem>> -> memref<1x128xi32, #tpu.memory_space<vmem>>
    %dma_wait3A_127 = tpu.memref_squeeze %dma_wait3A_126 : memref<1x128xi32, #tpu.memory_space<vmem>> -> memref<128xi32, #tpu.memory_space<vmem>>
    %dma_wait3A_128 = arith.constant 0 : i32
    %dma_wait3A_129 = arith.constant 0 : i32
    %dma_wait3A_130 = tpu.memref_slice %arg8[%dma_wait3A_128, %dma_wait3A_129] : memref<128x16xf32, #tpu.memory_space<vmem_shared>> -> memref<128x16xf32, #tpu.memory_space<vmem_shared>>
    %dma_wait3A_131 = tpu.memref_slice %arg10[%dma_wait3A_120] : memref<4x!tpu.dma_semaphore, #tpu.memory_space<semaphore_mem>> -> memref<1x!tpu.dma_semaphore, #tpu.memory_space<semaphore_mem>>
    %dma_wait3A_132 = tpu.memref_squeeze %dma_wait3A_131 : memref<1x!tpu.dma_semaphore, #tpu.memory_space<semaphore_mem>> -> memref<!tpu.dma_semaphore, #tpu.memory_space<semaphore_mem>>
    tpu.wait_indirect_dma semaphore(%dma_wait3A_132 : memref<!tpu.dma_semaphore, #tpu.memory_space<semaphore_mem>>) src(%dma_wait3A_124 : memref<128x16xf32, #tpu.memory_space<vmem>>) dst(%dma_wait3A_130 : memref<128x16xf32, #tpu.memory_space<vmem_shared>>)
    %dma_wait3A_133 = arith.constant 1 : i32
    %dma_wait3A_134 = arith.constant 49 : i32
    %dma_wait3A_135 = arith.constant 1 : i32
    %dma_wait3A_136 = arith.constant 0 : i32
    %dma_wait3A_137 = arith.constant 0 : i32
    %dma_wait3A_138 = tpu.memref_slice %arg7[%dma_wait3A_133, %dma_wait3A_136, %dma_wait3A_137] : memref<4x128x16xf32, #tpu.memory_space<vmem>> -> memref<1x128x16xf32, #tpu.memory_space<vmem>>
    %dma_wait3A_139 = tpu.memref_squeeze %dma_wait3A_138 : memref<1x128x16xf32, #tpu.memory_space<vmem>> -> memref<128x16xf32, #tpu.memory_space<vmem>>
    %dma_wait3A_140 = arith.constant 0 : i32
    %dma_wait3A_141 = tpu.memref_slice %arg6[%dma_wait3A_134, %dma_wait3A_140] : memref<50x128xi32, #tpu.memory_space<vmem>> -> memref<1x128xi32, #tpu.memory_space<vmem>>
    %dma_wait3A_142 = tpu.memref_squeeze %dma_wait3A_141 : memref<1x128xi32, #tpu.memory_space<vmem>> -> memref<128xi32, #tpu.memory_space<vmem>>
    %dma_wait3A_143 = arith.constant 0 : i32
    %dma_wait3A_144 = arith.constant 0 : i32
    %dma_wait3A_145 = tpu.memref_slice %arg8[%dma_wait3A_143, %dma_wait3A_144] : memref<128x16xf32, #tpu.memory_space<vmem_shared>> -> memref<128x16xf32, #tpu.memory_space<vmem_shared>>
    %dma_wait3A_146 = tpu.memref_slice %arg10[%dma_wait3A_135] : memref<4x!tpu.dma_semaphore, #tpu.memory_space<semaphore_mem>> -> memref<1x!tpu.dma_semaphore, #tpu.memory_space<semaphore_mem>>
    %dma_wait3A_147 = tpu.memref_squeeze %dma_wait3A_146 : memref<1x!tpu.dma_semaphore, #tpu.memory_space<semaphore_mem>> -> memref<!tpu.dma_semaphore, #tpu.memory_space<semaphore_mem>>
    tpu.wait_indirect_dma semaphore(%dma_wait3A_147 : memref<!tpu.dma_semaphore, #tpu.memory_space<semaphore_mem>>) src(%dma_wait3A_139 : memref<128x16xf32, #tpu.memory_space<vmem>>) dst(%dma_wait3A_145 : memref<128x16xf32, #tpu.memory_space<vmem_shared>>)
    %barrier3A_148 = arith.constant 0 : index
    tpu.barrier barrier_id(%barrier3A_148)
    %eq3A = arith.constant 0 : i32
    %eq3A_149 = arith.cmpi eq, %arg1, %eq3A : i32
    %convert_element_type3A = arith.extui %eq3A_149 : i1 to i32
    %cond3A = arith.constant 0 : i32
    %cond3A_150 = arith.cmpi ne, %convert_element_type3A, %cond3A : i32
    scf.if %cond3A_150 {
      "tpu.region"() ({
        %run_scoped3A = tpu.sem_alloc : memref<!tpu.dma_semaphore, #tpu.memory_space<semaphore_mem>>
        %dma_start3A_151 = arith.constant 0 : i32
        %dma_start3A_152 = arith.constant 0 : i32
        %dma_start3A_153 = tpu.memref_slice %arg5[%arg0, %dma_start3A_151, %dma_start3A_152] : memref<2x64x16xf32, #tpu.memory_space<hbm>> -> memref<1x64x16xf32, #tpu.memory_space<hbm>>
        %dma_start3A_154 = tpu.memref_squeeze %dma_start3A_153 : memref<1x64x16xf32, #tpu.memory_space<hbm>> -> memref<64x16xf32, #tpu.memory_space<hbm>>
        %dma_start3A_155 = arith.constant 0 : i32
        %dma_start3A_156 = arith.constant 0 : i32
        %dma_start3A_157 = tpu.memref_slice %arg8[%dma_start3A_155, %dma_start3A_156] : memref<128x16xf32, #tpu.memory_space<vmem_shared>> -> memref<64x16xf32, #tpu.memory_space<vmem_shared>>
        tpu.enqueue_dma source(%dma_start3A_157 : memref<64x16xf32, #tpu.memory_space<vmem_shared>>) target(%dma_start3A_154 : memref<64x16xf32, #tpu.memory_space<hbm>>) target_semaphore(%run_scoped3A : memref<!tpu.dma_semaphore, #tpu.memory_space<semaphore_mem>>)
        %dma_wait3A_158 = arith.constant 0 : i32
        %dma_wait3A_159 = arith.constant 0 : i32
        %dma_wait3A_160 = tpu.memref_slice %arg5[%arg0, %dma_wait3A_158, %dma_wait3A_159] : memref<2x64x16xf32, #tpu.memory_space<hbm>> -> memref<1x64x16xf32, #tpu.memory_space<hbm>>
        %dma_wait3A_161 = tpu.memref_squeeze %dma_wait3A_160 : memref<1x64x16xf32, #tpu.memory_space<hbm>> -> memref<64x16xf32, #tpu.memory_space<hbm>>
        %dma_wait3A_162 = arith.constant 0 : i32
        %dma_wait3A_163 = arith.constant 0 : i32
        %dma_wait3A_164 = tpu.memref_slice %arg8[%dma_wait3A_162, %dma_wait3A_163] : memref<128x16xf32, #tpu.memory_space<vmem_shared>> -> memref<64x16xf32, #tpu.memory_space<vmem_shared>>
        tpu.wait_dma2 semaphore(%run_scoped3A : memref<!tpu.dma_semaphore, #tpu.memory_space<semaphore_mem>>) src(%dma_wait3A_164 : memref<64x16xf32, #tpu.memory_space<vmem_shared>>) dst(%dma_wait3A_161 : memref<64x16xf32, #tpu.memory_space<hbm>>)
        tpu.yield
      }) : () -> ()
    } else {
    }
    return
  }
}

module attributes {stable_mosaic.version = 14 : i64} {
  func.func @_enc_body(%arg0: i32, %arg1: memref<512x1024xf32, #tpu.memory_space<vmem>>, %arg2: memref<2x1024x128xf32, #tpu.memory_space<vmem>>, %arg3: memref<2x1x128xf32, #tpu.memory_space<vmem>>, %arg4: memref<2x512x128xf32, #tpu.memory_space<vmem>>) attributes {dimension_semantics = [#tpu.dimension_semantics<arbitrary>], iteration_bounds = array<i64: 25>, scalar_prefetch = 0 : i64, scratch_operands = 0 : i64, tpu.core_type = #tpu.core_type<tc>, window_params = [{transform_indices = @transform_0, window_bounds = array<i64: 512, 1024>}, {pipeline_mode = #tpu.pipeline_mode<synchronous>, transform_indices = @transform_1, window_bounds = array<i64: 2, 1024, 128>}, {pipeline_mode = #tpu.pipeline_mode<synchronous>, transform_indices = @transform_2, window_bounds = array<i64: 2, 1, 128>}, {transform_indices = @transform_3, window_bounds = array<i64: 2, 512, 128>}]} {
    %get3A = arith.constant 0 : index
    %get3A_0 = arith.constant 0 : index
    %get3A_1 = vector.load %arg1[%get3A, %get3A_0] : memref<512x1024xf32, #tpu.memory_space<vmem>>, vector<512x1024xf32>
    %get3A_2 = arith.constant 0 : index
    %get3A_3 = arith.constant 0 : index
    %get3A_4 = arith.constant 0 : index
    %get3A_5 = vector.load %arg2[%get3A_2, %get3A_3, %get3A_4] : memref<2x1024x128xf32, #tpu.memory_space<vmem>>, vector<1x1024x128xf32>
    %get3A_6 = vector.shape_cast %get3A_5 : vector<1x1024x128xf32> to vector<1024x128xf32>
    %dot_general3A = arith.constant dense<0.000000e+00> : vector<512x128xf32>
    %dot_general3A_7 = tpu.matmul %get3A_1, %get3A_6, %dot_general3A {dimension_numbers = #tpu.dot_dimension_numbers<[1], [0], [0], [1], [0, 0, 1, 1], [], []>, transpose_lhs_hint = false} : vector<512x1024xf32>, vector<1024x128xf32>, vector<512x128xf32> -> vector<512x128xf32>
    %get3A_8 = arith.constant 0 : index
    %get3A_9 = arith.constant 0 : index
    %get3A_10 = arith.constant 0 : index
    %get3A_11 = vector.load %arg3[%get3A_8, %get3A_9, %get3A_10] : memref<2x1x128xf32, #tpu.memory_space<vmem>>, vector<1x1x128xf32>
    %get3A_12 = vector.shape_cast %get3A_11 : vector<1x1x128xf32> to vector<1x128xf32>
    %add3A = vector.broadcast %get3A_12 : vector<1x128xf32> to vector<512x128xf32>
    %add3A_13 = arith.addf %dot_general3A_7, %add3A : vector<512x128xf32>
    %get3A_14 = arith.constant 0 : index
    %get3A_15 = arith.constant 0 : index
    %get3A_16 = vector.load %arg1[%get3A_14, %get3A_15] : memref<512x1024xf32, #tpu.memory_space<vmem>>, vector<512x1024xf32>
    %get3A_17 = arith.constant 1 : index
    %get3A_18 = arith.constant 0 : index
    %get3A_19 = arith.constant 0 : index
    %get3A_20 = vector.load %arg2[%get3A_17, %get3A_18, %get3A_19] : memref<2x1024x128xf32, #tpu.memory_space<vmem>>, vector<1x1024x128xf32>
    %get3A_21 = vector.shape_cast %get3A_20 : vector<1x1024x128xf32> to vector<1024x128xf32>
    %dot_general3A_22 = arith.constant dense<0.000000e+00> : vector<512x128xf32>
    %dot_general3A_23 = tpu.matmul %get3A_16, %get3A_21, %dot_general3A_22 {dimension_numbers = #tpu.dot_dimension_numbers<[1], [0], [0], [1], [0, 0, 1, 1], [], []>, transpose_lhs_hint = false} : vector<512x1024xf32>, vector<1024x128xf32>, vector<512x128xf32> -> vector<512x128xf32>
    %get3A_24 = arith.constant 1 : index
    %get3A_25 = arith.constant 0 : index
    %get3A_26 = arith.constant 0 : index
    %get3A_27 = vector.load %arg3[%get3A_24, %get3A_25, %get3A_26] : memref<2x1x128xf32, #tpu.memory_space<vmem>>, vector<1x1x128xf32>
    %get3A_28 = vector.shape_cast %get3A_27 : vector<1x1x128xf32> to vector<1x128xf32>
    %add3A_29 = vector.broadcast %get3A_28 : vector<1x128xf32> to vector<512x128xf32>
    %add3A_30 = arith.addf %dot_general3A_23, %add3A_29 : vector<512x128xf32>
    %stack3A = vector.shape_cast %add3A_13 : vector<512x128xf32> to vector<1x512x128xf32>
    %stack3A_31 = vector.shape_cast %add3A_30 : vector<512x128xf32> to vector<1x512x128xf32>
    %stack3A_32 = tpu.concatenate %stack3A, %stack3A_31 in 0 : vector<1x512x128xf32>, vector<1x512x128xf32> -> vector<2x512x128xf32>
    %swap3A = arith.constant 0 : index
    %swap3A_33 = arith.constant 0 : index
    %swap3A_34 = arith.constant 0 : index
    %swap3A_35 = vector.load %arg4[%swap3A, %swap3A_33, %swap3A_34] : memref<2x512x128xf32, #tpu.memory_space<vmem>>, vector<2x512x128xf32>
    tpu.vector_store %arg4[%swap3A, %swap3A_33, %swap3A_34], %stack3A_32 {strides = array<i32>} : memref<2x512x128xf32, #tpu.memory_space<vmem>>, vector<2x512x128xf32>,
    return
  }
  func.func @transform_0(%arg0: i32) -> (i32, i32) {
    %c0_i32 = arith.constant 0 : i32
    %c0_i32_0 = arith.constant 0 : i32
    return %arg0, %c0_i32 : i32, i32
  }
  func.func @transform_1(%arg0: i32) -> (i32, i32, i32) {
    %c0_i32 = arith.constant 0 : i32
    %c0_i32_0 = arith.constant 0 : i32
    %c0_i32_1 = arith.constant 0 : i32
    %c0_i32_2 = arith.constant 0 : i32
    return %c0_i32, %c0_i32_0, %c0_i32_1 : i32, i32, i32
  }
  func.func @transform_2(%arg0: i32) -> (i32, i32, i32) {
    %c0_i32 = arith.constant 0 : i32
    %c0_i32_0 = arith.constant 0 : i32
    %c0_i32_1 = arith.constant 0 : i32
    %c0_i32_2 = arith.constant 0 : i32
    return %c0_i32, %c0_i32_0, %c0_i32_1 : i32, i32, i32
  }
  func.func @transform_3(%arg0: i32) -> (i32, i32, i32) {
    %c0_i32 = arith.constant 0 : i32
    %c0_i32_0 = arith.constant 0 : i32
    %c0_i32_1 = arith.constant 0 : i32
    return %c0_i32, %arg0, %c0_i32_0 : i32, i32, i32
  }
}

module attributes {stable_mosaic.version = 14 : i64} {
  func.func @_mlp_body(%arg0: i32, %arg1: memref<1xf32, #tpu.memory_space<smem>>, %arg2: memref<2x512x128xf32, #tpu.memory_space<vmem>>, %arg3: memref<2x512x128xf32, #tpu.memory_space<vmem>>, %arg4: memref<2x2x128x128xf32, #tpu.memory_space<vmem>>, %arg5: memref<2x1x128xf32, #tpu.memory_space<vmem>>, %arg6: memref<2x2x128x128xf32, #tpu.memory_space<vmem>>, %arg7: memref<2x1x128xf32, #tpu.memory_space<vmem>>, %arg8: memref<2x512x128xf32, #tpu.memory_space<vmem>>, %arg9: memref<2x1x128xf32, #tpu.memory_space<vmem>>, %arg10: memref<2x1x128xf32, #tpu.memory_space<vmem>>) attributes {dimension_semantics = [#tpu.dimension_semantics<arbitrary>], iteration_bounds = array<i64: 25>, scalar_prefetch = 0 : i64, scratch_operands = 0 : i64, tpu.core_type = #tpu.core_type<tc>, window_params = [{transform_indices = @transform_0, window_bounds = array<i64: 1>}, {transform_indices = @transform_1, window_bounds = array<i64: 2, 512, 128>}, {transform_indices = @transform_2, window_bounds = array<i64: 2, 512, 128>}, {pipeline_mode = #tpu.pipeline_mode<synchronous>, transform_indices = @transform_3, window_bounds = array<i64: 2, 2, 128, 128>}, {pipeline_mode = #tpu.pipeline_mode<synchronous>, transform_indices = @transform_4, window_bounds = array<i64: 2, 1, 128>}, {pipeline_mode = #tpu.pipeline_mode<synchronous>, transform_indices = @transform_5, window_bounds = array<i64: 2, 2, 128, 128>}, {pipeline_mode = #tpu.pipeline_mode<synchronous>, transform_indices = @transform_6, window_bounds = array<i64: 2, 1, 128>}, {transform_indices = @transform_7, window_bounds = array<i64: 2, 512, 128>}, {pipeline_mode = #tpu.pipeline_mode<synchronous>, transform_indices = @transform_8, window_bounds = array<i64: 2, 1, 128>}, {pipeline_mode = #tpu.pipeline_mode<synchronous>, transform_indices = @transform_9, window_bounds = array<i64: 2, 1, 128>}]} {
    %get3A = arith.constant 0 : index
    %get3A_0 = memref.load %arg1[%get3A] : memref<1xf32, #tpu.memory_space<smem>>
    %add3A = arith.constant 1.000000e+00 : f32
    %add3A_1 = arith.addf %add3A, %get3A_0 : f32
    %get3A_2 = arith.constant 0 : index
    %get3A_3 = arith.constant 0 : index
    %get3A_4 = arith.constant 0 : index
    %get3A_5 = vector.load %arg2[%get3A_2, %get3A_3, %get3A_4] : memref<2x512x128xf32, #tpu.memory_space<vmem>>, vector<1x512x128xf32>
    %get3A_6 = vector.shape_cast %get3A_5 : vector<1x512x128xf32> to vector<512x128xf32>
    %mul3A = vector.broadcast %add3A_1 : f32 to vector<512x128xf32>
    %mul3A_7 = arith.mulf %get3A_6, %mul3A : vector<512x128xf32>
    %get3A_8 = arith.constant 0 : index
    %get3A_9 = arith.constant 0 : index
    %get3A_10 = arith.constant 0 : index
    %get3A_11 = vector.load %arg3[%get3A_8, %get3A_9, %get3A_10] : memref<2x512x128xf32, #tpu.memory_space<vmem>>, vector<1x512x128xf32>
    %get3A_12 = vector.shape_cast %get3A_11 : vector<1x512x128xf32> to vector<512x128xf32>
    %add3A_13 = arith.addf %mul3A_7, %get3A_12 : vector<512x128xf32>
    %get3A_14 = arith.constant 1 : index
    %get3A_15 = arith.constant 0 : index
    %get3A_16 = arith.constant 0 : index
    %get3A_17 = vector.load %arg2[%get3A_14, %get3A_15, %get3A_16] : memref<2x512x128xf32, #tpu.memory_space<vmem>>, vector<1x512x128xf32>
    %get3A_18 = vector.shape_cast %get3A_17 : vector<1x512x128xf32> to vector<512x128xf32>
    %mul3A_19 = vector.broadcast %add3A_1 : f32 to vector<512x128xf32>
    %mul3A_20 = arith.mulf %get3A_18, %mul3A_19 : vector<512x128xf32>
    %get3A_21 = arith.constant 1 : index
    %get3A_22 = arith.constant 0 : index
    %get3A_23 = arith.constant 0 : index
    %get3A_24 = vector.load %arg3[%get3A_21, %get3A_22, %get3A_23] : memref<2x512x128xf32, #tpu.memory_space<vmem>>, vector<1x512x128xf32>
    %get3A_25 = vector.shape_cast %get3A_24 : vector<1x512x128xf32> to vector<512x128xf32>
    %add3A_26 = arith.addf %mul3A_20, %get3A_25 : vector<512x128xf32>
    %get3A_27 = arith.constant 0 : index
    %get3A_28 = arith.constant 0 : index
    %get3A_29 = arith.constant 0 : index
    %get3A_30 = arith.constant 0 : index
    %get3A_31 = vector.load %arg4[%get3A_27, %get3A_28, %get3A_29, %get3A_30] : memref<2x2x128x128xf32, #tpu.memory_space<vmem>>, vector<1x1x128x128xf32>
    %get3A_32 = vector.shape_cast %get3A_31 : vector<1x1x128x128xf32> to vector<128x128xf32>
    %dot_general3A = arith.constant dense<0.000000e+00> : vector<512x128xf32>
    %dot_general3A_33 = tpu.matmul %add3A_13, %get3A_32, %dot_general3A {dimension_numbers = #tpu.dot_dimension_numbers<[1], [0], [0], [1], [0, 0, 1, 1], [], []>, transpose_lhs_hint = false} : vector<512x128xf32>, vector<128x128xf32>, vector<512x128xf32> -> vector<512x128xf32>
    %get3A_34 = arith.constant 1 : index
    %get3A_35 = arith.constant 0 : index
    %get3A_36 = arith.constant 0 : index
    %get3A_37 = arith.constant 0 : index
    %get3A_38 = vector.load %arg4[%get3A_34, %get3A_35, %get3A_36, %get3A_37] : memref<2x2x128x128xf32, #tpu.memory_space<vmem>>, vector<1x1x128x128xf32>
    %get3A_39 = vector.shape_cast %get3A_38 : vector<1x1x128x128xf32> to vector<128x128xf32>
    %dot_general3A_40 = arith.constant dense<0.000000e+00> : vector<512x128xf32>
    %dot_general3A_41 = tpu.matmul %add3A_26, %get3A_39, %dot_general3A_40 {dimension_numbers = #tpu.dot_dimension_numbers<[1], [0], [0], [1], [0, 0, 1, 1], [], []>, transpose_lhs_hint = false} : vector<512x128xf32>, vector<128x128xf32>, vector<512x128xf32> -> vector<512x128xf32>
    %add3A_42 = arith.addf %dot_general3A_33, %dot_general3A_41 : vector<512x128xf32>
    %get3A_43 = arith.constant 0 : index
    %get3A_44 = arith.constant 0 : index
    %get3A_45 = arith.constant 0 : index
    %get3A_46 = vector.load %arg5[%get3A_43, %get3A_44, %get3A_45] : memref<2x1x128xf32, #tpu.memory_space<vmem>>, vector<1x1x128xf32>
    %get3A_47 = vector.shape_cast %get3A_46 : vector<1x1x128xf32> to vector<1x128xf32>
    %add3A_48 = vector.broadcast %get3A_47 : vector<1x128xf32> to vector<512x128xf32>
    %add3A_49 = arith.addf %add3A_42, %add3A_48 : vector<512x128xf32>
    %max3A = arith.constant 0.000000e+00 : f32
    %max3A_50 = vector.broadcast %max3A : f32 to vector<512x128xf32>
    %max3A_51 = arith.maximumf %add3A_49, %max3A_50 : vector<512x128xf32>
    %get3A_52 = arith.constant 0 : index
    %get3A_53 = arith.constant 1 : index
    %get3A_54 = arith.constant 0 : index
    %get3A_55 = arith.constant 0 : index
    %get3A_56 = vector.load %arg4[%get3A_52, %get3A_53, %get3A_54, %get3A_55] : memref<2x2x128x128xf32, #tpu.memory_space<vmem>>, vector<1x1x128x128xf32>
    %get3A_57 = vector.shape_cast %get3A_56 : vector<1x1x128x128xf32> to vector<128x128xf32>
    %dot_general3A_58 = arith.constant dense<0.000000e+00> : vector<512x128xf32>
    %dot_general3A_59 = tpu.matmul %add3A_13, %get3A_57, %dot_general3A_58 {dimension_numbers = #tpu.dot_dimension_numbers<[1], [0], [0], [1], [0, 0, 1, 1], [], []>, transpose_lhs_hint = false} : vector<512x128xf32>, vector<128x128xf32>, vector<512x128xf32> -> vector<512x128xf32>
    %get3A_60 = arith.constant 1 : index
    %get3A_61 = arith.constant 1 : index
    %get3A_62 = arith.constant 0 : index
    %get3A_63 = arith.constant 0 : index
    %get3A_64 = vector.load %arg4[%get3A_60, %get3A_61, %get3A_62, %get3A_63] : memref<2x2x128x128xf32, #tpu.memory_space<vmem>>, vector<1x1x128x128xf32>
    %get3A_65 = vector.shape_cast %get3A_64 : vector<1x1x128x128xf32> to vector<128x128xf32>
    %dot_general3A_66 = arith.constant dense<0.000000e+00> : vector<512x128xf32>
    %dot_general3A_67 = tpu.matmul %add3A_26, %get3A_65, %dot_general3A_66 {dimension_numbers = #tpu.dot_dimension_numbers<[1], [0], [0], [1], [0, 0, 1, 1], [], []>, transpose_lhs_hint = false} : vector<512x128xf32>, vector<128x128xf32>, vector<512x128xf32> -> vector<512x128xf32>
    %add3A_68 = arith.addf %dot_general3A_59, %dot_general3A_67 : vector<512x128xf32>
    %get3A_69 = arith.constant 1 : index
    %get3A_70 = arith.constant 0 : index
    %get3A_71 = arith.constant 0 : index
    %get3A_72 = vector.load %arg5[%get3A_69, %get3A_70, %get3A_71] : memref<2x1x128xf32, #tpu.memory_space<vmem>>, vector<1x1x128xf32>
    %get3A_73 = vector.shape_cast %get3A_72 : vector<1x1x128xf32> to vector<1x128xf32>
    %add3A_74 = vector.broadcast %get3A_73 : vector<1x128xf32> to vector<512x128xf32>
    %add3A_75 = arith.addf %add3A_68, %add3A_74 : vector<512x128xf32>
    %max3A_76 = arith.constant 0.000000e+00 : f32
    %max3A_77 = vector.broadcast %max3A_76 : f32 to vector<512x128xf32>
    %max3A_78 = arith.maximumf %add3A_75, %max3A_77 : vector<512x128xf32>
    %mul3A_79 = arith.constant 512 : i32
    %mul3A_80 = arith.muli %arg0, %mul3A_79 : i32
    %iota3A = tpu.iota {dimensions = array<i32: 0>} : vector<512x128xi32>
    %add3A_81 = vector.broadcast %mul3A_80 : i32 to vector<512x128xi32>
    %add3A_82 = arith.addi %add3A_81, %iota3A : vector<512x128xi32>
    %lt3A = arith.constant 12500 : i32
    %lt3A_83 = vector.broadcast %lt3A : i32 to vector<512x128xi32>
    %lt3A_84 = arith.cmpi slt, %add3A_82, %lt3A_83 : vector<512x128xi32>
    %convert_element_type3A = arith.extui %lt3A_84 : vector<512x128xi1> to vector<512x128xi32>
    %convert_element_type3A_85 = arith.sitofp %convert_element_type3A : vector<512x128xi32> to vector<512x128xf32>
    %get3A_86 = arith.constant 0 : index
    %get3A_87 = arith.constant 0 : index
    %get3A_88 = arith.constant 0 : index
    %get3A_89 = arith.constant 0 : index
    %get3A_90 = vector.load %arg6[%get3A_86, %get3A_87, %get3A_88, %get3A_89] : memref<2x2x128x128xf32, #tpu.memory_space<vmem>>, vector<1x1x128x128xf32>
    %get3A_91 = vector.shape_cast %get3A_90 : vector<1x1x128x128xf32> to vector<128x128xf32>
    %dot_general3A_92 = arith.constant dense<0.000000e+00> : vector<512x128xf32>
    %dot_general3A_93 = tpu.matmul %max3A_51, %get3A_91, %dot_general3A_92 {dimension_numbers = #tpu.dot_dimension_numbers<[1], [0], [0], [1], [0, 0, 1, 1], [], []>, transpose_lhs_hint = false} : vector<512x128xf32>, vector<128x128xf32>, vector<512x128xf32> -> vector<512x128xf32>
    %get3A_94 = arith.constant 1 : index
    %get3A_95 = arith.constant 0 : index
    %get3A_96 = arith.constant 0 : index
    %get3A_97 = arith.constant 0 : index
    %get3A_98 = vector.load %arg6[%get3A_94, %get3A_95, %get3A_96, %get3A_97] : memref<2x2x128x128xf32, #tpu.memory_space<vmem>>, vector<1x1x128x128xf32>
    %get3A_99 = vector.shape_cast %get3A_98 : vector<1x1x128x128xf32> to vector<128x128xf32>
    %dot_general3A_100 = arith.constant dense<0.000000e+00> : vector<512x128xf32>
    %dot_general3A_101 = tpu.matmul %max3A_78, %get3A_99, %dot_general3A_100 {dimension_numbers = #tpu.dot_dimension_numbers<[1], [0], [0], [1], [0, 0, 1, 1], [], []>, transpose_lhs_hint = false} : vector<512x128xf32>, vector<128x128xf32>, vector<512x128xf32> -> vector<512x128xf32>
    %add3A_102 = arith.addf %dot_general3A_93, %dot_general3A_101 : vector<512x128xf32>
    %get3A_103 = arith.constant 0 : index
    %get3A_104 = arith.constant 0 : index
    %get3A_105 = arith.constant 0 : index
    %get3A_106 = vector.load %arg7[%get3A_103, %get3A_104, %get3A_105] : memref<2x1x128xf32, #tpu.memory_space<vmem>>, vector<1x1x128xf32>
    %get3A_107 = vector.shape_cast %get3A_106 : vector<1x1x128xf32> to vector<1x128xf32>
    %add3A_108 = vector.broadcast %get3A_107 : vector<1x128xf32> to vector<512x128xf32>
    %add3A_109 = arith.addf %add3A_102, %add3A_108 : vector<512x128xf32>
    %mul3A_110 = arith.mulf %add3A_109, %convert_element_type3A_85 : vector<512x128xf32>
    %get3A_111 = arith.constant 0 : index
    %get3A_112 = arith.constant 1 : index
    %get3A_113 = arith.constant 0 : index
    %get3A_114 = arith.constant 0 : index
    %get3A_115 = vector.load %arg6[%get3A_111, %get3A_112, %get3A_113, %get3A_114] : memref<2x2x128x128xf32, #tpu.memory_space<vmem>>, vector<1x1x128x128xf32>
    %get3A_116 = vector.shape_cast %get3A_115 : vector<1x1x128x128xf32> to vector<128x128xf32>
    %dot_general3A_117 = arith.constant dense<0.000000e+00> : vector<512x128xf32>
    %dot_general3A_118 = tpu.matmul %max3A_51, %get3A_116, %dot_general3A_117 {dimension_numbers = #tpu.dot_dimension_numbers<[1], [0], [0], [1], [0, 0, 1, 1], [], []>, transpose_lhs_hint = false} : vector<512x128xf32>, vector<128x128xf32>, vector<512x128xf32> -> vector<512x128xf32>
    %get3A_119 = arith.constant 1 : index
    %get3A_120 = arith.constant 1 : index
    %get3A_121 = arith.constant 0 : index
    %get3A_122 = arith.constant 0 : index
    %get3A_123 = vector.load %arg6[%get3A_119, %get3A_120, %get3A_121, %get3A_122] : memref<2x2x128x128xf32, #tpu.memory_space<vmem>>, vector<1x1x128x128xf32>
    %get3A_124 = vector.shape_cast %get3A_123 : vector<1x1x128x128xf32> to vector<128x128xf32>
    %dot_general3A_125 = arith.constant dense<0.000000e+00> : vector<512x128xf32>
    %dot_general3A_126 = tpu.matmul %max3A_78, %get3A_124, %dot_general3A_125 {dimension_numbers = #tpu.dot_dimension_numbers<[1], [0], [0], [1], [0, 0, 1, 1], [], []>, transpose_lhs_hint = false} : vector<512x128xf32>, vector<128x128xf32>, vector<512x128xf32> -> vector<512x128xf32>
    %add3A_127 = arith.addf %dot_general3A_118, %dot_general3A_126 : vector<512x128xf32>
    %get3A_128 = arith.constant 1 : index
    %get3A_129 = arith.constant 0 : index
    %get3A_130 = arith.constant 0 : index
    %get3A_131 = vector.load %arg7[%get3A_128, %get3A_129, %get3A_130] : memref<2x1x128xf32, #tpu.memory_space<vmem>>, vector<1x1x128xf32>
    %get3A_132 = vector.shape_cast %get3A_131 : vector<1x1x128xf32> to vector<1x128xf32>
    %add3A_133 = vector.broadcast %get3A_132 : vector<1x128xf32> to vector<512x128xf32>
    %add3A_134 = arith.addf %add3A_127, %add3A_133 : vector<512x128xf32>
    %mul3A_135 = arith.mulf %add3A_134, %convert_element_type3A_85 : vector<512x128xf32>
    %stack3A = vector.shape_cast %mul3A_110 : vector<512x128xf32> to vector<1x512x128xf32>
    %stack3A_136 = vector.shape_cast %mul3A_135 : vector<512x128xf32> to vector<1x512x128xf32>
    %stack3A_137 = tpu.concatenate %stack3A, %stack3A_136 in 0 : vector<1x512x128xf32>, vector<1x512x128xf32> -> vector<2x512x128xf32>
    %swap3A = arith.constant 0 : index
    %swap3A_138 = arith.constant 0 : index
    %swap3A_139 = arith.constant 0 : index
    %swap3A_140 = vector.load %arg8[%swap3A, %swap3A_138, %swap3A_139] : memref<2x512x128xf32, #tpu.memory_space<vmem>>, vector<2x512x128xf32>
    tpu.vector_store %arg8[%swap3A, %swap3A_138, %swap3A_139], %stack3A_137 {strides = array<i32>} : memref<2x512x128xf32, #tpu.memory_space<vmem>>, vector<2x512x128xf32>,
    %eq3A = arith.constant 0 : i32
    %eq3A_141 = arith.cmpi eq, %arg0, %eq3A : i32
    %convert_element_type3A_142 = arith.extui %eq3A_141 : i1 to i32
    %cond3A = arith.constant 0 : i32
    %cond3A_143 = arith.cmpi ne, %convert_element_type3A_142, %cond3A : i32
    scf.if %cond3A_143 {
      %broadcast_in_dim3A_180 = arith.constant 0.000000e+00 : f32
      %broadcast_in_dim3A_181 = vector.broadcast %broadcast_in_dim3A_180 : f32 to vector<2x1x128xf32>
      %swap3A_182 = arith.constant 0 : index
      %swap3A_183 = arith.constant 0 : index
      %swap3A_184 = arith.constant 0 : index
      %swap3A_185 = vector.load %arg9[%swap3A_182, %swap3A_183, %swap3A_184] : memref<2x1x128xf32, #tpu.memory_space<vmem>>, vector<2x1x128xf32>
      tpu.vector_store %arg9[%swap3A_182, %swap3A_183, %swap3A_184], %broadcast_in_dim3A_181 {strides = array<i32>} : memref<2x1x128xf32, #tpu.memory_space<vmem>>, vector<2x1x128xf32>,
      %broadcast_in_dim3A_186 = arith.constant 0.000000e+00 : f32
      %broadcast_in_dim3A_187 = vector.broadcast %broadcast_in_dim3A_186 : f32 to vector<2x1x128xf32>
      %swap3A_188 = arith.constant 0 : index
      %swap3A_189 = arith.constant 0 : index
      %swap3A_190 = arith.constant 0 : index
      %swap3A_191 = vector.load %arg10[%swap3A_188, %swap3A_189, %swap3A_190] : memref<2x1x128xf32, #tpu.memory_space<vmem>>, vector<2x1x128xf32>
      tpu.vector_store %arg10[%swap3A_188, %swap3A_189, %swap3A_190], %broadcast_in_dim3A_187 {strides = array<i32>} : memref<2x1x128xf32, #tpu.memory_space<vmem>>, vector<2x1x128xf32>,
    } else {
    }
    %get3A_144 = arith.constant 0 : index
    %get3A_145 = arith.constant 0 : index
    %get3A_146 = arith.constant 0 : index
    %get3A_147 = vector.load %arg9[%get3A_144, %get3A_145, %get3A_146] : memref<2x1x128xf32, #tpu.memory_space<vmem>>, vector<2x1x128xf32>
    %reduce_sum3A = arith.constant dense<0.000000e+00> : vector<128xf32>
    %reduce_sum3A_148 = vector.multi_reduction <add>, %mul3A_110, %reduce_sum3A [0] : vector<512x128xf32> to vector<128xf32>
    %broadcast_in_dim3A = vector.shape_cast %reduce_sum3A_148 : vector<128xf32> to vector<1x128xf32>
    %reduce_sum3A_149 = arith.constant dense<0.000000e+00> : vector<128xf32>
    %reduce_sum3A_150 = vector.multi_reduction <add>, %mul3A_135, %reduce_sum3A_149 [0] : vector<512x128xf32> to vector<128xf32>
    %broadcast_in_dim3A_151 = vector.shape_cast %reduce_sum3A_150 : vector<128xf32> to vector<1x128xf32>
    %stack3A_152 = vector.shape_cast %broadcast_in_dim3A : vector<1x128xf32> to vector<1x1x128xf32>
    %stack3A_153 = vector.shape_cast %broadcast_in_dim3A_151 : vector<1x128xf32> to vector<1x1x128xf32>
    %stack3A_154 = tpu.concatenate %stack3A_152, %stack3A_153 in 0 : vector<1x1x128xf32>, vector<1x1x128xf32> -> vector<2x1x128xf32>
    %add3A_155 = arith.addf %get3A_147, %stack3A_154 : vector<2x1x128xf32>
    %swap3A_156 = arith.constant 0 : index
    %swap3A_157 = arith.constant 0 : index
    %swap3A_158 = arith.constant 0 : index
    %swap3A_159 = vector.load %arg9[%swap3A_156, %swap3A_157, %swap3A_158] : memref<2x1x128xf32, #tpu.memory_space<vmem>>, vector<2x1x128xf32>
    tpu.vector_store %arg9[%swap3A_156, %swap3A_157, %swap3A_158], %add3A_155 {strides = array<i32>} : memref<2x1x128xf32, #tpu.memory_space<vmem>>, vector<2x1x128xf32>,
    %get3A_160 = arith.constant 0 : index
    %get3A_161 = arith.constant 0 : index
    %get3A_162 = arith.constant 0 : index
    %get3A_163 = vector.load %arg10[%get3A_160, %get3A_161, %get3A_162] : memref<2x1x128xf32, #tpu.memory_space<vmem>>, vector<2x1x128xf32>
    %mul3A_164 = arith.mulf %mul3A_110, %mul3A_110 : vector<512x128xf32>
    %reduce_sum3A_165 = arith.constant dense<0.000000e+00> : vector<128xf32>
    %reduce_sum3A_166 = vector.multi_reduction <add>, %mul3A_164, %reduce_sum3A_165 [0] : vector<512x128xf32> to vector<128xf32>
    %broadcast_in_dim3A_167 = vector.shape_cast %reduce_sum3A_166 : vector<128xf32> to vector<1x128xf32>
    %mul3A_168 = arith.mulf %mul3A_135, %mul3A_135 : vector<512x128xf32>
    %reduce_sum3A_169 = arith.constant dense<0.000000e+00> : vector<128xf32>
    %reduce_sum3A_170 = vector.multi_reduction <add>, %mul3A_168, %reduce_sum3A_169 [0] : vector<512x128xf32> to vector<128xf32>
    %broadcast_in_dim3A_171 = vector.shape_cast %reduce_sum3A_170 : vector<128xf32> to vector<1x128xf32>
    %stack3A_172 = vector.shape_cast %broadcast_in_dim3A_167 : vector<1x128xf32> to vector<1x1x128xf32>
    %stack3A_173 = vector.shape_cast %broadcast_in_dim3A_171 : vector<1x128xf32> to vector<1x1x128xf32>
    %stack3A_174 = tpu.concatenate %stack3A_172, %stack3A_173 in 0 : vector<1x1x128xf32>, vector<1x1x128xf32> -> vector<2x1x128xf32>
    %add3A_175 = arith.addf %get3A_163, %stack3A_174 : vector<2x1x128xf32>
    %swap3A_176 = arith.constant 0 : index
    %swap3A_177 = arith.constant 0 : index
    %swap3A_178 = arith.constant 0 : index
    %swap3A_179 = vector.load %arg10[%swap3A_176, %swap3A_177, %swap3A_178] : memref<2x1x128xf32, #tpu.memory_space<vmem>>, vector<2x1x128xf32>
    tpu.vector_store %arg10[%swap3A_176, %swap3A_177, %swap3A_178], %add3A_175 {strides = array<i32>} : memref<2x1x128xf32, #tpu.memory_space<vmem>>, vector<2x1x128xf32>,
    return
  }
  func.func @transform_0(%arg0: i32) -> i32 {
    %c0_i32 = arith.constant 0 : i32
    %c0_i32_0 = arith.constant 0 : i32
    return %c0_i32 : i32
  }
  func.func @transform_1(%arg0: i32) -> (i32, i32, i32) {
    %c0_i32 = arith.constant 0 : i32
    %c0_i32_0 = arith.constant 0 : i32
    %c0_i32_1 = arith.constant 0 : i32
    return %c0_i32, %arg0, %c0_i32_0 : i32, i32, i32
  }
  func.func @transform_2(%arg0: i32) -> (i32, i32, i32) {
    %c0_i32 = arith.constant 0 : i32
    %c0_i32_0 = arith.constant 0 : i32
    %c0_i32_1 = arith.constant 0 : i32
    return %c0_i32, %arg0, %c0_i32_0 : i32, i32, i32
  }
  func.func @transform_3(%arg0: i32) -> (i32, i32, i32, i32) {
    %c0_i32 = arith.constant 0 : i32
    %c0_i32_0 = arith.constant 0 : i32
    %c0_i32_1 = arith.constant 0 : i32
    %c0_i32_2 = arith.constant 0 : i32
    %c0_i32_3 = arith.constant 0 : i32
    return %c0_i32, %c0_i32_0, %c0_i32_1, %c0_i32_2 : i32, i32, i32, i32
  }
  func.func @transform_4(%arg0: i32) -> (i32, i32, i32) {
    %c0_i32 = arith.constant 0 : i32
    %c0_i32_0 = arith.constant 0 : i32
    %c0_i32_1 = arith.constant 0 : i32
    %c0_i32_2 = arith.constant 0 : i32
    return %c0_i32, %c0_i32_0, %c0_i32_1 : i32, i32, i32
  }
  func.func @transform_5(%arg0: i32) -> (i32, i32, i32, i32) {
    %c0_i32 = arith.constant 0 : i32
    %c0_i32_0 = arith.constant 0 : i32
    %c0_i32_1 = arith.constant 0 : i32
    %c0_i32_2 = arith.constant 0 : i32
    %c0_i32_3 = arith.constant 0 : i32
    return %c0_i32, %c0_i32_0, %c0_i32_1, %c0_i32_2 : i32, i32, i32, i32
  }
  func.func @transform_6(%arg0: i32) -> (i32, i32, i32) {
    %c0_i32 = arith.constant 0 : i32
    %c0_i32_0 = arith.constant 0 : i32
    %c0_i32_1 = arith.constant 0 : i32
    %c0_i32_2 = arith.constant 0 : i32
    return %c0_i32, %c0_i32_0, %c0_i32_1 : i32, i32, i32
  }
  func.func @transform_7(%arg0: i32) -> (i32, i32, i32) {
    %c0_i32 = arith.constant 0 : i32
    %c0_i32_0 = arith.constant 0 : i32
    %c0_i32_1 = arith.constant 0 : i32
    return %c0_i32, %arg0, %c0_i32_0 : i32, i32, i32
  }
  func.func @transform_8(%arg0: i32) -> (i32, i32, i32) {
    %c0_i32 = arith.constant 0 : i32
    %c0_i32_0 = arith.constant 0 : i32
    %c0_i32_1 = arith.constant 0 : i32
    %c0_i32_2 = arith.constant 0 : i32
    return %c0_i32, %c0_i32_0, %c0_i32_1 : i32, i32, i32
  }
  func.func @transform_9(%arg0: i32) -> (i32, i32, i32) {
    %c0_i32 = arith.constant 0 : i32
    %c0_i32_0 = arith.constant 0 : i32
    %c0_i32_1 = arith.constant 0 : i32
    %c0_i32_2 = arith.constant 0 : i32
    return %c0_i32, %c0_i32_0, %c0_i32_1 : i32, i32, i32
  }
}

module attributes {stable_mosaic.version = 14 : i64} {
  func.func @_norm_body(%arg0: i32, %arg1: memref<2x512x128xf32, #tpu.memory_space<vmem>>, %arg2: memref<2x1x128xf32, #tpu.memory_space<vmem>>, %arg3: memref<2x1x128xf32, #tpu.memory_space<vmem>>, %arg4: memref<2x1x128xf32, #tpu.memory_space<vmem>>, %arg5: memref<2x1x128xf32, #tpu.memory_space<vmem>>, %arg6: memref<2x512x128xf32, #tpu.memory_space<vmem>>) attributes {dimension_semantics = [#tpu.dimension_semantics<arbitrary>], iteration_bounds = array<i64: 25>, scalar_prefetch = 0 : i64, scratch_operands = 0 : i64, tpu.core_type = #tpu.core_type<tc>, window_params = [{transform_indices = @transform_0, window_bounds = array<i64: 2, 512, 128>}, {pipeline_mode = #tpu.pipeline_mode<synchronous>, transform_indices = @transform_1, window_bounds = array<i64: 2, 1, 128>}, {pipeline_mode = #tpu.pipeline_mode<synchronous>, transform_indices = @transform_2, window_bounds = array<i64: 2, 1, 128>}, {pipeline_mode = #tpu.pipeline_mode<synchronous>, transform_indices = @transform_3, window_bounds = array<i64: 2, 1, 128>}, {pipeline_mode = #tpu.pipeline_mode<synchronous>, transform_indices = @transform_4, window_bounds = array<i64: 2, 1, 128>}, {transform_indices = @transform_5, window_bounds = array<i64: 2, 512, 128>}]} {
    %get3A = arith.constant 0 : index
    %get3A_0 = arith.constant 0 : index
    %get3A_1 = arith.constant 0 : index
    %get3A_2 = vector.load %arg2[%get3A, %get3A_0, %get3A_1] : memref<2x1x128xf32, #tpu.memory_space<vmem>>, vector<1x1x128xf32>
    %get3A_3 = vector.shape_cast %get3A_2 : vector<1x1x128xf32> to vector<1x128xf32>
    %slice3A = vector.extract_strided_slice %get3A_3 {offsets = [0, 16], sizes = [1, 112], strides = [1, 1]} : vector<1x128xf32> to vector<1x112xf32>
    %slice3A_4 = vector.extract_strided_slice %get3A_3 {offsets = [0, 0], sizes = [1, 16], strides = [1, 1]} : vector<1x128xf32> to vector<1x16xf32>
    %concatenate3A = tpu.concatenate %slice3A, %slice3A_4 in 1 : vector<1x112xf32>, vector<1x16xf32> -> vector<1x128xf32>
    %add3A = arith.addf %get3A_3, %concatenate3A : vector<1x128xf32>
    %slice3A_5 = vector.extract_strided_slice %add3A {offsets = [0, 32], sizes = [1, 96], strides = [1, 1]} : vector<1x128xf32> to vector<1x96xf32>
    %slice3A_6 = vector.extract_strided_slice %add3A {offsets = [0, 0], sizes = [1, 32], strides = [1, 1]} : vector<1x128xf32> to vector<1x32xf32>
    %concatenate3A_7 = tpu.concatenate %slice3A_5, %slice3A_6 in 1 : vector<1x96xf32>, vector<1x32xf32> -> vector<1x128xf32>
    %add3A_8 = arith.addf %add3A, %concatenate3A_7 : vector<1x128xf32>
    %slice3A_9 = vector.extract_strided_slice %add3A_8 {offsets = [0, 64], sizes = [1, 64], strides = [1, 1]} : vector<1x128xf32> to vector<1x64xf32>
    %slice3A_10 = vector.extract_strided_slice %add3A_8 {offsets = [0, 0], sizes = [1, 64], strides = [1, 1]} : vector<1x128xf32> to vector<1x64xf32>
    %concatenate3A_11 = tpu.concatenate %slice3A_9, %slice3A_10 in 1 : vector<1x64xf32>, vector<1x64xf32> -> vector<1x128xf32>
    %add3A_12 = arith.addf %add3A_8, %concatenate3A_11 : vector<1x128xf32>
    %get3A_13 = arith.constant 0 : index
    %get3A_14 = arith.constant 0 : index
    %get3A_15 = arith.constant 0 : index
    %get3A_16 = vector.load %arg3[%get3A_13, %get3A_14, %get3A_15] : memref<2x1x128xf32, #tpu.memory_space<vmem>>, vector<1x1x128xf32>
    %get3A_17 = vector.shape_cast %get3A_16 : vector<1x1x128xf32> to vector<1x128xf32>
    %slice3A_18 = vector.extract_strided_slice %get3A_17 {offsets = [0, 16], sizes = [1, 112], strides = [1, 1]} : vector<1x128xf32> to vector<1x112xf32>
    %slice3A_19 = vector.extract_strided_slice %get3A_17 {offsets = [0, 0], sizes = [1, 16], strides = [1, 1]} : vector<1x128xf32> to vector<1x16xf32>
    %concatenate3A_20 = tpu.concatenate %slice3A_18, %slice3A_19 in 1 : vector<1x112xf32>, vector<1x16xf32> -> vector<1x128xf32>
    %add3A_21 = arith.addf %get3A_17, %concatenate3A_20 : vector<1x128xf32>
    %slice3A_22 = vector.extract_strided_slice %add3A_21 {offsets = [0, 32], sizes = [1, 96], strides = [1, 1]} : vector<1x128xf32> to vector<1x96xf32>
    %slice3A_23 = vector.extract_strided_slice %add3A_21 {offsets = [0, 0], sizes = [1, 32], strides = [1, 1]} : vector<1x128xf32> to vector<1x32xf32>
    %concatenate3A_24 = tpu.concatenate %slice3A_22, %slice3A_23 in 1 : vector<1x96xf32>, vector<1x32xf32> -> vector<1x128xf32>
    %add3A_25 = arith.addf %add3A_21, %concatenate3A_24 : vector<1x128xf32>
    %slice3A_26 = vector.extract_strided_slice %add3A_25 {offsets = [0, 64], sizes = [1, 64], strides = [1, 1]} : vector<1x128xf32> to vector<1x64xf32>
    %slice3A_27 = vector.extract_strided_slice %add3A_25 {offsets = [0, 0], sizes = [1, 64], strides = [1, 1]} : vector<1x128xf32> to vector<1x64xf32>
    %concatenate3A_28 = tpu.concatenate %slice3A_26, %slice3A_27 in 1 : vector<1x64xf32>, vector<1x64xf32> -> vector<1x128xf32>
    %add3A_29 = arith.addf %add3A_25, %concatenate3A_28 : vector<1x128xf32>
    %mul3A = arith.constant 9.99999974E-6 : f32
    %mul3A_30 = vector.broadcast %mul3A : f32 to vector<1x128xf32>
    %mul3A_31 = arith.mulf %add3A_12, %mul3A_30 : vector<1x128xf32>
    %mul3A_32 = arith.constant 9.99999974E-6 : f32
    %mul3A_33 = vector.broadcast %mul3A_32 : f32 to vector<1x128xf32>
    %mul3A_34 = arith.mulf %add3A_29, %mul3A_33 : vector<1x128xf32>
    %mul3A_35 = arith.mulf %mul3A_31, %mul3A_31 : vector<1x128xf32>
    %sub3A = arith.subf %mul3A_34, %mul3A_35 : vector<1x128xf32>
    %get3A_36 = arith.constant 0 : index
    %get3A_37 = arith.constant 0 : index
    %get3A_38 = arith.constant 0 : index
    %get3A_39 = vector.load %arg4[%get3A_36, %get3A_37, %get3A_38] : memref<2x1x128xf32, #tpu.memory_space<vmem>>, vector<1x1x128xf32>
    %get3A_40 = vector.shape_cast %get3A_39 : vector<1x1x128xf32> to vector<1x128xf32>
    %add3A_41 = arith.constant 9.99999974E-6 : f32
    %add3A_42 = vector.broadcast %add3A_41 : f32 to vector<1x128xf32>
    %add3A_43 = arith.addf %sub3A, %add3A_42 : vector<1x128xf32>
    %rsqrt3A = math.rsqrt %add3A_43 : vector<1x128xf32>
    %mul3A_44 = arith.mulf %get3A_40, %rsqrt3A : vector<1x128xf32>
    %get3A_45 = arith.constant 0 : index
    %get3A_46 = arith.constant 0 : index
    %get3A_47 = arith.constant 0 : index
    %get3A_48 = vector.load %arg1[%get3A_45, %get3A_46, %get3A_47] : memref<2x512x128xf32, #tpu.memory_space<vmem>>, vector<1x512x128xf32>
    %get3A_49 = vector.shape_cast %get3A_48 : vector<1x512x128xf32> to vector<512x128xf32>
    %sub3A_50 = vector.broadcast %mul3A_31 : vector<1x128xf32> to vector<512x128xf32>
    %sub3A_51 = arith.subf %get3A_49, %sub3A_50 : vector<512x128xf32>
    %mul3A_52 = vector.broadcast %mul3A_44 : vector<1x128xf32> to vector<512x128xf32>
    %mul3A_53 = arith.mulf %sub3A_51, %mul3A_52 : vector<512x128xf32>
    %get3A_54 = arith.constant 0 : index
    %get3A_55 = arith.constant 0 : index
    %get3A_56 = arith.constant 0 : index
    %get3A_57 = vector.load %arg5[%get3A_54, %get3A_55, %get3A_56] : memref<2x1x128xf32, #tpu.memory_space<vmem>>, vector<1x1x128xf32>
    %get3A_58 = vector.shape_cast %get3A_57 : vector<1x1x128xf32> to vector<1x128xf32>
    %add3A_59 = vector.broadcast %get3A_58 : vector<1x128xf32> to vector<512x128xf32>
    %add3A_60 = arith.addf %mul3A_53, %add3A_59 : vector<512x128xf32>
    %max3A = arith.constant 0.000000e+00 : f32
    %max3A_61 = vector.broadcast %max3A : f32 to vector<512x128xf32>
    %max3A_62 = arith.maximumf %add3A_60, %max3A_61 : vector<512x128xf32>
    %get3A_63 = arith.constant 1 : index
    %get3A_64 = arith.constant 0 : index
    %get3A_65 = arith.constant 0 : index
    %get3A_66 = vector.load %arg2[%get3A_63, %get3A_64, %get3A_65] : memref<2x1x128xf32, #tpu.memory_space<vmem>>, vector<1x1x128xf32>
    %get3A_67 = vector.shape_cast %get3A_66 : vector<1x1x128xf32> to vector<1x128xf32>
    %slice3A_68 = vector.extract_strided_slice %get3A_67 {offsets = [0, 16], sizes = [1, 112], strides = [1, 1]} : vector<1x128xf32> to vector<1x112xf32>
    %slice3A_69 = vector.extract_strided_slice %get3A_67 {offsets = [0, 0], sizes = [1, 16], strides = [1, 1]} : vector<1x128xf32> to vector<1x16xf32>
    %concatenate3A_70 = tpu.concatenate %slice3A_68, %slice3A_69 in 1 : vector<1x112xf32>, vector<1x16xf32> -> vector<1x128xf32>
    %add3A_71 = arith.addf %get3A_67, %concatenate3A_70 : vector<1x128xf32>
    %slice3A_72 = vector.extract_strided_slice %add3A_71 {offsets = [0, 32], sizes = [1, 96], strides = [1, 1]} : vector<1x128xf32> to vector<1x96xf32>
    %slice3A_73 = vector.extract_strided_slice %add3A_71 {offsets = [0, 0], sizes = [1, 32], strides = [1, 1]} : vector<1x128xf32> to vector<1x32xf32>
    %concatenate3A_74 = tpu.concatenate %slice3A_72, %slice3A_73 in 1 : vector<1x96xf32>, vector<1x32xf32> -> vector<1x128xf32>
    %add3A_75 = arith.addf %add3A_71, %concatenate3A_74 : vector<1x128xf32>
    %slice3A_76 = vector.extract_strided_slice %add3A_75 {offsets = [0, 64], sizes = [1, 64], strides = [1, 1]} : vector<1x128xf32> to vector<1x64xf32>
    %slice3A_77 = vector.extract_strided_slice %add3A_75 {offsets = [0, 0], sizes = [1, 64], strides = [1, 1]} : vector<1x128xf32> to vector<1x64xf32>
    %concatenate3A_78 = tpu.concatenate %slice3A_76, %slice3A_77 in 1 : vector<1x64xf32>, vector<1x64xf32> -> vector<1x128xf32>
    %add3A_79 = arith.addf %add3A_75, %concatenate3A_78 : vector<1x128xf32>
    %get3A_80 = arith.constant 1 : index
    %get3A_81 = arith.constant 0 : index
    %get3A_82 = arith.constant 0 : index
    %get3A_83 = vector.load %arg3[%get3A_80, %get3A_81, %get3A_82] : memref<2x1x128xf32, #tpu.memory_space<vmem>>, vector<1x1x128xf32>
    %get3A_84 = vector.shape_cast %get3A_83 : vector<1x1x128xf32> to vector<1x128xf32>
    %slice3A_85 = vector.extract_strided_slice %get3A_84 {offsets = [0, 16], sizes = [1, 112], strides = [1, 1]} : vector<1x128xf32> to vector<1x112xf32>
    %slice3A_86 = vector.extract_strided_slice %get3A_84 {offsets = [0, 0], sizes = [1, 16], strides = [1, 1]} : vector<1x128xf32> to vector<1x16xf32>
    %concatenate3A_87 = tpu.concatenate %slice3A_85, %slice3A_86 in 1 : vector<1x112xf32>, vector<1x16xf32> -> vector<1x128xf32>
    %add3A_88 = arith.addf %get3A_84, %concatenate3A_87 : vector<1x128xf32>
    %slice3A_89 = vector.extract_strided_slice %add3A_88 {offsets = [0, 32], sizes = [1, 96], strides = [1, 1]} : vector<1x128xf32> to vector<1x96xf32>
    %slice3A_90 = vector.extract_strided_slice %add3A_88 {offsets = [0, 0], sizes = [1, 32], strides = [1, 1]} : vector<1x128xf32> to vector<1x32xf32>
    %concatenate3A_91 = tpu.concatenate %slice3A_89, %slice3A_90 in 1 : vector<1x96xf32>, vector<1x32xf32> -> vector<1x128xf32>
    %add3A_92 = arith.addf %add3A_88, %concatenate3A_91 : vector<1x128xf32>
    %slice3A_93 = vector.extract_strided_slice %add3A_92 {offsets = [0, 64], sizes = [1, 64], strides = [1, 1]} : vector<1x128xf32> to vector<1x64xf32>
    %slice3A_94 = vector.extract_strided_slice %add3A_92 {offsets = [0, 0], sizes = [1, 64], strides = [1, 1]} : vector<1x128xf32> to vector<1x64xf32>
    %concatenate3A_95 = tpu.concatenate %slice3A_93, %slice3A_94 in 1 : vector<1x64xf32>, vector<1x64xf32> -> vector<1x128xf32>
    %add3A_96 = arith.addf %add3A_92, %concatenate3A_95 : vector<1x128xf32>
    %mul3A_97 = arith.constant 9.99999974E-6 : f32
    %mul3A_98 = vector.broadcast %mul3A_97 : f32 to vector<1x128xf32>
    %mul3A_99 = arith.mulf %add3A_79, %mul3A_98 : vector<1x128xf32>
    %mul3A_100 = arith.constant 9.99999974E-6 : f32
    %mul3A_101 = vector.broadcast %mul3A_100 : f32 to vector<1x128xf32>
    %mul3A_102 = arith.mulf %add3A_96, %mul3A_101 : vector<1x128xf32>
    %mul3A_103 = arith.mulf %mul3A_99, %mul3A_99 : vector<1x128xf32>
    %sub3A_104 = arith.subf %mul3A_102, %mul3A_103 : vector<1x128xf32>
    %get3A_105 = arith.constant 1 : index
    %get3A_106 = arith.constant 0 : index
    %get3A_107 = arith.constant 0 : index
    %get3A_108 = vector.load %arg4[%get3A_105, %get3A_106, %get3A_107] : memref<2x1x128xf32, #tpu.memory_space<vmem>>, vector<1x1x128xf32>
    %get3A_109 = vector.shape_cast %get3A_108 : vector<1x1x128xf32> to vector<1x128xf32>
    %add3A_110 = arith.constant 9.99999974E-6 : f32
    %add3A_111 = vector.broadcast %add3A_110 : f32 to vector<1x128xf32>
    %add3A_112 = arith.addf %sub3A_104, %add3A_111 : vector<1x128xf32>
    %rsqrt3A_113 = math.rsqrt %add3A_112 : vector<1x128xf32>
    %mul3A_114 = arith.mulf %get3A_109, %rsqrt3A_113 : vector<1x128xf32>
    %get3A_115 = arith.constant 1 : index
    %get3A_116 = arith.constant 0 : index
    %get3A_117 = arith.constant 0 : index
    %get3A_118 = vector.load %arg1[%get3A_115, %get3A_116, %get3A_117] : memref<2x512x128xf32, #tpu.memory_space<vmem>>, vector<1x512x128xf32>
    %get3A_119 = vector.shape_cast %get3A_118 : vector<1x512x128xf32> to vector<512x128xf32>
    %sub3A_120 = vector.broadcast %mul3A_99 : vector<1x128xf32> to vector<512x128xf32>
    %sub3A_121 = arith.subf %get3A_119, %sub3A_120 : vector<512x128xf32>
    %mul3A_122 = vector.broadcast %mul3A_114 : vector<1x128xf32> to vector<512x128xf32>
    %mul3A_123 = arith.mulf %sub3A_121, %mul3A_122 : vector<512x128xf32>
    %get3A_124 = arith.constant 1 : index
    %get3A_125 = arith.constant 0 : index
    %get3A_126 = arith.constant 0 : index
    %get3A_127 = vector.load %arg5[%get3A_124, %get3A_125, %get3A_126] : memref<2x1x128xf32, #tpu.memory_space<vmem>>, vector<1x1x128xf32>
    %get3A_128 = vector.shape_cast %get3A_127 : vector<1x1x128xf32> to vector<1x128xf32>
    %add3A_129 = vector.broadcast %get3A_128 : vector<1x128xf32> to vector<512x128xf32>
    %add3A_130 = arith.addf %mul3A_123, %add3A_129 : vector<512x128xf32>
    %max3A_131 = arith.constant 0.000000e+00 : f32
    %max3A_132 = vector.broadcast %max3A_131 : f32 to vector<512x128xf32>
    %max3A_133 = arith.maximumf %add3A_130, %max3A_132 : vector<512x128xf32>
    %stack3A = vector.shape_cast %max3A_62 : vector<512x128xf32> to vector<1x512x128xf32>
    %stack3A_134 = vector.shape_cast %max3A_133 : vector<512x128xf32> to vector<1x512x128xf32>
    %stack3A_135 = tpu.concatenate %stack3A, %stack3A_134 in 0 : vector<1x512x128xf32>, vector<1x512x128xf32> -> vector<2x512x128xf32>
    %swap3A = arith.constant 0 : index
    %swap3A_136 = arith.constant 0 : index
    %swap3A_137 = arith.constant 0 : index
    %swap3A_138 = vector.load %arg6[%swap3A, %swap3A_136, %swap3A_137] : memref<2x512x128xf32, #tpu.memory_space<vmem>>, vector<2x512x128xf32>
    tpu.vector_store %arg6[%swap3A, %swap3A_136, %swap3A_137], %stack3A_135 {strides = array<i32>} : memref<2x512x128xf32, #tpu.memory_space<vmem>>, vector<2x512x128xf32>,
    return
  }
  func.func @transform_0(%arg0: i32) -> (i32, i32, i32) {
    %c0_i32 = arith.constant 0 : i32
    %c0_i32_0 = arith.constant 0 : i32
    %c0_i32_1 = arith.constant 0 : i32
    return %c0_i32, %arg0, %c0_i32_0 : i32, i32, i32
  }
  func.func @transform_1(%arg0: i32) -> (i32, i32, i32) {
    %c0_i32 = arith.constant 0 : i32
    %c0_i32_0 = arith.constant 0 : i32
    %c0_i32_1 = arith.constant 0 : i32
    %c0_i32_2 = arith.constant 0 : i32
    return %c0_i32, %c0_i32_0, %c0_i32_1 : i32, i32, i32
  }
  func.func @transform_2(%arg0: i32) -> (i32, i32, i32) {
    %c0_i32 = arith.constant 0 : i32
    %c0_i32_0 = arith.constant 0 : i32
    %c0_i32_1 = arith.constant 0 : i32
    %c0_i32_2 = arith.constant 0 : i32
    return %c0_i32, %c0_i32_0, %c0_i32_1 : i32, i32, i32
  }
  func.func @transform_3(%arg0: i32) -> (i32, i32, i32) {
    %c0_i32 = arith.constant 0 : i32
    %c0_i32_0 = arith.constant 0 : i32
    %c0_i32_1 = arith.constant 0 : i32
    %c0_i32_2 = arith.constant 0 : i32
    return %c0_i32, %c0_i32_0, %c0_i32_1 : i32, i32, i32
  }
  func.func @transform_4(%arg0: i32) -> (i32, i32, i32) {
    %c0_i32 = arith.constant 0 : i32
    %c0_i32_0 = arith.constant 0 : i32
    %c0_i32_1 = arith.constant 0 : i32
    %c0_i32_2 = arith.constant 0 : i32
    return %c0_i32, %c0_i32_0, %c0_i32_1 : i32, i32, i32
  }
  func.func @transform_5(%arg0: i32) -> (i32, i32, i32) {
    %c0_i32 = arith.constant 0 : i32
    %c0_i32_0 = arith.constant 0 : i32
    %c0_i32_1 = arith.constant 0 : i32
    return %c0_i32, %arg0, %c0_i32_0 : i32, i32, i32
  }
}

module attributes {stable_mosaic.version = 14 : i64} {
  func.func @_cls_body(%arg0: memref<2x64x16xf32, #tpu.memory_space<vmem>>, %arg1: memref<32x2xf32, #tpu.memory_space<vmem>>, %arg2: memref<1x2xf32, #tpu.memory_space<vmem>>, %arg3: memref<64x2xf32, #tpu.memory_space<vmem>>) attributes {dimension_semantics = [], scalar_prefetch = 0 : i64, scratch_operands = 0 : i64, tpu.core_type = #tpu.core_type<tc>} {
    %get3A = arith.constant 0 : index
    %get3A_0 = arith.constant 0 : index
    %get3A_1 = arith.constant 0 : index
    %get3A_2 = vector.load %arg0[%get3A, %get3A_0, %get3A_1] : memref<2x64x16xf32, #tpu.memory_space<vmem>>, vector<1x64x16xf32>
    %get3A_3 = vector.shape_cast %get3A_2 : vector<1x64x16xf32> to vector<64x16xf32>
    %get3A_4 = arith.constant 1 : index
    %get3A_5 = arith.constant 0 : index
    %get3A_6 = arith.constant 0 : index
    %get3A_7 = vector.load %arg0[%get3A_4, %get3A_5, %get3A_6] : memref<2x64x16xf32, #tpu.memory_space<vmem>>, vector<1x64x16xf32>
    %get3A_8 = vector.shape_cast %get3A_7 : vector<1x64x16xf32> to vector<64x16xf32>
    %concatenate3A = tpu.concatenate %get3A_3, %get3A_8 in 1 : vector<64x16xf32>, vector<64x16xf32> -> vector<64x32xf32>
    %get3A_9 = arith.constant 0 : index
    %get3A_10 = arith.constant 0 : index
    %get3A_11 = vector.load %arg1[%get3A_9, %get3A_10] : memref<32x2xf32, #tpu.memory_space<vmem>>, vector<32x2xf32>
    %dot_general3A = arith.constant dense<0.000000e+00> : vector<64x2xf32>
    %dot_general3A_12 = tpu.matmul %concatenate3A, %get3A_11, %dot_general3A {dimension_numbers = #tpu.dot_dimension_numbers<[1], [0], [0], [1], [0, 0, 1, 1], [], []>, transpose_lhs_hint = false} : vector<64x32xf32>, vector<32x2xf32>, vector<64x2xf32> -> vector<64x2xf32>
    %get3A_13 = arith.constant 0 : index
    %get3A_14 = arith.constant 0 : index
    %get3A_15 = vector.load %arg2[%get3A_13, %get3A_14] : memref<1x2xf32, #tpu.memory_space<vmem>>, vector<1x2xf32>
    %add3A = vector.broadcast %get3A_15 : vector<1x2xf32> to vector<64x2xf32>
    %add3A_16 = arith.addf %dot_general3A_12, %add3A : vector<64x2xf32>
    %swap3A = arith.constant 0 : index
    %swap3A_17 = arith.constant 0 : index
    %swap3A_18 = vector.load %arg3[%swap3A, %swap3A_17] : memref<64x2xf32, #tpu.memory_space<vmem>>, vector<64x2xf32>
    tpu.vector_store %arg3[%swap3A, %swap3A_17], %add3A_16 {strides = array<i32>} : memref<64x2xf32, #tpu.memory_space<vmem>>, vector<64x2xf32>,
    return
  }
}

</mosaic_0001>

<sc_bundles>
// kernel: kernel.17.cloned.1.call-start
scs
__scs_entry_jumppad:
0x0: {  	(pc) =	sbr.rel $0x88, $3  }
0x1: {  	(tag) =	ssettag $0x0;
	lr =	simm.s32 $0x1  }
0x2: {  	[smem:$0x3F93] =	sst lr;
	_ =	strace $0xD0000000  }
0x3: {  	_ = 	snop  }
0x4: {  	_ = 	snop  }
0x5: {  	_ = 	snop  }
0x6: {  	_ = 	snop  }
0x7: {  	_ = 	snop  }
__scs_overlays_trampoline_lowered:
0x8: {  	[smem:$0x3FA2] =	sst s0  }
0x9: {  	[smem:$0x3FA3] =	sst s1  }
0xa: {  	[smem:$0x3FA4] =	sst s2  }
0xb: {  	[smem:$0x3FA5] =	sst s3  }
0xc: {  	[smem:$0x3FA6] =	sst s4  }
0xd: {  	[smem:$0x3FA7] =	sst s5  }
0xe: {  	[smem:$0x3FA8] =	sst s6  }
0xf: {  	[smem:$0x3FA9] =	sst s7  }
0x10: {  	[smem:$0x3FAA] =	sst s8  }
0x11: {  	[smem:$0x3FAB] =	sst s9;
	s0 =	simm.s32 @!p0 $0x0  }
0x12: {  	s1 =	sld [smem:$0x3F91];
	s0 =	simm.s32 @p0 $0x1  }
0x13: {  	[smem:$0x3FAC] =	sst s0;
	s0 =	simm.s32 @!p1 $0x0  }
0x14: {  	s2 =	sld [smem:$0x3F90];
	s0 =	simm.s32 @p1 $0x1  }
0x15: {  	[smem:$0x3FAD] =	sst s0;
	s0 =	simm.s32 @!p2 $0x0  }
0x16: {  	s3 =	sld [smem:$0x3FDB];
	s0 =	simm.s32 @p2 $0x1  }
0x17: {  	s4 =	simm.s32 $0x1BF5;
	[smem:$0x3FAF] =	sst s0  }
0x18: {  	s0 =	sld [smem:$0x3F92];
	_ =	swait.ge [sflag:s4], $0x0  }
0x19: {  	s7 =	sld [smem:$0x3F93]  }
0x1a: {  	s8 =	sadd.s32 $0xFFFFE003, lr  }
0x1b: {  	s9 =	sadd.s32 $0xFFFFFEF7, lr;
	s5 =	simm.s32 $0xFFFFFFFF;
	p2 =	slt.u32 s8, $0xFFFFF086  }
0x1c: {  	p1 =	slt.u32 s9, $0xF7A;
	s5 =	simm.s32 @!p2 $0x0  }
0x1d: {  	s5 =	simm.s32 @p1 $0x1;
	p0 =	seq.s32 s7, s2  }
0x1e: {  	s7 =	smul.u32 @!p0 $0xF7A, s2;
	p2 =	seq.s32 @!p0 s5, $0x0  }
0x1f: {  	s9 =	smul.u32 $0xF7A, s1;
	s8 =	simm.s32 @!p0 $0x1BF5;
	p2 =	por !p2, p0  }
0x20: {  	[sflag:s8] =	ssyncset.s32 @!p0 $0xFFFFF086;
	s6 =	sadd.s32 @!p0 s3, s7;
	s7 =	simm.s32 @!p0 $0x108  }
0x21: {  	s3 =	sadd.s32 s3, s9;
	s6 =	sadd.s32 @!p0 $0x88, s6;
	s7 =	simm.s32 @p2 $0x1082  }
0x22: {  	[simem:s7], [sflag:s8] =	dma.local @!p0 [hbm:s6], $0xF7A  }
0x23: {  	s9 =	sor.u32 $0xD0000000, s2;
	s6 =	simm.s32 $0x108;
	_ =	swait.ge @!p0 [sflag:s8], $0x0  }
0x24: {  	s3 =	sadd.s32 $0x88, s3;
	s6 =	simm.s32 @!p1 $0x1082;
	[sflag:s4] =	ssyncset.s32 $0xFFFFF086  }
0x25: {  	[simem:s6], [sflag:s4] =	dma.local [hbm:s3], $0xF7A  }
0x26: {  	[smem:$0x3F93] =	sst s1;
	(tag) =	ssettag s2;
	_ =	strace s9  }
0x27: {  	s1 =	sld [smem:$0x3FA3]  }
0x28: {  	s2 =	sld [smem:$0x3FA4]  }
0x29: {  	s4 =	sld [smem:$0x3FA6]  }
0x2a: {  	p0 =	seq.s32 s5, $0x0;
	s5 =	sld [smem:$0x3FA7]  }
0x2b: {  	s6 =	sld [smem:$0x3FA8]  }
0x2c: {  	s7 =	sld [smem:$0x3FA9]  }
0x2d: {  	s3 =	simm.s32 $0x108;
	s8 =	sld [smem:$0x3FAA]  }
0x2e: {  	s3 =	simm.s32 @!p0 $0x1082;
	s9 =	sld [smem:$0x3FAB]  }
0x2f: {  	lr =	sadd.s32 s0, s3;
	s0 =	sld [smem:$0x3FA2]  }
0x30: {  	s3 =	sld [smem:$0x3FA5]  }
0x31: {  	[smem:$0x3FAE] =	sst s10  }
0x32: {  	s10 =	sld [smem:$0x3FAC];
	_ =	sdelay $0x3  }
0x33: {  	p0 =	seq.s32 s10, $0x1;
	s10 =	sld [smem:$0x3FAE];
	_ =	sdelay $0x3  }
0x34: {  	[smem:$0x3FAE] =	sst s10  }
0x35: {  	s10 =	sld [smem:$0x3FAD];
	_ =	sdelay $0x3  }
0x36: {  	p1 =	seq.s32 s10, $0x1;
	s10 =	sld [smem:$0x3FAE];
	_ =	sdelay $0x3  }
0x37: {  	[smem:$0x3FAE] =	sst s10  }
0x38: {  	s10 =	sld [smem:$0x3FAF]  }
0x39: {  	_ = 	snop;
	(pc) =	sbr.ind lr, $3  }
0x3a: {  	_ = 	snop  }
0x3b: {  	_ = 	snop  }
0x3c: {  	p2 =	seq.s32 s10, $0x1;
	s10 =	sld [smem:$0x3FAE]  }
0x3d: {  	_ =	shalt  }
0x3e: {  	_ =	shalt  }
0x3f: {  	_ =	shalt  }
0x40: {  	_ =	shalt  }
0x41: {  	_ =	shalt  }
0x42: {  	_ =	shalt  }
0x43: {  	_ =	shalt  }
0x44: {  	_ =	shalt  }
0x45: {  	_ =	shalt  }
0x46: {  	_ =	shalt  }
0x47: {  	_ =	shalt  }
0x48: {  	_ =	shalt  }
0x49: {  	_ =	shalt  }
0x4a: {  	_ =	shalt  }
0x4b: {  	_ =	shalt  }
0x4c: {  	_ =	shalt  }
0x4d: {  	_ =	shalt  }
0x4e: {  	_ =	shalt  }
0x4f: {  	_ =	shalt  }
0x50: {  	_ =	shalt  }
0x51: {  	_ =	shalt  }
0x52: {  	_ =	shalt  }
0x53: {  	_ =	shalt  }
0x54: {  	_ =	shalt  }
0x55: {  	_ =	shalt  }
0x56: {  	_ =	shalt  }
0x57: {  	_ =	shalt  }
0x58: {  	_ =	shalt  }
0x59: {  	_ =	shalt  }
0x5a: {  	_ =	shalt  }
0x5b: {  	_ =	shalt  }
0x5c: {  	_ =	shalt  }
0x5d: {  	_ =	shalt  }
0x5e: {  	_ =	shalt  }
0x5f: {  	_ =	shalt  }
0x60: {  	_ =	shalt  }
0x61: {  	_ =	shalt  }
0x62: {  	_ =	shalt  }
0x63: {  	_ =	shalt  }
0x64: {  	_ =	shalt  }
0x65: {  	_ =	shalt  }
0x66: {  	_ =	shalt  }
0x67: {  	_ =	shalt  }
0x68: {  	_ =	shalt  }
0x69: {  	_ =	shalt  }
0x6a: {  	_ =	shalt  }
0x6b: {  	_ =	shalt  }
0x6c: {  	_ =	shalt  }
0x6d: {  	_ =	shalt  }
0x6e: {  	_ =	shalt  }
0x6f: {  	_ =	shalt  }
0x70: {  	_ =	shalt  }
0x71: {  	_ =	shalt  }
0x72: {  	_ =	shalt  }
0x73: {  	_ =	shalt  }
0x74: {  	_ =	shalt  }
0x75: {  	_ =	shalt  }
0x76: {  	_ =	shalt  }
0x77: {  	_ =	shalt  }
0x78: {  	_ =	shalt  }
0x79: {  	_ =	shalt  }
0x7a: {  	_ =	shalt  }
0x7b: {  	_ =	shalt  }
0x7c: {  	_ =	shalt  }
0x7d: {  	_ =	shalt  }
0x7e: {  	_ =	shalt  }
0x7f: {  	_ =	shalt  }
0x80: {  	_ =	shalt  }
0x81: {  	_ =	shalt  }
0x82: {  	_ =	shalt  }
0x83: {  	_ =	shalt  }
0x84: {  	_ =	shalt  }
0x85: {  	_ =	shalt  }
0x86: {  	_ =	shalt  }
0x87: {  	_ =	shalt  }
.Lfunc_end0:
.L_simem_size_0:
called_computation_lowered:
.L_overlay_start_0:
0x88: {  	s2 =	sld [smem:$0x3FD9]  }
0x89: {  	s3 =	sld [smem:$0x3FFE];
	_ =	sdelay $0x1  }
0x8a: {  	s1 =	srdreg.scid  }
0x8b: {  	s0 =	sand.u32 $0x1, s1  }
0x8c: {  	s16 =	sshll.u32 s0, $0xA;
	s2 =	sadd.s32 s3, s2  }
0x8d: {  	s2 =	sadd.s32 s2, s16  }
0x8e: {  	[smem:$0x3FBA] =	sst s2  }
0x8f: {  	_ = 	snop  }
0x90: {  	(tm) =	ssettm $0x1  }
0x91: {  	s17 =	sld [smem:$0x3FFB];
	_ =	sdelay $0x3  }
0x92: {  	_ =	strace s17  }
0x93: {  	s2 =	sld [smem:$0x3FFC];
	_ =	sdelay $0x3  }
0x94: {  	_ =	strace s2  }
0x95: {  	s2 =	sld [smem:$0x3FFD];
	_ =	sdelay $0x3  }
0x96: {  	_ =	strace s2  }
0x97: {  	_ =	strace $0x8FFFFFFF  }
0x98: {  	s18 =	sld [smem:$0x3FDB];
	_ =	sdelay $0x1  }
0x99: {  	s19 =	simm.s32 $_scs_section_size  }
0x9a: {  	s4 =	simm.s32 $_size__tile_overlayer_lowered;
	s5 =	simm.s32 $_tile_overlayer_lowered  }
0x9b: {  	s22 =	simm.s32 $0x1BFF;
	s21 =	sshll.u32 s5, $0x1;
	s2 =	sadd.s32 s19, s18  }
0x9c: {  	s6 =	simm.s32 $0x0;
	s20 =	sshll.u32 s4, $0x1;
	s4 =	sadd.s32 s21, s2  }
0x9d: {  	[timem:s6], [sflag:s22] =	dma.local [hbm:s4], s20  }
0x9e: {  	_ =	swait.ge [sflag:s22], s20  }
0x9f: {  	s3 =	ssub.s32 $0x0, s20;
	[sflag:s22] =	ssyncset.done $0x0  }
0xa0: {  	[sflag:s22] =	ssyncadd.s32 s3;
	_ =	sdelay $0x1  }
0xa1: {  	s23 =	simm.s32 $0x1B8B  }
0xa2: {  	_ =	swait.ge [sflag:s23], $0x1  }
0xa3: {  	[sflag:s23] =	ssyncset.done $0x0  }
0xa4: {  	s25 =	simm.s32 $0x1B8E;
	s24 =	sld [smem:$0x3FFE];
	[sflag:s23] =	ssyncadd.s32 $0xFFFFFFFF  }
0xa5: {  	s26 =	simm.s32 $execute0_lowered;
	[smem:$0x3FD2] =	sst s25  }
0xa6: {  	s4 =	sshll.u32 s26, $0x1;
	_ =	strace $0x80000046;
	[dreg:$0x1] =	wrdreg $0xFFFFFFFF  }
0xa7: {  	s28 =	simm.s32 $_size_execute0_lowered;
	s2 =	sadd.s32 s2, s4;
	[dreg:$0x0] =	wrdreg $0x0  }
0xa8: {  	s4 =	sshll.u32 s28, $0x1;
	[dreg:$0x2] =	wrdreg s2  }
0xa9: {  	[dreg:$0x3] =	wrdreg s4  }
0xaa: {  	[dreg:$0x4] =	wrdreg $0xC0  }
0xab: {  	_ =	task [dreg:s6], $0x5FFFF  }
0xac: {  	[dreg:$0x1] =	wrdreg $0xFFFFFFFF  }
0xad: {  	[dreg:$0x0] =	wrdreg $0x60  }
0xae: {  	[dreg:$0x2] =	wrdreg s24  }
0xaf: {  	[dreg:$0x3] =	wrdreg $0x5C000  }
0xb0: {  	[dreg:$0x4] =	wrdreg $0x9  }
0xb1: {  	_ =	task.clear_ibuf [dreg:s6], $0x5FFFF;
	_ =	strace $0x90000046  }
0xb2: {  	s29 =	simm.s32 $0x9;
	_ =	strace $0x80000048  }
0xb3: {  	_ =	swait.ge [sflag:s29], $0x1  }
0xb4: {  	[sflag:s29] =	ssyncadd.s32 $0xFFFFFFFF  }
0xb5: {  	_ =	strace $0x90000048  }
0xb6: {  	_ =	sfence  }
0xb7: {  	s30 =	sld [smem:$0x0];
	_ =	sdelay $0x2  }
0xb8: {  	s31 =	sshll.u32 s1, $0xD;
	s1 =	sshrl.u32 s1, $0x2  }
0xb9: {  	s3 =	sand.u32 $0x4000, s31;
	s1 =	sadd.s32 s1, s30  }
0xba: {  	s0 =	sor.u32 s3, s0;
	s1 =	sshll.u32 s1, $0x11  }
0xbb: {  	s0 =	sor.u32 s1, s0  }
0xbc: {  	s0 =	sadd.s32 $0x8F2B, s0  }
0xbd: {  	[sflag:s0] =	ssyncadd.remote.s32 $0x1  }
0xbe: {  	_ =	sfence.sel $0xFFFF  }
0xbf: {  	[dreg:$0x0] =	wrdreg $0xFFFFFFFF;
	(pc) =	sbr.abs _section_cstart, $3  }
0xc0: {  	[dreg:$0x1] =	wrdreg $0xFFFFFFFF  }
0xc1: {  	_ =	task.clear_ibuf [dreg:s6], $0x2FFFF;
	_ =	strace $0x9FFFFFFF  }
0xc2: {  	(tm) =	ssettm $0x7FFFFFFF  }
0xc3: {  	_ =	shalt  }
tec
execute0_lowered:
.L_overlay_start_1:
0x0: {  	(tag) =	ssettag $0x1  }
0x1: {  	s0 =	rddreg [dreg:$0x0]  }
0x2: {  	s2 =	rddreg [dreg:$0x1];
	s3 =	simm.s32 $0x0  }
0x3: {  	s9 =	stileid.u32;
	s1 =	srdreg.scid;
	s12 =	simm.s32 $0x11  }
0x4: {  	s13 =	simm.s32 $0xE00;
	s14 =	simm.s32 $0x80;
	s15 =	simm.s32 $0x1C00  }
0x5: {  	s30 =	simm.s32 $0x1;
	s31 =	simm.s32 $0x380;
	s11 =	simm.s32 $0x10  }
0x6: {  	s23 =	simm.s32 $0x9;
	s16 =	simm.s32 $0xC;
	s19 =	simm.s32 $0x0  }
0x7: {  	[smem:$0x7FF] =	sst s3;
	s6 =	smul.u32 $0x19040, s9;
	s1 =	sand.u32 $0x1, s1  }
0x8: {  	s4 =	sadd.s32 $0x8800, s0;
	s5 =	sadd.s32 $0x39800, s0;
	s26 =	smul.u32 $0x19000, s9  }
0x9: {  	s25 =	sshll.u32 s9, $0x6;
	_ =	strace $0x80000047;
	s7 =	smul.u32 $0x32000, s1  }
0xa: {  	s1 =	ssub.s32 $0x2, s1;
	s18 =	sor.u32 $0x1C11, s25;
	s25 =	simm.s32 $0xA  }
0xb: {  	s8 =	sshrl.u32 s6, $0x3;
	s24 =	sshrl.u32 s1, $0x1;
	s6 =	sadd.s32 s6, s2  }
0xc: {  	s10 =	sshrl.u32 s26, $0x3;
	[dreg:$0x4] =	wrdreg s18;
	s8 =	sadd.s32 s8, s0  }
0xd: {  	s0 =	sadd.s32 s7, s0;
	s1 =	ssub.s32 s1, s24;
	s7 =	sadd.s32 s26, s2  }
0xe: {  	s28 =	sshrl.u32 s6, $0x3;
	s6 =	simm.s32 $0xE;
	s8 =	sadd.s32 $0xCE800, s8  }
0xf: {  	s1 =	smax.u32 s1, $0x1;
	[dreg:$0x6] =	wrdreg s28;
	s29 =	sshrl.u32 s7, $0x3  }
0x10: {  	s7 =	simm.s32 $0xB;
	[dreg:$0x3] =	wrdreg s8;
	s8 =	smul.u32 $0x310, s9  }
0x11: {  	s9 =	sadd.s32 $0x6A800, s0;
	s0 =	sadd.s32 $0x100A00, s0;
	[dreg:$0x5] =	wrdreg s1  }
0x12: {  	[dreg:$0x8] =	wrdreg s29;
	s1 =	simm.s32 $0xD;
	s0 =	sadd.s32 s10, s0  }
0x13: {  	s10 =	simm.s32 $0xF;
	[dreg:$0x7] =	wrdreg s0;
	s0 =	simm.s32 $0x5400  }
.LBB2_1:
0x14: {  	[dreg:$0x9] =	wrdreg s19  }
0x15: {  	s17 =	rddreg [dreg:$0x3]  }
0x16: {  	s29 =	rddreg [dreg:$0x6]  }
0x17: {  	[spmem:s29], [sflag:s18] =	dma.local [hbm:s17], $0x3208  }
0x18: {  	_ =	swait.ge [sflag:s12], $0x3208  }
0x19: {  	[sflag:s12] =	ssyncset.done $0x0  }
0x1a: {  	[sflag:s12] =	ssyncadd.s32 $0xFFFFCDF8  }
0x1b: {  	s17 =	simm.s32 $0x0;
	[bflag:$0x0] =	sbarrier.arrive $0xFFFF  }
.LBB2_2:
0x1c: {  	s18 =	smul.u32 $0x1C, s17;
	_ =	sdelay $0x1  }
0x1d: {  	s18 =	sadd.s32 s8, s18  }
0x1e: {  	s18 =	sshll.u32 s18, $0x4  }
0x1f: {  	s19 =	sadd.s32 s4, s18  }
0x20: {  	[tilespmem:s3], [sflag:$0x11] =	stream.linear.gather [hbm4b:s19+s3], $0xE00, $0x38;
	[tilespmem:$0x1EC40] =	vst v63  }
0x21: {  	_ =	swait.ge [sflag:s12], $0xE00  }
0x22: {  	[sflag:s12] =	ssyncset.done $0x0  }
0x23: {  	s18 =	sadd.s32 s5, s18;
	[sflag:s12] =	ssyncadd.s32 $0xFFFFF200  }
0x24: {  	[tilespmem:s13], [sflag:$0x11] =	stream.linear.gather [hbm4b:s18+s3], $0xE00, $0x38;
	[tilespmem:$0x1EC40] =	vst v63  }
0x25: {  	_ =	swait.ge [sflag:s12], $0xE00  }
0x26: {  	[sflag:s12] =	ssyncset.done $0x0  }
0x27: {  	[sflag:s12] =	ssyncadd.s32 $0xFFFFF200  }
0x28: {  	[tilespmem:s15], [sflag:$0x1] =	stream.indirect.gather [hbm4b:s9+s14], $0x10, s3, s14, $0xb8;
	[tilespmem:$0x1EC40] =	vst v63  }
0x29: {  	s21 =	simm.s32 $0x2400  }
0x2a: {  	[tilespmem:s21], [sflag:$0x2] =	stream.indirect.gather [hbm4b:s9+s14], $0x10, s14, s14, $0xb8;
	[tilespmem:$0x1EC40] =	vst v63  }
0x2b: {  	s22 =	simm.s32 $0x100;
	s24 =	simm.s32 $0x2C00  }
0x2c: {  	[tilespmem:s24], [sflag:$0x3] =	stream.indirect.gather [hbm4b:s9+s14], $0x10, s22, s14, $0xb8;
	[tilespmem:$0x1EC40] =	vst v63  }
0x2d: {  	s26 =	simm.s32 $0x180;
	s29 =	simm.s32 $0x3400  }
0x2e: {  	[tilespmem:s29], [sflag:$0x4] =	stream.indirect.gather [hbm4b:s9+s14], $0x10, s26, s14, $0xb8;
	[tilespmem:$0x1EC40] =	vst v63  }
0x2f: {  	s20 =	simm.s32 $0x3C00;
	s19 =	simm.s32 $0x200  }
0x30: {  	[tilespmem:s20], [sflag:$0x5] =	stream.indirect.gather [hbm4b:s9+s14], $0x10, s19, s14, $0xb8;
	[tilespmem:$0x1EC40] =	vst v63  }
0x31: {  	s21 =	simm.s32 $0x280;
	s22 =	simm.s32 $0x4400  }
0x32: {  	[tilespmem:s22], [sflag:$0x6] =	stream.indirect.gather [hbm4b:s9+s14], $0x10, s21, s14, $0xb8;
	[tilespmem:$0x1EC40] =	vst v63  }
0x33: {  	s24 =	simm.s32 $0x300;
	s26 =	simm.s32 $0x4C00  }
0x34: {  	[tilespmem:s26], [sflag:$0x7] =	stream.indirect.gather [hbm4b:s9+s14], $0x10, s24, s14, $0xb8;
	[tilespmem:$0x1EC40] =	vst v63  }
0x35: {  	_ =	swait.ge [sflag:s30], $0x800  }
0x36: {  	s29 =	simm.s32 $0x1;
	[sflag:s30] =	ssyncset.done $0x0  }
0x37: {  	p0 =	por $0x0, $0x0;
	s21 =	sand.u32 $0x7, s29;
	[sflag:s30] =	ssyncadd.s32 $0xFFFFF800  }
0x38: {  	[spmem:s2] =	stream.indirect.scatter.add.f32 [tilespmem:s15], [sflag:$0x9], $0x10, s13, s14, $0xb8;
	[tilespmem:$0x1EC40] =	vst v63  }
0x39: {  	s28 =	simm.s32 @!p0 $0x80;
	s20 =	simm.s32 $0x8;
	s24 =	sadd.s32 $0x1, s21  }
0x3a: {  	[tilespmem:s0], [sflag:$0x8] =	stream.indirect.gather [hbm4b:s9+s14], $0x10, s31, s14, $0xb8;
	[tilespmem:$0x1EC40] =	vst v63  }
0x3b: {  	s18 =	simm.s32 $0x400;
	s20 =	sand.u32 @!p0 $0x7, s20;
	_ =	swait.ge [sflag:s24], $0x800  }
0x3c: {  	s22 =	simm.s32 $0xE80;
	s26 =	sshll.u32 s21, $0xB;
	[sflag:s24] =	ssyncset.done $0x0  }
0x3d: {  	s21 =	sadd.s32 $0x9, s21;
	s26 =	sadd.s32 $0x1C00, s26;
	[sflag:s24] =	ssyncadd.s32 $0xFFFFF800  }
0x3e: {  	[spmem:s2] =	stream.indirect.scatter.add.f32 [tilespmem:s26], [sflag:s21], $0x10, s22, s14, $0xb8;
	[tilespmem:$0x1EC40] =	vst v63  }
0x3f: {  	s19 =	simm.s32 $0x9;
	s24 =	sadd.s32 @!p0 $0x9, s20;
	s21 =	sshll.u32 @!p0 s20, $0xB  }
0x40: {  	s22 =	sadd.s32 @!p0 $0x1, s20;
	s20 =	simm.s32 $0xF00;
	_ =	swait.ge @!p0 [sflag:s24], $0x800  }
0x41: {  	s26 =	sadd.s32 @!p0 $0x1C00, s21;
	s21 =	simm.s32 $0x480;
	[sflag:s24] =	ssyncset.done @!p0 $0x0  }
.LBB2_3:
0x42: {  	s29 =	sadd.s32 $0xFFFFFFF9, s19  }
0x43: {  	[sflag:s24] =	ssyncadd.s32 @!p0 $0xFFFFF800;
	s24 =	smov.u32 s19;
	s19 =	sadd.s32 $0x1, s19  }
0x44: {  	[tilespmem:s26], [sflag:s22] =	stream.indirect.gather @!p0 [hbm4b:s9+s28], $0x10, s18, s28, $0xb8;
	[tilespmem:$0x1EC40] =	vst v63  }
0x45: {  	s22 =	sand.u32 $0x7, s29;
	p1 =	sne.s32 s19, $0x23;
	s18 =	smov.u32 s21  }
0x46: {  	s26 =	sshll.u32 s22, $0xB;
	s28 =	sadd.s32 $0x1, s22  }
0x47: {  	p0 =	sgt.u32 s29, $0x14;
	_ =	swait.ge [sflag:s28], $0x800  }
0x48: {  	s22 =	sadd.s32 $0x9, s22;
	s26 =	sadd.s32 $0x1C00, s26;
	[sflag:s28] =	ssyncset.done $0x0  }
.Ltmp0:
0x49: {  	[sflag:s28] =	ssyncadd.s32 $0xFFFFF800;
	s28 =	sand.u32 @!p0 $0x7, s24;
	(pc) =	sbr.rel @p1 .LBB2_3-.Ltmp0, $4  }
0x4a: {  	[spmem:s2] =	stream.indirect.scatter.add.f32 [tilespmem:s26], [sflag:s22], $0x10, s20, s14, $0xb8;
	[tilespmem:$0x1EC40] =	vst v63  }
0x4b: {  	s24 =	sadd.s32 @!p0 $0x9, s28;
	s26 =	sshll.u32 @!p0 s28, $0xB;
	s22 =	sadd.s32 @!p0 $0x1, s28  }
0x4c: {  	s20 =	sadd.s32 $0x80, s20;
	s26 =	sadd.s32 @!p0 $0x1C00, s26;
	_ =	swait.ge @!p0 [sflag:s24], $0x800  }
0x4d: {  	s21 =	sadd.s32 $0x80, s21;
	s28 =	simm.s32 @!p0 $0x80;
	[sflag:s24] =	ssyncset.done @!p0 $0x0  }
0x4e: {  	[sflag:s24] =	ssyncadd.s32 @!p0 $0xFFFFF800  }
0x4f: {  	[tilespmem:s26], [sflag:s22] =	stream.indirect.gather @!p0 [hbm4b:s9+s28], $0x10, s18, s28, $0xb8;
	[tilespmem:$0x1EC40] =	vst v63  }
0x50: {  	_ =	swait.ge [sflag:s1], $0x800  }
0x51: {  	[sflag:s1] =	ssyncset.done $0x0  }
0x52: {  	[sflag:s1] =	ssyncadd.s32 $0xFFFFF800  }
0x53: {  	_ =	swait.ge [sflag:s6], $0x800  }
0x54: {  	[sflag:s6] =	ssyncset.done $0x0  }
0x55: {  	[sflag:s6] =	ssyncadd.s32 $0xFFFFF800  }
0x56: {  	_ =	swait.ge [sflag:s10], $0x800  }
0x57: {  	[sflag:s10] =	ssyncset.done $0x0  }
0x58: {  	[sflag:s10] =	ssyncadd.s32 $0xFFFFF800  }
0x59: {  	_ =	swait.ge [sflag:s11], $0x800  }
0x5a: {  	[sflag:s11] =	ssyncset.done $0x0  }
0x5b: {  	[sflag:s11] =	ssyncadd.s32 $0xFFFFF800  }
0x5c: {  	_ =	swait.ge [sflag:s23], $0x800  }
0x5d: {  	[sflag:s23] =	ssyncset.done $0x0  }
0x5e: {  	[sflag:s23] =	ssyncadd.s32 $0xFFFFF800  }
0x5f: {  	_ =	swait.ge [sflag:s25], $0x800  }
0x60: {  	[sflag:s25] =	ssyncset.done $0x0  }
0x61: {  	s17 =	sadd.s32 $0x1, s17;
	[sflag:s25] =	ssyncadd.s32 $0xFFFFF800  }
0x62: {  	p0 =	sne.s32 s17, $0x1C;
	_ =	swait.ge [sflag:s7], $0x800  }
.Ltmp1:
0x63: {  	[sflag:s7] =	ssyncset.done $0x0;
	(pc) =	sbr.rel @p0 .LBB2_2-.Ltmp1, $4  }
0x64: {  	[sflag:s7] =	ssyncadd.s32 $0xFFFFF800  }
0x65: {  	_ =	swait.ge [sflag:s16], $0x800  }
0x66: {  	[sflag:s16] =	ssyncset.done $0x0  }
0x67: {  	[sflag:s16] =	ssyncadd.s32 $0xFFFFF800  }
0x68: {  	[bflag:$0x0] =	sbarrier.arrive $0xFFFF  }
0x69: {  	s18 =	rddreg [dreg:$0x4]  }
0x6a: {  	s17 =	rddreg [dreg:$0x7]  }
0x6b: {  	s19 =	rddreg [dreg:$0x8]  }
0x6c: {  	[hbm:s17], [sflag:s18] =	dma.local [spmem:s19], $0x3200  }
0x6d: {  	_ =	swait.ge [sflag:s12], $0x3200  }
0x6e: {  	s28 =	rddreg [dreg:$0x9]  }
0x6f: {  	s29 =	rddreg [dreg:$0x5];
	s19 =	sadd.s32 $0x1, s28  }
0x70: {  	p0 =	sne.s32 s19, s29  }
.Ltmp2:
0x71: {  	_ = 	snop;
	(pc) =	sbr.rel @p0 .LBB2_1-.Ltmp2, $3  }
0x72: {  	_ =	sdelay $0x1  }
0x73: {  	[sflag:s12] =	ssyncset.done $0x0  }
0x74: {  	[sflag:s12] =	ssyncadd.s32 $0xFFFFCE00  }
0x75: {  	_ =	sfence.sel $0x180000  }
0x76: {  	[bflag:$0x0] =	sbarrier.arrive $0xFFFF  }
0x77: {  	_ =	strace $0x90000047  }
0x78: {  	s0 =	stileid.u32;
	[bflag:$0x2] =	sbarrier.arrive $0xFFFF  }
0x79: {  	p0 =	sne.s32 s0, $0x0;
	s0 =	rddreg [dreg:$0x2]  }
0x7a: {  	s0 =	sadd.s32 @!p0 $0x100000, s0  }
0x7b: {  	[sflag:s0] =	ssyncadd.tile.s32 @!p0 $0x1;
	_ =	shalt  }
.Lfunc_end2:
_tile_overlayer_lowered:
.L_overlay_start_2:
0x7c: {  	(tag) =	ssettag $0x2  }
0x7d: {  	s0 =	rddreg [dreg:$0x0];
	s2 =	stileid.u32  }
0x7e: {  	s1 =	rddreg [dreg:$0x1];
	p0 =	sne.s32 s2, $0x0  }
0x7f: {  	s3 =	rddreg [dreg:$0x2];
	[bflag:$0x3] =	sbarrier.arrive $0xFFFF;
	s2 =	simm.s32 @!p0 $0x1C11  }
0x80: {  	[timem:s3], [sflag:s2] =	dma.local @!p0 [hbm:s0], s1  }
0x81: {  	s0 =	simm.s32 @!p0 $0x11  }
0x82: {  	_ =	swait.ge @!p0 [sflag:s0], s1  }
0x83: {  	s1 =	ssub.s32 @!p0 $0x0, s1;
	[sflag:s0] =	ssyncset.done @!p0 $0x0  }
0x84: {  	[sflag:s0] =	ssyncadd.s32 @!p0 s1  }
0x85: {  	[bflag:$0x3] =	sbarrier.arrive $0xFFFF  }
0x86: {  	_ =	shalt  }

// kernel: kernel.20.cloned.1.call-start
scs
__scs_entry_jumppad:
0x0: {  	(pc) =	sbr.rel $0x88, $3  }
0x1: {  	(tag) =	ssettag $0x0;
	lr =	simm.s32 $0x1  }
0x2: {  	[smem:$0x3F93] =	sst lr;
	_ =	strace $0xD0000000  }
0x3: {  	_ = 	snop  }
0x4: {  	_ = 	snop  }
0x5: {  	_ = 	snop  }
0x6: {  	_ = 	snop  }
0x7: {  	_ = 	snop  }
__scs_overlays_trampoline_lowered:
0x8: {  	[smem:$0x3FA2] =	sst s0  }
0x9: {  	[smem:$0x3FA3] =	sst s1  }
0xa: {  	[smem:$0x3FA4] =	sst s2  }
0xb: {  	[smem:$0x3FA5] =	sst s3  }
0xc: {  	[smem:$0x3FA6] =	sst s4  }
0xd: {  	[smem:$0x3FA7] =	sst s5  }
0xe: {  	[smem:$0x3FA8] =	sst s6  }
0xf: {  	[smem:$0x3FA9] =	sst s7  }
0x10: {  	[smem:$0x3FAA] =	sst s8  }
0x11: {  	[smem:$0x3FAB] =	sst s9;
	s0 =	simm.s32 @!p0 $0x0  }
0x12: {  	s1 =	sld [smem:$0x3F91];
	s0 =	simm.s32 @p0 $0x1  }
0x13: {  	[smem:$0x3FAC] =	sst s0;
	s0 =	simm.s32 @!p1 $0x0  }
0x14: {  	s2 =	sld [smem:$0x3F90];
	s0 =	simm.s32 @p1 $0x1  }
0x15: {  	[smem:$0x3FAD] =	sst s0;
	s0 =	simm.s32 @!p2 $0x0  }
0x16: {  	s3 =	sld [smem:$0x3FDB];
	s0 =	simm.s32 @p2 $0x1  }
0x17: {  	s4 =	simm.s32 $0x1BF5;
	[smem:$0x3FAF] =	sst s0  }
0x18: {  	s0 =	sld [smem:$0x3F92];
	_ =	swait.ge [sflag:s4], $0x0  }
0x19: {  	s7 =	sld [smem:$0x3F93]  }
0x1a: {  	s8 =	sadd.s32 $0xFFFFE003, lr  }
0x1b: {  	s9 =	sadd.s32 $0xFFFFFEF7, lr;
	s5 =	simm.s32 $0xFFFFFFFF;
	p2 =	slt.u32 s8, $0xFFFFF086  }
0x1c: {  	p1 =	slt.u32 s9, $0xF7A;
	s5 =	simm.s32 @!p2 $0x0  }
0x1d: {  	s5 =	simm.s32 @p1 $0x1;
	p0 =	seq.s32 s7, s2  }
0x1e: {  	s7 =	smul.u32 @!p0 $0xF7A, s2;
	p2 =	seq.s32 @!p0 s5, $0x0  }
0x1f: {  	s9 =	smul.u32 $0xF7A, s1;
	s8 =	simm.s32 @!p0 $0x1BF5;
	p2 =	por !p2, p0  }
0x20: {  	[sflag:s8] =	ssyncset.s32 @!p0 $0xFFFFF086;
	s6 =	sadd.s32 @!p0 s3, s7;
	s7 =	simm.s32 @!p0 $0x108  }
0x21: {  	s3 =	sadd.s32 s3, s9;
	s6 =	sadd.s32 @!p0 $0x88, s6;
	s7 =	simm.s32 @p2 $0x1082  }
0x22: {  	[simem:s7], [sflag:s8] =	dma.local @!p0 [hbm:s6], $0xF7A  }
0x23: {  	s9 =	sor.u32 $0xD0000000, s2;
	s6 =	simm.s32 $0x108;
	_ =	swait.ge @!p0 [sflag:s8], $0x0  }
0x24: {  	s3 =	sadd.s32 $0x88, s3;
	s6 =	simm.s32 @!p1 $0x1082;
	[sflag:s4] =	ssyncset.s32 $0xFFFFF086  }
0x25: {  	[simem:s6], [sflag:s4] =	dma.local [hbm:s3], $0xF7A  }
0x26: {  	[smem:$0x3F93] =	sst s1;
	(tag) =	ssettag s2;
	_ =	strace s9  }
0x27: {  	s1 =	sld [smem:$0x3FA3]  }
0x28: {  	s2 =	sld [smem:$0x3FA4]  }
0x29: {  	s4 =	sld [smem:$0x3FA6]  }
0x2a: {  	p0 =	seq.s32 s5, $0x0;
	s5 =	sld [smem:$0x3FA7]  }
0x2b: {  	s6 =	sld [smem:$0x3FA8]  }
0x2c: {  	s7 =	sld [smem:$0x3FA9]  }
0x2d: {  	s3 =	simm.s32 $0x108;
	s8 =	sld [smem:$0x3FAA]  }
0x2e: {  	s3 =	simm.s32 @!p0 $0x1082;
	s9 =	sld [smem:$0x3FAB]  }
0x2f: {  	lr =	sadd.s32 s0, s3;
	s0 =	sld [smem:$0x3FA2]  }
0x30: {  	s3 =	sld [smem:$0x3FA5]  }
0x31: {  	[smem:$0x3FAE] =	sst s10  }
0x32: {  	s10 =	sld [smem:$0x3FAC];
	_ =	sdelay $0x3  }
0x33: {  	p0 =	seq.s32 s10, $0x1;
	s10 =	sld [smem:$0x3FAE];
	_ =	sdelay $0x3  }
0x34: {  	[smem:$0x3FAE] =	sst s10  }
0x35: {  	s10 =	sld [smem:$0x3FAD];
	_ =	sdelay $0x3  }
0x36: {  	p1 =	seq.s32 s10, $0x1;
	s10 =	sld [smem:$0x3FAE];
	_ =	sdelay $0x3  }
0x37: {  	[smem:$0x3FAE] =	sst s10  }
0x38: {  	s10 =	sld [smem:$0x3FAF]  }
0x39: {  	_ = 	snop;
	(pc) =	sbr.ind lr, $3  }
0x3a: {  	_ = 	snop  }
0x3b: {  	_ = 	snop  }
0x3c: {  	p2 =	seq.s32 s10, $0x1;
	s10 =	sld [smem:$0x3FAE]  }
0x3d: {  	_ =	shalt  }
0x3e: {  	_ =	shalt  }
0x3f: {  	_ =	shalt  }
0x40: {  	_ =	shalt  }
0x41: {  	_ =	shalt  }
0x42: {  	_ =	shalt  }
0x43: {  	_ =	shalt  }
0x44: {  	_ =	shalt  }
0x45: {  	_ =	shalt  }
0x46: {  	_ =	shalt  }
0x47: {  	_ =	shalt  }
0x48: {  	_ =	shalt  }
0x49: {  	_ =	shalt  }
0x4a: {  	_ =	shalt  }
0x4b: {  	_ =	shalt  }
0x4c: {  	_ =	shalt  }
0x4d: {  	_ =	shalt  }
0x4e: {  	_ =	shalt  }
0x4f: {  	_ =	shalt  }
0x50: {  	_ =	shalt  }
0x51: {  	_ =	shalt  }
0x52: {  	_ =	shalt  }
0x53: {  	_ =	shalt  }
0x54: {  	_ =	shalt  }
0x55: {  	_ =	shalt  }
0x56: {  	_ =	shalt  }
0x57: {  	_ =	shalt  }
0x58: {  	_ =	shalt  }
0x59: {  	_ =	shalt  }
0x5a: {  	_ =	shalt  }
0x5b: {  	_ =	shalt  }
0x5c: {  	_ =	shalt  }
0x5d: {  	_ =	shalt  }
0x5e: {  	_ =	shalt  }
0x5f: {  	_ =	shalt  }
0x60: {  	_ =	shalt  }
0x61: {  	_ =	shalt  }
0x62: {  	_ =	shalt  }
0x63: {  	_ =	shalt  }
0x64: {  	_ =	shalt  }
0x65: {  	_ =	shalt  }
0x66: {  	_ =	shalt  }
0x67: {  	_ =	shalt  }
0x68: {  	_ =	shalt  }
0x69: {  	_ =	shalt  }
0x6a: {  	_ =	shalt  }
0x6b: {  	_ =	shalt  }
0x6c: {  	_ =	shalt  }
0x6d: {  	_ =	shalt  }
0x6e: {  	_ =	shalt  }
0x6f: {  	_ =	shalt  }
0x70: {  	_ =	shalt  }
0x71: {  	_ =	shalt  }
0x72: {  	_ =	shalt  }
0x73: {  	_ =	shalt  }
0x74: {  	_ =	shalt  }
0x75: {  	_ =	shalt  }
0x76: {  	_ =	shalt  }
0x77: {  	_ =	shalt  }
0x78: {  	_ =	shalt  }
0x79: {  	_ =	shalt  }
0x7a: {  	_ =	shalt  }
0x7b: {  	_ =	shalt  }
0x7c: {  	_ =	shalt  }
0x7d: {  	_ =	shalt  }
0x7e: {  	_ =	shalt  }
0x7f: {  	_ =	shalt  }
0x80: {  	_ =	shalt  }
0x81: {  	_ =	shalt  }
0x82: {  	_ =	shalt  }
0x83: {  	_ =	shalt  }
0x84: {  	_ =	shalt  }
0x85: {  	_ =	shalt  }
0x86: {  	_ =	shalt  }
0x87: {  	_ =	shalt  }
.Lfunc_end0:
.L_simem_size_0:
called_computation.1_lowered:
.L_overlay_start_0:
0x88: {  	s2 =	sld [smem:$0x3FD9]  }
0x89: {  	s3 =	sld [smem:$0x3FFE];
	_ =	sdelay $0x1  }
0x8a: {  	s1 =	srdreg.scid  }
0x8b: {  	s0 =	sand.u32 $0x1, s1  }
0x8c: {  	s16 =	sshll.u32 s0, $0xA;
	s2 =	sadd.s32 s3, s2  }
0x8d: {  	s2 =	sadd.s32 s2, s16  }
0x8e: {  	[smem:$0x3FBA] =	sst s2  }
0x8f: {  	_ = 	snop  }
0x90: {  	(tm) =	ssettm $0x1  }
0x91: {  	s17 =	sld [smem:$0x3FFB];
	_ =	sdelay $0x3  }
0x92: {  	_ =	strace s17  }
0x93: {  	s2 =	sld [smem:$0x3FFC];
	_ =	sdelay $0x3  }
0x94: {  	_ =	strace s2  }
0x95: {  	s2 =	sld [smem:$0x3FFD];
	_ =	sdelay $0x3  }
0x96: {  	_ =	strace s2  }
0x97: {  	_ =	strace $0x8FFFFFFF  }
0x98: {  	s18 =	sld [smem:$0x3FDB];
	_ =	sdelay $0x1  }
0x99: {  	s19 =	simm.s32 $_scs_section_size  }
0x9a: {  	s4 =	simm.s32 $_size__tile_overlayer_lowered;
	s5 =	simm.s32 $_tile_overlayer_lowered  }
0x9b: {  	s22 =	simm.s32 $0x1BFF;
	s21 =	sshll.u32 s5, $0x1;
	s2 =	sadd.s32 s19, s18  }
0x9c: {  	s6 =	simm.s32 $0x0;
	s20 =	sshll.u32 s4, $0x1;
	s4 =	sadd.s32 s21, s2  }
0x9d: {  	[timem:s6], [sflag:s22] =	dma.local [hbm:s4], s20  }
0x9e: {  	_ =	swait.ge [sflag:s22], s20  }
0x9f: {  	s3 =	ssub.s32 $0x0, s20;
	[sflag:s22] =	ssyncset.done $0x0  }
0xa0: {  	[sflag:s22] =	ssyncadd.s32 s3;
	_ =	sdelay $0x1  }
0xa1: {  	s23 =	simm.s32 $0x1B8B  }
0xa2: {  	_ =	swait.ge [sflag:s23], $0x1  }
0xa3: {  	[sflag:s23] =	ssyncset.done $0x0  }
0xa4: {  	s25 =	simm.s32 $0x1B8E;
	s24 =	sld [smem:$0x3FFE];
	[sflag:s23] =	ssyncadd.s32 $0xFFFFFFFF  }
0xa5: {  	s26 =	simm.s32 $execute0_lowered;
	[smem:$0x3FD2] =	sst s25  }
0xa6: {  	s4 =	sshll.u32 s26, $0x1;
	_ =	strace $0x80000049;
	[dreg:$0x1] =	wrdreg $0xFFFFFFFF  }
0xa7: {  	s28 =	simm.s32 $_size_execute0_lowered;
	s2 =	sadd.s32 s2, s4;
	[dreg:$0x0] =	wrdreg $0x0  }
0xa8: {  	s4 =	sshll.u32 s28, $0x1;
	[dreg:$0x2] =	wrdreg s2  }
0xa9: {  	[dreg:$0x3] =	wrdreg s4  }
0xaa: {  	[dreg:$0x4] =	wrdreg $0xC0  }
0xab: {  	_ =	task [dreg:s6], $0x5FFFF  }
0xac: {  	[dreg:$0x1] =	wrdreg $0xFFFFFFFF  }
0xad: {  	[dreg:$0x0] =	wrdreg $0x60  }
0xae: {  	[dreg:$0x2] =	wrdreg s24  }
0xaf: {  	[dreg:$0x3] =	wrdreg $0x5C000  }
0xb0: {  	[dreg:$0x4] =	wrdreg $0x9  }
0xb1: {  	_ =	task.clear_ibuf [dreg:s6], $0x5FFFF;
	_ =	strace $0x90000049  }
0xb2: {  	s29 =	simm.s32 $0x9;
	_ =	strace $0x8000004B  }
0xb3: {  	_ =	swait.ge [sflag:s29], $0x1  }
0xb4: {  	[sflag:s29] =	ssyncadd.s32 $0xFFFFFFFF  }
0xb5: {  	_ =	strace $0x9000004B  }
0xb6: {  	_ =	sfence  }
0xb7: {  	s30 =	sld [smem:$0x0];
	_ =	sdelay $0x2  }
0xb8: {  	s31 =	sshll.u32 s1, $0xD;
	s1 =	sshrl.u32 s1, $0x2  }
0xb9: {  	s3 =	sand.u32 $0x4000, s31;
	s1 =	sadd.s32 s1, s30  }
0xba: {  	s0 =	sor.u32 s3, s0;
	s1 =	sshll.u32 s1, $0x11  }
0xbb: {  	s0 =	sor.u32 s1, s0  }
0xbc: {  	s0 =	sadd.s32 $0x8F2B, s0  }
0xbd: {  	[sflag:s0] =	ssyncadd.remote.s32 $0x1  }
0xbe: {  	_ =	sfence.sel $0xFFFF  }
0xbf: {  	[dreg:$0x0] =	wrdreg $0xFFFFFFFF;
	(pc) =	sbr.abs _section_cstart, $3  }
0xc0: {  	[dreg:$0x1] =	wrdreg $0xFFFFFFFF  }
0xc1: {  	_ =	task.clear_ibuf [dreg:s6], $0x2FFFF;
	_ =	strace $0x9FFFFFFF  }
0xc2: {  	(tm) =	ssettm $0x7FFFFFFF  }
0xc3: {  	_ =	shalt  }
tec
execute0_lowered:
.L_overlay_start_1:
0x0: {  	(tag) =	ssettag $0x1  }
0x1: {  	s0 =	rddreg [dreg:$0x0]  }
0x2: {  	s2 =	rddreg [dreg:$0x1];
	s3 =	simm.s32 $0x0  }
0x3: {  	s9 =	stileid.u32;
	s1 =	srdreg.scid;
	s12 =	simm.s32 $0x11  }
0x4: {  	s13 =	simm.s32 $0xE00;
	s14 =	simm.s32 $0x80;
	s15 =	simm.s32 $0x1C00  }
0x5: {  	s30 =	simm.s32 $0x1;
	s31 =	simm.s32 $0x380;
	s11 =	simm.s32 $0x10  }
0x6: {  	s23 =	simm.s32 $0x9;
	s16 =	simm.s32 $0xC;
	s19 =	simm.s32 $0x0  }
0x7: {  	[smem:$0x7FF] =	sst s3;
	s6 =	smul.u32 $0x19040, s9;
	s1 =	sand.u32 $0x1, s1  }
0x8: {  	s4 =	sadd.s32 $0x8800, s0;
	s5 =	sadd.s32 $0x39800, s0;
	s26 =	smul.u32 $0x19000, s9  }
0x9: {  	s25 =	sshll.u32 s9, $0x6;
	_ =	strace $0x8000004A;
	s7 =	smul.u32 $0x32000, s1  }
0xa: {  	s1 =	ssub.s32 $0x2, s1;
	s18 =	sor.u32 $0x1C11, s25;
	s25 =	simm.s32 $0xA  }
0xb: {  	s8 =	sshrl.u32 s6, $0x3;
	s24 =	sshrl.u32 s1, $0x1;
	s6 =	sadd.s32 s6, s2  }
0xc: {  	s10 =	sshrl.u32 s26, $0x3;
	[dreg:$0x4] =	wrdreg s18;
	s8 =	sadd.s32 s8, s0  }
0xd: {  	s0 =	sadd.s32 s7, s0;
	s1 =	ssub.s32 s1, s24;
	s7 =	sadd.s32 s26, s2  }
0xe: {  	s28 =	sshrl.u32 s6, $0x3;
	s6 =	simm.s32 $0xE;
	s8 =	sadd.s32 $0xCE800, s8  }
0xf: {  	s1 =	smax.u32 s1, $0x1;
	[dreg:$0x6] =	wrdreg s28;
	s29 =	sshrl.u32 s7, $0x3  }
0x10: {  	s7 =	simm.s32 $0xB;
	[dreg:$0x3] =	wrdreg s8;
	s8 =	smul.u32 $0x310, s9  }
0x11: {  	s9 =	sadd.s32 $0x6A800, s0;
	s0 =	sadd.s32 $0x100A00, s0;
	[dreg:$0x5] =	wrdreg s1  }
0x12: {  	[dreg:$0x8] =	wrdreg s29;
	s1 =	simm.s32 $0xD;
	s0 =	sadd.s32 s10, s0  }
0x13: {  	s10 =	simm.s32 $0xF;
	[dreg:$0x7] =	wrdreg s0;
	s0 =	simm.s32 $0x5400  }
.LBB2_1:
0x14: {  	[dreg:$0x9] =	wrdreg s19  }
0x15: {  	s17 =	rddreg [dreg:$0x3]  }
0x16: {  	s29 =	rddreg [dreg:$0x6]  }
0x17: {  	[spmem:s29], [sflag:s18] =	dma.local [hbm:s17], $0x3208  }
0x18: {  	_ =	swait.ge [sflag:s12], $0x3208  }
0x19: {  	[sflag:s12] =	ssyncset.done $0x0  }
0x1a: {  	[sflag:s12] =	ssyncadd.s32 $0xFFFFCDF8  }
0x1b: {  	s17 =	simm.s32 $0x0;
	[bflag:$0x0] =	sbarrier.arrive $0xFFFF  }
.LBB2_2:
0x1c: {  	s18 =	smul.u32 $0x1C, s17;
	_ =	sdelay $0x1  }
0x1d: {  	s18 =	sadd.s32 s8, s18  }
0x1e: {  	s18 =	sshll.u32 s18, $0x4  }
0x1f: {  	s19 =	sadd.s32 s4, s18  }
0x20: {  	[tilespmem:s3], [sflag:$0x11] =	stream.linear.gather [hbm4b:s19+s3], $0xE00, $0x38;
	[tilespmem:$0x1EC40] =	vst v63  }
0x21: {  	_ =	swait.ge [sflag:s12], $0xE00  }
0x22: {  	[sflag:s12] =	ssyncset.done $0x0  }
0x23: {  	s18 =	sadd.s32 s5, s18;
	[sflag:s12] =	ssyncadd.s32 $0xFFFFF200  }
0x24: {  	[tilespmem:s13], [sflag:$0x11] =	stream.linear.gather [hbm4b:s18+s3], $0xE00, $0x38;
	[tilespmem:$0x1EC40] =	vst v63  }
0x25: {  	_ =	swait.ge [sflag:s12], $0xE00  }
0x26: {  	[sflag:s12] =	ssyncset.done $0x0  }
0x27: {  	[sflag:s12] =	ssyncadd.s32 $0xFFFFF200  }
0x28: {  	[tilespmem:s15], [sflag:$0x1] =	stream.indirect.gather [hbm4b:s9+s14], $0x10, s3, s14, $0xb8;
	[tilespmem:$0x1EC40] =	vst v63  }
0x29: {  	s21 =	simm.s32 $0x2400  }
0x2a: {  	[tilespmem:s21], [sflag:$0x2] =	stream.indirect.gather [hbm4b:s9+s14], $0x10, s14, s14, $0xb8;
	[tilespmem:$0x1EC40] =	vst v63  }
0x2b: {  	s22 =	simm.s32 $0x100;
	s24 =	simm.s32 $0x2C00  }
0x2c: {  	[tilespmem:s24], [sflag:$0x3] =	stream.indirect.gather [hbm4b:s9+s14], $0x10, s22, s14, $0xb8;
	[tilespmem:$0x1EC40] =	vst v63  }
0x2d: {  	s26 =	simm.s32 $0x180;
	s29 =	simm.s32 $0x3400  }
0x2e: {  	[tilespmem:s29], [sflag:$0x4] =	stream.indirect.gather [hbm4b:s9+s14], $0x10, s26, s14, $0xb8;
	[tilespmem:$0x1EC40] =	vst v63  }
0x2f: {  	s20 =	simm.s32 $0x3C00;
	s19 =	simm.s32 $0x200  }
0x30: {  	[tilespmem:s20], [sflag:$0x5] =	stream.indirect.gather [hbm4b:s9+s14], $0x10, s19, s14, $0xb8;
	[tilespmem:$0x1EC40] =	vst v63  }
0x31: {  	s21 =	simm.s32 $0x280;
	s22 =	simm.s32 $0x4400  }
0x32: {  	[tilespmem:s22], [sflag:$0x6] =	stream.indirect.gather [hbm4b:s9+s14], $0x10, s21, s14, $0xb8;
	[tilespmem:$0x1EC40] =	vst v63  }
0x33: {  	s24 =	simm.s32 $0x300;
	s26 =	simm.s32 $0x4C00  }
0x34: {  	[tilespmem:s26], [sflag:$0x7] =	stream.indirect.gather [hbm4b:s9+s14], $0x10, s24, s14, $0xb8;
	[tilespmem:$0x1EC40] =	vst v63  }
0x35: {  	_ =	swait.ge [sflag:s30], $0x800  }
0x36: {  	s29 =	simm.s32 $0x1;
	[sflag:s30] =	ssyncset.done $0x0  }
0x37: {  	p0 =	por $0x0, $0x0;
	s21 =	sand.u32 $0x7, s29;
	[sflag:s30] =	ssyncadd.s32 $0xFFFFF800  }
0x38: {  	[spmem:s2] =	stream.indirect.scatter.add.f32 [tilespmem:s15], [sflag:$0x9], $0x10, s13, s14, $0xb8;
	[tilespmem:$0x1EC40] =	vst v63  }
0x39: {  	s28 =	simm.s32 @!p0 $0x80;
	s20 =	simm.s32 $0x8;
	s24 =	sadd.s32 $0x1, s21  }
0x3a: {  	[tilespmem:s0], [sflag:$0x8] =	stream.indirect.gather [hbm4b:s9+s14], $0x10, s31, s14, $0xb8;
	[tilespmem:$0x1EC40] =	vst v63  }
0x3b: {  	s18 =	simm.s32 $0x400;
	s20 =	sand.u32 @!p0 $0x7, s20;
	_ =	swait.ge [sflag:s24], $0x800  }
0x3c: {  	s22 =	simm.s32 $0xE80;
	s26 =	sshll.u32 s21, $0xB;
	[sflag:s24] =	ssyncset.done $0x0  }
0x3d: {  	s21 =	sadd.s32 $0x9, s21;
	s26 =	sadd.s32 $0x1C00, s26;
	[sflag:s24] =	ssyncadd.s32 $0xFFFFF800  }
0x3e: {  	[spmem:s2] =	stream.indirect.scatter.add.f32 [tilespmem:s26], [sflag:s21], $0x10, s22, s14, $0xb8;
	[tilespmem:$0x1EC40] =	vst v63  }
0x3f: {  	s19 =	simm.s32 $0x9;
	s24 =	sadd.s32 @!p0 $0x9, s20;
	s21 =	sshll.u32 @!p0 s20, $0xB  }
0x40: {  	s22 =	sadd.s32 @!p0 $0x1, s20;
	s20 =	simm.s32 $0xF00;
	_ =	swait.ge @!p0 [sflag:s24], $0x800  }
0x41: {  	s26 =	sadd.s32 @!p0 $0x1C00, s21;
	s21 =	simm.s32 $0x480;
	[sflag:s24] =	ssyncset.done @!p0 $0x0  }
.LBB2_3:
0x42: {  	s29 =	sadd.s32 $0xFFFFFFF9, s19  }
0x43: {  	[sflag:s24] =	ssyncadd.s32 @!p0 $0xFFFFF800;
	s24 =	smov.u32 s19;
	s19 =	sadd.s32 $0x1, s19  }
0x44: {  	[tilespmem:s26], [sflag:s22] =	stream.indirect.gather @!p0 [hbm4b:s9+s28], $0x10, s18, s28, $0xb8;
	[tilespmem:$0x1EC40] =	vst v63  }
0x45: {  	s22 =	sand.u32 $0x7, s29;
	p1 =	sne.s32 s19, $0x23;
	s18 =	smov.u32 s21  }
0x46: {  	s26 =	sshll.u32 s22, $0xB;
	s28 =	sadd.s32 $0x1, s22  }
0x47: {  	p0 =	sgt.u32 s29, $0x14;
	_ =	swait.ge [sflag:s28], $0x800  }
0x48: {  	s22 =	sadd.s32 $0x9, s22;
	s26 =	sadd.s32 $0x1C00, s26;
	[sflag:s28] =	ssyncset.done $0x0  }
.Ltmp0:
0x49: {  	[sflag:s28] =	ssyncadd.s32 $0xFFFFF800;
	s28 =	sand.u32 @!p0 $0x7, s24;
	(pc) =	sbr.rel @p1 .LBB2_3-.Ltmp0, $4  }
0x4a: {  	[spmem:s2] =	stream.indirect.scatter.add.f32 [tilespmem:s26], [sflag:s22], $0x10, s20, s14, $0xb8;
	[tilespmem:$0x1EC40] =	vst v63  }
0x4b: {  	s24 =	sadd.s32 @!p0 $0x9, s28;
	s26 =	sshll.u32 @!p0 s28, $0xB;
	s22 =	sadd.s32 @!p0 $0x1, s28  }
0x4c: {  	s20 =	sadd.s32 $0x80, s20;
	s26 =	sadd.s32 @!p0 $0x1C00, s26;
	_ =	swait.ge @!p0 [sflag:s24], $0x800  }
0x4d: {  	s21 =	sadd.s32 $0x80, s21;
	s28 =	simm.s32 @!p0 $0x80;
	[sflag:s24] =	ssyncset.done @!p0 $0x0  }
0x4e: {  	[sflag:s24] =	ssyncadd.s32 @!p0 $0xFFFFF800  }
0x4f: {  	[tilespmem:s26], [sflag:s22] =	stream.indirect.gather @!p0 [hbm4b:s9+s28], $0x10, s18, s28, $0xb8;
	[tilespmem:$0x1EC40] =	vst v63  }
0x50: {  	_ =	swait.ge [sflag:s1], $0x800  }
0x51: {  	[sflag:s1] =	ssyncset.done $0x0  }
0x52: {  	[sflag:s1] =	ssyncadd.s32 $0xFFFFF800  }
0x53: {  	_ =	swait.ge [sflag:s6], $0x800  }
0x54: {  	[sflag:s6] =	ssyncset.done $0x0  }
0x55: {  	[sflag:s6] =	ssyncadd.s32 $0xFFFFF800  }
0x56: {  	_ =	swait.ge [sflag:s10], $0x800  }
0x57: {  	[sflag:s10] =	ssyncset.done $0x0  }
0x58: {  	[sflag:s10] =	ssyncadd.s32 $0xFFFFF800  }
0x59: {  	_ =	swait.ge [sflag:s11], $0x800  }
0x5a: {  	[sflag:s11] =	ssyncset.done $0x0  }
0x5b: {  	[sflag:s11] =	ssyncadd.s32 $0xFFFFF800  }
0x5c: {  	_ =	swait.ge [sflag:s23], $0x800  }
0x5d: {  	[sflag:s23] =	ssyncset.done $0x0  }
0x5e: {  	[sflag:s23] =	ssyncadd.s32 $0xFFFFF800  }
0x5f: {  	_ =	swait.ge [sflag:s25], $0x800  }
0x60: {  	[sflag:s25] =	ssyncset.done $0x0  }
0x61: {  	s17 =	sadd.s32 $0x1, s17;
	[sflag:s25] =	ssyncadd.s32 $0xFFFFF800  }
0x62: {  	p0 =	sne.s32 s17, $0x1C;
	_ =	swait.ge [sflag:s7], $0x800  }
.Ltmp1:
0x63: {  	[sflag:s7] =	ssyncset.done $0x0;
	(pc) =	sbr.rel @p0 .LBB2_2-.Ltmp1, $4  }
0x64: {  	[sflag:s7] =	ssyncadd.s32 $0xFFFFF800  }
0x65: {  	_ =	swait.ge [sflag:s16], $0x800  }
0x66: {  	[sflag:s16] =	ssyncset.done $0x0  }
0x67: {  	[sflag:s16] =	ssyncadd.s32 $0xFFFFF800  }
0x68: {  	[bflag:$0x0] =	sbarrier.arrive $0xFFFF  }
0x69: {  	s18 =	rddreg [dreg:$0x4]  }
0x6a: {  	s17 =	rddreg [dreg:$0x7]  }
0x6b: {  	s19 =	rddreg [dreg:$0x8]  }
0x6c: {  	[hbm:s17], [sflag:s18] =	dma.local [spmem:s19], $0x3200  }
0x6d: {  	_ =	swait.ge [sflag:s12], $0x3200  }
0x6e: {  	s28 =	rddreg [dreg:$0x9]  }
0x6f: {  	s29 =	rddreg [dreg:$0x5];
	s19 =	sadd.s32 $0x1, s28  }
0x70: {  	p0 =	sne.s32 s19, s29  }
.Ltmp2:
0x71: {  	_ = 	snop;
	(pc) =	sbr.rel @p0 .LBB2_1-.Ltmp2, $3  }
0x72: {  	_ =	sdelay $0x1  }
0x73: {  	[sflag:s12] =	ssyncset.done $0x0  }
0x74: {  	[sflag:s12] =	ssyncadd.s32 $0xFFFFCE00  }
0x75: {  	_ =	sfence.sel $0x180000  }
0x76: {  	[bflag:$0x0] =	sbarrier.arrive $0xFFFF  }
0x77: {  	_ =	strace $0x9000004A  }
0x78: {  	s0 =	stileid.u32;
	[bflag:$0x2] =	sbarrier.arrive $0xFFFF  }
0x79: {  	p0 =	sne.s32 s0, $0x0;
	s0 =	rddreg [dreg:$0x2]  }
0x7a: {  	s0 =	sadd.s32 @!p0 $0x100000, s0  }
0x7b: {  	[sflag:s0] =	ssyncadd.tile.s32 @!p0 $0x1;
	_ =	shalt  }
.Lfunc_end2:
_tile_overlayer_lowered:
.L_overlay_start_2:
0x7c: {  	(tag) =	ssettag $0x2  }
0x7d: {  	s0 =	rddreg [dreg:$0x0];
	s2 =	stileid.u32  }
0x7e: {  	s1 =	rddreg [dreg:$0x1];
	p0 =	sne.s32 s2, $0x0  }
0x7f: {  	s3 =	rddreg [dreg:$0x2];
	[bflag:$0x3] =	sbarrier.arrive $0xFFFF;
	s2 =	simm.s32 @!p0 $0x1C11  }
0x80: {  	[timem:s3], [sflag:s2] =	dma.local @!p0 [hbm:s0], s1  }
0x81: {  	s0 =	simm.s32 @!p0 $0x11  }
0x82: {  	_ =	swait.ge @!p0 [sflag:s0], s1  }
0x83: {  	s1 =	ssub.s32 @!p0 $0x0, s1;
	[sflag:s0] =	ssyncset.done @!p0 $0x0  }
0x84: {  	[sflag:s0] =	ssyncadd.s32 @!p0 s1  }
0x85: {  	[bflag:$0x3] =	sbarrier.arrive $0xFFFF  }
0x86: {  	_ =	shalt  }

// kernel: kernel.23.cloned.1.call-start
scs
__scs_entry_jumppad:
0x0: {  	(pc) =	sbr.rel $0x88, $3  }
0x1: {  	(tag) =	ssettag $0x0;
	lr =	simm.s32 $0x1  }
0x2: {  	[smem:$0x3F93] =	sst lr;
	_ =	strace $0xD0000000  }
0x3: {  	_ = 	snop  }
0x4: {  	_ = 	snop  }
0x5: {  	_ = 	snop  }
0x6: {  	_ = 	snop  }
0x7: {  	_ = 	snop  }
__scs_overlays_trampoline_lowered:
0x8: {  	[smem:$0x3FA2] =	sst s0  }
0x9: {  	[smem:$0x3FA3] =	sst s1  }
0xa: {  	[smem:$0x3FA4] =	sst s2  }
0xb: {  	[smem:$0x3FA5] =	sst s3  }
0xc: {  	[smem:$0x3FA6] =	sst s4  }
0xd: {  	[smem:$0x3FA7] =	sst s5  }
0xe: {  	[smem:$0x3FA8] =	sst s6  }
0xf: {  	[smem:$0x3FA9] =	sst s7  }
0x10: {  	[smem:$0x3FAA] =	sst s8  }
0x11: {  	[smem:$0x3FAB] =	sst s9;
	s0 =	simm.s32 @!p0 $0x0  }
0x12: {  	s1 =	sld [smem:$0x3F91];
	s0 =	simm.s32 @p0 $0x1  }
0x13: {  	[smem:$0x3FAC] =	sst s0;
	s0 =	simm.s32 @!p1 $0x0  }
0x14: {  	s2 =	sld [smem:$0x3F90];
	s0 =	simm.s32 @p1 $0x1  }
0x15: {  	[smem:$0x3FAD] =	sst s0;
	s0 =	simm.s32 @!p2 $0x0  }
0x16: {  	s3 =	sld [smem:$0x3FDB];
	s0 =	simm.s32 @p2 $0x1  }
0x17: {  	s4 =	simm.s32 $0x1BF5;
	[smem:$0x3FAF] =	sst s0  }
0x18: {  	s0 =	sld [smem:$0x3F92];
	_ =	swait.ge [sflag:s4], $0x0  }
0x19: {  	s7 =	sld [smem:$0x3F93]  }
0x1a: {  	s8 =	sadd.s32 $0xFFFFE003, lr  }
0x1b: {  	s9 =	sadd.s32 $0xFFFFFEF7, lr;
	s5 =	simm.s32 $0xFFFFFFFF;
	p2 =	slt.u32 s8, $0xFFFFF086  }
0x1c: {  	p1 =	slt.u32 s9, $0xF7A;
	s5 =	simm.s32 @!p2 $0x0  }
0x1d: {  	s5 =	simm.s32 @p1 $0x1;
	p0 =	seq.s32 s7, s2  }
0x1e: {  	s7 =	smul.u32 @!p0 $0xF7A, s2;
	p2 =	seq.s32 @!p0 s5, $0x0  }
0x1f: {  	s9 =	smul.u32 $0xF7A, s1;
	s8 =	simm.s32 @!p0 $0x1BF5;
	p2 =	por !p2, p0  }
0x20: {  	[sflag:s8] =	ssyncset.s32 @!p0 $0xFFFFF086;
	s6 =	sadd.s32 @!p0 s3, s7;
	s7 =	simm.s32 @!p0 $0x108  }
0x21: {  	s3 =	sadd.s32 s3, s9;
	s6 =	sadd.s32 @!p0 $0x88, s6;
	s7 =	simm.s32 @p2 $0x1082  }
0x22: {  	[simem:s7], [sflag:s8] =	dma.local @!p0 [hbm:s6], $0xF7A  }
0x23: {  	s9 =	sor.u32 $0xD0000000, s2;
	s6 =	simm.s32 $0x108;
	_ =	swait.ge @!p0 [sflag:s8], $0x0  }
0x24: {  	s3 =	sadd.s32 $0x88, s3;
	s6 =	simm.s32 @!p1 $0x1082;
	[sflag:s4] =	ssyncset.s32 $0xFFFFF086  }
0x25: {  	[simem:s6], [sflag:s4] =	dma.local [hbm:s3], $0xF7A  }
0x26: {  	[smem:$0x3F93] =	sst s1;
	(tag) =	ssettag s2;
	_ =	strace s9  }
0x27: {  	s1 =	sld [smem:$0x3FA3]  }
0x28: {  	s2 =	sld [smem:$0x3FA4]  }
0x29: {  	s4 =	sld [smem:$0x3FA6]  }
0x2a: {  	p0 =	seq.s32 s5, $0x0;
	s5 =	sld [smem:$0x3FA7]  }
0x2b: {  	s6 =	sld [smem:$0x3FA8]  }
0x2c: {  	s7 =	sld [smem:$0x3FA9]  }
0x2d: {  	s3 =	simm.s32 $0x108;
	s8 =	sld [smem:$0x3FAA]  }
0x2e: {  	s3 =	simm.s32 @!p0 $0x1082;
	s9 =	sld [smem:$0x3FAB]  }
0x2f: {  	lr =	sadd.s32 s0, s3;
	s0 =	sld [smem:$0x3FA2]  }
0x30: {  	s3 =	sld [smem:$0x3FA5]  }
0x31: {  	[smem:$0x3FAE] =	sst s10  }
0x32: {  	s10 =	sld [smem:$0x3FAC];
	_ =	sdelay $0x3  }
0x33: {  	p0 =	seq.s32 s10, $0x1;
	s10 =	sld [smem:$0x3FAE];
	_ =	sdelay $0x3  }
0x34: {  	[smem:$0x3FAE] =	sst s10  }
0x35: {  	s10 =	sld [smem:$0x3FAD];
	_ =	sdelay $0x3  }
0x36: {  	p1 =	seq.s32 s10, $0x1;
	s10 =	sld [smem:$0x3FAE];
	_ =	sdelay $0x3  }
0x37: {  	[smem:$0x3FAE] =	sst s10  }
0x38: {  	s10 =	sld [smem:$0x3FAF]  }
0x39: {  	_ = 	snop;
	(pc) =	sbr.ind lr, $3  }
0x3a: {  	_ = 	snop  }
0x3b: {  	_ = 	snop  }
0x3c: {  	p2 =	seq.s32 s10, $0x1;
	s10 =	sld [smem:$0x3FAE]  }
0x3d: {  	_ =	shalt  }
0x3e: {  	_ =	shalt  }
0x3f: {  	_ =	shalt  }
0x40: {  	_ =	shalt  }
0x41: {  	_ =	shalt  }
0x42: {  	_ =	shalt  }
0x43: {  	_ =	shalt  }
0x44: {  	_ =	shalt  }
0x45: {  	_ =	shalt  }
0x46: {  	_ =	shalt  }
0x47: {  	_ =	shalt  }
0x48: {  	_ =	shalt  }
0x49: {  	_ =	shalt  }
0x4a: {  	_ =	shalt  }
0x4b: {  	_ =	shalt  }
0x4c: {  	_ =	shalt  }
0x4d: {  	_ =	shalt  }
0x4e: {  	_ =	shalt  }
0x4f: {  	_ =	shalt  }
0x50: {  	_ =	shalt  }
0x51: {  	_ =	shalt  }
0x52: {  	_ =	shalt  }
0x53: {  	_ =	shalt  }
0x54: {  	_ =	shalt  }
0x55: {  	_ =	shalt  }
0x56: {  	_ =	shalt  }
0x57: {  	_ =	shalt  }
0x58: {  	_ =	shalt  }
0x59: {  	_ =	shalt  }
0x5a: {  	_ =	shalt  }
0x5b: {  	_ =	shalt  }
0x5c: {  	_ =	shalt  }
0x5d: {  	_ =	shalt  }
0x5e: {  	_ =	shalt  }
0x5f: {  	_ =	shalt  }
0x60: {  	_ =	shalt  }
0x61: {  	_ =	shalt  }
0x62: {  	_ =	shalt  }
0x63: {  	_ =	shalt  }
0x64: {  	_ =	shalt  }
0x65: {  	_ =	shalt  }
0x66: {  	_ =	shalt  }
0x67: {  	_ =	shalt  }
0x68: {  	_ =	shalt  }
0x69: {  	_ =	shalt  }
0x6a: {  	_ =	shalt  }
0x6b: {  	_ =	shalt  }
0x6c: {  	_ =	shalt  }
0x6d: {  	_ =	shalt  }
0x6e: {  	_ =	shalt  }
0x6f: {  	_ =	shalt  }
0x70: {  	_ =	shalt  }
0x71: {  	_ =	shalt  }
0x72: {  	_ =	shalt  }
0x73: {  	_ =	shalt  }
0x74: {  	_ =	shalt  }
0x75: {  	_ =	shalt  }
0x76: {  	_ =	shalt  }
0x77: {  	_ =	shalt  }
0x78: {  	_ =	shalt  }
0x79: {  	_ =	shalt  }
0x7a: {  	_ =	shalt  }
0x7b: {  	_ =	shalt  }
0x7c: {  	_ =	shalt  }
0x7d: {  	_ =	shalt  }
0x7e: {  	_ =	shalt  }
0x7f: {  	_ =	shalt  }
0x80: {  	_ =	shalt  }
0x81: {  	_ =	shalt  }
0x82: {  	_ =	shalt  }
0x83: {  	_ =	shalt  }
0x84: {  	_ =	shalt  }
0x85: {  	_ =	shalt  }
0x86: {  	_ =	shalt  }
0x87: {  	_ =	shalt  }
.Lfunc_end0:
.L_simem_size_0:
called_computation.2_lowered:
.L_overlay_start_0:
0x88: {  	s2 =	sld [smem:$0x3FD9]  }
0x89: {  	s3 =	sld [smem:$0x3FFE];
	_ =	sdelay $0x1  }
0x8a: {  	s1 =	srdreg.scid  }
0x8b: {  	s0 =	sand.u32 $0x1, s1  }
0x8c: {  	s16 =	sshll.u32 s0, $0xA;
	s2 =	sadd.s32 s3, s2  }
0x8d: {  	s2 =	sadd.s32 s2, s16  }
0x8e: {  	[smem:$0x3FBA] =	sst s2  }
0x8f: {  	_ = 	snop  }
0x90: {  	(tm) =	ssettm $0x1  }
0x91: {  	s17 =	sld [smem:$0x3FFB];
	_ =	sdelay $0x3  }
0x92: {  	_ =	strace s17  }
0x93: {  	s2 =	sld [smem:$0x3FFC];
	_ =	sdelay $0x3  }
0x94: {  	_ =	strace s2  }
0x95: {  	s2 =	sld [smem:$0x3FFD];
	_ =	sdelay $0x3  }
0x96: {  	_ =	strace s2  }
0x97: {  	_ =	strace $0x8FFFFFFF  }
0x98: {  	s18 =	sld [smem:$0x3FDB];
	_ =	sdelay $0x1  }
0x99: {  	s19 =	simm.s32 $_scs_section_size  }
0x9a: {  	s4 =	simm.s32 $_size__tile_overlayer_lowered;
	s5 =	simm.s32 $_tile_overlayer_lowered  }
0x9b: {  	s22 =	simm.s32 $0x1BFF;
	s21 =	sshll.u32 s5, $0x1;
	s2 =	sadd.s32 s19, s18  }
0x9c: {  	s6 =	simm.s32 $0x0;
	s20 =	sshll.u32 s4, $0x1;
	s4 =	sadd.s32 s21, s2  }
0x9d: {  	[timem:s6], [sflag:s22] =	dma.local [hbm:s4], s20  }
0x9e: {  	_ =	swait.ge [sflag:s22], s20  }
0x9f: {  	s3 =	ssub.s32 $0x0, s20;
	[sflag:s22] =	ssyncset.done $0x0  }
0xa0: {  	[sflag:s22] =	ssyncadd.s32 s3;
	_ =	sdelay $0x1  }
0xa1: {  	s23 =	simm.s32 $0x1B8B  }
0xa2: {  	_ =	swait.ge [sflag:s23], $0x1  }
0xa3: {  	[sflag:s23] =	ssyncset.done $0x0  }
0xa4: {  	s25 =	simm.s32 $0x1B8E;
	s24 =	sld [smem:$0x3FFE];
	[sflag:s23] =	ssyncadd.s32 $0xFFFFFFFF  }
0xa5: {  	s26 =	simm.s32 $execute0_lowered;
	[smem:$0x3FD2] =	sst s25  }
0xa6: {  	s4 =	sshll.u32 s26, $0x1;
	_ =	strace $0x8000004C;
	[dreg:$0x1] =	wrdreg $0xFFFFFFFF  }
0xa7: {  	s28 =	simm.s32 $_size_execute0_lowered;
	s2 =	sadd.s32 s2, s4;
	[dreg:$0x0] =	wrdreg $0x0  }
0xa8: {  	s4 =	sshll.u32 s28, $0x1;
	[dreg:$0x2] =	wrdreg s2  }
0xa9: {  	[dreg:$0x3] =	wrdreg s4  }
0xaa: {  	[dreg:$0x4] =	wrdreg $0xC0  }
0xab: {  	_ =	task [dreg:s6], $0x5FFFF  }
0xac: {  	[dreg:$0x1] =	wrdreg $0xFFFFFFFF  }
0xad: {  	[dreg:$0x0] =	wrdreg $0x60  }
0xae: {  	[dreg:$0x2] =	wrdreg s24  }
0xaf: {  	[dreg:$0x3] =	wrdreg $0x5C000  }
0xb0: {  	[dreg:$0x4] =	wrdreg $0x9  }
0xb1: {  	_ =	task.clear_ibuf [dreg:s6], $0x5FFFF;
	_ =	strace $0x9000004C  }
0xb2: {  	s29 =	simm.s32 $0x9;
	_ =	strace $0x8000004E  }
0xb3: {  	_ =	swait.ge [sflag:s29], $0x1  }
0xb4: {  	[sflag:s29] =	ssyncadd.s32 $0xFFFFFFFF  }
0xb5: {  	_ =	strace $0x9000004E  }
0xb6: {  	_ =	sfence  }
0xb7: {  	s30 =	sld [smem:$0x0];
	_ =	sdelay $0x2  }
0xb8: {  	s31 =	sshll.u32 s1, $0xD;
	s1 =	sshrl.u32 s1, $0x2  }
0xb9: {  	s3 =	sand.u32 $0x4000, s31;
	s1 =	sadd.s32 s1, s30  }
0xba: {  	s0 =	sor.u32 s3, s0;
	s1 =	sshll.u32 s1, $0x11  }
0xbb: {  	s0 =	sor.u32 s1, s0  }
0xbc: {  	s0 =	sadd.s32 $0x8F2B, s0  }
0xbd: {  	[sflag:s0] =	ssyncadd.remote.s32 $0x1  }
0xbe: {  	_ =	sfence.sel $0xFFFF  }
0xbf: {  	[dreg:$0x0] =	wrdreg $0xFFFFFFFF;
	(pc) =	sbr.abs _section_cstart, $3  }
0xc0: {  	[dreg:$0x1] =	wrdreg $0xFFFFFFFF  }
0xc1: {  	_ =	task.clear_ibuf [dreg:s6], $0x2FFFF;
	_ =	strace $0x9FFFFFFF  }
0xc2: {  	(tm) =	ssettm $0x7FFFFFFF  }
0xc3: {  	_ =	shalt  }
tec
execute0_lowered:
.L_overlay_start_1:
0x0: {  	(tag) =	ssettag $0x1  }
0x1: {  	s0 =	rddreg [dreg:$0x0]  }
0x2: {  	s2 =	rddreg [dreg:$0x1];
	s3 =	simm.s32 $0x0  }
0x3: {  	s9 =	stileid.u32;
	s1 =	srdreg.scid;
	s12 =	simm.s32 $0x11  }
0x4: {  	s13 =	simm.s32 $0xE00;
	s14 =	simm.s32 $0x80;
	s15 =	simm.s32 $0x1C00  }
0x5: {  	s30 =	simm.s32 $0x1;
	s31 =	simm.s32 $0x380;
	s11 =	simm.s32 $0x10  }
0x6: {  	s23 =	simm.s32 $0x9;
	s16 =	simm.s32 $0xC;
	s19 =	simm.s32 $0x0  }
0x7: {  	[smem:$0x7FF] =	sst s3;
	s6 =	smul.u32 $0x19040, s9;
	s1 =	sand.u32 $0x1, s1  }
0x8: {  	s4 =	sadd.s32 $0x8800, s0;
	s5 =	sadd.s32 $0x39800, s0;
	s26 =	smul.u32 $0x19000, s9  }
0x9: {  	s25 =	sshll.u32 s9, $0x6;
	_ =	strace $0x8000004D;
	s7 =	smul.u32 $0x32000, s1  }
0xa: {  	s1 =	ssub.s32 $0x2, s1;
	s18 =	sor.u32 $0x1C11, s25;
	s25 =	simm.s32 $0xA  }
0xb: {  	s8 =	sshrl.u32 s6, $0x3;
	s24 =	sshrl.u32 s1, $0x1;
	s6 =	sadd.s32 s6, s2  }
0xc: {  	s10 =	sshrl.u32 s26, $0x3;
	[dreg:$0x4] =	wrdreg s18;
	s8 =	sadd.s32 s8, s0  }
0xd: {  	s0 =	sadd.s32 s7, s0;
	s1 =	ssub.s32 s1, s24;
	s7 =	sadd.s32 s26, s2  }
0xe: {  	s28 =	sshrl.u32 s6, $0x3;
	s6 =	simm.s32 $0xE;
	s8 =	sadd.s32 $0xCE800, s8  }
0xf: {  	s1 =	smax.u32 s1, $0x1;
	[dreg:$0x6] =	wrdreg s28;
	s29 =	sshrl.u32 s7, $0x3  }
0x10: {  	s7 =	simm.s32 $0xB;
	[dreg:$0x3] =	wrdreg s8;
	s8 =	smul.u32 $0x310, s9  }
0x11: {  	s9 =	sadd.s32 $0x6A800, s0;
	s0 =	sadd.s32 $0x100A00, s0;
	[dreg:$0x5] =	wrdreg s1  }
0x12: {  	[dreg:$0x8] =	wrdreg s29;
	s1 =	simm.s32 $0xD;
	s0 =	sadd.s32 s10, s0  }
0x13: {  	s10 =	simm.s32 $0xF;
	[dreg:$0x7] =	wrdreg s0;
	s0 =	simm.s32 $0x5400  }
.LBB2_1:
0x14: {  	[dreg:$0x9] =	wrdreg s19  }
0x15: {  	s17 =	rddreg [dreg:$0x3]  }
0x16: {  	s29 =	rddreg [dreg:$0x6]  }
0x17: {  	[spmem:s29], [sflag:s18] =	dma.local [hbm:s17], $0x3208  }
0x18: {  	_ =	swait.ge [sflag:s12], $0x3208  }
0x19: {  	[sflag:s12] =	ssyncset.done $0x0  }
0x1a: {  	[sflag:s12] =	ssyncadd.s32 $0xFFFFCDF8  }
0x1b: {  	s17 =	simm.s32 $0x0;
	[bflag:$0x0] =	sbarrier.arrive $0xFFFF  }
.LBB2_2:
0x1c: {  	s18 =	smul.u32 $0x1C, s17;
	_ =	sdelay $0x1  }
0x1d: {  	s18 =	sadd.s32 s8, s18  }
0x1e: {  	s18 =	sshll.u32 s18, $0x4  }
0x1f: {  	s19 =	sadd.s32 s4, s18  }
0x20: {  	[tilespmem:s3], [sflag:$0x11] =	stream.linear.gather [hbm4b:s19+s3], $0xE00, $0x38;
	[tilespmem:$0x1EC40] =	vst v63  }
0x21: {  	_ =	swait.ge [sflag:s12], $0xE00  }
0x22: {  	[sflag:s12] =	ssyncset.done $0x0  }
0x23: {  	s18 =	sadd.s32 s5, s18;
	[sflag:s12] =	ssyncadd.s32 $0xFFFFF200  }
0x24: {  	[tilespmem:s13], [sflag:$0x11] =	stream.linear.gather [hbm4b:s18+s3], $0xE00, $0x38;
	[tilespmem:$0x1EC40] =	vst v63  }
0x25: {  	_ =	swait.ge [sflag:s12], $0xE00  }
0x26: {  	[sflag:s12] =	ssyncset.done $0x0  }
0x27: {  	[sflag:s12] =	ssyncadd.s32 $0xFFFFF200  }
0x28: {  	[tilespmem:s15], [sflag:$0x1] =	stream.indirect.gather [hbm4b:s9+s14], $0x10, s3, s14, $0xb8;
	[tilespmem:$0x1EC40] =	vst v63  }
0x29: {  	s21 =	simm.s32 $0x2400  }
0x2a: {  	[tilespmem:s21], [sflag:$0x2] =	stream.indirect.gather [hbm4b:s9+s14], $0x10, s14, s14, $0xb8;
	[tilespmem:$0x1EC40] =	vst v63  }
0x2b: {  	s22 =	simm.s32 $0x100;
	s24 =	simm.s32 $0x2C00  }
0x2c: {  	[tilespmem:s24], [sflag:$0x3] =	stream.indirect.gather [hbm4b:s9+s14], $0x10, s22, s14, $0xb8;
	[tilespmem:$0x1EC40] =	vst v63  }
0x2d: {  	s26 =	simm.s32 $0x180;
	s29 =	simm.s32 $0x3400  }
0x2e: {  	[tilespmem:s29], [sflag:$0x4] =	stream.indirect.gather [hbm4b:s9+s14], $0x10, s26, s14, $0xb8;
	[tilespmem:$0x1EC40] =	vst v63  }
0x2f: {  	s20 =	simm.s32 $0x3C00;
	s19 =	simm.s32 $0x200  }
0x30: {  	[tilespmem:s20], [sflag:$0x5] =	stream.indirect.gather [hbm4b:s9+s14], $0x10, s19, s14, $0xb8;
	[tilespmem:$0x1EC40] =	vst v63  }
0x31: {  	s21 =	simm.s32 $0x280;
	s22 =	simm.s32 $0x4400  }
0x32: {  	[tilespmem:s22], [sflag:$0x6] =	stream.indirect.gather [hbm4b:s9+s14], $0x10, s21, s14, $0xb8;
	[tilespmem:$0x1EC40] =	vst v63  }
0x33: {  	s24 =	simm.s32 $0x300;
	s26 =	simm.s32 $0x4C00  }
0x34: {  	[tilespmem:s26], [sflag:$0x7] =	stream.indirect.gather [hbm4b:s9+s14], $0x10, s24, s14, $0xb8;
	[tilespmem:$0x1EC40] =	vst v63  }
0x35: {  	_ =	swait.ge [sflag:s30], $0x800  }
0x36: {  	s29 =	simm.s32 $0x1;
	[sflag:s30] =	ssyncset.done $0x0  }
0x37: {  	p0 =	por $0x0, $0x0;
	s21 =	sand.u32 $0x7, s29;
	[sflag:s30] =	ssyncadd.s32 $0xFFFFF800  }
0x38: {  	[spmem:s2] =	stream.indirect.scatter.add.f32 [tilespmem:s15], [sflag:$0x9], $0x10, s13, s14, $0xb8;
	[tilespmem:$0x1EC40] =	vst v63  }
0x39: {  	s28 =	simm.s32 @!p0 $0x80;
	s20 =	simm.s32 $0x8;
	s24 =	sadd.s32 $0x1, s21  }
0x3a: {  	[tilespmem:s0], [sflag:$0x8] =	stream.indirect.gather [hbm4b:s9+s14], $0x10, s31, s14, $0xb8;
	[tilespmem:$0x1EC40] =	vst v63  }
0x3b: {  	s18 =	simm.s32 $0x400;
	s20 =	sand.u32 @!p0 $0x7, s20;
	_ =	swait.ge [sflag:s24], $0x800  }
0x3c: {  	s22 =	simm.s32 $0xE80;
	s26 =	sshll.u32 s21, $0xB;
	[sflag:s24] =	ssyncset.done $0x0  }
0x3d: {  	s21 =	sadd.s32 $0x9, s21;
	s26 =	sadd.s32 $0x1C00, s26;
	[sflag:s24] =	ssyncadd.s32 $0xFFFFF800  }
0x3e: {  	[spmem:s2] =	stream.indirect.scatter.add.f32 [tilespmem:s26], [sflag:s21], $0x10, s22, s14, $0xb8;
	[tilespmem:$0x1EC40] =	vst v63  }
0x3f: {  	s19 =	simm.s32 $0x9;
	s24 =	sadd.s32 @!p0 $0x9, s20;
	s21 =	sshll.u32 @!p0 s20, $0xB  }
0x40: {  	s22 =	sadd.s32 @!p0 $0x1, s20;
	s20 =	simm.s32 $0xF00;
	_ =	swait.ge @!p0 [sflag:s24], $0x800  }
0x41: {  	s26 =	sadd.s32 @!p0 $0x1C00, s21;
	s21 =	simm.s32 $0x480;
	[sflag:s24] =	ssyncset.done @!p0 $0x0  }
.LBB2_3:
0x42: {  	s29 =	sadd.s32 $0xFFFFFFF9, s19  }
0x43: {  	[sflag:s24] =	ssyncadd.s32 @!p0 $0xFFFFF800;
	s24 =	smov.u32 s19;
	s19 =	sadd.s32 $0x1, s19  }
0x44: {  	[tilespmem:s26], [sflag:s22] =	stream.indirect.gather @!p0 [hbm4b:s9+s28], $0x10, s18, s28, $0xb8;
	[tilespmem:$0x1EC40] =	vst v63  }
0x45: {  	s22 =	sand.u32 $0x7, s29;
	p1 =	sne.s32 s19, $0x23;
	s18 =	smov.u32 s21  }
0x46: {  	s26 =	sshll.u32 s22, $0xB;
	s28 =	sadd.s32 $0x1, s22  }
0x47: {  	p0 =	sgt.u32 s29, $0x14;
	_ =	swait.ge [sflag:s28], $0x800  }
0x48: {  	s22 =	sadd.s32 $0x9, s22;
	s26 =	sadd.s32 $0x1C00, s26;
	[sflag:s28] =	ssyncset.done $0x0  }
.Ltmp0:
0x49: {  	[sflag:s28] =	ssyncadd.s32 $0xFFFFF800;
	s28 =	sand.u32 @!p0 $0x7, s24;
	(pc) =	sbr.rel @p1 .LBB2_3-.Ltmp0, $4  }
0x4a: {  	[spmem:s2] =	stream.indirect.scatter.add.f32 [tilespmem:s26], [sflag:s22], $0x10, s20, s14, $0xb8;
	[tilespmem:$0x1EC40] =	vst v63  }
0x4b: {  	s24 =	sadd.s32 @!p0 $0x9, s28;
	s26 =	sshll.u32 @!p0 s28, $0xB;
	s22 =	sadd.s32 @!p0 $0x1, s28  }
0x4c: {  	s20 =	sadd.s32 $0x80, s20;
	s26 =	sadd.s32 @!p0 $0x1C00, s26;
	_ =	swait.ge @!p0 [sflag:s24], $0x800  }
0x4d: {  	s21 =	sadd.s32 $0x80, s21;
	s28 =	simm.s32 @!p0 $0x80;
	[sflag:s24] =	ssyncset.done @!p0 $0x0  }
0x4e: {  	[sflag:s24] =	ssyncadd.s32 @!p0 $0xFFFFF800  }
0x4f: {  	[tilespmem:s26], [sflag:s22] =	stream.indirect.gather @!p0 [hbm4b:s9+s28], $0x10, s18, s28, $0xb8;
	[tilespmem:$0x1EC40] =	vst v63  }
0x50: {  	_ =	swait.ge [sflag:s1], $0x800  }
0x51: {  	[sflag:s1] =	ssyncset.done $0x0  }
0x52: {  	[sflag:s1] =	ssyncadd.s32 $0xFFFFF800  }
0x53: {  	_ =	swait.ge [sflag:s6], $0x800  }
0x54: {  	[sflag:s6] =	ssyncset.done $0x0  }
0x55: {  	[sflag:s6] =	ssyncadd.s32 $0xFFFFF800  }
0x56: {  	_ =	swait.ge [sflag:s10], $0x800  }
0x57: {  	[sflag:s10] =	ssyncset.done $0x0  }
0x58: {  	[sflag:s10] =	ssyncadd.s32 $0xFFFFF800  }
0x59: {  	_ =	swait.ge [sflag:s11], $0x800  }
0x5a: {  	[sflag:s11] =	ssyncset.done $0x0  }
0x5b: {  	[sflag:s11] =	ssyncadd.s32 $0xFFFFF800  }
0x5c: {  	_ =	swait.ge [sflag:s23], $0x800  }
0x5d: {  	[sflag:s23] =	ssyncset.done $0x0  }
0x5e: {  	[sflag:s23] =	ssyncadd.s32 $0xFFFFF800  }
0x5f: {  	_ =	swait.ge [sflag:s25], $0x800  }
0x60: {  	[sflag:s25] =	ssyncset.done $0x0  }
0x61: {  	s17 =	sadd.s32 $0x1, s17;
	[sflag:s25] =	ssyncadd.s32 $0xFFFFF800  }
0x62: {  	p0 =	sne.s32 s17, $0x1C;
	_ =	swait.ge [sflag:s7], $0x800  }
.Ltmp1:
0x63: {  	[sflag:s7] =	ssyncset.done $0x0;
	(pc) =	sbr.rel @p0 .LBB2_2-.Ltmp1, $4  }
0x64: {  	[sflag:s7] =	ssyncadd.s32 $0xFFFFF800  }
0x65: {  	_ =	swait.ge [sflag:s16], $0x800  }
0x66: {  	[sflag:s16] =	ssyncset.done $0x0  }
0x67: {  	[sflag:s16] =	ssyncadd.s32 $0xFFFFF800  }
0x68: {  	[bflag:$0x0] =	sbarrier.arrive $0xFFFF  }
0x69: {  	s18 =	rddreg [dreg:$0x4]  }
0x6a: {  	s17 =	rddreg [dreg:$0x7]  }
0x6b: {  	s19 =	rddreg [dreg:$0x8]  }
0x6c: {  	[hbm:s17], [sflag:s18] =	dma.local [spmem:s19], $0x3200  }
0x6d: {  	_ =	swait.ge [sflag:s12], $0x3200  }
0x6e: {  	s28 =	rddreg [dreg:$0x9]  }
0x6f: {  	s29 =	rddreg [dreg:$0x5];
	s19 =	sadd.s32 $0x1, s28  }
0x70: {  	p0 =	sne.s32 s19, s29  }
.Ltmp2:
0x71: {  	_ = 	snop;
	(pc) =	sbr.rel @p0 .LBB2_1-.Ltmp2, $3  }
0x72: {  	_ =	sdelay $0x1  }
0x73: {  	[sflag:s12] =	ssyncset.done $0x0  }
0x74: {  	[sflag:s12] =	ssyncadd.s32 $0xFFFFCE00  }
0x75: {  	_ =	sfence.sel $0x180000  }
0x76: {  	[bflag:$0x0] =	sbarrier.arrive $0xFFFF  }
0x77: {  	_ =	strace $0x9000004D  }
0x78: {  	s0 =	stileid.u32;
	[bflag:$0x2] =	sbarrier.arrive $0xFFFF  }
0x79: {  	p0 =	sne.s32 s0, $0x0;
	s0 =	rddreg [dreg:$0x2]  }
0x7a: {  	s0 =	sadd.s32 @!p0 $0x100000, s0  }
0x7b: {  	[sflag:s0] =	ssyncadd.tile.s32 @!p0 $0x1;
	_ =	shalt  }
.Lfunc_end2:
_tile_overlayer_lowered:
.L_overlay_start_2:
0x7c: {  	(tag) =	ssettag $0x2  }
0x7d: {  	s0 =	rddreg [dreg:$0x0];
	s2 =	stileid.u32  }
0x7e: {  	s1 =	rddreg [dreg:$0x1];
	p0 =	sne.s32 s2, $0x0  }
0x7f: {  	s3 =	rddreg [dreg:$0x2];
	[bflag:$0x3] =	sbarrier.arrive $0xFFFF;
	s2 =	simm.s32 @!p0 $0x1C11  }
0x80: {  	[timem:s3], [sflag:s2] =	dma.local @!p0 [hbm:s0], s1  }
0x81: {  	s0 =	simm.s32 @!p0 $0x11  }
0x82: {  	_ =	swait.ge @!p0 [sflag:s0], s1  }
0x83: {  	s1 =	ssub.s32 @!p0 $0x0, s1;
	[sflag:s0] =	ssyncset.done @!p0 $0x0  }
0x84: {  	[sflag:s0] =	ssyncadd.s32 @!p0 s1  }
0x85: {  	[bflag:$0x3] =	sbarrier.arrive $0xFFFF  }
0x86: {  	_ =	shalt  }

// kernel: kernel.26.cloned.1.call-start
scs
__scs_entry_jumppad:
0x0: {  	(pc) =	sbr.rel $0x88, $3  }
0x1: {  	(tag) =	ssettag $0x0;
	lr =	simm.s32 $0x1  }
0x2: {  	[smem:$0x3F93] =	sst lr;
	_ =	strace $0xD0000000  }
0x3: {  	_ = 	snop  }
0x4: {  	_ = 	snop  }
0x5: {  	_ = 	snop  }
0x6: {  	_ = 	snop  }
0x7: {  	_ = 	snop  }
__scs_overlays_trampoline_lowered:
0x8: {  	[smem:$0x3FA2] =	sst s0  }
0x9: {  	[smem:$0x3FA3] =	sst s1  }
0xa: {  	[smem:$0x3FA4] =	sst s2  }
0xb: {  	[smem:$0x3FA5] =	sst s3  }
0xc: {  	[smem:$0x3FA6] =	sst s4  }
0xd: {  	[smem:$0x3FA7] =	sst s5  }
0xe: {  	[smem:$0x3FA8] =	sst s6  }
0xf: {  	[smem:$0x3FA9] =	sst s7  }
0x10: {  	[smem:$0x3FAA] =	sst s8  }
0x11: {  	[smem:$0x3FAB] =	sst s9;
	s0 =	simm.s32 @!p0 $0x0  }
0x12: {  	s1 =	sld [smem:$0x3F91];
	s0 =	simm.s32 @p0 $0x1  }
0x13: {  	[smem:$0x3FAC] =	sst s0;
	s0 =	simm.s32 @!p1 $0x0  }
0x14: {  	s2 =	sld [smem:$0x3F90];
	s0 =	simm.s32 @p1 $0x1  }
0x15: {  	[smem:$0x3FAD] =	sst s0;
	s0 =	simm.s32 @!p2 $0x0  }
0x16: {  	s3 =	sld [smem:$0x3FDB];
	s0 =	simm.s32 @p2 $0x1  }
0x17: {  	s4 =	simm.s32 $0x1BF5;
	[smem:$0x3FAF] =	sst s0  }
0x18: {  	s0 =	sld [smem:$0x3F92];
	_ =	swait.ge [sflag:s4], $0x0  }
0x19: {  	s7 =	sld [smem:$0x3F93]  }
0x1a: {  	s8 =	sadd.s32 $0xFFFFE003, lr  }
0x1b: {  	s9 =	sadd.s32 $0xFFFFFEF7, lr;
	s5 =	simm.s32 $0xFFFFFFFF;
	p2 =	slt.u32 s8, $0xFFFFF086  }
0x1c: {  	p1 =	slt.u32 s9, $0xF7A;
	s5 =	simm.s32 @!p2 $0x0  }
0x1d: {  	s5 =	simm.s32 @p1 $0x1;
	p0 =	seq.s32 s7, s2  }
0x1e: {  	s7 =	smul.u32 @!p0 $0xF7A, s2;
	p2 =	seq.s32 @!p0 s5, $0x0  }
0x1f: {  	s9 =	smul.u32 $0xF7A, s1;
	s8 =	simm.s32 @!p0 $0x1BF5;
	p2 =	por !p2, p0  }
0x20: {  	[sflag:s8] =	ssyncset.s32 @!p0 $0xFFFFF086;
	s6 =	sadd.s32 @!p0 s3, s7;
	s7 =	simm.s32 @!p0 $0x108  }
0x21: {  	s3 =	sadd.s32 s3, s9;
	s6 =	sadd.s32 @!p0 $0x88, s6;
	s7 =	simm.s32 @p2 $0x1082  }
0x22: {  	[simem:s7], [sflag:s8] =	dma.local @!p0 [hbm:s6], $0xF7A  }
0x23: {  	s9 =	sor.u32 $0xD0000000, s2;
	s6 =	simm.s32 $0x108;
	_ =	swait.ge @!p0 [sflag:s8], $0x0  }
0x24: {  	s3 =	sadd.s32 $0x88, s3;
	s6 =	simm.s32 @!p1 $0x1082;
	[sflag:s4] =	ssyncset.s32 $0xFFFFF086  }
0x25: {  	[simem:s6], [sflag:s4] =	dma.local [hbm:s3], $0xF7A  }
0x26: {  	[smem:$0x3F93] =	sst s1;
	(tag) =	ssettag s2;
	_ =	strace s9  }
0x27: {  	s1 =	sld [smem:$0x3FA3]  }
0x28: {  	s2 =	sld [smem:$0x3FA4]  }
0x29: {  	s4 =	sld [smem:$0x3FA6]  }
0x2a: {  	p0 =	seq.s32 s5, $0x0;
	s5 =	sld [smem:$0x3FA7]  }
0x2b: {  	s6 =	sld [smem:$0x3FA8]  }
0x2c: {  	s7 =	sld [smem:$0x3FA9]  }
0x2d: {  	s3 =	simm.s32 $0x108;
	s8 =	sld [smem:$0x3FAA]  }
0x2e: {  	s3 =	simm.s32 @!p0 $0x1082;
	s9 =	sld [smem:$0x3FAB]  }
0x2f: {  	lr =	sadd.s32 s0, s3;
	s0 =	sld [smem:$0x3FA2]  }
0x30: {  	s3 =	sld [smem:$0x3FA5]  }
0x31: {  	[smem:$0x3FAE] =	sst s10  }
0x32: {  	s10 =	sld [smem:$0x3FAC];
	_ =	sdelay $0x3  }
0x33: {  	p0 =	seq.s32 s10, $0x1;
	s10 =	sld [smem:$0x3FAE];
	_ =	sdelay $0x3  }
0x34: {  	[smem:$0x3FAE] =	sst s10  }
0x35: {  	s10 =	sld [smem:$0x3FAD];
	_ =	sdelay $0x3  }
0x36: {  	p1 =	seq.s32 s10, $0x1;
	s10 =	sld [smem:$0x3FAE];
	_ =	sdelay $0x3  }
0x37: {  	[smem:$0x3FAE] =	sst s10  }
0x38: {  	s10 =	sld [smem:$0x3FAF]  }
0x39: {  	_ = 	snop;
	(pc) =	sbr.ind lr, $3  }
0x3a: {  	_ = 	snop  }
0x3b: {  	_ = 	snop  }
0x3c: {  	p2 =	seq.s32 s10, $0x1;
	s10 =	sld [smem:$0x3FAE]  }
0x3d: {  	_ =	shalt  }
0x3e: {  	_ =	shalt  }
0x3f: {  	_ =	shalt  }
0x40: {  	_ =	shalt  }
0x41: {  	_ =	shalt  }
0x42: {  	_ =	shalt  }
0x43: {  	_ =	shalt  }
0x44: {  	_ =	shalt  }
0x45: {  	_ =	shalt  }
0x46: {  	_ =	shalt  }
0x47: {  	_ =	shalt  }
0x48: {  	_ =	shalt  }
0x49: {  	_ =	shalt  }
0x4a: {  	_ =	shalt  }
0x4b: {  	_ =	shalt  }
0x4c: {  	_ =	shalt  }
0x4d: {  	_ =	shalt  }
0x4e: {  	_ =	shalt  }
0x4f: {  	_ =	shalt  }
0x50: {  	_ =	shalt  }
0x51: {  	_ =	shalt  }
0x52: {  	_ =	shalt  }
0x53: {  	_ =	shalt  }
0x54: {  	_ =	shalt  }
0x55: {  	_ =	shalt  }
0x56: {  	_ =	shalt  }
0x57: {  	_ =	shalt  }
0x58: {  	_ =	shalt  }
0x59: {  	_ =	shalt  }
0x5a: {  	_ =	shalt  }
0x5b: {  	_ =	shalt  }
0x5c: {  	_ =	shalt  }
0x5d: {  	_ =	shalt  }
0x5e: {  	_ =	shalt  }
0x5f: {  	_ =	shalt  }
0x60: {  	_ =	shalt  }
0x61: {  	_ =	shalt  }
0x62: {  	_ =	shalt  }
0x63: {  	_ =	shalt  }
0x64: {  	_ =	shalt  }
0x65: {  	_ =	shalt  }
0x66: {  	_ =	shalt  }
0x67: {  	_ =	shalt  }
0x68: {  	_ =	shalt  }
0x69: {  	_ =	shalt  }
0x6a: {  	_ =	shalt  }
0x6b: {  	_ =	shalt  }
0x6c: {  	_ =	shalt  }
0x6d: {  	_ =	shalt  }
0x6e: {  	_ =	shalt  }
0x6f: {  	_ =	shalt  }
0x70: {  	_ =	shalt  }
0x71: {  	_ =	shalt  }
0x72: {  	_ =	shalt  }
0x73: {  	_ =	shalt  }
0x74: {  	_ =	shalt  }
0x75: {  	_ =	shalt  }
0x76: {  	_ =	shalt  }
0x77: {  	_ =	shalt  }
0x78: {  	_ =	shalt  }
0x79: {  	_ =	shalt  }
0x7a: {  	_ =	shalt  }
0x7b: {  	_ =	shalt  }
0x7c: {  	_ =	shalt  }
0x7d: {  	_ =	shalt  }
0x7e: {  	_ =	shalt  }
0x7f: {  	_ =	shalt  }
0x80: {  	_ =	shalt  }
0x81: {  	_ =	shalt  }
0x82: {  	_ =	shalt  }
0x83: {  	_ =	shalt  }
0x84: {  	_ =	shalt  }
0x85: {  	_ =	shalt  }
0x86: {  	_ =	shalt  }
0x87: {  	_ =	shalt  }
.Lfunc_end0:
.L_simem_size_0:
called_computation.3_lowered:
.L_overlay_start_0:
0x88: {  	s2 =	sld [smem:$0x3FD9]  }
0x89: {  	s3 =	sld [smem:$0x3FFE];
	_ =	sdelay $0x1  }
0x8a: {  	s1 =	srdreg.scid  }
0x8b: {  	s0 =	sand.u32 $0x1, s1  }
0x8c: {  	s16 =	sshll.u32 s0, $0xA;
	s2 =	sadd.s32 s3, s2  }
0x8d: {  	s2 =	sadd.s32 s2, s16  }
0x8e: {  	[smem:$0x3FBA] =	sst s2  }
0x8f: {  	_ = 	snop  }
0x90: {  	(tm) =	ssettm $0x1  }
0x91: {  	s17 =	sld [smem:$0x3FFB];
	_ =	sdelay $0x3  }
0x92: {  	_ =	strace s17  }
0x93: {  	s2 =	sld [smem:$0x3FFC];
	_ =	sdelay $0x3  }
0x94: {  	_ =	strace s2  }
0x95: {  	s2 =	sld [smem:$0x3FFD];
	_ =	sdelay $0x3  }
0x96: {  	_ =	strace s2  }
0x97: {  	_ =	strace $0x8FFFFFFF  }
0x98: {  	s18 =	sld [smem:$0x3FDB];
	_ =	sdelay $0x1  }
0x99: {  	s19 =	simm.s32 $_scs_section_size  }
0x9a: {  	s4 =	simm.s32 $_size__tile_overlayer_lowered;
	s5 =	simm.s32 $_tile_overlayer_lowered  }
0x9b: {  	s22 =	simm.s32 $0x1BFF;
	s21 =	sshll.u32 s5, $0x1;
	s2 =	sadd.s32 s19, s18  }
0x9c: {  	s6 =	simm.s32 $0x0;
	s20 =	sshll.u32 s4, $0x1;
	s4 =	sadd.s32 s21, s2  }
0x9d: {  	[timem:s6], [sflag:s22] =	dma.local [hbm:s4], s20  }
0x9e: {  	_ =	swait.ge [sflag:s22], s20  }
0x9f: {  	s3 =	ssub.s32 $0x0, s20;
	[sflag:s22] =	ssyncset.done $0x0  }
0xa0: {  	[sflag:s22] =	ssyncadd.s32 s3;
	_ =	sdelay $0x1  }
0xa1: {  	s23 =	simm.s32 $0x1B8B  }
0xa2: {  	_ =	swait.ge [sflag:s23], $0x1  }
0xa3: {  	[sflag:s23] =	ssyncset.done $0x0  }
0xa4: {  	s25 =	simm.s32 $0x1B8E;
	s24 =	sld [smem:$0x3FFE];
	[sflag:s23] =	ssyncadd.s32 $0xFFFFFFFF  }
0xa5: {  	s26 =	simm.s32 $execute0_lowered;
	[smem:$0x3FD2] =	sst s25  }
0xa6: {  	s4 =	sshll.u32 s26, $0x1;
	_ =	strace $0x8000004F;
	[dreg:$0x1] =	wrdreg $0xFFFFFFFF  }
0xa7: {  	s28 =	simm.s32 $_size_execute0_lowered;
	s2 =	sadd.s32 s2, s4;
	[dreg:$0x0] =	wrdreg $0x0  }
0xa8: {  	s4 =	sshll.u32 s28, $0x1;
	[dreg:$0x2] =	wrdreg s2  }
0xa9: {  	[dreg:$0x3] =	wrdreg s4  }
0xaa: {  	[dreg:$0x4] =	wrdreg $0xC0  }
0xab: {  	_ =	task [dreg:s6], $0x5FFFF  }
0xac: {  	[dreg:$0x1] =	wrdreg $0xFFFFFFFF  }
0xad: {  	[dreg:$0x0] =	wrdreg $0x60  }
0xae: {  	[dreg:$0x2] =	wrdreg s24  }
0xaf: {  	[dreg:$0x3] =	wrdreg $0x5C000  }
0xb0: {  	[dreg:$0x4] =	wrdreg $0x9  }
0xb1: {  	_ =	task.clear_ibuf [dreg:s6], $0x5FFFF;
	_ =	strace $0x9000004F  }
0xb2: {  	s29 =	simm.s32 $0x9;
	_ =	strace $0x80000051  }
0xb3: {  	_ =	swait.ge [sflag:s29], $0x1  }
0xb4: {  	[sflag:s29] =	ssyncadd.s32 $0xFFFFFFFF  }
0xb5: {  	_ =	strace $0x90000051  }
0xb6: {  	_ =	sfence  }
0xb7: {  	s30 =	sld [smem:$0x0];
	_ =	sdelay $0x2  }
0xb8: {  	s31 =	sshll.u32 s1, $0xD;
	s1 =	sshrl.u32 s1, $0x2  }
0xb9: {  	s3 =	sand.u32 $0x4000, s31;
	s1 =	sadd.s32 s1, s30  }
0xba: {  	s0 =	sor.u32 s3, s0;
	s1 =	sshll.u32 s1, $0x11  }
0xbb: {  	s0 =	sor.u32 s1, s0  }
0xbc: {  	s0 =	sadd.s32 $0x8F2B, s0  }
0xbd: {  	[sflag:s0] =	ssyncadd.remote.s32 $0x1  }
0xbe: {  	_ =	sfence.sel $0xFFFF  }
0xbf: {  	[dreg:$0x0] =	wrdreg $0xFFFFFFFF;
	(pc) =	sbr.abs _section_cstart, $3  }
0xc0: {  	[dreg:$0x1] =	wrdreg $0xFFFFFFFF  }
0xc1: {  	_ =	task.clear_ibuf [dreg:s6], $0x2FFFF;
	_ =	strace $0x9FFFFFFF  }
0xc2: {  	(tm) =	ssettm $0x7FFFFFFF  }
0xc3: {  	_ =	shalt  }
tec
execute0_lowered:
.L_overlay_start_1:
0x0: {  	(tag) =	ssettag $0x1  }
0x1: {  	s0 =	rddreg [dreg:$0x0]  }
0x2: {  	s2 =	rddreg [dreg:$0x1];
	s3 =	simm.s32 $0x0  }
0x3: {  	s9 =	stileid.u32;
	s1 =	srdreg.scid;
	s12 =	simm.s32 $0x11  }
0x4: {  	s13 =	simm.s32 $0xE00;
	s14 =	simm.s32 $0x80;
	s15 =	simm.s32 $0x1C00  }
0x5: {  	s30 =	simm.s32 $0x1;
	s31 =	simm.s32 $0x380;
	s11 =	simm.s32 $0x10  }
0x6: {  	s23 =	simm.s32 $0x9;
	s16 =	simm.s32 $0xC;
	s19 =	simm.s32 $0x0  }
0x7: {  	[smem:$0x7FF] =	sst s3;
	s6 =	smul.u32 $0x19040, s9;
	s1 =	sand.u32 $0x1, s1  }
0x8: {  	s4 =	sadd.s32 $0x8800, s0;
	s5 =	sadd.s32 $0x39800, s0;
	s26 =	smul.u32 $0x19000, s9  }
0x9: {  	s25 =	sshll.u32 s9, $0x6;
	_ =	strace $0x80000050;
	s7 =	smul.u32 $0x32000, s1  }
0xa: {  	s1 =	ssub.s32 $0x2, s1;
	s18 =	sor.u32 $0x1C11, s25;
	s25 =	simm.s32 $0xA  }
0xb: {  	s8 =	sshrl.u32 s6, $0x3;
	s24 =	sshrl.u32 s1, $0x1;
	s6 =	sadd.s32 s6, s2  }
0xc: {  	s10 =	sshrl.u32 s26, $0x3;
	[dreg:$0x4] =	wrdreg s18;
	s8 =	sadd.s32 s8, s0  }
0xd: {  	s0 =	sadd.s32 s7, s0;
	s1 =	ssub.s32 s1, s24;
	s7 =	sadd.s32 s26, s2  }
0xe: {  	s28 =	sshrl.u32 s6, $0x3;
	s6 =	simm.s32 $0xE;
	s8 =	sadd.s32 $0xCE800, s8  }
0xf: {  	s1 =	smax.u32 s1, $0x1;
	[dreg:$0x6] =	wrdreg s28;
	s29 =	sshrl.u32 s7, $0x3  }
0x10: {  	s7 =	simm.s32 $0xB;
	[dreg:$0x3] =	wrdreg s8;
	s8 =	smul.u32 $0x310, s9  }
0x11: {  	s9 =	sadd.s32 $0x6A800, s0;
	s0 =	sadd.s32 $0x100A00, s0;
	[dreg:$0x5] =	wrdreg s1  }
0x12: {  	[dreg:$0x8] =	wrdreg s29;
	s1 =	simm.s32 $0xD;
	s0 =	sadd.s32 s10, s0  }
0x13: {  	s10 =	simm.s32 $0xF;
	[dreg:$0x7] =	wrdreg s0;
	s0 =	simm.s32 $0x5400  }
.LBB2_1:
0x14: {  	[dreg:$0x9] =	wrdreg s19  }
0x15: {  	s17 =	rddreg [dreg:$0x3]  }
0x16: {  	s29 =	rddreg [dreg:$0x6]  }
0x17: {  	[spmem:s29], [sflag:s18] =	dma.local [hbm:s17], $0x3208  }
0x18: {  	_ =	swait.ge [sflag:s12], $0x3208  }
0x19: {  	[sflag:s12] =	ssyncset.done $0x0  }
0x1a: {  	[sflag:s12] =	ssyncadd.s32 $0xFFFFCDF8  }
0x1b: {  	s17 =	simm.s32 $0x0;
	[bflag:$0x0] =	sbarrier.arrive $0xFFFF  }
.LBB2_2:
0x1c: {  	s18 =	smul.u32 $0x1C, s17;
	_ =	sdelay $0x1  }
0x1d: {  	s18 =	sadd.s32 s8, s18  }
0x1e: {  	s18 =	sshll.u32 s18, $0x4  }
0x1f: {  	s19 =	sadd.s32 s4, s18  }
0x20: {  	[tilespmem:s3], [sflag:$0x11] =	stream.linear.gather [hbm4b:s19+s3], $0xE00, $0x38;
	[tilespmem:$0x1EC40] =	vst v63  }
0x21: {  	_ =	swait.ge [sflag:s12], $0xE00  }
0x22: {  	[sflag:s12] =	ssyncset.done $0x0  }
0x23: {  	s18 =	sadd.s32 s5, s18;
	[sflag:s12] =	ssyncadd.s32 $0xFFFFF200  }
0x24: {  	[tilespmem:s13], [sflag:$0x11] =	stream.linear.gather [hbm4b:s18+s3], $0xE00, $0x38;
	[tilespmem:$0x1EC40] =	vst v63  }
0x25: {  	_ =	swait.ge [sflag:s12], $0xE00  }
0x26: {  	[sflag:s12] =	ssyncset.done $0x0  }
0x27: {  	[sflag:s12] =	ssyncadd.s32 $0xFFFFF200  }
0x28: {  	[tilespmem:s15], [sflag:$0x1] =	stream.indirect.gather [hbm4b:s9+s14], $0x10, s3, s14, $0xb8;
	[tilespmem:$0x1EC40] =	vst v63  }
0x29: {  	s21 =	simm.s32 $0x2400  }
0x2a: {  	[tilespmem:s21], [sflag:$0x2] =	stream.indirect.gather [hbm4b:s9+s14], $0x10, s14, s14, $0xb8;
	[tilespmem:$0x1EC40] =	vst v63  }
0x2b: {  	s22 =	simm.s32 $0x100;
	s24 =	simm.s32 $0x2C00  }
0x2c: {  	[tilespmem:s24], [sflag:$0x3] =	stream.indirect.gather [hbm4b:s9+s14], $0x10, s22, s14, $0xb8;
	[tilespmem:$0x1EC40] =	vst v63  }
0x2d: {  	s26 =	simm.s32 $0x180;
	s29 =	simm.s32 $0x3400  }
0x2e: {  	[tilespmem:s29], [sflag:$0x4] =	stream.indirect.gather [hbm4b:s9+s14], $0x10, s26, s14, $0xb8;
	[tilespmem:$0x1EC40] =	vst v63  }
0x2f: {  	s20 =	simm.s32 $0x3C00;
	s19 =	simm.s32 $0x200  }
0x30: {  	[tilespmem:s20], [sflag:$0x5] =	stream.indirect.gather [hbm4b:s9+s14], $0x10, s19, s14, $0xb8;
	[tilespmem:$0x1EC40] =	vst v63  }
0x31: {  	s21 =	simm.s32 $0x280;
	s22 =	simm.s32 $0x4400  }
0x32: {  	[tilespmem:s22], [sflag:$0x6] =	stream.indirect.gather [hbm4b:s9+s14], $0x10, s21, s14, $0xb8;
	[tilespmem:$0x1EC40] =	vst v63  }
0x33: {  	s24 =	simm.s32 $0x300;
	s26 =	simm.s32 $0x4C00  }
0x34: {  	[tilespmem:s26], [sflag:$0x7] =	stream.indirect.gather [hbm4b:s9+s14], $0x10, s24, s14, $0xb8;
	[tilespmem:$0x1EC40] =	vst v63  }
0x35: {  	_ =	swait.ge [sflag:s30], $0x800  }
0x36: {  	s29 =	simm.s32 $0x1;
	[sflag:s30] =	ssyncset.done $0x0  }
0x37: {  	p0 =	por $0x0, $0x0;
	s21 =	sand.u32 $0x7, s29;
	[sflag:s30] =	ssyncadd.s32 $0xFFFFF800  }
0x38: {  	[spmem:s2] =	stream.indirect.scatter.add.f32 [tilespmem:s15], [sflag:$0x9], $0x10, s13, s14, $0xb8;
	[tilespmem:$0x1EC40] =	vst v63  }
0x39: {  	s28 =	simm.s32 @!p0 $0x80;
	s20 =	simm.s32 $0x8;
	s24 =	sadd.s32 $0x1, s21  }
0x3a: {  	[tilespmem:s0], [sflag:$0x8] =	stream.indirect.gather [hbm4b:s9+s14], $0x10, s31, s14, $0xb8;
	[tilespmem:$0x1EC40] =	vst v63  }
0x3b: {  	s18 =	simm.s32 $0x400;
	s20 =	sand.u32 @!p0 $0x7, s20;
	_ =	swait.ge [sflag:s24], $0x800  }
0x3c: {  	s22 =	simm.s32 $0xE80;
	s26 =	sshll.u32 s21, $0xB;
	[sflag:s24] =	ssyncset.done $0x0  }
0x3d: {  	s21 =	sadd.s32 $0x9, s21;
	s26 =	sadd.s32 $0x1C00, s26;
	[sflag:s24] =	ssyncadd.s32 $0xFFFFF800  }
0x3e: {  	[spmem:s2] =	stream.indirect.scatter.add.f32 [tilespmem:s26], [sflag:s21], $0x10, s22, s14, $0xb8;
	[tilespmem:$0x1EC40] =	vst v63  }
0x3f: {  	s19 =	simm.s32 $0x9;
	s24 =	sadd.s32 @!p0 $0x9, s20;
	s21 =	sshll.u32 @!p0 s20, $0xB  }
0x40: {  	s22 =	sadd.s32 @!p0 $0x1, s20;
	s20 =	simm.s32 $0xF00;
	_ =	swait.ge @!p0 [sflag:s24], $0x800  }
0x41: {  	s26 =	sadd.s32 @!p0 $0x1C00, s21;
	s21 =	simm.s32 $0x480;
	[sflag:s24] =	ssyncset.done @!p0 $0x0  }
.LBB2_3:
0x42: {  	s29 =	sadd.s32 $0xFFFFFFF9, s19  }
0x43: {  	[sflag:s24] =	ssyncadd.s32 @!p0 $0xFFFFF800;
	s24 =	smov.u32 s19;
	s19 =	sadd.s32 $0x1, s19  }
0x44: {  	[tilespmem:s26], [sflag:s22] =	stream.indirect.gather @!p0 [hbm4b:s9+s28], $0x10, s18, s28, $0xb8;
	[tilespmem:$0x1EC40] =	vst v63  }
0x45: {  	s22 =	sand.u32 $0x7, s29;
	p1 =	sne.s32 s19, $0x23;
	s18 =	smov.u32 s21  }
0x46: {  	s26 =	sshll.u32 s22, $0xB;
	s28 =	sadd.s32 $0x1, s22  }
0x47: {  	p0 =	sgt.u32 s29, $0x14;
	_ =	swait.ge [sflag:s28], $0x800  }
0x48: {  	s22 =	sadd.s32 $0x9, s22;
	s26 =	sadd.s32 $0x1C00, s26;
	[sflag:s28] =	ssyncset.done $0x0  }
.Ltmp0:
0x49: {  	[sflag:s28] =	ssyncadd.s32 $0xFFFFF800;
	s28 =	sand.u32 @!p0 $0x7, s24;
	(pc) =	sbr.rel @p1 .LBB2_3-.Ltmp0, $4  }
0x4a: {  	[spmem:s2] =	stream.indirect.scatter.add.f32 [tilespmem:s26], [sflag:s22], $0x10, s20, s14, $0xb8;
	[tilespmem:$0x1EC40] =	vst v63  }
0x4b: {  	s24 =	sadd.s32 @!p0 $0x9, s28;
	s26 =	sshll.u32 @!p0 s28, $0xB;
	s22 =	sadd.s32 @!p0 $0x1, s28  }
0x4c: {  	s20 =	sadd.s32 $0x80, s20;
	s26 =	sadd.s32 @!p0 $0x1C00, s26;
	_ =	swait.ge @!p0 [sflag:s24], $0x800  }
0x4d: {  	s21 =	sadd.s32 $0x80, s21;
	s28 =	simm.s32 @!p0 $0x80;
	[sflag:s24] =	ssyncset.done @!p0 $0x0  }
0x4e: {  	[sflag:s24] =	ssyncadd.s32 @!p0 $0xFFFFF800  }
0x4f: {  	[tilespmem:s26], [sflag:s22] =	stream.indirect.gather @!p0 [hbm4b:s9+s28], $0x10, s18, s28, $0xb8;
	[tilespmem:$0x1EC40] =	vst v63  }
0x50: {  	_ =	swait.ge [sflag:s1], $0x800  }
0x51: {  	[sflag:s1] =	ssyncset.done $0x0  }
0x52: {  	[sflag:s1] =	ssyncadd.s32 $0xFFFFF800  }
0x53: {  	_ =	swait.ge [sflag:s6], $0x800  }
0x54: {  	[sflag:s6] =	ssyncset.done $0x0  }
0x55: {  	[sflag:s6] =	ssyncadd.s32 $0xFFFFF800  }
0x56: {  	_ =	swait.ge [sflag:s10], $0x800  }
0x57: {  	[sflag:s10] =	ssyncset.done $0x0  }
0x58: {  	[sflag:s10] =	ssyncadd.s32 $0xFFFFF800  }
0x59: {  	_ =	swait.ge [sflag:s11], $0x800  }
0x5a: {  	[sflag:s11] =	ssyncset.done $0x0  }
0x5b: {  	[sflag:s11] =	ssyncadd.s32 $0xFFFFF800  }
0x5c: {  	_ =	swait.ge [sflag:s23], $0x800  }
0x5d: {  	[sflag:s23] =	ssyncset.done $0x0  }
0x5e: {  	[sflag:s23] =	ssyncadd.s32 $0xFFFFF800  }
0x5f: {  	_ =	swait.ge [sflag:s25], $0x800  }
0x60: {  	[sflag:s25] =	ssyncset.done $0x0  }
0x61: {  	s17 =	sadd.s32 $0x1, s17;
	[sflag:s25] =	ssyncadd.s32 $0xFFFFF800  }
0x62: {  	p0 =	sne.s32 s17, $0x1C;
	_ =	swait.ge [sflag:s7], $0x800  }
.Ltmp1:
0x63: {  	[sflag:s7] =	ssyncset.done $0x0;
	(pc) =	sbr.rel @p0 .LBB2_2-.Ltmp1, $4  }
0x64: {  	[sflag:s7] =	ssyncadd.s32 $0xFFFFF800  }
0x65: {  	_ =	swait.ge [sflag:s16], $0x800  }
0x66: {  	[sflag:s16] =	ssyncset.done $0x0  }
0x67: {  	[sflag:s16] =	ssyncadd.s32 $0xFFFFF800  }
0x68: {  	[bflag:$0x0] =	sbarrier.arrive $0xFFFF  }
0x69: {  	s18 =	rddreg [dreg:$0x4]  }
0x6a: {  	s17 =	rddreg [dreg:$0x7]  }
0x6b: {  	s19 =	rddreg [dreg:$0x8]  }
0x6c: {  	[hbm:s17], [sflag:s18] =	dma.local [spmem:s19], $0x3200  }
0x6d: {  	_ =	swait.ge [sflag:s12], $0x3200  }
0x6e: {  	s28 =	rddreg [dreg:$0x9]  }
0x6f: {  	s29 =	rddreg [dreg:$0x5];
	s19 =	sadd.s32 $0x1, s28  }
0x70: {  	p0 =	sne.s32 s19, s29  }
.Ltmp2:
0x71: {  	_ = 	snop;
	(pc) =	sbr.rel @p0 .LBB2_1-.Ltmp2, $3  }
0x72: {  	_ =	sdelay $0x1  }
0x73: {  	[sflag:s12] =	ssyncset.done $0x0  }
0x74: {  	[sflag:s12] =	ssyncadd.s32 $0xFFFFCE00  }
0x75: {  	_ =	sfence.sel $0x180000  }
0x76: {  	[bflag:$0x0] =	sbarrier.arrive $0xFFFF  }
0x77: {  	_ =	strace $0x90000050  }
0x78: {  	s0 =	stileid.u32;
	[bflag:$0x2] =	sbarrier.arrive $0xFFFF  }
0x79: {  	p0 =	sne.s32 s0, $0x0;
	s0 =	rddreg [dreg:$0x2]  }
0x7a: {  	s0 =	sadd.s32 @!p0 $0x100000, s0  }
0x7b: {  	[sflag:s0] =	ssyncadd.tile.s32 @!p0 $0x1;
	_ =	shalt  }
.Lfunc_end2:
_tile_overlayer_lowered:
.L_overlay_start_2:
0x7c: {  	(tag) =	ssettag $0x2  }
0x7d: {  	s0 =	rddreg [dreg:$0x0];
	s2 =	stileid.u32  }
0x7e: {  	s1 =	rddreg [dreg:$0x1];
	p0 =	sne.s32 s2, $0x0  }
0x7f: {  	s3 =	rddreg [dreg:$0x2];
	[bflag:$0x3] =	sbarrier.arrive $0xFFFF;
	s2 =	simm.s32 @!p0 $0x1C11  }
0x80: {  	[timem:s3], [sflag:s2] =	dma.local @!p0 [hbm:s0], s1  }
0x81: {  	s0 =	simm.s32 @!p0 $0x11  }
0x82: {  	_ =	swait.ge @!p0 [sflag:s0], s1  }
0x83: {  	s1 =	ssub.s32 @!p0 $0x0, s1;
	[sflag:s0] =	ssyncset.done @!p0 $0x0  }
0x84: {  	[sflag:s0] =	ssyncadd.s32 @!p0 s1  }
0x85: {  	[bflag:$0x3] =	sbarrier.arrive $0xFFFF  }
0x86: {  	_ =	shalt  }

// kernel: kernel.29.cloned.1.call-start
scs
__scs_entry_jumppad:
0x0: {  	(pc) =	sbr.rel $0x88, $3  }
0x1: {  	(tag) =	ssettag $0x0;
	lr =	simm.s32 $0x1  }
0x2: {  	[smem:$0x3F93] =	sst lr;
	_ =	strace $0xD0000000  }
0x3: {  	_ = 	snop  }
0x4: {  	_ = 	snop  }
0x5: {  	_ = 	snop  }
0x6: {  	_ = 	snop  }
0x7: {  	_ = 	snop  }
__scs_overlays_trampoline_lowered:
0x8: {  	[smem:$0x3FA2] =	sst s0  }
0x9: {  	[smem:$0x3FA3] =	sst s1  }
0xa: {  	[smem:$0x3FA4] =	sst s2  }
0xb: {  	[smem:$0x3FA5] =	sst s3  }
0xc: {  	[smem:$0x3FA6] =	sst s4  }
0xd: {  	[smem:$0x3FA7] =	sst s5  }
0xe: {  	[smem:$0x3FA8] =	sst s6  }
0xf: {  	[smem:$0x3FA9] =	sst s7  }
0x10: {  	[smem:$0x3FAA] =	sst s8  }
0x11: {  	[smem:$0x3FAB] =	sst s9;
	s0 =	simm.s32 @!p0 $0x0  }
0x12: {  	s1 =	sld [smem:$0x3F91];
	s0 =	simm.s32 @p0 $0x1  }
0x13: {  	[smem:$0x3FAC] =	sst s0;
	s0 =	simm.s32 @!p1 $0x0  }
0x14: {  	s2 =	sld [smem:$0x3F90];
	s0 =	simm.s32 @p1 $0x1  }
0x15: {  	[smem:$0x3FAD] =	sst s0;
	s0 =	simm.s32 @!p2 $0x0  }
0x16: {  	s3 =	sld [smem:$0x3FDB];
	s0 =	simm.s32 @p2 $0x1  }
0x17: {  	s4 =	simm.s32 $0x1BF5;
	[smem:$0x3FAF] =	sst s0  }
0x18: {  	s0 =	sld [smem:$0x3F92];
	_ =	swait.ge [sflag:s4], $0x0  }
0x19: {  	s7 =	sld [smem:$0x3F93]  }
0x1a: {  	s8 =	sadd.s32 $0xFFFFE003, lr  }
0x1b: {  	s9 =	sadd.s32 $0xFFFFFEF7, lr;
	s5 =	simm.s32 $0xFFFFFFFF;
	p2 =	slt.u32 s8, $0xFFFFF086  }
0x1c: {  	p1 =	slt.u32 s9, $0xF7A;
	s5 =	simm.s32 @!p2 $0x0  }
0x1d: {  	s5 =	simm.s32 @p1 $0x1;
	p0 =	seq.s32 s7, s2  }
0x1e: {  	s7 =	smul.u32 @!p0 $0xF7A, s2;
	p2 =	seq.s32 @!p0 s5, $0x0  }
0x1f: {  	s9 =	smul.u32 $0xF7A, s1;
	s8 =	simm.s32 @!p0 $0x1BF5;
	p2 =	por !p2, p0  }
0x20: {  	[sflag:s8] =	ssyncset.s32 @!p0 $0xFFFFF086;
	s6 =	sadd.s32 @!p0 s3, s7;
	s7 =	simm.s32 @!p0 $0x108  }
0x21: {  	s3 =	sadd.s32 s3, s9;
	s6 =	sadd.s32 @!p0 $0x88, s6;
	s7 =	simm.s32 @p2 $0x1082  }
0x22: {  	[simem:s7], [sflag:s8] =	dma.local @!p0 [hbm:s6], $0xF7A  }
0x23: {  	s9 =	sor.u32 $0xD0000000, s2;
	s6 =	simm.s32 $0x108;
	_ =	swait.ge @!p0 [sflag:s8], $0x0  }
0x24: {  	s3 =	sadd.s32 $0x88, s3;
	s6 =	simm.s32 @!p1 $0x1082;
	[sflag:s4] =	ssyncset.s32 $0xFFFFF086  }
0x25: {  	[simem:s6], [sflag:s4] =	dma.local [hbm:s3], $0xF7A  }
0x26: {  	[smem:$0x3F93] =	sst s1;
	(tag) =	ssettag s2;
	_ =	strace s9  }
0x27: {  	s1 =	sld [smem:$0x3FA3]  }
0x28: {  	s2 =	sld [smem:$0x3FA4]  }
0x29: {  	s4 =	sld [smem:$0x3FA6]  }
0x2a: {  	p0 =	seq.s32 s5, $0x0;
	s5 =	sld [smem:$0x3FA7]  }
0x2b: {  	s6 =	sld [smem:$0x3FA8]  }
0x2c: {  	s7 =	sld [smem:$0x3FA9]  }
0x2d: {  	s3 =	simm.s32 $0x108;
	s8 =	sld [smem:$0x3FAA]  }
0x2e: {  	s3 =	simm.s32 @!p0 $0x1082;
	s9 =	sld [smem:$0x3FAB]  }
0x2f: {  	lr =	sadd.s32 s0, s3;
	s0 =	sld [smem:$0x3FA2]  }
0x30: {  	s3 =	sld [smem:$0x3FA5]  }
0x31: {  	[smem:$0x3FAE] =	sst s10  }
0x32: {  	s10 =	sld [smem:$0x3FAC];
	_ =	sdelay $0x3  }
0x33: {  	p0 =	seq.s32 s10, $0x1;
	s10 =	sld [smem:$0x3FAE];
	_ =	sdelay $0x3  }
0x34: {  	[smem:$0x3FAE] =	sst s10  }
0x35: {  	s10 =	sld [smem:$0x3FAD];
	_ =	sdelay $0x3  }
0x36: {  	p1 =	seq.s32 s10, $0x1;
	s10 =	sld [smem:$0x3FAE];
	_ =	sdelay $0x3  }
0x37: {  	[smem:$0x3FAE] =	sst s10  }
0x38: {  	s10 =	sld [smem:$0x3FAF]  }
0x39: {  	_ = 	snop;
	(pc) =	sbr.ind lr, $3  }
0x3a: {  	_ = 	snop  }
0x3b: {  	_ = 	snop  }
0x3c: {  	p2 =	seq.s32 s10, $0x1;
	s10 =	sld [smem:$0x3FAE]  }
0x3d: {  	_ =	shalt  }
0x3e: {  	_ =	shalt  }
0x3f: {  	_ =	shalt  }
0x40: {  	_ =	shalt  }
0x41: {  	_ =	shalt  }
0x42: {  	_ =	shalt  }
0x43: {  	_ =	shalt  }
0x44: {  	_ =	shalt  }
0x45: {  	_ =	shalt  }
0x46: {  	_ =	shalt  }
0x47: {  	_ =	shalt  }
0x48: {  	_ =	shalt  }
0x49: {  	_ =	shalt  }
0x4a: {  	_ =	shalt  }
0x4b: {  	_ =	shalt  }
0x4c: {  	_ =	shalt  }
0x4d: {  	_ =	shalt  }
0x4e: {  	_ =	shalt  }
0x4f: {  	_ =	shalt  }
0x50: {  	_ =	shalt  }
0x51: {  	_ =	shalt  }
0x52: {  	_ =	shalt  }
0x53: {  	_ =	shalt  }
0x54: {  	_ =	shalt  }
0x55: {  	_ =	shalt  }
0x56: {  	_ =	shalt  }
0x57: {  	_ =	shalt  }
0x58: {  	_ =	shalt  }
0x59: {  	_ =	shalt  }
0x5a: {  	_ =	shalt  }
0x5b: {  	_ =	shalt  }
0x5c: {  	_ =	shalt  }
0x5d: {  	_ =	shalt  }
0x5e: {  	_ =	shalt  }
0x5f: {  	_ =	shalt  }
0x60: {  	_ =	shalt  }
0x61: {  	_ =	shalt  }
0x62: {  	_ =	shalt  }
0x63: {  	_ =	shalt  }
0x64: {  	_ =	shalt  }
0x65: {  	_ =	shalt  }
0x66: {  	_ =	shalt  }
0x67: {  	_ =	shalt  }
0x68: {  	_ =	shalt  }
0x69: {  	_ =	shalt  }
0x6a: {  	_ =	shalt  }
0x6b: {  	_ =	shalt  }
0x6c: {  	_ =	shalt  }
0x6d: {  	_ =	shalt  }
0x6e: {  	_ =	shalt  }
0x6f: {  	_ =	shalt  }
0x70: {  	_ =	shalt  }
0x71: {  	_ =	shalt  }
0x72: {  	_ =	shalt  }
0x73: {  	_ =	shalt  }
0x74: {  	_ =	shalt  }
0x75: {  	_ =	shalt  }
0x76: {  	_ =	shalt  }
0x77: {  	_ =	shalt  }
0x78: {  	_ =	shalt  }
0x79: {  	_ =	shalt  }
0x7a: {  	_ =	shalt  }
0x7b: {  	_ =	shalt  }
0x7c: {  	_ =	shalt  }
0x7d: {  	_ =	shalt  }
0x7e: {  	_ =	shalt  }
0x7f: {  	_ =	shalt  }
0x80: {  	_ =	shalt  }
0x81: {  	_ =	shalt  }
0x82: {  	_ =	shalt  }
0x83: {  	_ =	shalt  }
0x84: {  	_ =	shalt  }
0x85: {  	_ =	shalt  }
0x86: {  	_ =	shalt  }
0x87: {  	_ =	shalt  }
.Lfunc_end0:
.L_simem_size_0:
called_computation.4_lowered:
.L_overlay_start_0:
0x88: {  	s2 =	sld [smem:$0x3FD9]  }
0x89: {  	s3 =	sld [smem:$0x3FFE];
	_ =	sdelay $0x1  }
0x8a: {  	s1 =	srdreg.scid  }
0x8b: {  	s0 =	sand.u32 $0x1, s1  }
0x8c: {  	s16 =	sshll.u32 s0, $0xA;
	s2 =	sadd.s32 s3, s2  }
0x8d: {  	s2 =	sadd.s32 s2, s16  }
0x8e: {  	[smem:$0x3FBA] =	sst s2  }
0x8f: {  	_ = 	snop  }
0x90: {  	(tm) =	ssettm $0x1  }
0x91: {  	s17 =	sld [smem:$0x3FFB];
	_ =	sdelay $0x3  }
0x92: {  	_ =	strace s17  }
0x93: {  	s2 =	sld [smem:$0x3FFC];
	_ =	sdelay $0x3  }
0x94: {  	_ =	strace s2  }
0x95: {  	s2 =	sld [smem:$0x3FFD];
	_ =	sdelay $0x3  }
0x96: {  	_ =	strace s2  }
0x97: {  	_ =	strace $0x8FFFFFFF  }
0x98: {  	s18 =	sld [smem:$0x3FDB];
	_ =	sdelay $0x1  }
0x99: {  	s19 =	simm.s32 $_scs_section_size  }
0x9a: {  	s4 =	simm.s32 $_size__tile_overlayer_lowered;
	s5 =	simm.s32 $_tile_overlayer_lowered  }
0x9b: {  	s22 =	simm.s32 $0x1BFF;
	s21 =	sshll.u32 s5, $0x1;
	s2 =	sadd.s32 s19, s18  }
0x9c: {  	s6 =	simm.s32 $0x0;
	s20 =	sshll.u32 s4, $0x1;
	s4 =	sadd.s32 s21, s2  }
0x9d: {  	[timem:s6], [sflag:s22] =	dma.local [hbm:s4], s20  }
0x9e: {  	_ =	swait.ge [sflag:s22], s20  }
0x9f: {  	s3 =	ssub.s32 $0x0, s20;
	[sflag:s22] =	ssyncset.done $0x0  }
0xa0: {  	[sflag:s22] =	ssyncadd.s32 s3;
	_ =	sdelay $0x1  }
0xa1: {  	s23 =	simm.s32 $0x1B8B  }
0xa2: {  	_ =	swait.ge [sflag:s23], $0x1  }
0xa3: {  	[sflag:s23] =	ssyncset.done $0x0  }
0xa4: {  	s25 =	simm.s32 $0x1B8E;
	s24 =	sld [smem:$0x3FFE];
	[sflag:s23] =	ssyncadd.s32 $0xFFFFFFFF  }
0xa5: {  	s26 =	simm.s32 $execute0_lowered;
	[smem:$0x3FD2] =	sst s25  }
0xa6: {  	s4 =	sshll.u32 s26, $0x1;
	_ =	strace $0x80000052;
	[dreg:$0x1] =	wrdreg $0xFFFFFFFF  }
0xa7: {  	s28 =	simm.s32 $_size_execute0_lowered;
	s2 =	sadd.s32 s2, s4;
	[dreg:$0x0] =	wrdreg $0x0  }
0xa8: {  	s4 =	sshll.u32 s28, $0x1;
	[dreg:$0x2] =	wrdreg s2  }
0xa9: {  	[dreg:$0x3] =	wrdreg s4  }
0xaa: {  	[dreg:$0x4] =	wrdreg $0xC0  }
0xab: {  	_ =	task [dreg:s6], $0x5FFFF  }
0xac: {  	[dreg:$0x1] =	wrdreg $0xFFFFFFFF  }
0xad: {  	[dreg:$0x0] =	wrdreg $0x60  }
0xae: {  	[dreg:$0x2] =	wrdreg s24  }
0xaf: {  	[dreg:$0x3] =	wrdreg $0x39000  }
0xb0: {  	[dreg:$0x4] =	wrdreg $0x9  }
0xb1: {  	_ =	task.clear_ibuf [dreg:s6], $0x5FFFF;
	_ =	strace $0x90000052  }
0xb2: {  	s29 =	simm.s32 $0x9;
	_ =	strace $0x80000054  }
0xb3: {  	_ =	swait.ge [sflag:s29], $0x1  }
0xb4: {  	[sflag:s29] =	ssyncadd.s32 $0xFFFFFFFF  }
0xb5: {  	_ =	strace $0x90000054  }
0xb6: {  	_ =	sfence  }
0xb7: {  	s30 =	sld [smem:$0x0];
	_ =	sdelay $0x2  }
0xb8: {  	s31 =	sshll.u32 s1, $0xD;
	s1 =	sshrl.u32 s1, $0x2  }
0xb9: {  	s3 =	sand.u32 $0x4000, s31;
	s1 =	sadd.s32 s1, s30  }
0xba: {  	s0 =	sor.u32 s3, s0;
	s1 =	sshll.u32 s1, $0x11  }
0xbb: {  	s0 =	sor.u32 s1, s0  }
0xbc: {  	s0 =	sadd.s32 $0x8F2B, s0  }
0xbd: {  	[sflag:s0] =	ssyncadd.remote.s32 $0x1  }
0xbe: {  	_ =	sfence.sel $0xFFFF  }
0xbf: {  	[dreg:$0x0] =	wrdreg $0xFFFFFFFF;
	(pc) =	sbr.abs _section_cstart, $3  }
0xc0: {  	[dreg:$0x1] =	wrdreg $0xFFFFFFFF  }
0xc1: {  	_ =	task.clear_ibuf [dreg:s6], $0x2FFFF;
	_ =	strace $0x9FFFFFFF  }
0xc2: {  	(tm) =	ssettm $0x7FFFFFFF  }
0xc3: {  	_ =	shalt  }
tec
execute0_lowered:
.L_overlay_start_1:
0x0: {  	(tag) =	ssettag $0x1  }
0x1: {  	s0 =	rddreg [dreg:$0x0]  }
0x2: {  	s1 =	rddreg [dreg:$0x1]  }
0x3: {  	s2 =	srdreg.scid;
	s13 =	stileid.u32;
	s16 =	simm.s32 $0x1  }
0x4: {  	s20 =	simm.s32 $0x80;
	s21 =	simm.s32 $0x7;
	s22 =	simm.s32 $0x8  }
0x5: {  	s23 =	simm.s32 $0x5;
	s24 =	simm.s32 $0x6;
	s25 =	simm.s32 $0x0  }
0x6: {  	s3 =	sand.u32 $0x1, s2;
	s2 =	simm.s32 $0x0;
	s5 =	smul.u32 $0x320, s13  }
0x7: {  	s26 =	sshll.u32 s13, $0x4;
	s28 =	sshll.u32 s13, $0x7;
	s10 =	smul.u32 $0x19000, s13  }
0x8: {  	s9 =	sshll.u32 s13, $0x6;
	s11 =	smul.u32 $0x3200, s13;
	p0 =	sne.s32 s13, $0x0  }
0x9: {  	s4 =	smul.u32 $0x32000, s3;
	[smem:$0x7FF] =	sst s2;
	s7 =	ssub.s32 $0x2, s3  }
0xa: {  	s3 =	sshll.u32 s3, $0x7;
	s29 =	sadd.s32 s28, s1;
	_ =	strace $0x80000053  }
0xb: {  	s5 =	sadd.s32 s5, s0;
	s8 =	sshrl.u32 s7, $0x1;
	s30 =	sshrl.u32 s10, $0x3  }
0xc: {  	s12 =	sor.u32 $0x100, s11;
	s31 =	sadd.s32 $0x400, s11;
	s6 =	sadd.s32 s4, s0  }
0xd: {  	s4 =	sadd.s32 s26, s0;
	s0 =	sadd.s32 s3, s0;
	s7 =	ssub.s32 s7, s8  }
0xe: {  	s5 =	sadd.s32 $0x164A00, s5;
	s14 =	sadd.s32 $0x200, s30;
	s8 =	sshrl.u32 s29, $0x3  }
0xf: {  	s3 =	sadd.s32 $0x6C800, s4;
	s4 =	sor.u32 $0x1C09, s9;
	s15 =	sadd.s32 $0x8800, s6  }
0x10: {  	s6 =	sadd.s32 $0x6CA00, s0;
	s7 =	smax.u32 s7, $0x1;
	s9 =	simm.s32 $0x9  }
0x11: {  	s10 =	sadd.s32 s11, s15;
	s11 =	simm.s32 $0x1900;
	s12 =	sadd.s32 s15, s12  }
0x12: {  	s14 =	sadd.s32 s14, s15;
	s19 =	sadd.s32 s15, s31;
	s17 =	sadd.s32 $0x300, s10  }
.LBB2_1:
0x13: {  	[spmem:s8], [sflag:s4] =	dma.local [hbm:s3], $0x10  }
0x14: {  	_ =	swait.ge [sflag:s9], $0x10  }
0x15: {  	[sflag:s9] =	ssyncset.done $0x0  }
0x16: {  	[sflag:s9] =	ssyncadd.s32 $0xFFFFFFF0  }
0x17: {  	[tilespmem:s2], [sflag:$0x9] =	stream.linear.gather [hbm4b:s5+s2], $0x1900, $0x38;
	[tilespmem:$0x3980] =	vst v63  }
0x18: {  	_ =	swait.ge [sflag:s9], $0x1900  }
0x19: {  	[sflag:s9] =	ssyncset.done $0x0  }
0x1a: {  	[sflag:s9] =	ssyncadd.s32 $0xFFFFE700  }
0x1b: {  	[bflag:$0x0] =	sbarrier.arrive $0xFFFF  }
0x1c: {  	[tilespmem:s11], [sflag:$0x1] =	stream.linear.gather [hbm4b:s10+s2], $0x800, $0x38;
	[tilespmem:$0x3980] =	vst v63  }
0x1d: {  	s0 =	simm.s32 $0x2100  }
0x1e: {  	[tilespmem:s0], [sflag:$0x2] =	stream.linear.gather [hbm4b:s12+s2], $0x800, $0x38;
	[tilespmem:$0x3980] =	vst v63  }
0x1f: {  	s15 =	simm.s32 $0x2900  }
0x20: {  	[tilespmem:s15], [sflag:$0x3] =	stream.linear.gather [hbm4b:s14+s2], $0x800, $0x38;
	[tilespmem:$0x3980] =	vst v63  }
0x21: {  	_ =	swait.ge [sflag:s16], $0x800  }
0x22: {  	s26 =	simm.s32 $0x1;
	[sflag:s16] =	ssyncset.done $0x0  }
0x23: {  	s18 =	simm.s32 $0x3100;
	s0 =	sand.u32 $0x3, s26;
	[sflag:s16] =	ssyncadd.s32 $0xFFFFF800  }
0x24: {  	[spmem:s1] =	stream.indirect.scatter.add.f32 [tilespmem:s11], [sflag:$0x5], $0x10, s2, s20, $0xb8;
	[tilespmem:$0x3980] =	vst v63  }
0x25: {  	s13 =	simm.s32 $0x4;
	p1 =	por $0x0, $0x0;
	s15 =	sadd.s32 $0x1, s0  }
0x26: {  	[tilespmem:s18], [sflag:$0x4] =	stream.linear.gather [hbm4b:s17+s2], $0x800, $0x38;
	[tilespmem:$0x3980] =	vst v63  }
0x27: {  	s29 =	simm.s32 $0x100;
	s30 =	smov.u32 s19;
	_ =	swait.ge [sflag:s15], $0x800  }
0x28: {  	s13 =	sand.u32 @!p1 $0x3, s13;
	s28 =	sshll.u32 s0, $0xB;
	[sflag:s15] =	ssyncset.done $0x0  }
0x29: {  	s0 =	sadd.s32 $0x5, s0;
	s28 =	sadd.s32 $0x1900, s28;
	[sflag:s15] =	ssyncadd.s32 $0xFFFFF800  }
0x2a: {  	[spmem:s1] =	stream.indirect.scatter.add.f32 [tilespmem:s28], [sflag:s0], $0x10, s20, s20, $0xb8;
	[tilespmem:$0x3980] =	vst v63  }
0x2b: {  	s31 =	sadd.s32 @!p1 $0x1, s13;
	s15 =	sshll.u32 @!p1 s13, $0xB;
	s0 =	sadd.s32 @!p1 $0x5, s13  }
0x2c: {  	s26 =	simm.s32 $0x5;
	s13 =	sadd.s32 @!p1 $0x1900, s15;
	_ =	swait.ge @!p1 [sflag:s0], $0x800  }
0x2d: {  	s28 =	sadd.s32 $0x100, s19;
	s15 =	simm.s32 @!p1 $0x0;
	[sflag:s0] =	ssyncset.done @!p1 $0x0  }
.LBB2_2:
0x2e: {  	s18 =	sadd.s32 $0xFFFFFFFD, s26  }
0x2f: {  	[sflag:s0] =	ssyncadd.s32 @!p1 $0xFFFFF800;
	s0 =	smov.u32 s26;
	s26 =	sadd.s32 $0x1, s26  }
0x30: {  	[tilespmem:s13], [sflag:s31] =	stream.linear.gather @!p1 [hbm4b:s30+s15], $0x800, $0x38;
	[tilespmem:$0x3980] =	vst v63  }
0x31: {  	s13 =	sand.u32 $0x3, s18;
	p2 =	sne.s32 s26, $0x35;
	s30 =	smov.u32 s28  }
0x32: {  	s15 =	sadd.s32 $0x1, s13;
	s31 =	sshll.u32 s13, $0xB  }
0x33: {  	p1 =	sgt.u32 s18, $0x2E;
	_ =	swait.ge [sflag:s15], $0x800  }
0x34: {  	s13 =	sadd.s32 $0x5, s13;
	s18 =	sadd.s32 $0x1900, s31;
	[sflag:s15] =	ssyncset.done $0x0  }
.Ltmp0:
0x35: {  	[sflag:s15] =	ssyncadd.s32 $0xFFFFF800;
	s15 =	sand.u32 @!p1 $0x3, s0;
	(pc) =	sbr.rel @p2 .LBB2_2-.Ltmp0, $4  }
0x36: {  	[spmem:s1] =	stream.indirect.scatter.add.f32 [tilespmem:s18], [sflag:s13], $0x10, s29, s20, $0xb8;
	[tilespmem:$0x3980] =	vst v63  }
0x37: {  	s0 =	sadd.s32 @!p1 $0x5, s15;
	s13 =	sshll.u32 @!p1 s15, $0xB;
	s31 =	sadd.s32 @!p1 $0x1, s15  }
0x38: {  	s28 =	sadd.s32 $0x100, s28;
	s13 =	sadd.s32 @!p1 $0x1900, s13;
	_ =	swait.ge @!p1 [sflag:s0], $0x800  }
0x39: {  	s15 =	simm.s32 @!p1 $0x0;
	s29 =	sadd.s32 $0x80, s29;
	[sflag:s0] =	ssyncset.done @!p1 $0x0  }
0x3a: {  	[sflag:s0] =	ssyncadd.s32 @!p1 $0xFFFFF800  }
0x3b: {  	[tilespmem:s13], [sflag:s31] =	stream.linear.gather @!p1 [hbm4b:s30+s15], $0x800, $0x38;
	[tilespmem:$0x3980] =	vst v63  }
0x3c: {  	_ =	swait.ge [sflag:s21], $0x800  }
0x3d: {  	[sflag:s21] =	ssyncset.done $0x0  }
0x3e: {  	[sflag:s21] =	ssyncadd.s32 $0xFFFFF800  }
0x3f: {  	_ =	swait.ge [sflag:s22], $0x800  }
0x40: {  	[sflag:s22] =	ssyncset.done $0x0  }
0x41: {  	[sflag:s22] =	ssyncadd.s32 $0xFFFFF800  }
0x42: {  	_ =	swait.ge [sflag:s23], $0x800  }
0x43: {  	[sflag:s23] =	ssyncset.done $0x0  }
0x44: {  	[sflag:s23] =	ssyncadd.s32 $0xFFFFF800  }
0x45: {  	_ =	swait.ge [sflag:s24], $0x800  }
0x46: {  	[sflag:s24] =	ssyncset.done $0x0  }
0x47: {  	s25 =	sadd.s32 $0x1, s25;
	[sflag:s24] =	ssyncadd.s32 $0xFFFFF800  }
0x48: {  	s0 =	sshrl.u32 @!p0 s1, $0x3;
	p1 =	sne.s32 s25, s7;
	[bflag:$0x0] =	sbarrier.arrive $0xFFFF  }
0x49: {  	[hbm:s6], [sflag:s4] =	dma.local @!p0 [spmem:s0], $0x80  }
.Ltmp1:
0x4a: {  	_ = 	snop;
	(pc) =	sbr.rel @p1 .LBB2_1-.Ltmp1, $4  }
0x4b: {  	s0 =	simm.s32 @!p0 $0x9  }
0x4c: {  	_ =	swait.ge @!p0 [sflag:s0], $0x80  }
0x4d: {  	[sflag:s0] =	ssyncset.done @!p0 $0x0  }
0x4e: {  	[sflag:s0] =	ssyncadd.s32 @!p0 $0xFFFFFF80  }
0x4f: {  	_ =	sfence.sel $0x180000  }
0x50: {  	[bflag:$0x0] =	sbarrier.arrive $0xFFFF  }
0x51: {  	_ =	strace $0x90000053  }
0x52: {  	[bflag:$0x2] =	sbarrier.arrive $0xFFFF  }
0x53: {  	s0 =	rddreg [dreg:$0x2]  }
0x54: {  	s0 =	sadd.s32 @!p0 $0x100000, s0  }
0x55: {  	[sflag:s0] =	ssyncadd.tile.s32 @!p0 $0x1;
	_ =	shalt  }
.Lfunc_end2:
_tile_overlayer_lowered:
.L_overlay_start_2:
0x56: {  	(tag) =	ssettag $0x2  }
0x57: {  	s0 =	rddreg [dreg:$0x0];
	s2 =	stileid.u32  }
0x58: {  	s1 =	rddreg [dreg:$0x1];
	p0 =	sne.s32 s2, $0x0  }
0x59: {  	s3 =	rddreg [dreg:$0x2];
	[bflag:$0x3] =	sbarrier.arrive $0xFFFF;
	s2 =	simm.s32 @!p0 $0x1C09  }
0x5a: {  	[timem:s3], [sflag:s2] =	dma.local @!p0 [hbm:s0], s1  }
0x5b: {  	s0 =	simm.s32 @!p0 $0x9  }
0x5c: {  	_ =	swait.ge @!p0 [sflag:s0], s1  }
0x5d: {  	s1 =	ssub.s32 @!p0 $0x0, s1;
	[sflag:s0] =	ssyncset.done @!p0 $0x0  }
0x5e: {  	[sflag:s0] =	ssyncadd.s32 @!p0 s1  }
0x5f: {  	[bflag:$0x3] =	sbarrier.arrive $0xFFFF  }
0x60: {  	_ =	shalt  }

</sc_bundles>
